<compile_context>
chip_gen: v7x
topology: tpu7x:2x2x1
jax: 0.10.2.dev20260603
libtpu: 0.0.44.dev20260713+nightly
codegen_flags: <defaults>
</compile_context>

<pallas_src>
import functools

import jax
import jax.numpy as jnp
from jax import lax
from jax.experimental import pallas as pl
from jax.experimental.pallas import tpu as pltpu
from jax.experimental.pallas import tpu_sc as plsc

_NUM_E = 10000
_H = 128
_B = 320000

_info = plsc.get_sparse_core_info()
_NC = _info.num_cores
_NS = _info.num_subcores
_NW = _NC * _NS
_BPW = _B // _NW
_C = 64
_NCHF = _BPW // _C
_TAIL = _BPW - _NCHF * _C
_N = _NCHF + (1 if _TAIL else 0)
_NBUF = 4

_SC_CH = 40
_SC_NCH = _NUM_E // _SC_CH

_mesh = plsc.VectorSubcoreMesh(core_axis_name="c", subcore_axis_name="s")


@functools.partial(
    pl.kernel,
    mesh=_mesh,
    out_type=jax.ShapeDtypeStruct((_B, _H), jnp.float32),
    scratch_types=[
        pltpu.VMEM((_BPW,), jnp.int32),
        pltpu.VMEM((_C, _H), jnp.float32),
        pltpu.VMEM((_C, _H), jnp.float32),
        pltpu.VMEM((_C, _H), jnp.float32),
        pltpu.VMEM((_C, _H), jnp.float32),
        pltpu.VMEM_SHARED((_NUM_E, _H), jnp.float32),
        pltpu.SemaphoreType.DMA,
        pltpu.SemaphoreType.DMA,
        pltpu.SemaphoreType.DMA,
        pltpu.SemaphoreType.DMA,
    ],
)
def _gather(table_hbm, idx_hbm, out_hbm, idx_v, r0, r1, r2, r3, sp_table,
            s0, s1, s2, s3):
    sid = lax.axis_index("s")
    wid = sid * _NC + lax.axis_index("c")
    base = wid * _BPW
    pltpu.sync_copy(idx_hbm.at[pl.ds(base, _BPW)], idx_v)

    rows = [r0, r1, r2, r3]
    sems = [s0, s1, s2, s3]

    _NT = _SC_NCH // _NS

    def sig(k):
        buf = rows[k]

        def sig_row(r, carry):
            for l in range(_H // 16):
                v = buf[r, pl.ds(l * 16, 16)]
                buf[r, pl.ds(l * 16, 16)] = 1.0 / (1.0 + jnp.exp(-v))
            return carry

        lax.fori_loop(0, _SC_CH, sig_row, 0)

    def soff(t):
        return (sid + _NS * t) * _SC_CH

    def sload(t, k):
        pltpu.async_copy(table_hbm.at[pl.ds(soff(t), _SC_CH)],
                         rows[k].at[pl.ds(0, _SC_CH)], sems[k])

    def sstore(t, k):
        pltpu.async_copy(rows[k].at[pl.ds(0, _SC_CH)],
                         sp_table.at[pl.ds(soff(t), _SC_CH)], sems[k])

    def swait(k):
        pltpu.make_async_copy(table_hbm.at[pl.ds(0, _SC_CH)],
                              rows[k].at[pl.ds(0, _SC_CH)], sems[k]).wait()

    sload(0, 0)
    sload(1, 1)
    sload(2, 2)
    for t in range(_NT):
        k = t % _NBUF
        swait(k)
        sig(k)
        sstore(t, k)
        if t + 3 < _NT:
            kp = (t + 3) % _NBUF
            if t >= 1:
                swait(kp)
            sload(t + 3, kp)
    for t in range(_NT - _NBUF, _NT):
        swait(t % _NBUF)

    @pl.when(sid < _SC_NCH - _NS * _NT)
    def _():
        off = soff(_NT)
        pltpu.sync_copy(table_hbm.at[pl.ds(off, _SC_CH)],
                        rows[0].at[pl.ds(0, _SC_CH)])
        sig(0)
        pltpu.sync_copy(rows[0].at[pl.ds(0, _SC_CH)],
                        sp_table.at[pl.ds(off, _SC_CH)])

    plsc.subcore_barrier()

    def size(i):
        return _C if i < _NCHF else _TAIL

    def gsl(k, n):
        return rows[k] if n == _C else rows[k].at[pl.ds(0, n)]

    def gather(off, n, k):
        pltpu.async_copy(
            sp_table.at[idx_v.at[pl.ds(off, n)]], gsl(k, n), sems[k]
        )

    def scatter(off, n, k):
        pltpu.async_copy(gsl(k, n), out_hbm.at[pl.ds(base + off, n)],
                         sems[k])

    def wait(k, n):
        pltpu.make_async_copy(out_hbm.at[pl.ds(base, n)], gsl(k, n),
                              sems[k]).wait()

    def step_full(i, k):
        kp = (k - 1) % _NBUF
        wait(k, _C)
        scatter(i * _C, _C, k)
        wait(kp, _C)
        gather((i + _NBUF - 1) * _C, _C, kp)

    for i in range(_NBUF - 1):
        gather(i * _C, _C, i)
    wait(0, _C)
    scatter(0, _C, 0)
    gather((_NBUF - 1) * _C, _C, _NBUF - 1)

    _G = (_N - _NBUF) // _NBUF
    _S = _NBUF * _G + 1

    def body(m, carry):
        j = _NBUF * m + 1
        for b in range(_NBUF):
            step_full(j + b, (1 + b) % _NBUF)
        return carry

    lax.fori_loop(0, _G, body, 0)

    for i in range(_S, _N):
        k = i % _NBUF
        kp = (k - 1) % _NBUF
        wait(k, size(i))
        scatter(i * _C, size(i), k)
        ahead = i + _NBUF - 1
        if ahead < _N:
            wait(kp, size(i - 1))
            gather(ahead * _C, size(ahead), kp)
    for i in range(_N - _NBUF, _N):
        wait(i % _NBUF, size(i))


def kernel(X, Y, gate_theta):
    del X
    return _gather(gate_theta, Y.astype(jnp.int32))

# --- scband reference (transcript-rebuilt; emitter-appended) ---
"""Pipeline reference for scband-pleasing-32049045963203 (READ-ONLY COPY).

The authoritative reference and input builder live on the scoring server;
editing this copy changes nothing except your own understanding.
"""

import jax, jax.numpy as jnp
import numpy as np
import math

NUM_E = 10000
H_DIM = 128
N_EDGES = 320000

def setup_inputs(seed: int = 0) -> dict:
    key = jax.random.key(seed)
    k1, k2, k3 = jax.random.split(key, 3)
    X = jax.random.normal(k1, (N_EDGES, H_DIM), dtype=jnp.float32)
    Y = jax.random.randint(k2, (N_EDGES,), 0, NUM_E, dtype=jnp.int64)
    # xavier_uniform init for gate_theta [num_e, h_dim]
    limit = math.sqrt(6.0 / (NUM_E + H_DIM))
    gate_theta = jax.random.uniform(k3, (NUM_E, H_DIM), minval=-limit, maxval=limit, dtype=jnp.float32)
    return {"X": X, "Y": Y, "gate_theta": gate_theta}

def reference(X, Y, gate_theta):
    # ConcurrentGating.forward: gate = sigmoid(gate_theta[Y]); X (LSTM output) is
    # accepted per the original signature but not used in the computation.
    gate = jax.nn.sigmoid(jnp.take(gate_theta, Y, axis=0))
    return gate

if __name__ == "__main__":
    import jax
    _d = setup_inputs()
    print(jax.jit(kernel)(*tuple(_d.values())))

</pallas_src>

<mosaic_0001>
#map = affine_map<(d0, d1) -> (0, 0)>
#map1 = affine_map<(d0, d1) -> (0)>
module attributes {stable_mosaic.version = 14 : i64} {
  func.func @_gather(%arg0: i32, %arg1: i32, %arg2: memref<10000x128xf32, #tpu.memory_space<hbm>>, %arg3: memref<320000xi32, #tpu.memory_space<hbm>>, %arg4: memref<320000x128xf32, #tpu.memory_space<hbm>>, %arg5: memref<10000xi32, #tpu.memory_space<vmem>>, %arg6: memref<64x128xf32, #tpu.memory_space<vmem>>, %arg7: memref<64x128xf32, #tpu.memory_space<vmem>>, %arg8: memref<64x128xf32, #tpu.memory_space<vmem>>, %arg9: memref<64x128xf32, #tpu.memory_space<vmem>>, %arg10: memref<10000x128xf32, #tpu.memory_space<vmem_shared>>, %arg11: memref<!tpu.dma_semaphore, #tpu.memory_space<semaphore_mem>>, %arg12: memref<!tpu.dma_semaphore, #tpu.memory_space<semaphore_mem>>, %arg13: memref<!tpu.dma_semaphore, #tpu.memory_space<semaphore_mem>>, %arg14: memref<!tpu.dma_semaphore, #tpu.memory_space<semaphore_mem>>) attributes {dimension_semantics = [#tpu.dimension_semantics<core_parallel>, #tpu.dimension_semantics<subcore_parallel>], iteration_bounds = array<i64: 2, 16>, scalar_prefetch = 0 : i64, scratch_operands = 10 : i64, tpu.core_type = #tpu.core_type<sc_vector_subcore>, window_params = [{transform_indices = #map}, {transform_indices = #map1}, {transform_indices = #map}]} {
    %mul3A = arith.constant 2 : i32
    %mul3A_0 = arith.muli %arg1, %mul3A : i32
    %add3A = arith.addi %mul3A_0, %arg0 : i32
    %mul3A_1 = arith.constant 10000 : i32
    %mul3A_2 = arith.muli %add3A, %mul3A_1 : i32
    "tpu.region"() ({
      %run_scoped3A = tpu.sem_alloc : memref<!tpu.dma_semaphore, #tpu.memory_space<semaphore_mem>>
      %dma_start3A_994 = tpu.memref_slice %arg3[%mul3A_2] : memref<320000xi32, #tpu.memory_space<hbm>> -> memref<10000xi32, #tpu.memory_space<hbm>>
      %dma_start3A_995 = tpu.memref_slice %arg3[%mul3A_2] : memref<320000xi32, #tpu.memory_space<hbm>> -> memref<10000xi32, #tpu.memory_space<hbm>>
      tpu.enqueue_dma source(%dma_start3A_995 : memref<10000xi32, #tpu.memory_space<hbm>>) target(%arg5 : memref<10000xi32, #tpu.memory_space<vmem>>) target_semaphore(%run_scoped3A : memref<!tpu.dma_semaphore, #tpu.memory_space<semaphore_mem>>)
      %dma_wait3A_996 = tpu.memref_slice %arg3[%mul3A_2] : memref<320000xi32, #tpu.memory_space<hbm>> -> memref<10000xi32, #tpu.memory_space<hbm>>
      %dma_wait3A_997 = tpu.memref_slice %arg3[%mul3A_2] : memref<320000xi32, #tpu.memory_space<hbm>> -> memref<10000xi32, #tpu.memory_space<hbm>>
      tpu.wait_dma2 semaphore(%run_scoped3A : memref<!tpu.dma_semaphore, #tpu.memory_space<semaphore_mem>>) src(%dma_wait3A_997 : memref<10000xi32, #tpu.memory_space<hbm>>) dst(%arg5 : memref<10000xi32, #tpu.memory_space<vmem>>)
      tpu.yield
    }) : () -> ()
    %add3A_3 = arith.constant 0 : i32
    %add3A_4 = arith.addi %arg1, %add3A_3 : i32
    %mul3A_5 = arith.constant 40 : i32
    %mul3A_6 = arith.muli %add3A_4, %mul3A_5 : i32
    %dma_start3A = arith.constant 0 : i32
    %dma_start3A_7 = arith.constant 0 : i32
    %dma_start3A_8 = tpu.memref_slice %arg6[%dma_start3A, %dma_start3A_7] : memref<64x128xf32, #tpu.memory_space<vmem>> -> memref<40x128xf32, #tpu.memory_space<vmem>>
    %dma_start3A_9 = arith.constant 0 : i32
    %dma_start3A_10 = tpu.memref_slice %arg2[%mul3A_6, %dma_start3A_9] : memref<10000x128xf32, #tpu.memory_space<hbm>> -> memref<40x128xf32, #tpu.memory_space<hbm>>
    %dma_start3A_11 = arith.constant 0 : i32
    %dma_start3A_12 = arith.constant 0 : i32
    %dma_start3A_13 = tpu.memref_slice %arg6[%dma_start3A_11, %dma_start3A_12] : memref<64x128xf32, #tpu.memory_space<vmem>> -> memref<40x128xf32, #tpu.memory_space<vmem>>
    %dma_start3A_14 = arith.constant 0 : i32
    %dma_start3A_15 = tpu.memref_slice %arg2[%mul3A_6, %dma_start3A_14] : memref<10000x128xf32, #tpu.memory_space<hbm>> -> memref<40x128xf32, #tpu.memory_space<hbm>>
    tpu.enqueue_dma source(%dma_start3A_15 : memref<40x128xf32, #tpu.memory_space<hbm>>) target(%dma_start3A_13 : memref<40x128xf32, #tpu.memory_space<vmem>>) target_semaphore(%arg11 : memref<!tpu.dma_semaphore, #tpu.memory_space<semaphore_mem>>)
    %add3A_16 = arith.constant 16 : i32
    %add3A_17 = arith.addi %arg1, %add3A_16 : i32
    %mul3A_18 = arith.constant 40 : i32
    %mul3A_19 = arith.muli %add3A_17, %mul3A_18 : i32
    %dma_start3A_20 = arith.constant 0 : i32
    %dma_start3A_21 = arith.constant 0 : i32
    %dma_start3A_22 = tpu.memref_slice %arg7[%dma_start3A_20, %dma_start3A_21] : memref<64x128xf32, #tpu.memory_space<vmem>> -> memref<40x128xf32, #tpu.memory_space<vmem>>
    %dma_start3A_23 = arith.constant 0 : i32
    %dma_start3A_24 = tpu.memref_slice %arg2[%mul3A_19, %dma_start3A_23] : memref<10000x128xf32, #tpu.memory_space<hbm>> -> memref<40x128xf32, #tpu.memory_space<hbm>>
    %dma_start3A_25 = arith.constant 0 : i32
    %dma_start3A_26 = arith.constant 0 : i32
    %dma_start3A_27 = tpu.memref_slice %arg7[%dma_start3A_25, %dma_start3A_26] : memref<64x128xf32, #tpu.memory_space<vmem>> -> memref<40x128xf32, #tpu.memory_space<vmem>>
    %dma_start3A_28 = arith.constant 0 : i32
    %dma_start3A_29 = tpu.memref_slice %arg2[%mul3A_19, %dma_start3A_28] : memref<10000x128xf32, #tpu.memory_space<hbm>> -> memref<40x128xf32, #tpu.memory_space<hbm>>
    tpu.enqueue_dma source(%dma_start3A_29 : memref<40x128xf32, #tpu.memory_space<hbm>>) target(%dma_start3A_27 : memref<40x128xf32, #tpu.memory_space<vmem>>) target_semaphore(%arg12 : memref<!tpu.dma_semaphore, #tpu.memory_space<semaphore_mem>>)
    %add3A_30 = arith.constant 32 : i32
    %add3A_31 = arith.addi %arg1, %add3A_30 : i32
    %mul3A_32 = arith.constant 40 : i32
    %mul3A_33 = arith.muli %add3A_31, %mul3A_32 : i32
    %dma_start3A_34 = arith.constant 0 : i32
    %dma_start3A_35 = arith.constant 0 : i32
    %dma_start3A_36 = tpu.memref_slice %arg8[%dma_start3A_34, %dma_start3A_35] : memref<64x128xf32, #tpu.memory_space<vmem>> -> memref<40x128xf32, #tpu.memory_space<vmem>>
    %dma_start3A_37 = arith.constant 0 : i32
    %dma_start3A_38 = tpu.memref_slice %arg2[%mul3A_33, %dma_start3A_37] : memref<10000x128xf32, #tpu.memory_space<hbm>> -> memref<40x128xf32, #tpu.memory_space<hbm>>
    %dma_start3A_39 = arith.constant 0 : i32
    %dma_start3A_40 = arith.constant 0 : i32
    %dma_start3A_41 = tpu.memref_slice %arg8[%dma_start3A_39, %dma_start3A_40] : memref<64x128xf32, #tpu.memory_space<vmem>> -> memref<40x128xf32, #tpu.memory_space<vmem>>
    %dma_start3A_42 = arith.constant 0 : i32
    %dma_start3A_43 = tpu.memref_slice %arg2[%mul3A_33, %dma_start3A_42] : memref<10000x128xf32, #tpu.memory_space<hbm>> -> memref<40x128xf32, #tpu.memory_space<hbm>>
    tpu.enqueue_dma source(%dma_start3A_43 : memref<40x128xf32, #tpu.memory_space<hbm>>) target(%dma_start3A_41 : memref<40x128xf32, #tpu.memory_space<vmem>>) target_semaphore(%arg13 : memref<!tpu.dma_semaphore, #tpu.memory_space<semaphore_mem>>)
    %dma_wait3A = arith.constant 0 : i32
    %dma_wait3A_44 = arith.constant 0 : i32
    %dma_wait3A_45 = tpu.memref_slice %arg6[%dma_wait3A, %dma_wait3A_44] : memref<64x128xf32, #tpu.memory_space<vmem>> -> memref<40x128xf32, #tpu.memory_space<vmem>>
    %dma_wait3A_46 = arith.constant 0 : i32
    %dma_wait3A_47 = arith.constant 0 : i32
    %dma_wait3A_48 = tpu.memref_slice %arg2[%dma_wait3A_46, %dma_wait3A_47] : memref<10000x128xf32, #tpu.memory_space<hbm>> -> memref<40x128xf32, #tpu.memory_space<hbm>>
    %dma_wait3A_49 = arith.constant 0 : i32
    %dma_wait3A_50 = arith.constant 0 : i32
    %dma_wait3A_51 = tpu.memref_slice %arg6[%dma_wait3A_49, %dma_wait3A_50] : memref<64x128xf32, #tpu.memory_space<vmem>> -> memref<40x128xf32, #tpu.memory_space<vmem>>
    %dma_wait3A_52 = arith.constant 0 : i32
    %dma_wait3A_53 = arith.constant 0 : i32
    %dma_wait3A_54 = tpu.memref_slice %arg2[%dma_wait3A_52, %dma_wait3A_53] : memref<10000x128xf32, #tpu.memory_space<hbm>> -> memref<40x128xf32, #tpu.memory_space<hbm>>
    tpu.wait_dma2 semaphore(%arg11 : memref<!tpu.dma_semaphore, #tpu.memory_space<semaphore_mem>>) src(%dma_wait3A_54 : memref<40x128xf32, #tpu.memory_space<hbm>>) dst(%dma_wait3A_51 : memref<40x128xf32, #tpu.memory_space<vmem>>)
    %scan3A = arith.constant 0 : i32
    %scan3A_55 = arith.constant 0 : i32
    %scan3A_56 = arith.constant 40 : i32
    %scan3A_57 = arith.addi %scan3A_55, %scan3A_56 : i32
    %scan3A_58 = arith.constant 1 : i32
    scf.for %scan3A_994 = %scan3A_55 to %scan3A_57 step %scan3A_58  : i32 {
      %get3A = arith.index_cast %scan3A_994 : i32 to index
      %get3A_995 = arith.constant 0 : index
      %get3A_996 = tpu.vector_load %arg6[%get3A, %get3A_995] {strides = array<i32>} : memref<64x128xf32, #tpu.memory_space<vmem>>, vector<1x16xf32>,
      %get3A_997 = vector.shape_cast %get3A_996 : vector<1x16xf32> to vector<16xf32>
      %neg3A = arith.constant 0.000000e+00 : f32
      %neg3A_998 = vector.broadcast %neg3A : f32 to vector<16xf32>
      %neg3A_999 = arith.subf %neg3A_998, %get3A_997 : vector<16xf32>
      %exp3A = math.exp %neg3A_999 : vector<16xf32>
      %add3A_1000 = arith.constant 1.000000e+00 : f32
      %add3A_1001 = vector.broadcast %add3A_1000 : f32 to vector<16xf32>
      %add3A_1002 = arith.addf %add3A_1001, %exp3A : vector<16xf32>
      %div3A = arith.constant 1.000000e+00 : f32
      %div3A_1003 = vector.broadcast %div3A : f32 to vector<16xf32>
      %div3A_1004 = arith.divf %div3A_1003, %add3A_1002 : vector<16xf32>
      %swap3A = arith.index_cast %scan3A_994 : i32 to index
      %swap3A_1005 = arith.constant 0 : index
      %swap3A_1006 = tpu.vector_load %arg6[%swap3A, %swap3A_1005] {strides = array<i32>} : memref<64x128xf32, #tpu.memory_space<vmem>>, vector<1x16xf32>,
      %swap3A_1007 = vector.shape_cast %swap3A_1006 : vector<1x16xf32> to vector<16xf32>
      %swap3A_1008 = vector.shape_cast %div3A_1004 : vector<16xf32> to vector<1x16xf32>
      tpu.vector_store %arg6[%swap3A, %swap3A_1005], %swap3A_1008 {strides = array<i32>} : memref<64x128xf32, #tpu.memory_space<vmem>>, vector<1x16xf32>,
      %get3A_1009 = arith.index_cast %scan3A_994 : i32 to index
      %get3A_1010 = arith.constant 16 : index
      %get3A_1011 = tpu.vector_load %arg6[%get3A_1009, %get3A_1010] {strides = array<i32>} : memref<64x128xf32, #tpu.memory_space<vmem>>, vector<1x16xf32>,
      %get3A_1012 = vector.shape_cast %get3A_1011 : vector<1x16xf32> to vector<16xf32>
      %neg3A_1013 = arith.constant 0.000000e+00 : f32
      %neg3A_1014 = vector.broadcast %neg3A_1013 : f32 to vector<16xf32>
      %neg3A_1015 = arith.subf %neg3A_1014, %get3A_1012 : vector<16xf32>
      %exp3A_1016 = math.exp %neg3A_1015 : vector<16xf32>
      %add3A_1017 = arith.constant 1.000000e+00 : f32
      %add3A_1018 = vector.broadcast %add3A_1017 : f32 to vector<16xf32>
      %add3A_1019 = arith.addf %add3A_1018, %exp3A_1016 : vector<16xf32>
      %div3A_1020 = arith.constant 1.000000e+00 : f32
      %div3A_1021 = vector.broadcast %div3A_1020 : f32 to vector<16xf32>
      %div3A_1022 = arith.divf %div3A_1021, %add3A_1019 : vector<16xf32>
      %swap3A_1023 = arith.index_cast %scan3A_994 : i32 to index
      %swap3A_1024 = arith.constant 16 : index
      %swap3A_1025 = tpu.vector_load %arg6[%swap3A_1023, %swap3A_1024] {strides = array<i32>} : memref<64x128xf32, #tpu.memory_space<vmem>>, vector<1x16xf32>,
      %swap3A_1026 = vector.shape_cast %swap3A_1025 : vector<1x16xf32> to vector<16xf32>
      %swap3A_1027 = vector.shape_cast %div3A_1022 : vector<16xf32> to vector<1x16xf32>
      tpu.vector_store %arg6[%swap3A_1023, %swap3A_1024], %swap3A_1027 {strides = array<i32>} : memref<64x128xf32, #tpu.memory_space<vmem>>, vector<1x16xf32>,
      %get3A_1028 = arith.index_cast %scan3A_994 : i32 to index
      %get3A_1029 = arith.constant 32 : index
      %get3A_1030 = tpu.vector_load %arg6[%get3A_1028, %get3A_1029] {strides = array<i32>} : memref<64x128xf32, #tpu.memory_space<vmem>>, vector<1x16xf32>,
      %get3A_1031 = vector.shape_cast %get3A_1030 : vector<1x16xf32> to vector<16xf32>
      %neg3A_1032 = arith.constant 0.000000e+00 : f32
      %neg3A_1033 = vector.broadcast %neg3A_1032 : f32 to vector<16xf32>
      %neg3A_1034 = arith.subf %neg3A_1033, %get3A_1031 : vector<16xf32>
      %exp3A_1035 = math.exp %neg3A_1034 : vector<16xf32>
      %add3A_1036 = arith.constant 1.000000e+00 : f32
      %add3A_1037 = vector.broadcast %add3A_1036 : f32 to vector<16xf32>
      %add3A_1038 = arith.addf %add3A_1037, %exp3A_1035 : vector<16xf32>
      %div3A_1039 = arith.constant 1.000000e+00 : f32
      %div3A_1040 = vector.broadcast %div3A_1039 : f32 to vector<16xf32>
      %div3A_1041 = arith.divf %div3A_1040, %add3A_1038 : vector<16xf32>
      %swap3A_1042 = arith.index_cast %scan3A_994 : i32 to index
      %swap3A_1043 = arith.constant 32 : index
      %swap3A_1044 = tpu.vector_load %arg6[%swap3A_1042, %swap3A_1043] {strides = array<i32>} : memref<64x128xf32, #tpu.memory_space<vmem>>, vector<1x16xf32>,
      %swap3A_1045 = vector.shape_cast %swap3A_1044 : vector<1x16xf32> to vector<16xf32>
      %swap3A_1046 = vector.shape_cast %div3A_1041 : vector<16xf32> to vector<1x16xf32>
      tpu.vector_store %arg6[%swap3A_1042, %swap3A_1043], %swap3A_1046 {strides = array<i32>} : memref<64x128xf32, #tpu.memory_space<vmem>>, vector<1x16xf32>,
      %get3A_1047 = arith.index_cast %scan3A_994 : i32 to index
      %get3A_1048 = arith.constant 48 : index
      %get3A_1049 = tpu.vector_load %arg6[%get3A_1047, %get3A_1048] {strides = array<i32>} : memref<64x128xf32, #tpu.memory_space<vmem>>, vector<1x16xf32>,
      %get3A_1050 = vector.shape_cast %get3A_1049 : vector<1x16xf32> to vector<16xf32>
      %neg3A_1051 = arith.constant 0.000000e+00 : f32
      %neg3A_1052 = vector.broadcast %neg3A_1051 : f32 to vector<16xf32>
      %neg3A_1053 = arith.subf %neg3A_1052, %get3A_1050 : vector<16xf32>
      %exp3A_1054 = math.exp %neg3A_1053 : vector<16xf32>
      %add3A_1055 = arith.constant 1.000000e+00 : f32
      %add3A_1056 = vector.broadcast %add3A_1055 : f32 to vector<16xf32>
      %add3A_1057 = arith.addf %add3A_1056, %exp3A_1054 : vector<16xf32>
      %div3A_1058 = arith.constant 1.000000e+00 : f32
      %div3A_1059 = vector.broadcast %div3A_1058 : f32 to vector<16xf32>
      %div3A_1060 = arith.divf %div3A_1059, %add3A_1057 : vector<16xf32>
      %swap3A_1061 = arith.index_cast %scan3A_994 : i32 to index
      %swap3A_1062 = arith.constant 48 : index
      %swap3A_1063 = tpu.vector_load %arg6[%swap3A_1061, %swap3A_1062] {strides = array<i32>} : memref<64x128xf32, #tpu.memory_space<vmem>>, vector<1x16xf32>,
      %swap3A_1064 = vector.shape_cast %swap3A_1063 : vector<1x16xf32> to vector<16xf32>
      %swap3A_1065 = vector.shape_cast %div3A_1060 : vector<16xf32> to vector<1x16xf32>
      tpu.vector_store %arg6[%swap3A_1061, %swap3A_1062], %swap3A_1065 {strides = array<i32>} : memref<64x128xf32, #tpu.memory_space<vmem>>, vector<1x16xf32>,
      %get3A_1066 = arith.index_cast %scan3A_994 : i32 to index
      %get3A_1067 = arith.constant 64 : index
      %get3A_1068 = tpu.vector_load %arg6[%get3A_1066, %get3A_1067] {strides = array<i32>} : memref<64x128xf32, #tpu.memory_space<vmem>>, vector<1x16xf32>,
      %get3A_1069 = vector.shape_cast %get3A_1068 : vector<1x16xf32> to vector<16xf32>
      %neg3A_1070 = arith.constant 0.000000e+00 : f32
      %neg3A_1071 = vector.broadcast %neg3A_1070 : f32 to vector<16xf32>
      %neg3A_1072 = arith.subf %neg3A_1071, %get3A_1069 : vector<16xf32>
      %exp3A_1073 = math.exp %neg3A_1072 : vector<16xf32>
      %add3A_1074 = arith.constant 1.000000e+00 : f32
      %add3A_1075 = vector.broadcast %add3A_1074 : f32 to vector<16xf32>
      %add3A_1076 = arith.addf %add3A_1075, %exp3A_1073 : vector<16xf32>
      %div3A_1077 = arith.constant 1.000000e+00 : f32
      %div3A_1078 = vector.broadcast %div3A_1077 : f32 to vector<16xf32>
      %div3A_1079 = arith.divf %div3A_1078, %add3A_1076 : vector<16xf32>
      %swap3A_1080 = arith.index_cast %scan3A_994 : i32 to index
      %swap3A_1081 = arith.constant 64 : index
      %swap3A_1082 = tpu.vector_load %arg6[%swap3A_1080, %swap3A_1081] {strides = array<i32>} : memref<64x128xf32, #tpu.memory_space<vmem>>, vector<1x16xf32>,
      %swap3A_1083 = vector.shape_cast %swap3A_1082 : vector<1x16xf32> to vector<16xf32>
      %swap3A_1084 = vector.shape_cast %div3A_1079 : vector<16xf32> to vector<1x16xf32>
      tpu.vector_store %arg6[%swap3A_1080, %swap3A_1081], %swap3A_1084 {strides = array<i32>} : memref<64x128xf32, #tpu.memory_space<vmem>>, vector<1x16xf32>,
      %get3A_1085 = arith.index_cast %scan3A_994 : i32 to index
      %get3A_1086 = arith.constant 80 : index
      %get3A_1087 = tpu.vector_load %arg6[%get3A_1085, %get3A_1086] {strides = array<i32>} : memref<64x128xf32, #tpu.memory_space<vmem>>, vector<1x16xf32>,
      %get3A_1088 = vector.shape_cast %get3A_1087 : vector<1x16xf32> to vector<16xf32>
      %neg3A_1089 = arith.constant 0.000000e+00 : f32
      %neg3A_1090 = vector.broadcast %neg3A_1089 : f32 to vector<16xf32>
      %neg3A_1091 = arith.subf %neg3A_1090, %get3A_1088 : vector<16xf32>
      %exp3A_1092 = math.exp %neg3A_1091 : vector<16xf32>
      %add3A_1093 = arith.constant 1.000000e+00 : f32
      %add3A_1094 = vector.broadcast %add3A_1093 : f32 to vector<16xf32>
      %add3A_1095 = arith.addf %add3A_1094, %exp3A_1092 : vector<16xf32>
      %div3A_1096 = arith.constant 1.000000e+00 : f32
      %div3A_1097 = vector.broadcast %div3A_1096 : f32 to vector<16xf32>
      %div3A_1098 = arith.divf %div3A_1097, %add3A_1095 : vector<16xf32>
      %swap3A_1099 = arith.index_cast %scan3A_994 : i32 to index
      %swap3A_1100 = arith.constant 80 : index
      %swap3A_1101 = tpu.vector_load %arg6[%swap3A_1099, %swap3A_1100] {strides = array<i32>} : memref<64x128xf32, #tpu.memory_space<vmem>>, vector<1x16xf32>,
      %swap3A_1102 = vector.shape_cast %swap3A_1101 : vector<1x16xf32> to vector<16xf32>
      %swap3A_1103 = vector.shape_cast %div3A_1098 : vector<16xf32> to vector<1x16xf32>
      tpu.vector_store %arg6[%swap3A_1099, %swap3A_1100], %swap3A_1103 {strides = array<i32>} : memref<64x128xf32, #tpu.memory_space<vmem>>, vector<1x16xf32>,
      %get3A_1104 = arith.index_cast %scan3A_994 : i32 to index
      %get3A_1105 = arith.constant 96 : index
      %get3A_1106 = tpu.vector_load %arg6[%get3A_1104, %get3A_1105] {strides = array<i32>} : memref<64x128xf32, #tpu.memory_space<vmem>>, vector<1x16xf32>,
      %get3A_1107 = vector.shape_cast %get3A_1106 : vector<1x16xf32> to vector<16xf32>
      %neg3A_1108 = arith.constant 0.000000e+00 : f32
      %neg3A_1109 = vector.broadcast %neg3A_1108 : f32 to vector<16xf32>
      %neg3A_1110 = arith.subf %neg3A_1109, %get3A_1107 : vector<16xf32>
      %exp3A_1111 = math.exp %neg3A_1110 : vector<16xf32>
      %add3A_1112 = arith.constant 1.000000e+00 : f32
      %add3A_1113 = vector.broadcast %add3A_1112 : f32 to vector<16xf32>
      %add3A_1114 = arith.addf %add3A_1113, %exp3A_1111 : vector<16xf32>
      %div3A_1115 = arith.constant 1.000000e+00 : f32
      %div3A_1116 = vector.broadcast %div3A_1115 : f32 to vector<16xf32>
      %div3A_1117 = arith.divf %div3A_1116, %add3A_1114 : vector<16xf32>
      %swap3A_1118 = arith.index_cast %scan3A_994 : i32 to index
      %swap3A_1119 = arith.constant 96 : index
      %swap3A_1120 = tpu.vector_load %arg6[%swap3A_1118, %swap3A_1119] {strides = array<i32>} : memref<64x128xf32, #tpu.memory_space<vmem>>, vector<1x16xf32>,
      %swap3A_1121 = vector.shape_cast %swap3A_1120 : vector<1x16xf32> to vector<16xf32>
      %swap3A_1122 = vector.shape_cast %div3A_1117 : vector<16xf32> to vector<1x16xf32>
      tpu.vector_store %arg6[%swap3A_1118, %swap3A_1119], %swap3A_1122 {strides = array<i32>} : memref<64x128xf32, #tpu.memory_space<vmem>>, vector<1x16xf32>,
      %get3A_1123 = arith.index_cast %scan3A_994 : i32 to index
      %get3A_1124 = arith.constant 112 : index
      %get3A_1125 = tpu.vector_load %arg6[%get3A_1123, %get3A_1124] {strides = array<i32>} : memref<64x128xf32, #tpu.memory_space<vmem>>, vector<1x16xf32>,
      %get3A_1126 = vector.shape_cast %get3A_1125 : vector<1x16xf32> to vector<16xf32>
      %neg3A_1127 = arith.constant 0.000000e+00 : f32
      %neg3A_1128 = vector.broadcast %neg3A_1127 : f32 to vector<16xf32>
      %neg3A_1129 = arith.subf %neg3A_1128, %get3A_1126 : vector<16xf32>
      %exp3A_1130 = math.exp %neg3A_1129 : vector<16xf32>
      %add3A_1131 = arith.constant 1.000000e+00 : f32
      %add3A_1132 = vector.broadcast %add3A_1131 : f32 to vector<16xf32>
      %add3A_1133 = arith.addf %add3A_1132, %exp3A_1130 : vector<16xf32>
      %div3A_1134 = arith.constant 1.000000e+00 : f32
      %div3A_1135 = vector.broadcast %div3A_1134 : f32 to vector<16xf32>
      %div3A_1136 = arith.divf %div3A_1135, %add3A_1133 : vector<16xf32>
      %swap3A_1137 = arith.index_cast %scan3A_994 : i32 to index
      %swap3A_1138 = arith.constant 112 : index
      %swap3A_1139 = tpu.vector_load %arg6[%swap3A_1137, %swap3A_1138] {strides = array<i32>} : memref<64x128xf32, #tpu.memory_space<vmem>>, vector<1x16xf32>,
      %swap3A_1140 = vector.shape_cast %swap3A_1139 : vector<1x16xf32> to vector<16xf32>
      %swap3A_1141 = vector.shape_cast %div3A_1136 : vector<16xf32> to vector<1x16xf32>
      tpu.vector_store %arg6[%swap3A_1137, %swap3A_1138], %swap3A_1141 {strides = array<i32>} : memref<64x128xf32, #tpu.memory_space<vmem>>, vector<1x16xf32>,
    }
    %scan3A_59 = arith.constant 40 : i32
    %add3A_60 = arith.constant 0 : i32
    %add3A_61 = arith.addi %arg1, %add3A_60 : i32
    %mul3A_62 = arith.constant 40 : i32
    %mul3A_63 = arith.muli %add3A_61, %mul3A_62 : i32
    %dma_start3A_64 = arith.constant 0 : i32
    %dma_start3A_65 = arith.constant 0 : i32
    %dma_start3A_66 = tpu.memref_slice %arg6[%dma_start3A_64, %dma_start3A_65] : memref<64x128xf32, #tpu.memory_space<vmem>> -> memref<40x128xf32, #tpu.memory_space<vmem>>
    %dma_start3A_67 = arith.constant 0 : i32
    %dma_start3A_68 = tpu.memref_slice %arg10[%mul3A_63, %dma_start3A_67] : memref<10000x128xf32, #tpu.memory_space<vmem_shared>> -> memref<40x128xf32, #tpu.memory_space<vmem_shared>>
    %dma_start3A_69 = arith.constant 0 : i32
    %dma_start3A_70 = tpu.memref_slice %arg10[%mul3A_63, %dma_start3A_69] : memref<10000x128xf32, #tpu.memory_space<vmem_shared>> -> memref<40x128xf32, #tpu.memory_space<vmem_shared>>
    %dma_start3A_71 = arith.constant 0 : i32
    %dma_start3A_72 = arith.constant 0 : i32
    %dma_start3A_73 = tpu.memref_slice %arg6[%dma_start3A_71, %dma_start3A_72] : memref<64x128xf32, #tpu.memory_space<vmem>> -> memref<40x128xf32, #tpu.memory_space<vmem>>
    tpu.enqueue_dma source(%dma_start3A_73 : memref<40x128xf32, #tpu.memory_space<vmem>>) target(%dma_start3A_70 : memref<40x128xf32, #tpu.memory_space<vmem_shared>>) target_semaphore(%arg11 : memref<!tpu.dma_semaphore, #tpu.memory_space<semaphore_mem>>)
    %add3A_74 = arith.constant 48 : i32
    %add3A_75 = arith.addi %arg1, %add3A_74 : i32
    %mul3A_76 = arith.constant 40 : i32
    %mul3A_77 = arith.muli %add3A_75, %mul3A_76 : i32
    %dma_start3A_78 = arith.constant 0 : i32
    %dma_start3A_79 = arith.constant 0 : i32
    %dma_start3A_80 = tpu.memref_slice %arg9[%dma_start3A_78, %dma_start3A_79] : memref<64x128xf32, #tpu.memory_space<vmem>> -> memref<40x128xf32, #tpu.memory_space<vmem>>
    %dma_start3A_81 = arith.constant 0 : i32
    %dma_start3A_82 = tpu.memref_slice %arg2[%mul3A_77, %dma_start3A_81] : memref<10000x128xf32, #tpu.memory_space<hbm>> -> memref<40x128xf32, #tpu.memory_space<hbm>>
    %dma_start3A_83 = arith.constant 0 : i32
    %dma_start3A_84 = arith.constant 0 : i32
    %dma_start3A_85 = tpu.memref_slice %arg9[%dma_start3A_83, %dma_start3A_84] : memref<64x128xf32, #tpu.memory_space<vmem>> -> memref<40x128xf32, #tpu.memory_space<vmem>>
    %dma_start3A_86 = arith.constant 0 : i32
    %dma_start3A_87 = tpu.memref_slice %arg2[%mul3A_77, %dma_start3A_86] : memref<10000x128xf32, #tpu.memory_space<hbm>> -> memref<40x128xf32, #tpu.memory_space<hbm>>
    tpu.enqueue_dma source(%dma_start3A_87 : memref<40x128xf32, #tpu.memory_space<hbm>>) target(%dma_start3A_85 : memref<40x128xf32, #tpu.memory_space<vmem>>) target_semaphore(%arg14 : memref<!tpu.dma_semaphore, #tpu.memory_space<semaphore_mem>>)
    %dma_wait3A_88 = arith.constant 0 : i32
    %dma_wait3A_89 = arith.constant 0 : i32
    %dma_wait3A_90 = tpu.memref_slice %arg7[%dma_wait3A_88, %dma_wait3A_89] : memref<64x128xf32, #tpu.memory_space<vmem>> -> memref<40x128xf32, #tpu.memory_space<vmem>>
    %dma_wait3A_91 = arith.constant 0 : i32
    %dma_wait3A_92 = arith.constant 0 : i32
    %dma_wait3A_93 = tpu.memref_slice %arg2[%dma_wait3A_91, %dma_wait3A_92] : memref<10000x128xf32, #tpu.memory_space<hbm>> -> memref<40x128xf32, #tpu.memory_space<hbm>>
    %dma_wait3A_94 = arith.constant 0 : i32
    %dma_wait3A_95 = arith.constant 0 : i32
    %dma_wait3A_96 = tpu.memref_slice %arg7[%dma_wait3A_94, %dma_wait3A_95] : memref<64x128xf32, #tpu.memory_space<vmem>> -> memref<40x128xf32, #tpu.memory_space<vmem>>
    %dma_wait3A_97 = arith.constant 0 : i32
    %dma_wait3A_98 = arith.constant 0 : i32
    %dma_wait3A_99 = tpu.memref_slice %arg2[%dma_wait3A_97, %dma_wait3A_98] : memref<10000x128xf32, #tpu.memory_space<hbm>> -> memref<40x128xf32, #tpu.memory_space<hbm>>
    tpu.wait_dma2 semaphore(%arg12 : memref<!tpu.dma_semaphore, #tpu.memory_space<semaphore_mem>>) src(%dma_wait3A_99 : memref<40x128xf32, #tpu.memory_space<hbm>>) dst(%dma_wait3A_96 : memref<40x128xf32, #tpu.memory_space<vmem>>)
    %scan3A_100 = arith.constant 0 : i32
    %scan3A_101 = arith.constant 0 : i32
    %scan3A_102 = arith.constant 40 : i32
    %scan3A_103 = arith.addi %scan3A_101, %scan3A_102 : i32
    %scan3A_104 = arith.constant 1 : i32
    scf.for %scan3A_994 = %scan3A_101 to %scan3A_103 step %scan3A_104  : i32 {
      %get3A = arith.index_cast %scan3A_994 : i32 to index
      %get3A_995 = arith.constant 0 : index
      %get3A_996 = tpu.vector_load %arg7[%get3A, %get3A_995] {strides = array<i32>} : memref<64x128xf32, #tpu.memory_space<vmem>>, vector<1x16xf32>,
      %get3A_997 = vector.shape_cast %get3A_996 : vector<1x16xf32> to vector<16xf32>
      %neg3A = arith.constant 0.000000e+00 : f32
      %neg3A_998 = vector.broadcast %neg3A : f32 to vector<16xf32>
      %neg3A_999 = arith.subf %neg3A_998, %get3A_997 : vector<16xf32>
      %exp3A = math.exp %neg3A_999 : vector<16xf32>
      %add3A_1000 = arith.constant 1.000000e+00 : f32
      %add3A_1001 = vector.broadcast %add3A_1000 : f32 to vector<16xf32>
      %add3A_1002 = arith.addf %add3A_1001, %exp3A : vector<16xf32>
      %div3A = arith.constant 1.000000e+00 : f32
      %div3A_1003 = vector.broadcast %div3A : f32 to vector<16xf32>
      %div3A_1004 = arith.divf %div3A_1003, %add3A_1002 : vector<16xf32>
      %swap3A = arith.index_cast %scan3A_994 : i32 to index
      %swap3A_1005 = arith.constant 0 : index
      %swap3A_1006 = tpu.vector_load %arg7[%swap3A, %swap3A_1005] {strides = array<i32>} : memref<64x128xf32, #tpu.memory_space<vmem>>, vector<1x16xf32>,
      %swap3A_1007 = vector.shape_cast %swap3A_1006 : vector<1x16xf32> to vector<16xf32>
      %swap3A_1008 = vector.shape_cast %div3A_1004 : vector<16xf32> to vector<1x16xf32>
      tpu.vector_store %arg7[%swap3A, %swap3A_1005], %swap3A_1008 {strides = array<i32>} : memref<64x128xf32, #tpu.memory_space<vmem>>, vector<1x16xf32>,
      %get3A_1009 = arith.index_cast %scan3A_994 : i32 to index
      %get3A_1010 = arith.constant 16 : index
      %get3A_1011 = tpu.vector_load %arg7[%get3A_1009, %get3A_1010] {strides = array<i32>} : memref<64x128xf32, #tpu.memory_space<vmem>>, vector<1x16xf32>,
      %get3A_1012 = vector.shape_cast %get3A_1011 : vector<1x16xf32> to vector<16xf32>
      %neg3A_1013 = arith.constant 0.000000e+00 : f32
      %neg3A_1014 = vector.broadcast %neg3A_1013 : f32 to vector<16xf32>
      %neg3A_1015 = arith.subf %neg3A_1014, %get3A_1012 : vector<16xf32>
      %exp3A_1016 = math.exp %neg3A_1015 : vector<16xf32>
      %add3A_1017 = arith.constant 1.000000e+00 : f32
      %add3A_1018 = vector.broadcast %add3A_1017 : f32 to vector<16xf32>
      %add3A_1019 = arith.addf %add3A_1018, %exp3A_1016 : vector<16xf32>
      %div3A_1020 = arith.constant 1.000000e+00 : f32
      %div3A_1021 = vector.broadcast %div3A_1020 : f32 to vector<16xf32>
      %div3A_1022 = arith.divf %div3A_1021, %add3A_1019 : vector<16xf32>
      %swap3A_1023 = arith.index_cast %scan3A_994 : i32 to index
      %swap3A_1024 = arith.constant 16 : index
      %swap3A_1025 = tpu.vector_load %arg7[%swap3A_1023, %swap3A_1024] {strides = array<i32>} : memref<64x128xf32, #tpu.memory_space<vmem>>, vector<1x16xf32>,
      %swap3A_1026 = vector.shape_cast %swap3A_1025 : vector<1x16xf32> to vector<16xf32>
      %swap3A_1027 = vector.shape_cast %div3A_1022 : vector<16xf32> to vector<1x16xf32>
      tpu.vector_store %arg7[%swap3A_1023, %swap3A_1024], %swap3A_1027 {strides = array<i32>} : memref<64x128xf32, #tpu.memory_space<vmem>>, vector<1x16xf32>,
      %get3A_1028 = arith.index_cast %scan3A_994 : i32 to index
      %get3A_1029 = arith.constant 32 : index
      %get3A_1030 = tpu.vector_load %arg7[%get3A_1028, %get3A_1029] {strides = array<i32>} : memref<64x128xf32, #tpu.memory_space<vmem>>, vector<1x16xf32>,
      %get3A_1031 = vector.shape_cast %get3A_1030 : vector<1x16xf32> to vector<16xf32>
      %neg3A_1032 = arith.constant 0.000000e+00 : f32
      %neg3A_1033 = vector.broadcast %neg3A_1032 : f32 to vector<16xf32>
      %neg3A_1034 = arith.subf %neg3A_1033, %get3A_1031 : vector<16xf32>
      %exp3A_1035 = math.exp %neg3A_1034 : vector<16xf32>
      %add3A_1036 = arith.constant 1.000000e+00 : f32
      %add3A_1037 = vector.broadcast %add3A_1036 : f32 to vector<16xf32>
      %add3A_1038 = arith.addf %add3A_1037, %exp3A_1035 : vector<16xf32>
      %div3A_1039 = arith.constant 1.000000e+00 : f32
      %div3A_1040 = vector.broadcast %div3A_1039 : f32 to vector<16xf32>
      %div3A_1041 = arith.divf %div3A_1040, %add3A_1038 : vector<16xf32>
      %swap3A_1042 = arith.index_cast %scan3A_994 : i32 to index
      %swap3A_1043 = arith.constant 32 : index
      %swap3A_1044 = tpu.vector_load %arg7[%swap3A_1042, %swap3A_1043] {strides = array<i32>} : memref<64x128xf32, #tpu.memory_space<vmem>>, vector<1x16xf32>,
      %swap3A_1045 = vector.shape_cast %swap3A_1044 : vector<1x16xf32> to vector<16xf32>
      %swap3A_1046 = vector.shape_cast %div3A_1041 : vector<16xf32> to vector<1x16xf32>
      tpu.vector_store %arg7[%swap3A_1042, %swap3A_1043], %swap3A_1046 {strides = array<i32>} : memref<64x128xf32, #tpu.memory_space<vmem>>, vector<1x16xf32>,
      %get3A_1047 = arith.index_cast %scan3A_994 : i32 to index
      %get3A_1048 = arith.constant 48 : index
      %get3A_1049 = tpu.vector_load %arg7[%get3A_1047, %get3A_1048] {strides = array<i32>} : memref<64x128xf32, #tpu.memory_space<vmem>>, vector<1x16xf32>,
      %get3A_1050 = vector.shape_cast %get3A_1049 : vector<1x16xf32> to vector<16xf32>
      %neg3A_1051 = arith.constant 0.000000e+00 : f32
      %neg3A_1052 = vector.broadcast %neg3A_1051 : f32 to vector<16xf32>
      %neg3A_1053 = arith.subf %neg3A_1052, %get3A_1050 : vector<16xf32>
      %exp3A_1054 = math.exp %neg3A_1053 : vector<16xf32>
      %add3A_1055 = arith.constant 1.000000e+00 : f32
      %add3A_1056 = vector.broadcast %add3A_1055 : f32 to vector<16xf32>
      %add3A_1057 = arith.addf %add3A_1056, %exp3A_1054 : vector<16xf32>
      %div3A_1058 = arith.constant 1.000000e+00 : f32
      %div3A_1059 = vector.broadcast %div3A_1058 : f32 to vector<16xf32>
      %div3A_1060 = arith.divf %div3A_1059, %add3A_1057 : vector<16xf32>
      %swap3A_1061 = arith.index_cast %scan3A_994 : i32 to index
      %swap3A_1062 = arith.constant 48 : index
      %swap3A_1063 = tpu.vector_load %arg7[%swap3A_1061, %swap3A_1062] {strides = array<i32>} : memref<64x128xf32, #tpu.memory_space<vmem>>, vector<1x16xf32>,
      %swap3A_1064 = vector.shape_cast %swap3A_1063 : vector<1x16xf32> to vector<16xf32>
      %swap3A_1065 = vector.shape_cast %div3A_1060 : vector<16xf32> to vector<1x16xf32>
      tpu.vector_store %arg7[%swap3A_1061, %swap3A_1062], %swap3A_1065 {strides = array<i32>} : memref<64x128xf32, #tpu.memory_space<vmem>>, vector<1x16xf32>,
      %get3A_1066 = arith.index_cast %scan3A_994 : i32 to index
      %get3A_1067 = arith.constant 64 : index
      %get3A_1068 = tpu.vector_load %arg7[%get3A_1066, %get3A_1067] {strides = array<i32>} : memref<64x128xf32, #tpu.memory_space<vmem>>, vector<1x16xf32>,
      %get3A_1069 = vector.shape_cast %get3A_1068 : vector<1x16xf32> to vector<16xf32>
      %neg3A_1070 = arith.constant 0.000000e+00 : f32
      %neg3A_1071 = vector.broadcast %neg3A_1070 : f32 to vector<16xf32>
      %neg3A_1072 = arith.subf %neg3A_1071, %get3A_1069 : vector<16xf32>
      %exp3A_1073 = math.exp %neg3A_1072 : vector<16xf32>
      %add3A_1074 = arith.constant 1.000000e+00 : f32
      %add3A_1075 = vector.broadcast %add3A_1074 : f32 to vector<16xf32>
      %add3A_1076 = arith.addf %add3A_1075, %exp3A_1073 : vector<16xf32>
      %div3A_1077 = arith.constant 1.000000e+00 : f32
      %div3A_1078 = vector.broadcast %div3A_1077 : f32 to vector<16xf32>
      %div3A_1079 = arith.divf %div3A_1078, %add3A_1076 : vector<16xf32>
      %swap3A_1080 = arith.index_cast %scan3A_994 : i32 to index
      %swap3A_1081 = arith.constant 64 : index
      %swap3A_1082 = tpu.vector_load %arg7[%swap3A_1080, %swap3A_1081] {strides = array<i32>} : memref<64x128xf32, #tpu.memory_space<vmem>>, vector<1x16xf32>,
      %swap3A_1083 = vector.shape_cast %swap3A_1082 : vector<1x16xf32> to vector<16xf32>
      %swap3A_1084 = vector.shape_cast %div3A_1079 : vector<16xf32> to vector<1x16xf32>
      tpu.vector_store %arg7[%swap3A_1080, %swap3A_1081], %swap3A_1084 {strides = array<i32>} : memref<64x128xf32, #tpu.memory_space<vmem>>, vector<1x16xf32>,
      %get3A_1085 = arith.index_cast %scan3A_994 : i32 to index
      %get3A_1086 = arith.constant 80 : index
      %get3A_1087 = tpu.vector_load %arg7[%get3A_1085, %get3A_1086] {strides = array<i32>} : memref<64x128xf32, #tpu.memory_space<vmem>>, vector<1x16xf32>,
      %get3A_1088 = vector.shape_cast %get3A_1087 : vector<1x16xf32> to vector<16xf32>
      %neg3A_1089 = arith.constant 0.000000e+00 : f32
      %neg3A_1090 = vector.broadcast %neg3A_1089 : f32 to vector<16xf32>
      %neg3A_1091 = arith.subf %neg3A_1090, %get3A_1088 : vector<16xf32>
      %exp3A_1092 = math.exp %neg3A_1091 : vector<16xf32>
      %add3A_1093 = arith.constant 1.000000e+00 : f32
      %add3A_1094 = vector.broadcast %add3A_1093 : f32 to vector<16xf32>
      %add3A_1095 = arith.addf %add3A_1094, %exp3A_1092 : vector<16xf32>
      %div3A_1096 = arith.constant 1.000000e+00 : f32
      %div3A_1097 = vector.broadcast %div3A_1096 : f32 to vector<16xf32>
      %div3A_1098 = arith.divf %div3A_1097, %add3A_1095 : vector<16xf32>
      %swap3A_1099 = arith.index_cast %scan3A_994 : i32 to index
      %swap3A_1100 = arith.constant 80 : index
      %swap3A_1101 = tpu.vector_load %arg7[%swap3A_1099, %swap3A_1100] {strides = array<i32>} : memref<64x128xf32, #tpu.memory_space<vmem>>, vector<1x16xf32>,
      %swap3A_1102 = vector.shape_cast %swap3A_1101 : vector<1x16xf32> to vector<16xf32>
      %swap3A_1103 = vector.shape_cast %div3A_1098 : vector<16xf32> to vector<1x16xf32>
      tpu.vector_store %arg7[%swap3A_1099, %swap3A_1100], %swap3A_1103 {strides = array<i32>} : memref<64x128xf32, #tpu.memory_space<vmem>>, vector<1x16xf32>,
      %get3A_1104 = arith.index_cast %scan3A_994 : i32 to index
      %get3A_1105 = arith.constant 96 : index
      %get3A_1106 = tpu.vector_load %arg7[%get3A_1104, %get3A_1105] {strides = array<i32>} : memref<64x128xf32, #tpu.memory_space<vmem>>, vector<1x16xf32>,
      %get3A_1107 = vector.shape_cast %get3A_1106 : vector<1x16xf32> to vector<16xf32>
      %neg3A_1108 = arith.constant 0.000000e+00 : f32
      %neg3A_1109 = vector.broadcast %neg3A_1108 : f32 to vector<16xf32>
      %neg3A_1110 = arith.subf %neg3A_1109, %get3A_1107 : vector<16xf32>
      %exp3A_1111 = math.exp %neg3A_1110 : vector<16xf32>
      %add3A_1112 = arith.constant 1.000000e+00 : f32
      %add3A_1113 = vector.broadcast %add3A_1112 : f32 to vector<16xf32>
      %add3A_1114 = arith.addf %add3A_1113, %exp3A_1111 : vector<16xf32>
      %div3A_1115 = arith.constant 1.000000e+00 : f32
      %div3A_1116 = vector.broadcast %div3A_1115 : f32 to vector<16xf32>
      %div3A_1117 = arith.divf %div3A_1116, %add3A_1114 : vector<16xf32>
      %swap3A_1118 = arith.index_cast %scan3A_994 : i32 to index
      %swap3A_1119 = arith.constant 96 : index
      %swap3A_1120 = tpu.vector_load %arg7[%swap3A_1118, %swap3A_1119] {strides = array<i32>} : memref<64x128xf32, #tpu.memory_space<vmem>>, vector<1x16xf32>,
      %swap3A_1121 = vector.shape_cast %swap3A_1120 : vector<1x16xf32> to vector<16xf32>
      %swap3A_1122 = vector.shape_cast %div3A_1117 : vector<16xf32> to vector<1x16xf32>
      tpu.vector_store %arg7[%swap3A_1118, %swap3A_1119], %swap3A_1122 {strides = array<i32>} : memref<64x128xf32, #tpu.memory_space<vmem>>, vector<1x16xf32>,
      %get3A_1123 = arith.index_cast %scan3A_994 : i32 to index
      %get3A_1124 = arith.constant 112 : index
      %get3A_1125 = tpu.vector_load %arg7[%get3A_1123, %get3A_1124] {strides = array<i32>} : memref<64x128xf32, #tpu.memory_space<vmem>>, vector<1x16xf32>,
      %get3A_1126 = vector.shape_cast %get3A_1125 : vector<1x16xf32> to vector<16xf32>
      %neg3A_1127 = arith.constant 0.000000e+00 : f32
      %neg3A_1128 = vector.broadcast %neg3A_1127 : f32 to vector<16xf32>
      %neg3A_1129 = arith.subf %neg3A_1128, %get3A_1126 : vector<16xf32>
      %exp3A_1130 = math.exp %neg3A_1129 : vector<16xf32>
      %add3A_1131 = arith.constant 1.000000e+00 : f32
      %add3A_1132 = vector.broadcast %add3A_1131 : f32 to vector<16xf32>
      %add3A_1133 = arith.addf %add3A_1132, %exp3A_1130 : vector<16xf32>
      %div3A_1134 = arith.constant 1.000000e+00 : f32
      %div3A_1135 = vector.broadcast %div3A_1134 : f32 to vector<16xf32>
      %div3A_1136 = arith.divf %div3A_1135, %add3A_1133 : vector<16xf32>
      %swap3A_1137 = arith.index_cast %scan3A_994 : i32 to index
      %swap3A_1138 = arith.constant 112 : index
      %swap3A_1139 = tpu.vector_load %arg7[%swap3A_1137, %swap3A_1138] {strides = array<i32>} : memref<64x128xf32, #tpu.memory_space<vmem>>, vector<1x16xf32>,
      %swap3A_1140 = vector.shape_cast %swap3A_1139 : vector<1x16xf32> to vector<16xf32>
      %swap3A_1141 = vector.shape_cast %div3A_1136 : vector<16xf32> to vector<1x16xf32>
      tpu.vector_store %arg7[%swap3A_1137, %swap3A_1138], %swap3A_1141 {strides = array<i32>} : memref<64x128xf32, #tpu.memory_space<vmem>>, vector<1x16xf32>,
    }
    %scan3A_105 = arith.constant 40 : i32
    %add3A_106 = arith.constant 16 : i32
    %add3A_107 = arith.addi %arg1, %add3A_106 : i32
    %mul3A_108 = arith.constant 40 : i32
    %mul3A_109 = arith.muli %add3A_107, %mul3A_108 : i32
    %dma_start3A_110 = arith.constant 0 : i32
    %dma_start3A_111 = arith.constant 0 : i32
    %dma_start3A_112 = tpu.memref_slice %arg7[%dma_start3A_110, %dma_start3A_111] : memref<64x128xf32, #tpu.memory_space<vmem>> -> memref<40x128xf32, #tpu.memory_space<vmem>>
    %dma_start3A_113 = arith.constant 0 : i32
    %dma_start3A_114 = tpu.memref_slice %arg10[%mul3A_109, %dma_start3A_113] : memref<10000x128xf32, #tpu.memory_space<vmem_shared>> -> memref<40x128xf32, #tpu.memory_space<vmem_shared>>
    %dma_start3A_115 = arith.constant 0 : i32
    %dma_start3A_116 = tpu.memref_slice %arg10[%mul3A_109, %dma_start3A_115] : memref<10000x128xf32, #tpu.memory_space<vmem_shared>> -> memref<40x128xf32, #tpu.memory_space<vmem_shared>>
    %dma_start3A_117 = arith.constant 0 : i32
    %dma_start3A_118 = arith.constant 0 : i32
    %dma_start3A_119 = tpu.memref_slice %arg7[%dma_start3A_117, %dma_start3A_118] : memref<64x128xf32, #tpu.memory_space<vmem>> -> memref<40x128xf32, #tpu.memory_space<vmem>>
    tpu.enqueue_dma source(%dma_start3A_119 : memref<40x128xf32, #tpu.memory_space<vmem>>) target(%dma_start3A_116 : memref<40x128xf32, #tpu.memory_space<vmem_shared>>) target_semaphore(%arg12 : memref<!tpu.dma_semaphore, #tpu.memory_space<semaphore_mem>>)
    %dma_wait3A_120 = arith.constant 0 : i32
    %dma_wait3A_121 = arith.constant 0 : i32
    %dma_wait3A_122 = tpu.memref_slice %arg6[%dma_wait3A_120, %dma_wait3A_121] : memref<64x128xf32, #tpu.memory_space<vmem>> -> memref<40x128xf32, #tpu.memory_space<vmem>>
    %dma_wait3A_123 = arith.constant 0 : i32
    %dma_wait3A_124 = arith.constant 0 : i32
    %dma_wait3A_125 = tpu.memref_slice %arg2[%dma_wait3A_123, %dma_wait3A_124] : memref<10000x128xf32, #tpu.memory_space<hbm>> -> memref<40x128xf32, #tpu.memory_space<hbm>>
    %dma_wait3A_126 = arith.constant 0 : i32
    %dma_wait3A_127 = arith.constant 0 : i32
    %dma_wait3A_128 = tpu.memref_slice %arg6[%dma_wait3A_126, %dma_wait3A_127] : memref<64x128xf32, #tpu.memory_space<vmem>> -> memref<40x128xf32, #tpu.memory_space<vmem>>
    %dma_wait3A_129 = arith.constant 0 : i32
    %dma_wait3A_130 = arith.constant 0 : i32
    %dma_wait3A_131 = tpu.memref_slice %arg2[%dma_wait3A_129, %dma_wait3A_130] : memref<10000x128xf32, #tpu.memory_space<hbm>> -> memref<40x128xf32, #tpu.memory_space<hbm>>
    tpu.wait_dma2 semaphore(%arg11 : memref<!tpu.dma_semaphore, #tpu.memory_space<semaphore_mem>>) src(%dma_wait3A_131 : memref<40x128xf32, #tpu.memory_space<hbm>>) dst(%dma_wait3A_128 : memref<40x128xf32, #tpu.memory_space<vmem>>)
    %add3A_132 = arith.constant 64 : i32
    %add3A_133 = arith.addi %arg1, %add3A_132 : i32
    %mul3A_134 = arith.constant 40 : i32
    %mul3A_135 = arith.muli %add3A_133, %mul3A_134 : i32
    %dma_start3A_136 = arith.constant 0 : i32
    %dma_start3A_137 = arith.constant 0 : i32
    %dma_start3A_138 = tpu.memref_slice %arg6[%dma_start3A_136, %dma_start3A_137] : memref<64x128xf32, #tpu.memory_space<vmem>> -> memref<40x128xf32, #tpu.memory_space<vmem>>
    %dma_start3A_139 = arith.constant 0 : i32
    %dma_start3A_140 = tpu.memref_slice %arg2[%mul3A_135, %dma_start3A_139] : memref<10000x128xf32, #tpu.memory_space<hbm>> -> memref<40x128xf32, #tpu.memory_space<hbm>>
    %dma_start3A_141 = arith.constant 0 : i32
    %dma_start3A_142 = arith.constant 0 : i32
    %dma_start3A_143 = tpu.memref_slice %arg6[%dma_start3A_141, %dma_start3A_142] : memref<64x128xf32, #tpu.memory_space<vmem>> -> memref<40x128xf32, #tpu.memory_space<vmem>>
    %dma_start3A_144 = arith.constant 0 : i32
    %dma_start3A_145 = tpu.memref_slice %arg2[%mul3A_135, %dma_start3A_144] : memref<10000x128xf32, #tpu.memory_space<hbm>> -> memref<40x128xf32, #tpu.memory_space<hbm>>
    tpu.enqueue_dma source(%dma_start3A_145 : memref<40x128xf32, #tpu.memory_space<hbm>>) target(%dma_start3A_143 : memref<40x128xf32, #tpu.memory_space<vmem>>) target_semaphore(%arg11 : memref<!tpu.dma_semaphore, #tpu.memory_space<semaphore_mem>>)
    %dma_wait3A_146 = arith.constant 0 : i32
    %dma_wait3A_147 = arith.constant 0 : i32
    %dma_wait3A_148 = tpu.memref_slice %arg8[%dma_wait3A_146, %dma_wait3A_147] : memref<64x128xf32, #tpu.memory_space<vmem>> -> memref<40x128xf32, #tpu.memory_space<vmem>>
    %dma_wait3A_149 = arith.constant 0 : i32
    %dma_wait3A_150 = arith.constant 0 : i32
    %dma_wait3A_151 = tpu.memref_slice %arg2[%dma_wait3A_149, %dma_wait3A_150] : memref<10000x128xf32, #tpu.memory_space<hbm>> -> memref<40x128xf32, #tpu.memory_space<hbm>>
    %dma_wait3A_152 = arith.constant 0 : i32
    %dma_wait3A_153 = arith.constant 0 : i32
    %dma_wait3A_154 = tpu.memref_slice %arg8[%dma_wait3A_152, %dma_wait3A_153] : memref<64x128xf32, #tpu.memory_space<vmem>> -> memref<40x128xf32, #tpu.memory_space<vmem>>
    %dma_wait3A_155 = arith.constant 0 : i32
    %dma_wait3A_156 = arith.constant 0 : i32
    %dma_wait3A_157 = tpu.memref_slice %arg2[%dma_wait3A_155, %dma_wait3A_156] : memref<10000x128xf32, #tpu.memory_space<hbm>> -> memref<40x128xf32, #tpu.memory_space<hbm>>
    tpu.wait_dma2 semaphore(%arg13 : memref<!tpu.dma_semaphore, #tpu.memory_space<semaphore_mem>>) src(%dma_wait3A_157 : memref<40x128xf32, #tpu.memory_space<hbm>>) dst(%dma_wait3A_154 : memref<40x128xf32, #tpu.memory_space<vmem>>)
    %scan3A_158 = arith.constant 0 : i32
    %scan3A_159 = arith.constant 0 : i32
    %scan3A_160 = arith.constant 40 : i32
    %scan3A_161 = arith.addi %scan3A_159, %scan3A_160 : i32
    %scan3A_162 = arith.constant 1 : i32
    scf.for %scan3A_994 = %scan3A_159 to %scan3A_161 step %scan3A_162  : i32 {
      %get3A = arith.index_cast %scan3A_994 : i32 to index
      %get3A_995 = arith.constant 0 : index
      %get3A_996 = tpu.vector_load %arg8[%get3A, %get3A_995] {strides = array<i32>} : memref<64x128xf32, #tpu.memory_space<vmem>>, vector<1x16xf32>,
      %get3A_997 = vector.shape_cast %get3A_996 : vector<1x16xf32> to vector<16xf32>
      %neg3A = arith.constant 0.000000e+00 : f32
      %neg3A_998 = vector.broadcast %neg3A : f32 to vector<16xf32>
      %neg3A_999 = arith.subf %neg3A_998, %get3A_997 : vector<16xf32>
      %exp3A = math.exp %neg3A_999 : vector<16xf32>
      %add3A_1000 = arith.constant 1.000000e+00 : f32
      %add3A_1001 = vector.broadcast %add3A_1000 : f32 to vector<16xf32>
      %add3A_1002 = arith.addf %add3A_1001, %exp3A : vector<16xf32>
      %div3A = arith.constant 1.000000e+00 : f32
      %div3A_1003 = vector.broadcast %div3A : f32 to vector<16xf32>
      %div3A_1004 = arith.divf %div3A_1003, %add3A_1002 : vector<16xf32>
      %swap3A = arith.index_cast %scan3A_994 : i32 to index
      %swap3A_1005 = arith.constant 0 : index
      %swap3A_1006 = tpu.vector_load %arg8[%swap3A, %swap3A_1005] {strides = array<i32>} : memref<64x128xf32, #tpu.memory_space<vmem>>, vector<1x16xf32>,
      %swap3A_1007 = vector.shape_cast %swap3A_1006 : vector<1x16xf32> to vector<16xf32>
      %swap3A_1008 = vector.shape_cast %div3A_1004 : vector<16xf32> to vector<1x16xf32>
      tpu.vector_store %arg8[%swap3A, %swap3A_1005], %swap3A_1008 {strides = array<i32>} : memref<64x128xf32, #tpu.memory_space<vmem>>, vector<1x16xf32>,
      %get3A_1009 = arith.index_cast %scan3A_994 : i32 to index
      %get3A_1010 = arith.constant 16 : index
      %get3A_1011 = tpu.vector_load %arg8[%get3A_1009, %get3A_1010] {strides = array<i32>} : memref<64x128xf32, #tpu.memory_space<vmem>>, vector<1x16xf32>,
      %get3A_1012 = vector.shape_cast %get3A_1011 : vector<1x16xf32> to vector<16xf32>
      %neg3A_1013 = arith.constant 0.000000e+00 : f32
      %neg3A_1014 = vector.broadcast %neg3A_1013 : f32 to vector<16xf32>
      %neg3A_1015 = arith.subf %neg3A_1014, %get3A_1012 : vector<16xf32>
      %exp3A_1016 = math.exp %neg3A_1015 : vector<16xf32>
      %add3A_1017 = arith.constant 1.000000e+00 : f32
      %add3A_1018 = vector.broadcast %add3A_1017 : f32 to vector<16xf32>
      %add3A_1019 = arith.addf %add3A_1018, %exp3A_1016 : vector<16xf32>
      %div3A_1020 = arith.constant 1.000000e+00 : f32
      %div3A_1021 = vector.broadcast %div3A_1020 : f32 to vector<16xf32>
      %div3A_1022 = arith.divf %div3A_1021, %add3A_1019 : vector<16xf32>
      %swap3A_1023 = arith.index_cast %scan3A_994 : i32 to index
      %swap3A_1024 = arith.constant 16 : index
      %swap3A_1025 = tpu.vector_load %arg8[%swap3A_1023, %swap3A_1024] {strides = array<i32>} : memref<64x128xf32, #tpu.memory_space<vmem>>, vector<1x16xf32>,
      %swap3A_1026 = vector.shape_cast %swap3A_1025 : vector<1x16xf32> to vector<16xf32>
      %swap3A_1027 = vector.shape_cast %div3A_1022 : vector<16xf32> to vector<1x16xf32>
      tpu.vector_store %arg8[%swap3A_1023, %swap3A_1024], %swap3A_1027 {strides = array<i32>} : memref<64x128xf32, #tpu.memory_space<vmem>>, vector<1x16xf32>,
      %get3A_1028 = arith.index_cast %scan3A_994 : i32 to index
      %get3A_1029 = arith.constant 32 : index
      %get3A_1030 = tpu.vector_load %arg8[%get3A_1028, %get3A_1029] {strides = array<i32>} : memref<64x128xf32, #tpu.memory_space<vmem>>, vector<1x16xf32>,
      %get3A_1031 = vector.shape_cast %get3A_1030 : vector<1x16xf32> to vector<16xf32>
      %neg3A_1032 = arith.constant 0.000000e+00 : f32
      %neg3A_1033 = vector.broadcast %neg3A_1032 : f32 to vector<16xf32>
      %neg3A_1034 = arith.subf %neg3A_1033, %get3A_1031 : vector<16xf32>
      %exp3A_1035 = math.exp %neg3A_1034 : vector<16xf32>
      %add3A_1036 = arith.constant 1.000000e+00 : f32
      %add3A_1037 = vector.broadcast %add3A_1036 : f32 to vector<16xf32>
      %add3A_1038 = arith.addf %add3A_1037, %exp3A_1035 : vector<16xf32>
      %div3A_1039 = arith.constant 1.000000e+00 : f32
      %div3A_1040 = vector.broadcast %div3A_1039 : f32 to vector<16xf32>
      %div3A_1041 = arith.divf %div3A_1040, %add3A_1038 : vector<16xf32>
      %swap3A_1042 = arith.index_cast %scan3A_994 : i32 to index
      %swap3A_1043 = arith.constant 32 : index
      %swap3A_1044 = tpu.vector_load %arg8[%swap3A_1042, %swap3A_1043] {strides = array<i32>} : memref<64x128xf32, #tpu.memory_space<vmem>>, vector<1x16xf32>,
      %swap3A_1045 = vector.shape_cast %swap3A_1044 : vector<1x16xf32> to vector<16xf32>
      %swap3A_1046 = vector.shape_cast %div3A_1041 : vector<16xf32> to vector<1x16xf32>
      tpu.vector_store %arg8[%swap3A_1042, %swap3A_1043], %swap3A_1046 {strides = array<i32>} : memref<64x128xf32, #tpu.memory_space<vmem>>, vector<1x16xf32>,
      %get3A_1047 = arith.index_cast %scan3A_994 : i32 to index
      %get3A_1048 = arith.constant 48 : index
      %get3A_1049 = tpu.vector_load %arg8[%get3A_1047, %get3A_1048] {strides = array<i32>} : memref<64x128xf32, #tpu.memory_space<vmem>>, vector<1x16xf32>,
      %get3A_1050 = vector.shape_cast %get3A_1049 : vector<1x16xf32> to vector<16xf32>
      %neg3A_1051 = arith.constant 0.000000e+00 : f32
      %neg3A_1052 = vector.broadcast %neg3A_1051 : f32 to vector<16xf32>
      %neg3A_1053 = arith.subf %neg3A_1052, %get3A_1050 : vector<16xf32>
      %exp3A_1054 = math.exp %neg3A_1053 : vector<16xf32>
      %add3A_1055 = arith.constant 1.000000e+00 : f32
      %add3A_1056 = vector.broadcast %add3A_1055 : f32 to vector<16xf32>
      %add3A_1057 = arith.addf %add3A_1056, %exp3A_1054 : vector<16xf32>
      %div3A_1058 = arith.constant 1.000000e+00 : f32
      %div3A_1059 = vector.broadcast %div3A_1058 : f32 to vector<16xf32>
      %div3A_1060 = arith.divf %div3A_1059, %add3A_1057 : vector<16xf32>
      %swap3A_1061 = arith.index_cast %scan3A_994 : i32 to index
      %swap3A_1062 = arith.constant 48 : index
      %swap3A_1063 = tpu.vector_load %arg8[%swap3A_1061, %swap3A_1062] {strides = array<i32>} : memref<64x128xf32, #tpu.memory_space<vmem>>, vector<1x16xf32>,
      %swap3A_1064 = vector.shape_cast %swap3A_1063 : vector<1x16xf32> to vector<16xf32>
      %swap3A_1065 = vector.shape_cast %div3A_1060 : vector<16xf32> to vector<1x16xf32>
      tpu.vector_store %arg8[%swap3A_1061, %swap3A_1062], %swap3A_1065 {strides = array<i32>} : memref<64x128xf32, #tpu.memory_space<vmem>>, vector<1x16xf32>,
      %get3A_1066 = arith.index_cast %scan3A_994 : i32 to index
      %get3A_1067 = arith.constant 64 : index
      %get3A_1068 = tpu.vector_load %arg8[%get3A_1066, %get3A_1067] {strides = array<i32>} : memref<64x128xf32, #tpu.memory_space<vmem>>, vector<1x16xf32>,
      %get3A_1069 = vector.shape_cast %get3A_1068 : vector<1x16xf32> to vector<16xf32>
      %neg3A_1070 = arith.constant 0.000000e+00 : f32
      %neg3A_1071 = vector.broadcast %neg3A_1070 : f32 to vector<16xf32>
      %neg3A_1072 = arith.subf %neg3A_1071, %get3A_1069 : vector<16xf32>
      %exp3A_1073 = math.exp %neg3A_1072 : vector<16xf32>
      %add3A_1074 = arith.constant 1.000000e+00 : f32
      %add3A_1075 = vector.broadcast %add3A_1074 : f32 to vector<16xf32>
      %add3A_1076 = arith.addf %add3A_1075, %exp3A_1073 : vector<16xf32>
      %div3A_1077 = arith.constant 1.000000e+00 : f32
      %div3A_1078 = vector.broadcast %div3A_1077 : f32 to vector<16xf32>
      %div3A_1079 = arith.divf %div3A_1078, %add3A_1076 : vector<16xf32>
      %swap3A_1080 = arith.index_cast %scan3A_994 : i32 to index
      %swap3A_1081 = arith.constant 64 : index
      %swap3A_1082 = tpu.vector_load %arg8[%swap3A_1080, %swap3A_1081] {strides = array<i32>} : memref<64x128xf32, #tpu.memory_space<vmem>>, vector<1x16xf32>,
      %swap3A_1083 = vector.shape_cast %swap3A_1082 : vector<1x16xf32> to vector<16xf32>
      %swap3A_1084 = vector.shape_cast %div3A_1079 : vector<16xf32> to vector<1x16xf32>
      tpu.vector_store %arg8[%swap3A_1080, %swap3A_1081], %swap3A_1084 {strides = array<i32>} : memref<64x128xf32, #tpu.memory_space<vmem>>, vector<1x16xf32>,
      %get3A_1085 = arith.index_cast %scan3A_994 : i32 to index
      %get3A_1086 = arith.constant 80 : index
      %get3A_1087 = tpu.vector_load %arg8[%get3A_1085, %get3A_1086] {strides = array<i32>} : memref<64x128xf32, #tpu.memory_space<vmem>>, vector<1x16xf32>,
      %get3A_1088 = vector.shape_cast %get3A_1087 : vector<1x16xf32> to vector<16xf32>
      %neg3A_1089 = arith.constant 0.000000e+00 : f32
      %neg3A_1090 = vector.broadcast %neg3A_1089 : f32 to vector<16xf32>
      %neg3A_1091 = arith.subf %neg3A_1090, %get3A_1088 : vector<16xf32>
      %exp3A_1092 = math.exp %neg3A_1091 : vector<16xf32>
      %add3A_1093 = arith.constant 1.000000e+00 : f32
      %add3A_1094 = vector.broadcast %add3A_1093 : f32 to vector<16xf32>
      %add3A_1095 = arith.addf %add3A_1094, %exp3A_1092 : vector<16xf32>
      %div3A_1096 = arith.constant 1.000000e+00 : f32
      %div3A_1097 = vector.broadcast %div3A_1096 : f32 to vector<16xf32>
      %div3A_1098 = arith.divf %div3A_1097, %add3A_1095 : vector<16xf32>
      %swap3A_1099 = arith.index_cast %scan3A_994 : i32 to index
      %swap3A_1100 = arith.constant 80 : index
      %swap3A_1101 = tpu.vector_load %arg8[%swap3A_1099, %swap3A_1100] {strides = array<i32>} : memref<64x128xf32, #tpu.memory_space<vmem>>, vector<1x16xf32>,
      %swap3A_1102 = vector.shape_cast %swap3A_1101 : vector<1x16xf32> to vector<16xf32>
      %swap3A_1103 = vector.shape_cast %div3A_1098 : vector<16xf32> to vector<1x16xf32>
      tpu.vector_store %arg8[%swap3A_1099, %swap3A_1100], %swap3A_1103 {strides = array<i32>} : memref<64x128xf32, #tpu.memory_space<vmem>>, vector<1x16xf32>,
      %get3A_1104 = arith.index_cast %scan3A_994 : i32 to index
      %get3A_1105 = arith.constant 96 : index
      %get3A_1106 = tpu.vector_load %arg8[%get3A_1104, %get3A_1105] {strides = array<i32>} : memref<64x128xf32, #tpu.memory_space<vmem>>, vector<1x16xf32>,
      %get3A_1107 = vector.shape_cast %get3A_1106 : vector<1x16xf32> to vector<16xf32>
      %neg3A_1108 = arith.constant 0.000000e+00 : f32
      %neg3A_1109 = vector.broadcast %neg3A_1108 : f32 to vector<16xf32>
      %neg3A_1110 = arith.subf %neg3A_1109, %get3A_1107 : vector<16xf32>
      %exp3A_1111 = math.exp %neg3A_1110 : vector<16xf32>
      %add3A_1112 = arith.constant 1.000000e+00 : f32
      %add3A_1113 = vector.broadcast %add3A_1112 : f32 to vector<16xf32>
      %add3A_1114 = arith.addf %add3A_1113, %exp3A_1111 : vector<16xf32>
      %div3A_1115 = arith.constant 1.000000e+00 : f32
      %div3A_1116 = vector.broadcast %div3A_1115 : f32 to vector<16xf32>
      %div3A_1117 = arith.divf %div3A_1116, %add3A_1114 : vector<16xf32>
      %swap3A_1118 = arith.index_cast %scan3A_994 : i32 to index
      %swap3A_1119 = arith.constant 96 : index
      %swap3A_1120 = tpu.vector_load %arg8[%swap3A_1118, %swap3A_1119] {strides = array<i32>} : memref<64x128xf32, #tpu.memory_space<vmem>>, vector<1x16xf32>,
      %swap3A_1121 = vector.shape_cast %swap3A_1120 : vector<1x16xf32> to vector<16xf32>
      %swap3A_1122 = vector.shape_cast %div3A_1117 : vector<16xf32> to vector<1x16xf32>
      tpu.vector_store %arg8[%swap3A_1118, %swap3A_1119], %swap3A_1122 {strides = array<i32>} : memref<64x128xf32, #tpu.memory_space<vmem>>, vector<1x16xf32>,
      %get3A_1123 = arith.index_cast %scan3A_994 : i32 to index
      %get3A_1124 = arith.constant 112 : index
      %get3A_1125 = tpu.vector_load %arg8[%get3A_1123, %get3A_1124] {strides = array<i32>} : memref<64x128xf32, #tpu.memory_space<vmem>>, vector<1x16xf32>,
      %get3A_1126 = vector.shape_cast %get3A_1125 : vector<1x16xf32> to vector<16xf32>
      %neg3A_1127 = arith.constant 0.000000e+00 : f32
      %neg3A_1128 = vector.broadcast %neg3A_1127 : f32 to vector<16xf32>
      %neg3A_1129 = arith.subf %neg3A_1128, %get3A_1126 : vector<16xf32>
      %exp3A_1130 = math.exp %neg3A_1129 : vector<16xf32>
      %add3A_1131 = arith.constant 1.000000e+00 : f32
      %add3A_1132 = vector.broadcast %add3A_1131 : f32 to vector<16xf32>
      %add3A_1133 = arith.addf %add3A_1132, %exp3A_1130 : vector<16xf32>
      %div3A_1134 = arith.constant 1.000000e+00 : f32
      %div3A_1135 = vector.broadcast %div3A_1134 : f32 to vector<16xf32>
      %div3A_1136 = arith.divf %div3A_1135, %add3A_1133 : vector<16xf32>
      %swap3A_1137 = arith.index_cast %scan3A_994 : i32 to index
      %swap3A_1138 = arith.constant 112 : index
      %swap3A_1139 = tpu.vector_load %arg8[%swap3A_1137, %swap3A_1138] {strides = array<i32>} : memref<64x128xf32, #tpu.memory_space<vmem>>, vector<1x16xf32>,
      %swap3A_1140 = vector.shape_cast %swap3A_1139 : vector<1x16xf32> to vector<16xf32>
      %swap3A_1141 = vector.shape_cast %div3A_1136 : vector<16xf32> to vector<1x16xf32>
      tpu.vector_store %arg8[%swap3A_1137, %swap3A_1138], %swap3A_1141 {strides = array<i32>} : memref<64x128xf32, #tpu.memory_space<vmem>>, vector<1x16xf32>,
    }
    %scan3A_163 = arith.constant 40 : i32
    %add3A_164 = arith.constant 32 : i32
    %add3A_165 = arith.addi %arg1, %add3A_164 : i32
    %mul3A_166 = arith.constant 40 : i32
    %mul3A_167 = arith.muli %add3A_165, %mul3A_166 : i32
    %dma_start3A_168 = arith.constant 0 : i32
    %dma_start3A_169 = arith.constant 0 : i32
    %dma_start3A_170 = tpu.memref_slice %arg8[%dma_start3A_168, %dma_start3A_169] : memref<64x128xf32, #tpu.memory_space<vmem>> -> memref<40x128xf32, #tpu.memory_space<vmem>>
    %dma_start3A_171 = arith.constant 0 : i32
    %dma_start3A_172 = tpu.memref_slice %arg10[%mul3A_167, %dma_start3A_171] : memref<10000x128xf32, #tpu.memory_space<vmem_shared>> -> memref<40x128xf32, #tpu.memory_space<vmem_shared>>
    %dma_start3A_173 = arith.constant 0 : i32
    %dma_start3A_174 = tpu.memref_slice %arg10[%mul3A_167, %dma_start3A_173] : memref<10000x128xf32, #tpu.memory_space<vmem_shared>> -> memref<40x128xf32, #tpu.memory_space<vmem_shared>>
    %dma_start3A_175 = arith.constant 0 : i32
    %dma_start3A_176 = arith.constant 0 : i32
    %dma_start3A_177 = tpu.memref_slice %arg8[%dma_start3A_175, %dma_start3A_176] : memref<64x128xf32, #tpu.memory_space<vmem>> -> memref<40x128xf32, #tpu.memory_space<vmem>>
    tpu.enqueue_dma source(%dma_start3A_177 : memref<40x128xf32, #tpu.memory_space<vmem>>) target(%dma_start3A_174 : memref<40x128xf32, #tpu.memory_space<vmem_shared>>) target_semaphore(%arg13 : memref<!tpu.dma_semaphore, #tpu.memory_space<semaphore_mem>>)
    %dma_wait3A_178 = arith.constant 0 : i32
    %dma_wait3A_179 = arith.constant 0 : i32
    %dma_wait3A_180 = tpu.memref_slice %arg7[%dma_wait3A_178, %dma_wait3A_179] : memref<64x128xf32, #tpu.memory_space<vmem>> -> memref<40x128xf32, #tpu.memory_space<vmem>>
    %dma_wait3A_181 = arith.constant 0 : i32
    %dma_wait3A_182 = arith.constant 0 : i32
    %dma_wait3A_183 = tpu.memref_slice %arg2[%dma_wait3A_181, %dma_wait3A_182] : memref<10000x128xf32, #tpu.memory_space<hbm>> -> memref<40x128xf32, #tpu.memory_space<hbm>>
    %dma_wait3A_184 = arith.constant 0 : i32
    %dma_wait3A_185 = arith.constant 0 : i32
    %dma_wait3A_186 = tpu.memref_slice %arg7[%dma_wait3A_184, %dma_wait3A_185] : memref<64x128xf32, #tpu.memory_space<vmem>> -> memref<40x128xf32, #tpu.memory_space<vmem>>
    %dma_wait3A_187 = arith.constant 0 : i32
    %dma_wait3A_188 = arith.constant 0 : i32
    %dma_wait3A_189 = tpu.memref_slice %arg2[%dma_wait3A_187, %dma_wait3A_188] : memref<10000x128xf32, #tpu.memory_space<hbm>> -> memref<40x128xf32, #tpu.memory_space<hbm>>
    tpu.wait_dma2 semaphore(%arg12 : memref<!tpu.dma_semaphore, #tpu.memory_space<semaphore_mem>>) src(%dma_wait3A_189 : memref<40x128xf32, #tpu.memory_space<hbm>>) dst(%dma_wait3A_186 : memref<40x128xf32, #tpu.memory_space<vmem>>)
    %add3A_190 = arith.constant 80 : i32
    %add3A_191 = arith.addi %arg1, %add3A_190 : i32
    %mul3A_192 = arith.constant 40 : i32
    %mul3A_193 = arith.muli %add3A_191, %mul3A_192 : i32
    %dma_start3A_194 = arith.constant 0 : i32
    %dma_start3A_195 = arith.constant 0 : i32
    %dma_start3A_196 = tpu.memref_slice %arg7[%dma_start3A_194, %dma_start3A_195] : memref<64x128xf32, #tpu.memory_space<vmem>> -> memref<40x128xf32, #tpu.memory_space<vmem>>
    %dma_start3A_197 = arith.constant 0 : i32
    %dma_start3A_198 = tpu.memref_slice %arg2[%mul3A_193, %dma_start3A_197] : memref<10000x128xf32, #tpu.memory_space<hbm>> -> memref<40x128xf32, #tpu.memory_space<hbm>>
    %dma_start3A_199 = arith.constant 0 : i32
    %dma_start3A_200 = arith.constant 0 : i32
    %dma_start3A_201 = tpu.memref_slice %arg7[%dma_start3A_199, %dma_start3A_200] : memref<64x128xf32, #tpu.memory_space<vmem>> -> memref<40x128xf32, #tpu.memory_space<vmem>>
    %dma_start3A_202 = arith.constant 0 : i32
    %dma_start3A_203 = tpu.memref_slice %arg2[%mul3A_193, %dma_start3A_202] : memref<10000x128xf32, #tpu.memory_space<hbm>> -> memref<40x128xf32, #tpu.memory_space<hbm>>
    tpu.enqueue_dma source(%dma_start3A_203 : memref<40x128xf32, #tpu.memory_space<hbm>>) target(%dma_start3A_201 : memref<40x128xf32, #tpu.memory_space<vmem>>) target_semaphore(%arg12 : memref<!tpu.dma_semaphore, #tpu.memory_space<semaphore_mem>>)
    %dma_wait3A_204 = arith.constant 0 : i32
    %dma_wait3A_205 = arith.constant 0 : i32
    %dma_wait3A_206 = tpu.memref_slice %arg9[%dma_wait3A_204, %dma_wait3A_205] : memref<64x128xf32, #tpu.memory_space<vmem>> -> memref<40x128xf32, #tpu.memory_space<vmem>>
    %dma_wait3A_207 = arith.constant 0 : i32
    %dma_wait3A_208 = arith.constant 0 : i32
    %dma_wait3A_209 = tpu.memref_slice %arg2[%dma_wait3A_207, %dma_wait3A_208] : memref<10000x128xf32, #tpu.memory_space<hbm>> -> memref<40x128xf32, #tpu.memory_space<hbm>>
    %dma_wait3A_210 = arith.constant 0 : i32
    %dma_wait3A_211 = arith.constant 0 : i32
    %dma_wait3A_212 = tpu.memref_slice %arg9[%dma_wait3A_210, %dma_wait3A_211] : memref<64x128xf32, #tpu.memory_space<vmem>> -> memref<40x128xf32, #tpu.memory_space<vmem>>
    %dma_wait3A_213 = arith.constant 0 : i32
    %dma_wait3A_214 = arith.constant 0 : i32
    %dma_wait3A_215 = tpu.memref_slice %arg2[%dma_wait3A_213, %dma_wait3A_214] : memref<10000x128xf32, #tpu.memory_space<hbm>> -> memref<40x128xf32, #tpu.memory_space<hbm>>
    tpu.wait_dma2 semaphore(%arg14 : memref<!tpu.dma_semaphore, #tpu.memory_space<semaphore_mem>>) src(%dma_wait3A_215 : memref<40x128xf32, #tpu.memory_space<hbm>>) dst(%dma_wait3A_212 : memref<40x128xf32, #tpu.memory_space<vmem>>)
    %scan3A_216 = arith.constant 0 : i32
    %scan3A_217 = arith.constant 0 : i32
    %scan3A_218 = arith.constant 40 : i32
    %scan3A_219 = arith.addi %scan3A_217, %scan3A_218 : i32
    %scan3A_220 = arith.constant 1 : i32
    scf.for %scan3A_994 = %scan3A_217 to %scan3A_219 step %scan3A_220  : i32 {
      %get3A = arith.index_cast %scan3A_994 : i32 to index
      %get3A_995 = arith.constant 0 : index
      %get3A_996 = tpu.vector_load %arg9[%get3A, %get3A_995] {strides = array<i32>} : memref<64x128xf32, #tpu.memory_space<vmem>>, vector<1x16xf32>,
      %get3A_997 = vector.shape_cast %get3A_996 : vector<1x16xf32> to vector<16xf32>
      %neg3A = arith.constant 0.000000e+00 : f32
      %neg3A_998 = vector.broadcast %neg3A : f32 to vector<16xf32>
      %neg3A_999 = arith.subf %neg3A_998, %get3A_997 : vector<16xf32>
      %exp3A = math.exp %neg3A_999 : vector<16xf32>
      %add3A_1000 = arith.constant 1.000000e+00 : f32
      %add3A_1001 = vector.broadcast %add3A_1000 : f32 to vector<16xf32>
      %add3A_1002 = arith.addf %add3A_1001, %exp3A : vector<16xf32>
      %div3A = arith.constant 1.000000e+00 : f32
      %div3A_1003 = vector.broadcast %div3A : f32 to vector<16xf32>
      %div3A_1004 = arith.divf %div3A_1003, %add3A_1002 : vector<16xf32>
      %swap3A = arith.index_cast %scan3A_994 : i32 to index
      %swap3A_1005 = arith.constant 0 : index
      %swap3A_1006 = tpu.vector_load %arg9[%swap3A, %swap3A_1005] {strides = array<i32>} : memref<64x128xf32, #tpu.memory_space<vmem>>, vector<1x16xf32>,
      %swap3A_1007 = vector.shape_cast %swap3A_1006 : vector<1x16xf32> to vector<16xf32>
      %swap3A_1008 = vector.shape_cast %div3A_1004 : vector<16xf32> to vector<1x16xf32>
      tpu.vector_store %arg9[%swap3A, %swap3A_1005], %swap3A_1008 {strides = array<i32>} : memref<64x128xf32, #tpu.memory_space<vmem>>, vector<1x16xf32>,
      %get3A_1009 = arith.index_cast %scan3A_994 : i32 to index
      %get3A_1010 = arith.constant 16 : index
      %get3A_1011 = tpu.vector_load %arg9[%get3A_1009, %get3A_1010] {strides = array<i32>} : memref<64x128xf32, #tpu.memory_space<vmem>>, vector<1x16xf32>,
      %get3A_1012 = vector.shape_cast %get3A_1011 : vector<1x16xf32> to vector<16xf32>
      %neg3A_1013 = arith.constant 0.000000e+00 : f32
      %neg3A_1014 = vector.broadcast %neg3A_1013 : f32 to vector<16xf32>
      %neg3A_1015 = arith.subf %neg3A_1014, %get3A_1012 : vector<16xf32>
      %exp3A_1016 = math.exp %neg3A_1015 : vector<16xf32>
      %add3A_1017 = arith.constant 1.000000e+00 : f32
      %add3A_1018 = vector.broadcast %add3A_1017 : f32 to vector<16xf32>
      %add3A_1019 = arith.addf %add3A_1018, %exp3A_1016 : vector<16xf32>
      %div3A_1020 = arith.constant 1.000000e+00 : f32
      %div3A_1021 = vector.broadcast %div3A_1020 : f32 to vector<16xf32>
      %div3A_1022 = arith.divf %div3A_1021, %add3A_1019 : vector<16xf32>
      %swap3A_1023 = arith.index_cast %scan3A_994 : i32 to index
      %swap3A_1024 = arith.constant 16 : index
      %swap3A_1025 = tpu.vector_load %arg9[%swap3A_1023, %swap3A_1024] {strides = array<i32>} : memref<64x128xf32, #tpu.memory_space<vmem>>, vector<1x16xf32>,
      %swap3A_1026 = vector.shape_cast %swap3A_1025 : vector<1x16xf32> to vector<16xf32>
      %swap3A_1027 = vector.shape_cast %div3A_1022 : vector<16xf32> to vector<1x16xf32>
      tpu.vector_store %arg9[%swap3A_1023, %swap3A_1024], %swap3A_1027 {strides = array<i32>} : memref<64x128xf32, #tpu.memory_space<vmem>>, vector<1x16xf32>,
      %get3A_1028 = arith.index_cast %scan3A_994 : i32 to index
      %get3A_1029 = arith.constant 32 : index
      %get3A_1030 = tpu.vector_load %arg9[%get3A_1028, %get3A_1029] {strides = array<i32>} : memref<64x128xf32, #tpu.memory_space<vmem>>, vector<1x16xf32>,
      %get3A_1031 = vector.shape_cast %get3A_1030 : vector<1x16xf32> to vector<16xf32>
      %neg3A_1032 = arith.constant 0.000000e+00 : f32
      %neg3A_1033 = vector.broadcast %neg3A_1032 : f32 to vector<16xf32>
      %neg3A_1034 = arith.subf %neg3A_1033, %get3A_1031 : vector<16xf32>
      %exp3A_1035 = math.exp %neg3A_1034 : vector<16xf32>
      %add3A_1036 = arith.constant 1.000000e+00 : f32
      %add3A_1037 = vector.broadcast %add3A_1036 : f32 to vector<16xf32>
      %add3A_1038 = arith.addf %add3A_1037, %exp3A_1035 : vector<16xf32>
      %div3A_1039 = arith.constant 1.000000e+00 : f32
      %div3A_1040 = vector.broadcast %div3A_1039 : f32 to vector<16xf32>
      %div3A_1041 = arith.divf %div3A_1040, %add3A_1038 : vector<16xf32>
      %swap3A_1042 = arith.index_cast %scan3A_994 : i32 to index
      %swap3A_1043 = arith.constant 32 : index
      %swap3A_1044 = tpu.vector_load %arg9[%swap3A_1042, %swap3A_1043] {strides = array<i32>} : memref<64x128xf32, #tpu.memory_space<vmem>>, vector<1x16xf32>,
      %swap3A_1045 = vector.shape_cast %swap3A_1044 : vector<1x16xf32> to vector<16xf32>
      %swap3A_1046 = vector.shape_cast %div3A_1041 : vector<16xf32> to vector<1x16xf32>
      tpu.vector_store %arg9[%swap3A_1042, %swap3A_1043], %swap3A_1046 {strides = array<i32>} : memref<64x128xf32, #tpu.memory_space<vmem>>, vector<1x16xf32>,
      %get3A_1047 = arith.index_cast %scan3A_994 : i32 to index
      %get3A_1048 = arith.constant 48 : index
      %get3A_1049 = tpu.vector_load %arg9[%get3A_1047, %get3A_1048] {strides = array<i32>} : memref<64x128xf32, #tpu.memory_space<vmem>>, vector<1x16xf32>,
      %get3A_1050 = vector.shape_cast %get3A_1049 : vector<1x16xf32> to vector<16xf32>
      %neg3A_1051 = arith.constant 0.000000e+00 : f32
      %neg3A_1052 = vector.broadcast %neg3A_1051 : f32 to vector<16xf32>
      %neg3A_1053 = arith.subf %neg3A_1052, %get3A_1050 : vector<16xf32>
      %exp3A_1054 = math.exp %neg3A_1053 : vector<16xf32>
      %add3A_1055 = arith.constant 1.000000e+00 : f32
      %add3A_1056 = vector.broadcast %add3A_1055 : f32 to vector<16xf32>
      %add3A_1057 = arith.addf %add3A_1056, %exp3A_1054 : vector<16xf32>
      %div3A_1058 = arith.constant 1.000000e+00 : f32
      %div3A_1059 = vector.broadcast %div3A_1058 : f32 to vector<16xf32>
      %div3A_1060 = arith.divf %div3A_1059, %add3A_1057 : vector<16xf32>
      %swap3A_1061 = arith.index_cast %scan3A_994 : i32 to index
      %swap3A_1062 = arith.constant 48 : index
      %swap3A_1063 = tpu.vector_load %arg9[%swap3A_1061, %swap3A_1062] {strides = array<i32>} : memref<64x128xf32, #tpu.memory_space<vmem>>, vector<1x16xf32>,
      %swap3A_1064 = vector.shape_cast %swap3A_1063 : vector<1x16xf32> to vector<16xf32>
      %swap3A_1065 = vector.shape_cast %div3A_1060 : vector<16xf32> to vector<1x16xf32>
      tpu.vector_store %arg9[%swap3A_1061, %swap3A_1062], %swap3A_1065 {strides = array<i32>} : memref<64x128xf32, #tpu.memory_space<vmem>>, vector<1x16xf32>,
      %get3A_1066 = arith.index_cast %scan3A_994 : i32 to index
      %get3A_1067 = arith.constant 64 : index
      %get3A_1068 = tpu.vector_load %arg9[%get3A_1066, %get3A_1067] {strides = array<i32>} : memref<64x128xf32, #tpu.memory_space<vmem>>, vector<1x16xf32>,
      %get3A_1069 = vector.shape_cast %get3A_1068 : vector<1x16xf32> to vector<16xf32>
      %neg3A_1070 = arith.constant 0.000000e+00 : f32
      %neg3A_1071 = vector.broadcast %neg3A_1070 : f32 to vector<16xf32>
      %neg3A_1072 = arith.subf %neg3A_1071, %get3A_1069 : vector<16xf32>
      %exp3A_1073 = math.exp %neg3A_1072 : vector<16xf32>
      %add3A_1074 = arith.constant 1.000000e+00 : f32
      %add3A_1075 = vector.broadcast %add3A_1074 : f32 to vector<16xf32>
      %add3A_1076 = arith.addf %add3A_1075, %exp3A_1073 : vector<16xf32>
      %div3A_1077 = arith.constant 1.000000e+00 : f32
      %div3A_1078 = vector.broadcast %div3A_1077 : f32 to vector<16xf32>
      %div3A_1079 = arith.divf %div3A_1078, %add3A_1076 : vector<16xf32>
      %swap3A_1080 = arith.index_cast %scan3A_994 : i32 to index
      %swap3A_1081 = arith.constant 64 : index
      %swap3A_1082 = tpu.vector_load %arg9[%swap3A_1080, %swap3A_1081] {strides = array<i32>} : memref<64x128xf32, #tpu.memory_space<vmem>>, vector<1x16xf32>,
      %swap3A_1083 = vector.shape_cast %swap3A_1082 : vector<1x16xf32> to vector<16xf32>
      %swap3A_1084 = vector.shape_cast %div3A_1079 : vector<16xf32> to vector<1x16xf32>
      tpu.vector_store %arg9[%swap3A_1080, %swap3A_1081], %swap3A_1084 {strides = array<i32>} : memref<64x128xf32, #tpu.memory_space<vmem>>, vector<1x16xf32>,
      %get3A_1085 = arith.index_cast %scan3A_994 : i32 to index
      %get3A_1086 = arith.constant 80 : index
      %get3A_1087 = tpu.vector_load %arg9[%get3A_1085, %get3A_1086] {strides = array<i32>} : memref<64x128xf32, #tpu.memory_space<vmem>>, vector<1x16xf32>,
      %get3A_1088 = vector.shape_cast %get3A_1087 : vector<1x16xf32> to vector<16xf32>
      %neg3A_1089 = arith.constant 0.000000e+00 : f32
      %neg3A_1090 = vector.broadcast %neg3A_1089 : f32 to vector<16xf32>
      %neg3A_1091 = arith.subf %neg3A_1090, %get3A_1088 : vector<16xf32>
      %exp3A_1092 = math.exp %neg3A_1091 : vector<16xf32>
      %add3A_1093 = arith.constant 1.000000e+00 : f32
      %add3A_1094 = vector.broadcast %add3A_1093 : f32 to vector<16xf32>
      %add3A_1095 = arith.addf %add3A_1094, %exp3A_1092 : vector<16xf32>
      %div3A_1096 = arith.constant 1.000000e+00 : f32
      %div3A_1097 = vector.broadcast %div3A_1096 : f32 to vector<16xf32>
      %div3A_1098 = arith.divf %div3A_1097, %add3A_1095 : vector<16xf32>
      %swap3A_1099 = arith.index_cast %scan3A_994 : i32 to index
      %swap3A_1100 = arith.constant 80 : index
      %swap3A_1101 = tpu.vector_load %arg9[%swap3A_1099, %swap3A_1100] {strides = array<i32>} : memref<64x128xf32, #tpu.memory_space<vmem>>, vector<1x16xf32>,
      %swap3A_1102 = vector.shape_cast %swap3A_1101 : vector<1x16xf32> to vector<16xf32>
      %swap3A_1103 = vector.shape_cast %div3A_1098 : vector<16xf32> to vector<1x16xf32>
      tpu.vector_store %arg9[%swap3A_1099, %swap3A_1100], %swap3A_1103 {strides = array<i32>} : memref<64x128xf32, #tpu.memory_space<vmem>>, vector<1x16xf32>,
      %get3A_1104 = arith.index_cast %scan3A_994 : i32 to index
      %get3A_1105 = arith.constant 96 : index
      %get3A_1106 = tpu.vector_load %arg9[%get3A_1104, %get3A_1105] {strides = array<i32>} : memref<64x128xf32, #tpu.memory_space<vmem>>, vector<1x16xf32>,
      %get3A_1107 = vector.shape_cast %get3A_1106 : vector<1x16xf32> to vector<16xf32>
      %neg3A_1108 = arith.constant 0.000000e+00 : f32
      %neg3A_1109 = vector.broadcast %neg3A_1108 : f32 to vector<16xf32>
      %neg3A_1110 = arith.subf %neg3A_1109, %get3A_1107 : vector<16xf32>
      %exp3A_1111 = math.exp %neg3A_1110 : vector<16xf32>
      %add3A_1112 = arith.constant 1.000000e+00 : f32
      %add3A_1113 = vector.broadcast %add3A_1112 : f32 to vector<16xf32>
      %add3A_1114 = arith.addf %add3A_1113, %exp3A_1111 : vector<16xf32>
      %div3A_1115 = arith.constant 1.000000e+00 : f32
      %div3A_1116 = vector.broadcast %div3A_1115 : f32 to vector<16xf32>
      %div3A_1117 = arith.divf %div3A_1116, %add3A_1114 : vector<16xf32>
      %swap3A_1118 = arith.index_cast %scan3A_994 : i32 to index
      %swap3A_1119 = arith.constant 96 : index
      %swap3A_1120 = tpu.vector_load %arg9[%swap3A_1118, %swap3A_1119] {strides = array<i32>} : memref<64x128xf32, #tpu.memory_space<vmem>>, vector<1x16xf32>,
      %swap3A_1121 = vector.shape_cast %swap3A_1120 : vector<1x16xf32> to vector<16xf32>
      %swap3A_1122 = vector.shape_cast %div3A_1117 : vector<16xf32> to vector<1x16xf32>
      tpu.vector_store %arg9[%swap3A_1118, %swap3A_1119], %swap3A_1122 {strides = array<i32>} : memref<64x128xf32, #tpu.memory_space<vmem>>, vector<1x16xf32>,
      %get3A_1123 = arith.index_cast %scan3A_994 : i32 to index
      %get3A_1124 = arith.constant 112 : index
      %get3A_1125 = tpu.vector_load %arg9[%get3A_1123, %get3A_1124] {strides = array<i32>} : memref<64x128xf32, #tpu.memory_space<vmem>>, vector<1x16xf32>,
      %get3A_1126 = vector.shape_cast %get3A_1125 : vector<1x16xf32> to vector<16xf32>
      %neg3A_1127 = arith.constant 0.000000e+00 : f32
      %neg3A_1128 = vector.broadcast %neg3A_1127 : f32 to vector<16xf32>
      %neg3A_1129 = arith.subf %neg3A_1128, %get3A_1126 : vector<16xf32>
      %exp3A_1130 = math.exp %neg3A_1129 : vector<16xf32>
      %add3A_1131 = arith.constant 1.000000e+00 : f32
      %add3A_1132 = vector.broadcast %add3A_1131 : f32 to vector<16xf32>
      %add3A_1133 = arith.addf %add3A_1132, %exp3A_1130 : vector<16xf32>
      %div3A_1134 = arith.constant 1.000000e+00 : f32
      %div3A_1135 = vector.broadcast %div3A_1134 : f32 to vector<16xf32>
      %div3A_1136 = arith.divf %div3A_1135, %add3A_1133 : vector<16xf32>
      %swap3A_1137 = arith.index_cast %scan3A_994 : i32 to index
      %swap3A_1138 = arith.constant 112 : index
      %swap3A_1139 = tpu.vector_load %arg9[%swap3A_1137, %swap3A_1138] {strides = array<i32>} : memref<64x128xf32, #tpu.memory_space<vmem>>, vector<1x16xf32>,
      %swap3A_1140 = vector.shape_cast %swap3A_1139 : vector<1x16xf32> to vector<16xf32>
      %swap3A_1141 = vector.shape_cast %div3A_1136 : vector<16xf32> to vector<1x16xf32>
      tpu.vector_store %arg9[%swap3A_1137, %swap3A_1138], %swap3A_1141 {strides = array<i32>} : memref<64x128xf32, #tpu.memory_space<vmem>>, vector<1x16xf32>,
    }
    %scan3A_221 = arith.constant 40 : i32
    %add3A_222 = arith.constant 48 : i32
    %add3A_223 = arith.addi %arg1, %add3A_222 : i32
    %mul3A_224 = arith.constant 40 : i32
    %mul3A_225 = arith.muli %add3A_223, %mul3A_224 : i32
    %dma_start3A_226 = arith.constant 0 : i32
    %dma_start3A_227 = arith.constant 0 : i32
    %dma_start3A_228 = tpu.memref_slice %arg9[%dma_start3A_226, %dma_start3A_227] : memref<64x128xf32, #tpu.memory_space<vmem>> -> memref<40x128xf32, #tpu.memory_space<vmem>>
    %dma_start3A_229 = arith.constant 0 : i32
    %dma_start3A_230 = tpu.memref_slice %arg10[%mul3A_225, %dma_start3A_229] : memref<10000x128xf32, #tpu.memory_space<vmem_shared>> -> memref<40x128xf32, #tpu.memory_space<vmem_shared>>
    %dma_start3A_231 = arith.constant 0 : i32
    %dma_start3A_232 = tpu.memref_slice %arg10[%mul3A_225, %dma_start3A_231] : memref<10000x128xf32, #tpu.memory_space<vmem_shared>> -> memref<40x128xf32, #tpu.memory_space<vmem_shared>>
    %dma_start3A_233 = arith.constant 0 : i32
    %dma_start3A_234 = arith.constant 0 : i32
    %dma_start3A_235 = tpu.memref_slice %arg9[%dma_start3A_233, %dma_start3A_234] : memref<64x128xf32, #tpu.memory_space<vmem>> -> memref<40x128xf32, #tpu.memory_space<vmem>>
    tpu.enqueue_dma source(%dma_start3A_235 : memref<40x128xf32, #tpu.memory_space<vmem>>) target(%dma_start3A_232 : memref<40x128xf32, #tpu.memory_space<vmem_shared>>) target_semaphore(%arg14 : memref<!tpu.dma_semaphore, #tpu.memory_space<semaphore_mem>>)
    %dma_wait3A_236 = arith.constant 0 : i32
    %dma_wait3A_237 = arith.constant 0 : i32
    %dma_wait3A_238 = tpu.memref_slice %arg8[%dma_wait3A_236, %dma_wait3A_237] : memref<64x128xf32, #tpu.memory_space<vmem>> -> memref<40x128xf32, #tpu.memory_space<vmem>>
    %dma_wait3A_239 = arith.constant 0 : i32
    %dma_wait3A_240 = arith.constant 0 : i32
    %dma_wait3A_241 = tpu.memref_slice %arg2[%dma_wait3A_239, %dma_wait3A_240] : memref<10000x128xf32, #tpu.memory_space<hbm>> -> memref<40x128xf32, #tpu.memory_space<hbm>>
    %dma_wait3A_242 = arith.constant 0 : i32
    %dma_wait3A_243 = arith.constant 0 : i32
    %dma_wait3A_244 = tpu.memref_slice %arg8[%dma_wait3A_242, %dma_wait3A_243] : memref<64x128xf32, #tpu.memory_space<vmem>> -> memref<40x128xf32, #tpu.memory_space<vmem>>
    %dma_wait3A_245 = arith.constant 0 : i32
    %dma_wait3A_246 = arith.constant 0 : i32
    %dma_wait3A_247 = tpu.memref_slice %arg2[%dma_wait3A_245, %dma_wait3A_246] : memref<10000x128xf32, #tpu.memory_space<hbm>> -> memref<40x128xf32, #tpu.memory_space<hbm>>
    tpu.wait_dma2 semaphore(%arg13 : memref<!tpu.dma_semaphore, #tpu.memory_space<semaphore_mem>>) src(%dma_wait3A_247 : memref<40x128xf32, #tpu.memory_space<hbm>>) dst(%dma_wait3A_244 : memref<40x128xf32, #tpu.memory_space<vmem>>)
    %add3A_248 = arith.constant 96 : i32
    %add3A_249 = arith.addi %arg1, %add3A_248 : i32
    %mul3A_250 = arith.constant 40 : i32
    %mul3A_251 = arith.muli %add3A_249, %mul3A_250 : i32
    %dma_start3A_252 = arith.constant 0 : i32
    %dma_start3A_253 = arith.constant 0 : i32
    %dma_start3A_254 = tpu.memref_slice %arg8[%dma_start3A_252, %dma_start3A_253] : memref<64x128xf32, #tpu.memory_space<vmem>> -> memref<40x128xf32, #tpu.memory_space<vmem>>
    %dma_start3A_255 = arith.constant 0 : i32
    %dma_start3A_256 = tpu.memref_slice %arg2[%mul3A_251, %dma_start3A_255] : memref<10000x128xf32, #tpu.memory_space<hbm>> -> memref<40x128xf32, #tpu.memory_space<hbm>>
    %dma_start3A_257 = arith.constant 0 : i32
    %dma_start3A_258 = arith.constant 0 : i32
    %dma_start3A_259 = tpu.memref_slice %arg8[%dma_start3A_257, %dma_start3A_258] : memref<64x128xf32, #tpu.memory_space<vmem>> -> memref<40x128xf32, #tpu.memory_space<vmem>>
    %dma_start3A_260 = arith.constant 0 : i32
    %dma_start3A_261 = tpu.memref_slice %arg2[%mul3A_251, %dma_start3A_260] : memref<10000x128xf32, #tpu.memory_space<hbm>> -> memref<40x128xf32, #tpu.memory_space<hbm>>
    tpu.enqueue_dma source(%dma_start3A_261 : memref<40x128xf32, #tpu.memory_space<hbm>>) target(%dma_start3A_259 : memref<40x128xf32, #tpu.memory_space<vmem>>) target_semaphore(%arg13 : memref<!tpu.dma_semaphore, #tpu.memory_space<semaphore_mem>>)
    %dma_wait3A_262 = arith.constant 0 : i32
    %dma_wait3A_263 = arith.constant 0 : i32
    %dma_wait3A_264 = tpu.memref_slice %arg6[%dma_wait3A_262, %dma_wait3A_263] : memref<64x128xf32, #tpu.memory_space<vmem>> -> memref<40x128xf32, #tpu.memory_space<vmem>>
    %dma_wait3A_265 = arith.constant 0 : i32
    %dma_wait3A_266 = arith.constant 0 : i32
    %dma_wait3A_267 = tpu.memref_slice %arg2[%dma_wait3A_265, %dma_wait3A_266] : memref<10000x128xf32, #tpu.memory_space<hbm>> -> memref<40x128xf32, #tpu.memory_space<hbm>>
    %dma_wait3A_268 = arith.constant 0 : i32
    %dma_wait3A_269 = arith.constant 0 : i32
    %dma_wait3A_270 = tpu.memref_slice %arg6[%dma_wait3A_268, %dma_wait3A_269] : memref<64x128xf32, #tpu.memory_space<vmem>> -> memref<40x128xf32, #tpu.memory_space<vmem>>
    %dma_wait3A_271 = arith.constant 0 : i32
    %dma_wait3A_272 = arith.constant 0 : i32
    %dma_wait3A_273 = tpu.memref_slice %arg2[%dma_wait3A_271, %dma_wait3A_272] : memref<10000x128xf32, #tpu.memory_space<hbm>> -> memref<40x128xf32, #tpu.memory_space<hbm>>
    tpu.wait_dma2 semaphore(%arg11 : memref<!tpu.dma_semaphore, #tpu.memory_space<semaphore_mem>>) src(%dma_wait3A_273 : memref<40x128xf32, #tpu.memory_space<hbm>>) dst(%dma_wait3A_270 : memref<40x128xf32, #tpu.memory_space<vmem>>)
    %scan3A_274 = arith.constant 0 : i32
    %scan3A_275 = arith.constant 0 : i32
    %scan3A_276 = arith.constant 40 : i32
    %scan3A_277 = arith.addi %scan3A_275, %scan3A_276 : i32
    %scan3A_278 = arith.constant 1 : i32
    scf.for %scan3A_994 = %scan3A_275 to %scan3A_277 step %scan3A_278  : i32 {
      %get3A = arith.index_cast %scan3A_994 : i32 to index
      %get3A_995 = arith.constant 0 : index
      %get3A_996 = tpu.vector_load %arg6[%get3A, %get3A_995] {strides = array<i32>} : memref<64x128xf32, #tpu.memory_space<vmem>>, vector<1x16xf32>,
      %get3A_997 = vector.shape_cast %get3A_996 : vector<1x16xf32> to vector<16xf32>
      %neg3A = arith.constant 0.000000e+00 : f32
      %neg3A_998 = vector.broadcast %neg3A : f32 to vector<16xf32>
      %neg3A_999 = arith.subf %neg3A_998, %get3A_997 : vector<16xf32>
      %exp3A = math.exp %neg3A_999 : vector<16xf32>
      %add3A_1000 = arith.constant 1.000000e+00 : f32
      %add3A_1001 = vector.broadcast %add3A_1000 : f32 to vector<16xf32>
      %add3A_1002 = arith.addf %add3A_1001, %exp3A : vector<16xf32>
      %div3A = arith.constant 1.000000e+00 : f32
      %div3A_1003 = vector.broadcast %div3A : f32 to vector<16xf32>
      %div3A_1004 = arith.divf %div3A_1003, %add3A_1002 : vector<16xf32>
      %swap3A = arith.index_cast %scan3A_994 : i32 to index
      %swap3A_1005 = arith.constant 0 : index
      %swap3A_1006 = tpu.vector_load %arg6[%swap3A, %swap3A_1005] {strides = array<i32>} : memref<64x128xf32, #tpu.memory_space<vmem>>, vector<1x16xf32>,
      %swap3A_1007 = vector.shape_cast %swap3A_1006 : vector<1x16xf32> to vector<16xf32>
      %swap3A_1008 = vector.shape_cast %div3A_1004 : vector<16xf32> to vector<1x16xf32>
      tpu.vector_store %arg6[%swap3A, %swap3A_1005], %swap3A_1008 {strides = array<i32>} : memref<64x128xf32, #tpu.memory_space<vmem>>, vector<1x16xf32>,
      %get3A_1009 = arith.index_cast %scan3A_994 : i32 to index
      %get3A_1010 = arith.constant 16 : index
      %get3A_1011 = tpu.vector_load %arg6[%get3A_1009, %get3A_1010] {strides = array<i32>} : memref<64x128xf32, #tpu.memory_space<vmem>>, vector<1x16xf32>,
      %get3A_1012 = vector.shape_cast %get3A_1011 : vector<1x16xf32> to vector<16xf32>
      %neg3A_1013 = arith.constant 0.000000e+00 : f32
      %neg3A_1014 = vector.broadcast %neg3A_1013 : f32 to vector<16xf32>
      %neg3A_1015 = arith.subf %neg3A_1014, %get3A_1012 : vector<16xf32>
      %exp3A_1016 = math.exp %neg3A_1015 : vector<16xf32>
      %add3A_1017 = arith.constant 1.000000e+00 : f32
      %add3A_1018 = vector.broadcast %add3A_1017 : f32 to vector<16xf32>
      %add3A_1019 = arith.addf %add3A_1018, %exp3A_1016 : vector<16xf32>
      %div3A_1020 = arith.constant 1.000000e+00 : f32
      %div3A_1021 = vector.broadcast %div3A_1020 : f32 to vector<16xf32>
      %div3A_1022 = arith.divf %div3A_1021, %add3A_1019 : vector<16xf32>
      %swap3A_1023 = arith.index_cast %scan3A_994 : i32 to index
      %swap3A_1024 = arith.constant 16 : index
      %swap3A_1025 = tpu.vector_load %arg6[%swap3A_1023, %swap3A_1024] {strides = array<i32>} : memref<64x128xf32, #tpu.memory_space<vmem>>, vector<1x16xf32>,
      %swap3A_1026 = vector.shape_cast %swap3A_1025 : vector<1x16xf32> to vector<16xf32>
      %swap3A_1027 = vector.shape_cast %div3A_1022 : vector<16xf32> to vector<1x16xf32>
      tpu.vector_store %arg6[%swap3A_1023, %swap3A_1024], %swap3A_1027 {strides = array<i32>} : memref<64x128xf32, #tpu.memory_space<vmem>>, vector<1x16xf32>,
      %get3A_1028 = arith.index_cast %scan3A_994 : i32 to index
      %get3A_1029 = arith.constant 32 : index
      %get3A_1030 = tpu.vector_load %arg6[%get3A_1028, %get3A_1029] {strides = array<i32>} : memref<64x128xf32, #tpu.memory_space<vmem>>, vector<1x16xf32>,
      %get3A_1031 = vector.shape_cast %get3A_1030 : vector<1x16xf32> to vector<16xf32>
      %neg3A_1032 = arith.constant 0.000000e+00 : f32
      %neg3A_1033 = vector.broadcast %neg3A_1032 : f32 to vector<16xf32>
      %neg3A_1034 = arith.subf %neg3A_1033, %get3A_1031 : vector<16xf32>
      %exp3A_1035 = math.exp %neg3A_1034 : vector<16xf32>
      %add3A_1036 = arith.constant 1.000000e+00 : f32
      %add3A_1037 = vector.broadcast %add3A_1036 : f32 to vector<16xf32>
      %add3A_1038 = arith.addf %add3A_1037, %exp3A_1035 : vector<16xf32>
      %div3A_1039 = arith.constant 1.000000e+00 : f32
      %div3A_1040 = vector.broadcast %div3A_1039 : f32 to vector<16xf32>
      %div3A_1041 = arith.divf %div3A_1040, %add3A_1038 : vector<16xf32>
      %swap3A_1042 = arith.index_cast %scan3A_994 : i32 to index
      %swap3A_1043 = arith.constant 32 : index
      %swap3A_1044 = tpu.vector_load %arg6[%swap3A_1042, %swap3A_1043] {strides = array<i32>} : memref<64x128xf32, #tpu.memory_space<vmem>>, vector<1x16xf32>,
      %swap3A_1045 = vector.shape_cast %swap3A_1044 : vector<1x16xf32> to vector<16xf32>
      %swap3A_1046 = vector.shape_cast %div3A_1041 : vector<16xf32> to vector<1x16xf32>
      tpu.vector_store %arg6[%swap3A_1042, %swap3A_1043], %swap3A_1046 {strides = array<i32>} : memref<64x128xf32, #tpu.memory_space<vmem>>, vector<1x16xf32>,
      %get3A_1047 = arith.index_cast %scan3A_994 : i32 to index
      %get3A_1048 = arith.constant 48 : index
      %get3A_1049 = tpu.vector_load %arg6[%get3A_1047, %get3A_1048] {strides = array<i32>} : memref<64x128xf32, #tpu.memory_space<vmem>>, vector<1x16xf32>,
      %get3A_1050 = vector.shape_cast %get3A_1049 : vector<1x16xf32> to vector<16xf32>
      %neg3A_1051 = arith.constant 0.000000e+00 : f32
      %neg3A_1052 = vector.broadcast %neg3A_1051 : f32 to vector<16xf32>
      %neg3A_1053 = arith.subf %neg3A_1052, %get3A_1050 : vector<16xf32>
      %exp3A_1054 = math.exp %neg3A_1053 : vector<16xf32>
      %add3A_1055 = arith.constant 1.000000e+00 : f32
      %add3A_1056 = vector.broadcast %add3A_1055 : f32 to vector<16xf32>
      %add3A_1057 = arith.addf %add3A_1056, %exp3A_1054 : vector<16xf32>
      %div3A_1058 = arith.constant 1.000000e+00 : f32
      %div3A_1059 = vector.broadcast %div3A_1058 : f32 to vector<16xf32>
      %div3A_1060 = arith.divf %div3A_1059, %add3A_1057 : vector<16xf32>
      %swap3A_1061 = arith.index_cast %scan3A_994 : i32 to index
      %swap3A_1062 = arith.constant 48 : index
      %swap3A_1063 = tpu.vector_load %arg6[%swap3A_1061, %swap3A_1062] {strides = array<i32>} : memref<64x128xf32, #tpu.memory_space<vmem>>, vector<1x16xf32>,
      %swap3A_1064 = vector.shape_cast %swap3A_1063 : vector<1x16xf32> to vector<16xf32>
      %swap3A_1065 = vector.shape_cast %div3A_1060 : vector<16xf32> to vector<1x16xf32>
      tpu.vector_store %arg6[%swap3A_1061, %swap3A_1062], %swap3A_1065 {strides = array<i32>} : memref<64x128xf32, #tpu.memory_space<vmem>>, vector<1x16xf32>,
      %get3A_1066 = arith.index_cast %scan3A_994 : i32 to index
      %get3A_1067 = arith.constant 64 : index
      %get3A_1068 = tpu.vector_load %arg6[%get3A_1066, %get3A_1067] {strides = array<i32>} : memref<64x128xf32, #tpu.memory_space<vmem>>, vector<1x16xf32>,
      %get3A_1069 = vector.shape_cast %get3A_1068 : vector<1x16xf32> to vector<16xf32>
      %neg3A_1070 = arith.constant 0.000000e+00 : f32
      %neg3A_1071 = vector.broadcast %neg3A_1070 : f32 to vector<16xf32>
      %neg3A_1072 = arith.subf %neg3A_1071, %get3A_1069 : vector<16xf32>
      %exp3A_1073 = math.exp %neg3A_1072 : vector<16xf32>
      %add3A_1074 = arith.constant 1.000000e+00 : f32
      %add3A_1075 = vector.broadcast %add3A_1074 : f32 to vector<16xf32>
      %add3A_1076 = arith.addf %add3A_1075, %exp3A_1073 : vector<16xf32>
      %div3A_1077 = arith.constant 1.000000e+00 : f32
      %div3A_1078 = vector.broadcast %div3A_1077 : f32 to vector<16xf32>
      %div3A_1079 = arith.divf %div3A_1078, %add3A_1076 : vector<16xf32>
      %swap3A_1080 = arith.index_cast %scan3A_994 : i32 to index
      %swap3A_1081 = arith.constant 64 : index
      %swap3A_1082 = tpu.vector_load %arg6[%swap3A_1080, %swap3A_1081] {strides = array<i32>} : memref<64x128xf32, #tpu.memory_space<vmem>>, vector<1x16xf32>,
      %swap3A_1083 = vector.shape_cast %swap3A_1082 : vector<1x16xf32> to vector<16xf32>
      %swap3A_1084 = vector.shape_cast %div3A_1079 : vector<16xf32> to vector<1x16xf32>
      tpu.vector_store %arg6[%swap3A_1080, %swap3A_1081], %swap3A_1084 {strides = array<i32>} : memref<64x128xf32, #tpu.memory_space<vmem>>, vector<1x16xf32>,
      %get3A_1085 = arith.index_cast %scan3A_994 : i32 to index
      %get3A_1086 = arith.constant 80 : index
      %get3A_1087 = tpu.vector_load %arg6[%get3A_1085, %get3A_1086] {strides = array<i32>} : memref<64x128xf32, #tpu.memory_space<vmem>>, vector<1x16xf32>,
      %get3A_1088 = vector.shape_cast %get3A_1087 : vector<1x16xf32> to vector<16xf32>
      %neg3A_1089 = arith.constant 0.000000e+00 : f32
      %neg3A_1090 = vector.broadcast %neg3A_1089 : f32 to vector<16xf32>
      %neg3A_1091 = arith.subf %neg3A_1090, %get3A_1088 : vector<16xf32>
      %exp3A_1092 = math.exp %neg3A_1091 : vector<16xf32>
      %add3A_1093 = arith.constant 1.000000e+00 : f32
      %add3A_1094 = vector.broadcast %add3A_1093 : f32 to vector<16xf32>
      %add3A_1095 = arith.addf %add3A_1094, %exp3A_1092 : vector<16xf32>
      %div3A_1096 = arith.constant 1.000000e+00 : f32
      %div3A_1097 = vector.broadcast %div3A_1096 : f32 to vector<16xf32>
      %div3A_1098 = arith.divf %div3A_1097, %add3A_1095 : vector<16xf32>
      %swap3A_1099 = arith.index_cast %scan3A_994 : i32 to index
      %swap3A_1100 = arith.constant 80 : index
      %swap3A_1101 = tpu.vector_load %arg6[%swap3A_1099, %swap3A_1100] {strides = array<i32>} : memref<64x128xf32, #tpu.memory_space<vmem>>, vector<1x16xf32>,
      %swap3A_1102 = vector.shape_cast %swap3A_1101 : vector<1x16xf32> to vector<16xf32>
      %swap3A_1103 = vector.shape_cast %div3A_1098 : vector<16xf32> to vector<1x16xf32>
      tpu.vector_store %arg6[%swap3A_1099, %swap3A_1100], %swap3A_1103 {strides = array<i32>} : memref<64x128xf32, #tpu.memory_space<vmem>>, vector<1x16xf32>,
      %get3A_1104 = arith.index_cast %scan3A_994 : i32 to index
      %get3A_1105 = arith.constant 96 : index
      %get3A_1106 = tpu.vector_load %arg6[%get3A_1104, %get3A_1105] {strides = array<i32>} : memref<64x128xf32, #tpu.memory_space<vmem>>, vector<1x16xf32>,
      %get3A_1107 = vector.shape_cast %get3A_1106 : vector<1x16xf32> to vector<16xf32>
      %neg3A_1108 = arith.constant 0.000000e+00 : f32
      %neg3A_1109 = vector.broadcast %neg3A_1108 : f32 to vector<16xf32>
      %neg3A_1110 = arith.subf %neg3A_1109, %get3A_1107 : vector<16xf32>
      %exp3A_1111 = math.exp %neg3A_1110 : vector<16xf32>
      %add3A_1112 = arith.constant 1.000000e+00 : f32
      %add3A_1113 = vector.broadcast %add3A_1112 : f32 to vector<16xf32>
      %add3A_1114 = arith.addf %add3A_1113, %exp3A_1111 : vector<16xf32>
      %div3A_1115 = arith.constant 1.000000e+00 : f32
      %div3A_1116 = vector.broadcast %div3A_1115 : f32 to vector<16xf32>
      %div3A_1117 = arith.divf %div3A_1116, %add3A_1114 : vector<16xf32>
      %swap3A_1118 = arith.index_cast %scan3A_994 : i32 to index
      %swap3A_1119 = arith.constant 96 : index
      %swap3A_1120 = tpu.vector_load %arg6[%swap3A_1118, %swap3A_1119] {strides = array<i32>} : memref<64x128xf32, #tpu.memory_space<vmem>>, vector<1x16xf32>,
      %swap3A_1121 = vector.shape_cast %swap3A_1120 : vector<1x16xf32> to vector<16xf32>
      %swap3A_1122 = vector.shape_cast %div3A_1117 : vector<16xf32> to vector<1x16xf32>
      tpu.vector_store %arg6[%swap3A_1118, %swap3A_1119], %swap3A_1122 {strides = array<i32>} : memref<64x128xf32, #tpu.memory_space<vmem>>, vector<1x16xf32>,
      %get3A_1123 = arith.index_cast %scan3A_994 : i32 to index
      %get3A_1124 = arith.constant 112 : index
      %get3A_1125 = tpu.vector_load %arg6[%get3A_1123, %get3A_1124] {strides = array<i32>} : memref<64x128xf32, #tpu.memory_space<vmem>>, vector<1x16xf32>,
      %get3A_1126 = vector.shape_cast %get3A_1125 : vector<1x16xf32> to vector<16xf32>
      %neg3A_1127 = arith.constant 0.000000e+00 : f32
      %neg3A_1128 = vector.broadcast %neg3A_1127 : f32 to vector<16xf32>
      %neg3A_1129 = arith.subf %neg3A_1128, %get3A_1126 : vector<16xf32>
      %exp3A_1130 = math.exp %neg3A_1129 : vector<16xf32>
      %add3A_1131 = arith.constant 1.000000e+00 : f32
      %add3A_1132 = vector.broadcast %add3A_1131 : f32 to vector<16xf32>
      %add3A_1133 = arith.addf %add3A_1132, %exp3A_1130 : vector<16xf32>
      %div3A_1134 = arith.constant 1.000000e+00 : f32
      %div3A_1135 = vector.broadcast %div3A_1134 : f32 to vector<16xf32>
      %div3A_1136 = arith.divf %div3A_1135, %add3A_1133 : vector<16xf32>
      %swap3A_1137 = arith.index_cast %scan3A_994 : i32 to index
      %swap3A_1138 = arith.constant 112 : index
      %swap3A_1139 = tpu.vector_load %arg6[%swap3A_1137, %swap3A_1138] {strides = array<i32>} : memref<64x128xf32, #tpu.memory_space<vmem>>, vector<1x16xf32>,
      %swap3A_1140 = vector.shape_cast %swap3A_1139 : vector<1x16xf32> to vector<16xf32>
      %swap3A_1141 = vector.shape_cast %div3A_1136 : vector<16xf32> to vector<1x16xf32>
      tpu.vector_store %arg6[%swap3A_1137, %swap3A_1138], %swap3A_1141 {strides = array<i32>} : memref<64x128xf32, #tpu.memory_space<vmem>>, vector<1x16xf32>,
    }
    %scan3A_279 = arith.constant 40 : i32
    %add3A_280 = arith.constant 64 : i32
    %add3A_281 = arith.addi %arg1, %add3A_280 : i32
    %mul3A_282 = arith.constant 40 : i32
    %mul3A_283 = arith.muli %add3A_281, %mul3A_282 : i32
    %dma_start3A_284 = arith.constant 0 : i32
    %dma_start3A_285 = arith.constant 0 : i32
    %dma_start3A_286 = tpu.memref_slice %arg6[%dma_start3A_284, %dma_start3A_285] : memref<64x128xf32, #tpu.memory_space<vmem>> -> memref<40x128xf32, #tpu.memory_space<vmem>>
    %dma_start3A_287 = arith.constant 0 : i32
    %dma_start3A_288 = tpu.memref_slice %arg10[%mul3A_283, %dma_start3A_287] : memref<10000x128xf32, #tpu.memory_space<vmem_shared>> -> memref<40x128xf32, #tpu.memory_space<vmem_shared>>
    %dma_start3A_289 = arith.constant 0 : i32
    %dma_start3A_290 = tpu.memref_slice %arg10[%mul3A_283, %dma_start3A_289] : memref<10000x128xf32, #tpu.memory_space<vmem_shared>> -> memref<40x128xf32, #tpu.memory_space<vmem_shared>>
    %dma_start3A_291 = arith.constant 0 : i32
    %dma_start3A_292 = arith.constant 0 : i32
    %dma_start3A_293 = tpu.memref_slice %arg6[%dma_start3A_291, %dma_start3A_292] : memref<64x128xf32, #tpu.memory_space<vmem>> -> memref<40x128xf32, #tpu.memory_space<vmem>>
    tpu.enqueue_dma source(%dma_start3A_293 : memref<40x128xf32, #tpu.memory_space<vmem>>) target(%dma_start3A_290 : memref<40x128xf32, #tpu.memory_space<vmem_shared>>) target_semaphore(%arg11 : memref<!tpu.dma_semaphore, #tpu.memory_space<semaphore_mem>>)
    %dma_wait3A_294 = arith.constant 0 : i32
    %dma_wait3A_295 = arith.constant 0 : i32
    %dma_wait3A_296 = tpu.memref_slice %arg9[%dma_wait3A_294, %dma_wait3A_295] : memref<64x128xf32, #tpu.memory_space<vmem>> -> memref<40x128xf32, #tpu.memory_space<vmem>>
    %dma_wait3A_297 = arith.constant 0 : i32
    %dma_wait3A_298 = arith.constant 0 : i32
    %dma_wait3A_299 = tpu.memref_slice %arg2[%dma_wait3A_297, %dma_wait3A_298] : memref<10000x128xf32, #tpu.memory_space<hbm>> -> memref<40x128xf32, #tpu.memory_space<hbm>>
    %dma_wait3A_300 = arith.constant 0 : i32
    %dma_wait3A_301 = arith.constant 0 : i32
    %dma_wait3A_302 = tpu.memref_slice %arg9[%dma_wait3A_300, %dma_wait3A_301] : memref<64x128xf32, #tpu.memory_space<vmem>> -> memref<40x128xf32, #tpu.memory_space<vmem>>
    %dma_wait3A_303 = arith.constant 0 : i32
    %dma_wait3A_304 = arith.constant 0 : i32
    %dma_wait3A_305 = tpu.memref_slice %arg2[%dma_wait3A_303, %dma_wait3A_304] : memref<10000x128xf32, #tpu.memory_space<hbm>> -> memref<40x128xf32, #tpu.memory_space<hbm>>
    tpu.wait_dma2 semaphore(%arg14 : memref<!tpu.dma_semaphore, #tpu.memory_space<semaphore_mem>>) src(%dma_wait3A_305 : memref<40x128xf32, #tpu.memory_space<hbm>>) dst(%dma_wait3A_302 : memref<40x128xf32, #tpu.memory_space<vmem>>)
    %add3A_306 = arith.constant 112 : i32
    %add3A_307 = arith.addi %arg1, %add3A_306 : i32
    %mul3A_308 = arith.constant 40 : i32
    %mul3A_309 = arith.muli %add3A_307, %mul3A_308 : i32
    %dma_start3A_310 = arith.constant 0 : i32
    %dma_start3A_311 = arith.constant 0 : i32
    %dma_start3A_312 = tpu.memref_slice %arg9[%dma_start3A_310, %dma_start3A_311] : memref<64x128xf32, #tpu.memory_space<vmem>> -> memref<40x128xf32, #tpu.memory_space<vmem>>
    %dma_start3A_313 = arith.constant 0 : i32
    %dma_start3A_314 = tpu.memref_slice %arg2[%mul3A_309, %dma_start3A_313] : memref<10000x128xf32, #tpu.memory_space<hbm>> -> memref<40x128xf32, #tpu.memory_space<hbm>>
    %dma_start3A_315 = arith.constant 0 : i32
    %dma_start3A_316 = arith.constant 0 : i32
    %dma_start3A_317 = tpu.memref_slice %arg9[%dma_start3A_315, %dma_start3A_316] : memref<64x128xf32, #tpu.memory_space<vmem>> -> memref<40x128xf32, #tpu.memory_space<vmem>>
    %dma_start3A_318 = arith.constant 0 : i32
    %dma_start3A_319 = tpu.memref_slice %arg2[%mul3A_309, %dma_start3A_318] : memref<10000x128xf32, #tpu.memory_space<hbm>> -> memref<40x128xf32, #tpu.memory_space<hbm>>
    tpu.enqueue_dma source(%dma_start3A_319 : memref<40x128xf32, #tpu.memory_space<hbm>>) target(%dma_start3A_317 : memref<40x128xf32, #tpu.memory_space<vmem>>) target_semaphore(%arg14 : memref<!tpu.dma_semaphore, #tpu.memory_space<semaphore_mem>>)
    %dma_wait3A_320 = arith.constant 0 : i32
    %dma_wait3A_321 = arith.constant 0 : i32
    %dma_wait3A_322 = tpu.memref_slice %arg7[%dma_wait3A_320, %dma_wait3A_321] : memref<64x128xf32, #tpu.memory_space<vmem>> -> memref<40x128xf32, #tpu.memory_space<vmem>>
    %dma_wait3A_323 = arith.constant 0 : i32
    %dma_wait3A_324 = arith.constant 0 : i32
    %dma_wait3A_325 = tpu.memref_slice %arg2[%dma_wait3A_323, %dma_wait3A_324] : memref<10000x128xf32, #tpu.memory_space<hbm>> -> memref<40x128xf32, #tpu.memory_space<hbm>>
    %dma_wait3A_326 = arith.constant 0 : i32
    %dma_wait3A_327 = arith.constant 0 : i32
    %dma_wait3A_328 = tpu.memref_slice %arg7[%dma_wait3A_326, %dma_wait3A_327] : memref<64x128xf32, #tpu.memory_space<vmem>> -> memref<40x128xf32, #tpu.memory_space<vmem>>
    %dma_wait3A_329 = arith.constant 0 : i32
    %dma_wait3A_330 = arith.constant 0 : i32
    %dma_wait3A_331 = tpu.memref_slice %arg2[%dma_wait3A_329, %dma_wait3A_330] : memref<10000x128xf32, #tpu.memory_space<hbm>> -> memref<40x128xf32, #tpu.memory_space<hbm>>
    tpu.wait_dma2 semaphore(%arg12 : memref<!tpu.dma_semaphore, #tpu.memory_space<semaphore_mem>>) src(%dma_wait3A_331 : memref<40x128xf32, #tpu.memory_space<hbm>>) dst(%dma_wait3A_328 : memref<40x128xf32, #tpu.memory_space<vmem>>)
    %scan3A_332 = arith.constant 0 : i32
    %scan3A_333 = arith.constant 0 : i32
    %scan3A_334 = arith.constant 40 : i32
    %scan3A_335 = arith.addi %scan3A_333, %scan3A_334 : i32
    %scan3A_336 = arith.constant 1 : i32
    scf.for %scan3A_994 = %scan3A_333 to %scan3A_335 step %scan3A_336  : i32 {
      %get3A = arith.index_cast %scan3A_994 : i32 to index
      %get3A_995 = arith.constant 0 : index
      %get3A_996 = tpu.vector_load %arg7[%get3A, %get3A_995] {strides = array<i32>} : memref<64x128xf32, #tpu.memory_space<vmem>>, vector<1x16xf32>,
      %get3A_997 = vector.shape_cast %get3A_996 : vector<1x16xf32> to vector<16xf32>
      %neg3A = arith.constant 0.000000e+00 : f32
      %neg3A_998 = vector.broadcast %neg3A : f32 to vector<16xf32>
      %neg3A_999 = arith.subf %neg3A_998, %get3A_997 : vector<16xf32>
      %exp3A = math.exp %neg3A_999 : vector<16xf32>
      %add3A_1000 = arith.constant 1.000000e+00 : f32
      %add3A_1001 = vector.broadcast %add3A_1000 : f32 to vector<16xf32>
      %add3A_1002 = arith.addf %add3A_1001, %exp3A : vector<16xf32>
      %div3A = arith.constant 1.000000e+00 : f32
      %div3A_1003 = vector.broadcast %div3A : f32 to vector<16xf32>
      %div3A_1004 = arith.divf %div3A_1003, %add3A_1002 : vector<16xf32>
      %swap3A = arith.index_cast %scan3A_994 : i32 to index
      %swap3A_1005 = arith.constant 0 : index
      %swap3A_1006 = tpu.vector_load %arg7[%swap3A, %swap3A_1005] {strides = array<i32>} : memref<64x128xf32, #tpu.memory_space<vmem>>, vector<1x16xf32>,
      %swap3A_1007 = vector.shape_cast %swap3A_1006 : vector<1x16xf32> to vector<16xf32>
      %swap3A_1008 = vector.shape_cast %div3A_1004 : vector<16xf32> to vector<1x16xf32>
      tpu.vector_store %arg7[%swap3A, %swap3A_1005], %swap3A_1008 {strides = array<i32>} : memref<64x128xf32, #tpu.memory_space<vmem>>, vector<1x16xf32>,
      %get3A_1009 = arith.index_cast %scan3A_994 : i32 to index
      %get3A_1010 = arith.constant 16 : index
      %get3A_1011 = tpu.vector_load %arg7[%get3A_1009, %get3A_1010] {strides = array<i32>} : memref<64x128xf32, #tpu.memory_space<vmem>>, vector<1x16xf32>,
      %get3A_1012 = vector.shape_cast %get3A_1011 : vector<1x16xf32> to vector<16xf32>
      %neg3A_1013 = arith.constant 0.000000e+00 : f32
      %neg3A_1014 = vector.broadcast %neg3A_1013 : f32 to vector<16xf32>
      %neg3A_1015 = arith.subf %neg3A_1014, %get3A_1012 : vector<16xf32>
      %exp3A_1016 = math.exp %neg3A_1015 : vector<16xf32>
      %add3A_1017 = arith.constant 1.000000e+00 : f32
      %add3A_1018 = vector.broadcast %add3A_1017 : f32 to vector<16xf32>
      %add3A_1019 = arith.addf %add3A_1018, %exp3A_1016 : vector<16xf32>
      %div3A_1020 = arith.constant 1.000000e+00 : f32
      %div3A_1021 = vector.broadcast %div3A_1020 : f32 to vector<16xf32>
      %div3A_1022 = arith.divf %div3A_1021, %add3A_1019 : vector<16xf32>
      %swap3A_1023 = arith.index_cast %scan3A_994 : i32 to index
      %swap3A_1024 = arith.constant 16 : index
      %swap3A_1025 = tpu.vector_load %arg7[%swap3A_1023, %swap3A_1024] {strides = array<i32>} : memref<64x128xf32, #tpu.memory_space<vmem>>, vector<1x16xf32>,
      %swap3A_1026 = vector.shape_cast %swap3A_1025 : vector<1x16xf32> to vector<16xf32>
      %swap3A_1027 = vector.shape_cast %div3A_1022 : vector<16xf32> to vector<1x16xf32>
      tpu.vector_store %arg7[%swap3A_1023, %swap3A_1024], %swap3A_1027 {strides = array<i32>} : memref<64x128xf32, #tpu.memory_space<vmem>>, vector<1x16xf32>,
      %get3A_1028 = arith.index_cast %scan3A_994 : i32 to index
      %get3A_1029 = arith.constant 32 : index
      %get3A_1030 = tpu.vector_load %arg7[%get3A_1028, %get3A_1029] {strides = array<i32>} : memref<64x128xf32, #tpu.memory_space<vmem>>, vector<1x16xf32>,
      %get3A_1031 = vector.shape_cast %get3A_1030 : vector<1x16xf32> to vector<16xf32>
      %neg3A_1032 = arith.constant 0.000000e+00 : f32
      %neg3A_1033 = vector.broadcast %neg3A_1032 : f32 to vector<16xf32>
      %neg3A_1034 = arith.subf %neg3A_1033, %get3A_1031 : vector<16xf32>
      %exp3A_1035 = math.exp %neg3A_1034 : vector<16xf32>
      %add3A_1036 = arith.constant 1.000000e+00 : f32
      %add3A_1037 = vector.broadcast %add3A_1036 : f32 to vector<16xf32>
      %add3A_1038 = arith.addf %add3A_1037, %exp3A_1035 : vector<16xf32>
      %div3A_1039 = arith.constant 1.000000e+00 : f32
      %div3A_1040 = vector.broadcast %div3A_1039 : f32 to vector<16xf32>
      %div3A_1041 = arith.divf %div3A_1040, %add3A_1038 : vector<16xf32>
      %swap3A_1042 = arith.index_cast %scan3A_994 : i32 to index
      %swap3A_1043 = arith.constant 32 : index
      %swap3A_1044 = tpu.vector_load %arg7[%swap3A_1042, %swap3A_1043] {strides = array<i32>} : memref<64x128xf32, #tpu.memory_space<vmem>>, vector<1x16xf32>,
      %swap3A_1045 = vector.shape_cast %swap3A_1044 : vector<1x16xf32> to vector<16xf32>
      %swap3A_1046 = vector.shape_cast %div3A_1041 : vector<16xf32> to vector<1x16xf32>
      tpu.vector_store %arg7[%swap3A_1042, %swap3A_1043], %swap3A_1046 {strides = array<i32>} : memref<64x128xf32, #tpu.memory_space<vmem>>, vector<1x16xf32>,
      %get3A_1047 = arith.index_cast %scan3A_994 : i32 to index
      %get3A_1048 = arith.constant 48 : index
      %get3A_1049 = tpu.vector_load %arg7[%get3A_1047, %get3A_1048] {strides = array<i32>} : memref<64x128xf32, #tpu.memory_space<vmem>>, vector<1x16xf32>,
      %get3A_1050 = vector.shape_cast %get3A_1049 : vector<1x16xf32> to vector<16xf32>
      %neg3A_1051 = arith.constant 0.000000e+00 : f32
      %neg3A_1052 = vector.broadcast %neg3A_1051 : f32 to vector<16xf32>
      %neg3A_1053 = arith.subf %neg3A_1052, %get3A_1050 : vector<16xf32>
      %exp3A_1054 = math.exp %neg3A_1053 : vector<16xf32>
      %add3A_1055 = arith.constant 1.000000e+00 : f32
      %add3A_1056 = vector.broadcast %add3A_1055 : f32 to vector<16xf32>
      %add3A_1057 = arith.addf %add3A_1056, %exp3A_1054 : vector<16xf32>
      %div3A_1058 = arith.constant 1.000000e+00 : f32
      %div3A_1059 = vector.broadcast %div3A_1058 : f32 to vector<16xf32>
      %div3A_1060 = arith.divf %div3A_1059, %add3A_1057 : vector<16xf32>
      %swap3A_1061 = arith.index_cast %scan3A_994 : i32 to index
      %swap3A_1062 = arith.constant 48 : index
      %swap3A_1063 = tpu.vector_load %arg7[%swap3A_1061, %swap3A_1062] {strides = array<i32>} : memref<64x128xf32, #tpu.memory_space<vmem>>, vector<1x16xf32>,
      %swap3A_1064 = vector.shape_cast %swap3A_1063 : vector<1x16xf32> to vector<16xf32>
      %swap3A_1065 = vector.shape_cast %div3A_1060 : vector<16xf32> to vector<1x16xf32>
      tpu.vector_store %arg7[%swap3A_1061, %swap3A_1062], %swap3A_1065 {strides = array<i32>} : memref<64x128xf32, #tpu.memory_space<vmem>>, vector<1x16xf32>,
      %get3A_1066 = arith.index_cast %scan3A_994 : i32 to index
      %get3A_1067 = arith.constant 64 : index
      %get3A_1068 = tpu.vector_load %arg7[%get3A_1066, %get3A_1067] {strides = array<i32>} : memref<64x128xf32, #tpu.memory_space<vmem>>, vector<1x16xf32>,
      %get3A_1069 = vector.shape_cast %get3A_1068 : vector<1x16xf32> to vector<16xf32>
      %neg3A_1070 = arith.constant 0.000000e+00 : f32
      %neg3A_1071 = vector.broadcast %neg3A_1070 : f32 to vector<16xf32>
      %neg3A_1072 = arith.subf %neg3A_1071, %get3A_1069 : vector<16xf32>
      %exp3A_1073 = math.exp %neg3A_1072 : vector<16xf32>
      %add3A_1074 = arith.constant 1.000000e+00 : f32
      %add3A_1075 = vector.broadcast %add3A_1074 : f32 to vector<16xf32>
      %add3A_1076 = arith.addf %add3A_1075, %exp3A_1073 : vector<16xf32>
      %div3A_1077 = arith.constant 1.000000e+00 : f32
      %div3A_1078 = vector.broadcast %div3A_1077 : f32 to vector<16xf32>
      %div3A_1079 = arith.divf %div3A_1078, %add3A_1076 : vector<16xf32>
      %swap3A_1080 = arith.index_cast %scan3A_994 : i32 to index
      %swap3A_1081 = arith.constant 64 : index
      %swap3A_1082 = tpu.vector_load %arg7[%swap3A_1080, %swap3A_1081] {strides = array<i32>} : memref<64x128xf32, #tpu.memory_space<vmem>>, vector<1x16xf32>,
      %swap3A_1083 = vector.shape_cast %swap3A_1082 : vector<1x16xf32> to vector<16xf32>
      %swap3A_1084 = vector.shape_cast %div3A_1079 : vector<16xf32> to vector<1x16xf32>
      tpu.vector_store %arg7[%swap3A_1080, %swap3A_1081], %swap3A_1084 {strides = array<i32>} : memref<64x128xf32, #tpu.memory_space<vmem>>, vector<1x16xf32>,
      %get3A_1085 = arith.index_cast %scan3A_994 : i32 to index
      %get3A_1086 = arith.constant 80 : index
      %get3A_1087 = tpu.vector_load %arg7[%get3A_1085, %get3A_1086] {strides = array<i32>} : memref<64x128xf32, #tpu.memory_space<vmem>>, vector<1x16xf32>,
      %get3A_1088 = vector.shape_cast %get3A_1087 : vector<1x16xf32> to vector<16xf32>
      %neg3A_1089 = arith.constant 0.000000e+00 : f32
      %neg3A_1090 = vector.broadcast %neg3A_1089 : f32 to vector<16xf32>
      %neg3A_1091 = arith.subf %neg3A_1090, %get3A_1088 : vector<16xf32>
      %exp3A_1092 = math.exp %neg3A_1091 : vector<16xf32>
      %add3A_1093 = arith.constant 1.000000e+00 : f32
      %add3A_1094 = vector.broadcast %add3A_1093 : f32 to vector<16xf32>
      %add3A_1095 = arith.addf %add3A_1094, %exp3A_1092 : vector<16xf32>
      %div3A_1096 = arith.constant 1.000000e+00 : f32
      %div3A_1097 = vector.broadcast %div3A_1096 : f32 to vector<16xf32>
      %div3A_1098 = arith.divf %div3A_1097, %add3A_1095 : vector<16xf32>
      %swap3A_1099 = arith.index_cast %scan3A_994 : i32 to index
      %swap3A_1100 = arith.constant 80 : index
      %swap3A_1101 = tpu.vector_load %arg7[%swap3A_1099, %swap3A_1100] {strides = array<i32>} : memref<64x128xf32, #tpu.memory_space<vmem>>, vector<1x16xf32>,
      %swap3A_1102 = vector.shape_cast %swap3A_1101 : vector<1x16xf32> to vector<16xf32>
      %swap3A_1103 = vector.shape_cast %div3A_1098 : vector<16xf32> to vector<1x16xf32>
      tpu.vector_store %arg7[%swap3A_1099, %swap3A_1100], %swap3A_1103 {strides = array<i32>} : memref<64x128xf32, #tpu.memory_space<vmem>>, vector<1x16xf32>,
      %get3A_1104 = arith.index_cast %scan3A_994 : i32 to index
      %get3A_1105 = arith.constant 96 : index
      %get3A_1106 = tpu.vector_load %arg7[%get3A_1104, %get3A_1105] {strides = array<i32>} : memref<64x128xf32, #tpu.memory_space<vmem>>, vector<1x16xf32>,
      %get3A_1107 = vector.shape_cast %get3A_1106 : vector<1x16xf32> to vector<16xf32>
      %neg3A_1108 = arith.constant 0.000000e+00 : f32
      %neg3A_1109 = vector.broadcast %neg3A_1108 : f32 to vector<16xf32>
      %neg3A_1110 = arith.subf %neg3A_1109, %get3A_1107 : vector<16xf32>
      %exp3A_1111 = math.exp %neg3A_1110 : vector<16xf32>
      %add3A_1112 = arith.constant 1.000000e+00 : f32
      %add3A_1113 = vector.broadcast %add3A_1112 : f32 to vector<16xf32>
      %add3A_1114 = arith.addf %add3A_1113, %exp3A_1111 : vector<16xf32>
      %div3A_1115 = arith.constant 1.000000e+00 : f32
      %div3A_1116 = vector.broadcast %div3A_1115 : f32 to vector<16xf32>
      %div3A_1117 = arith.divf %div3A_1116, %add3A_1114 : vector<16xf32>
      %swap3A_1118 = arith.index_cast %scan3A_994 : i32 to index
      %swap3A_1119 = arith.constant 96 : index
      %swap3A_1120 = tpu.vector_load %arg7[%swap3A_1118, %swap3A_1119] {strides = array<i32>} : memref<64x128xf32, #tpu.memory_space<vmem>>, vector<1x16xf32>,
      %swap3A_1121 = vector.shape_cast %swap3A_1120 : vector<1x16xf32> to vector<16xf32>
      %swap3A_1122 = vector.shape_cast %div3A_1117 : vector<16xf32> to vector<1x16xf32>
      tpu.vector_store %arg7[%swap3A_1118, %swap3A_1119], %swap3A_1122 {strides = array<i32>} : memref<64x128xf32, #tpu.memory_space<vmem>>, vector<1x16xf32>,
      %get3A_1123 = arith.index_cast %scan3A_994 : i32 to index
      %get3A_1124 = arith.constant 112 : index
      %get3A_1125 = tpu.vector_load %arg7[%get3A_1123, %get3A_1124] {strides = array<i32>} : memref<64x128xf32, #tpu.memory_space<vmem>>, vector<1x16xf32>,
      %get3A_1126 = vector.shape_cast %get3A_1125 : vector<1x16xf32> to vector<16xf32>
      %neg3A_1127 = arith.constant 0.000000e+00 : f32
      %neg3A_1128 = vector.broadcast %neg3A_1127 : f32 to vector<16xf32>
      %neg3A_1129 = arith.subf %neg3A_1128, %get3A_1126 : vector<16xf32>
      %exp3A_1130 = math.exp %neg3A_1129 : vector<16xf32>
      %add3A_1131 = arith.constant 1.000000e+00 : f32
      %add3A_1132 = vector.broadcast %add3A_1131 : f32 to vector<16xf32>
      %add3A_1133 = arith.addf %add3A_1132, %exp3A_1130 : vector<16xf32>
      %div3A_1134 = arith.constant 1.000000e+00 : f32
      %div3A_1135 = vector.broadcast %div3A_1134 : f32 to vector<16xf32>
      %div3A_1136 = arith.divf %div3A_1135, %add3A_1133 : vector<16xf32>
      %swap3A_1137 = arith.index_cast %scan3A_994 : i32 to index
      %swap3A_1138 = arith.constant 112 : index
      %swap3A_1139 = tpu.vector_load %arg7[%swap3A_1137, %swap3A_1138] {strides = array<i32>} : memref<64x128xf32, #tpu.memory_space<vmem>>, vector<1x16xf32>,
      %swap3A_1140 = vector.shape_cast %swap3A_1139 : vector<1x16xf32> to vector<16xf32>
      %swap3A_1141 = vector.shape_cast %div3A_1136 : vector<16xf32> to vector<1x16xf32>
      tpu.vector_store %arg7[%swap3A_1137, %swap3A_1138], %swap3A_1141 {strides = array<i32>} : memref<64x128xf32, #tpu.memory_space<vmem>>, vector<1x16xf32>,
    }
    %scan3A_337 = arith.constant 40 : i32
    %add3A_338 = arith.constant 80 : i32
    %add3A_339 = arith.addi %arg1, %add3A_338 : i32
    %mul3A_340 = arith.constant 40 : i32
    %mul3A_341 = arith.muli %add3A_339, %mul3A_340 : i32
    %dma_start3A_342 = arith.constant 0 : i32
    %dma_start3A_343 = arith.constant 0 : i32
    %dma_start3A_344 = tpu.memref_slice %arg7[%dma_start3A_342, %dma_start3A_343] : memref<64x128xf32, #tpu.memory_space<vmem>> -> memref<40x128xf32, #tpu.memory_space<vmem>>
    %dma_start3A_345 = arith.constant 0 : i32
    %dma_start3A_346 = tpu.memref_slice %arg10[%mul3A_341, %dma_start3A_345] : memref<10000x128xf32, #tpu.memory_space<vmem_shared>> -> memref<40x128xf32, #tpu.memory_space<vmem_shared>>
    %dma_start3A_347 = arith.constant 0 : i32
    %dma_start3A_348 = tpu.memref_slice %arg10[%mul3A_341, %dma_start3A_347] : memref<10000x128xf32, #tpu.memory_space<vmem_shared>> -> memref<40x128xf32, #tpu.memory_space<vmem_shared>>
    %dma_start3A_349 = arith.constant 0 : i32
    %dma_start3A_350 = arith.constant 0 : i32
    %dma_start3A_351 = tpu.memref_slice %arg7[%dma_start3A_349, %dma_start3A_350] : memref<64x128xf32, #tpu.memory_space<vmem>> -> memref<40x128xf32, #tpu.memory_space<vmem>>
    tpu.enqueue_dma source(%dma_start3A_351 : memref<40x128xf32, #tpu.memory_space<vmem>>) target(%dma_start3A_348 : memref<40x128xf32, #tpu.memory_space<vmem_shared>>) target_semaphore(%arg12 : memref<!tpu.dma_semaphore, #tpu.memory_space<semaphore_mem>>)
    %dma_wait3A_352 = arith.constant 0 : i32
    %dma_wait3A_353 = arith.constant 0 : i32
    %dma_wait3A_354 = tpu.memref_slice %arg6[%dma_wait3A_352, %dma_wait3A_353] : memref<64x128xf32, #tpu.memory_space<vmem>> -> memref<40x128xf32, #tpu.memory_space<vmem>>
    %dma_wait3A_355 = arith.constant 0 : i32
    %dma_wait3A_356 = arith.constant 0 : i32
    %dma_wait3A_357 = tpu.memref_slice %arg2[%dma_wait3A_355, %dma_wait3A_356] : memref<10000x128xf32, #tpu.memory_space<hbm>> -> memref<40x128xf32, #tpu.memory_space<hbm>>
    %dma_wait3A_358 = arith.constant 0 : i32
    %dma_wait3A_359 = arith.constant 0 : i32
    %dma_wait3A_360 = tpu.memref_slice %arg6[%dma_wait3A_358, %dma_wait3A_359] : memref<64x128xf32, #tpu.memory_space<vmem>> -> memref<40x128xf32, #tpu.memory_space<vmem>>
    %dma_wait3A_361 = arith.constant 0 : i32
    %dma_wait3A_362 = arith.constant 0 : i32
    %dma_wait3A_363 = tpu.memref_slice %arg2[%dma_wait3A_361, %dma_wait3A_362] : memref<10000x128xf32, #tpu.memory_space<hbm>> -> memref<40x128xf32, #tpu.memory_space<hbm>>
    tpu.wait_dma2 semaphore(%arg11 : memref<!tpu.dma_semaphore, #tpu.memory_space<semaphore_mem>>) src(%dma_wait3A_363 : memref<40x128xf32, #tpu.memory_space<hbm>>) dst(%dma_wait3A_360 : memref<40x128xf32, #tpu.memory_space<vmem>>)
    %add3A_364 = arith.constant 128 : i32
    %add3A_365 = arith.addi %arg1, %add3A_364 : i32
    %mul3A_366 = arith.constant 40 : i32
    %mul3A_367 = arith.muli %add3A_365, %mul3A_366 : i32
    %dma_start3A_368 = arith.constant 0 : i32
    %dma_start3A_369 = arith.constant 0 : i32
    %dma_start3A_370 = tpu.memref_slice %arg6[%dma_start3A_368, %dma_start3A_369] : memref<64x128xf32, #tpu.memory_space<vmem>> -> memref<40x128xf32, #tpu.memory_space<vmem>>
    %dma_start3A_371 = arith.constant 0 : i32
    %dma_start3A_372 = tpu.memref_slice %arg2[%mul3A_367, %dma_start3A_371] : memref<10000x128xf32, #tpu.memory_space<hbm>> -> memref<40x128xf32, #tpu.memory_space<hbm>>
    %dma_start3A_373 = arith.constant 0 : i32
    %dma_start3A_374 = arith.constant 0 : i32
    %dma_start3A_375 = tpu.memref_slice %arg6[%dma_start3A_373, %dma_start3A_374] : memref<64x128xf32, #tpu.memory_space<vmem>> -> memref<40x128xf32, #tpu.memory_space<vmem>>
    %dma_start3A_376 = arith.constant 0 : i32
    %dma_start3A_377 = tpu.memref_slice %arg2[%mul3A_367, %dma_start3A_376] : memref<10000x128xf32, #tpu.memory_space<hbm>> -> memref<40x128xf32, #tpu.memory_space<hbm>>
    tpu.enqueue_dma source(%dma_start3A_377 : memref<40x128xf32, #tpu.memory_space<hbm>>) target(%dma_start3A_375 : memref<40x128xf32, #tpu.memory_space<vmem>>) target_semaphore(%arg11 : memref<!tpu.dma_semaphore, #tpu.memory_space<semaphore_mem>>)
    %dma_wait3A_378 = arith.constant 0 : i32
    %dma_wait3A_379 = arith.constant 0 : i32
    %dma_wait3A_380 = tpu.memref_slice %arg8[%dma_wait3A_378, %dma_wait3A_379] : memref<64x128xf32, #tpu.memory_space<vmem>> -> memref<40x128xf32, #tpu.memory_space<vmem>>
    %dma_wait3A_381 = arith.constant 0 : i32
    %dma_wait3A_382 = arith.constant 0 : i32
    %dma_wait3A_383 = tpu.memref_slice %arg2[%dma_wait3A_381, %dma_wait3A_382] : memref<10000x128xf32, #tpu.memory_space<hbm>> -> memref<40x128xf32, #tpu.memory_space<hbm>>
    %dma_wait3A_384 = arith.constant 0 : i32
    %dma_wait3A_385 = arith.constant 0 : i32
    %dma_wait3A_386 = tpu.memref_slice %arg8[%dma_wait3A_384, %dma_wait3A_385] : memref<64x128xf32, #tpu.memory_space<vmem>> -> memref<40x128xf32, #tpu.memory_space<vmem>>
    %dma_wait3A_387 = arith.constant 0 : i32
    %dma_wait3A_388 = arith.constant 0 : i32
    %dma_wait3A_389 = tpu.memref_slice %arg2[%dma_wait3A_387, %dma_wait3A_388] : memref<10000x128xf32, #tpu.memory_space<hbm>> -> memref<40x128xf32, #tpu.memory_space<hbm>>
    tpu.wait_dma2 semaphore(%arg13 : memref<!tpu.dma_semaphore, #tpu.memory_space<semaphore_mem>>) src(%dma_wait3A_389 : memref<40x128xf32, #tpu.memory_space<hbm>>) dst(%dma_wait3A_386 : memref<40x128xf32, #tpu.memory_space<vmem>>)
    %scan3A_390 = arith.constant 0 : i32
    %scan3A_391 = arith.constant 0 : i32
    %scan3A_392 = arith.constant 40 : i32
    %scan3A_393 = arith.addi %scan3A_391, %scan3A_392 : i32
    %scan3A_394 = arith.constant 1 : i32
    scf.for %scan3A_994 = %scan3A_391 to %scan3A_393 step %scan3A_394  : i32 {
      %get3A = arith.index_cast %scan3A_994 : i32 to index
      %get3A_995 = arith.constant 0 : index
      %get3A_996 = tpu.vector_load %arg8[%get3A, %get3A_995] {strides = array<i32>} : memref<64x128xf32, #tpu.memory_space<vmem>>, vector<1x16xf32>,
      %get3A_997 = vector.shape_cast %get3A_996 : vector<1x16xf32> to vector<16xf32>
      %neg3A = arith.constant 0.000000e+00 : f32
      %neg3A_998 = vector.broadcast %neg3A : f32 to vector<16xf32>
      %neg3A_999 = arith.subf %neg3A_998, %get3A_997 : vector<16xf32>
      %exp3A = math.exp %neg3A_999 : vector<16xf32>
      %add3A_1000 = arith.constant 1.000000e+00 : f32
      %add3A_1001 = vector.broadcast %add3A_1000 : f32 to vector<16xf32>
      %add3A_1002 = arith.addf %add3A_1001, %exp3A : vector<16xf32>
      %div3A = arith.constant 1.000000e+00 : f32
      %div3A_1003 = vector.broadcast %div3A : f32 to vector<16xf32>
      %div3A_1004 = arith.divf %div3A_1003, %add3A_1002 : vector<16xf32>
      %swap3A = arith.index_cast %scan3A_994 : i32 to index
      %swap3A_1005 = arith.constant 0 : index
      %swap3A_1006 = tpu.vector_load %arg8[%swap3A, %swap3A_1005] {strides = array<i32>} : memref<64x128xf32, #tpu.memory_space<vmem>>, vector<1x16xf32>,
      %swap3A_1007 = vector.shape_cast %swap3A_1006 : vector<1x16xf32> to vector<16xf32>
      %swap3A_1008 = vector.shape_cast %div3A_1004 : vector<16xf32> to vector<1x16xf32>
      tpu.vector_store %arg8[%swap3A, %swap3A_1005], %swap3A_1008 {strides = array<i32>} : memref<64x128xf32, #tpu.memory_space<vmem>>, vector<1x16xf32>,
      %get3A_1009 = arith.index_cast %scan3A_994 : i32 to index
      %get3A_1010 = arith.constant 16 : index
      %get3A_1011 = tpu.vector_load %arg8[%get3A_1009, %get3A_1010] {strides = array<i32>} : memref<64x128xf32, #tpu.memory_space<vmem>>, vector<1x16xf32>,
      %get3A_1012 = vector.shape_cast %get3A_1011 : vector<1x16xf32> to vector<16xf32>
      %neg3A_1013 = arith.constant 0.000000e+00 : f32
      %neg3A_1014 = vector.broadcast %neg3A_1013 : f32 to vector<16xf32>
      %neg3A_1015 = arith.subf %neg3A_1014, %get3A_1012 : vector<16xf32>
      %exp3A_1016 = math.exp %neg3A_1015 : vector<16xf32>
      %add3A_1017 = arith.constant 1.000000e+00 : f32
      %add3A_1018 = vector.broadcast %add3A_1017 : f32 to vector<16xf32>
      %add3A_1019 = arith.addf %add3A_1018, %exp3A_1016 : vector<16xf32>
      %div3A_1020 = arith.constant 1.000000e+00 : f32
      %div3A_1021 = vector.broadcast %div3A_1020 : f32 to vector<16xf32>
      %div3A_1022 = arith.divf %div3A_1021, %add3A_1019 : vector<16xf32>
      %swap3A_1023 = arith.index_cast %scan3A_994 : i32 to index
      %swap3A_1024 = arith.constant 16 : index
      %swap3A_1025 = tpu.vector_load %arg8[%swap3A_1023, %swap3A_1024] {strides = array<i32>} : memref<64x128xf32, #tpu.memory_space<vmem>>, vector<1x16xf32>,
      %swap3A_1026 = vector.shape_cast %swap3A_1025 : vector<1x16xf32> to vector<16xf32>
      %swap3A_1027 = vector.shape_cast %div3A_1022 : vector<16xf32> to vector<1x16xf32>
      tpu.vector_store %arg8[%swap3A_1023, %swap3A_1024], %swap3A_1027 {strides = array<i32>} : memref<64x128xf32, #tpu.memory_space<vmem>>, vector<1x16xf32>,
      %get3A_1028 = arith.index_cast %scan3A_994 : i32 to index
      %get3A_1029 = arith.constant 32 : index
      %get3A_1030 = tpu.vector_load %arg8[%get3A_1028, %get3A_1029] {strides = array<i32>} : memref<64x128xf32, #tpu.memory_space<vmem>>, vector<1x16xf32>,
      %get3A_1031 = vector.shape_cast %get3A_1030 : vector<1x16xf32> to vector<16xf32>
      %neg3A_1032 = arith.constant 0.000000e+00 : f32
      %neg3A_1033 = vector.broadcast %neg3A_1032 : f32 to vector<16xf32>
      %neg3A_1034 = arith.subf %neg3A_1033, %get3A_1031 : vector<16xf32>
      %exp3A_1035 = math.exp %neg3A_1034 : vector<16xf32>
      %add3A_1036 = arith.constant 1.000000e+00 : f32
      %add3A_1037 = vector.broadcast %add3A_1036 : f32 to vector<16xf32>
      %add3A_1038 = arith.addf %add3A_1037, %exp3A_1035 : vector<16xf32>
      %div3A_1039 = arith.constant 1.000000e+00 : f32
      %div3A_1040 = vector.broadcast %div3A_1039 : f32 to vector<16xf32>
      %div3A_1041 = arith.divf %div3A_1040, %add3A_1038 : vector<16xf32>
      %swap3A_1042 = arith.index_cast %scan3A_994 : i32 to index
      %swap3A_1043 = arith.constant 32 : index
      %swap3A_1044 = tpu.vector_load %arg8[%swap3A_1042, %swap3A_1043] {strides = array<i32>} : memref<64x128xf32, #tpu.memory_space<vmem>>, vector<1x16xf32>,
      %swap3A_1045 = vector.shape_cast %swap3A_1044 : vector<1x16xf32> to vector<16xf32>
      %swap3A_1046 = vector.shape_cast %div3A_1041 : vector<16xf32> to vector<1x16xf32>
      tpu.vector_store %arg8[%swap3A_1042, %swap3A_1043], %swap3A_1046 {strides = array<i32>} : memref<64x128xf32, #tpu.memory_space<vmem>>, vector<1x16xf32>,
      %get3A_1047 = arith.index_cast %scan3A_994 : i32 to index
      %get3A_1048 = arith.constant 48 : index
      %get3A_1049 = tpu.vector_load %arg8[%get3A_1047, %get3A_1048] {strides = array<i32>} : memref<64x128xf32, #tpu.memory_space<vmem>>, vector<1x16xf32>,
      %get3A_1050 = vector.shape_cast %get3A_1049 : vector<1x16xf32> to vector<16xf32>
      %neg3A_1051 = arith.constant 0.000000e+00 : f32
      %neg3A_1052 = vector.broadcast %neg3A_1051 : f32 to vector<16xf32>
      %neg3A_1053 = arith.subf %neg3A_1052, %get3A_1050 : vector<16xf32>
      %exp3A_1054 = math.exp %neg3A_1053 : vector<16xf32>
      %add3A_1055 = arith.constant 1.000000e+00 : f32
      %add3A_1056 = vector.broadcast %add3A_1055 : f32 to vector<16xf32>
      %add3A_1057 = arith.addf %add3A_1056, %exp3A_1054 : vector<16xf32>
      %div3A_1058 = arith.constant 1.000000e+00 : f32
      %div3A_1059 = vector.broadcast %div3A_1058 : f32 to vector<16xf32>
      %div3A_1060 = arith.divf %div3A_1059, %add3A_1057 : vector<16xf32>
      %swap3A_1061 = arith.index_cast %scan3A_994 : i32 to index
      %swap3A_1062 = arith.constant 48 : index
      %swap3A_1063 = tpu.vector_load %arg8[%swap3A_1061, %swap3A_1062] {strides = array<i32>} : memref<64x128xf32, #tpu.memory_space<vmem>>, vector<1x16xf32>,
      %swap3A_1064 = vector.shape_cast %swap3A_1063 : vector<1x16xf32> to vector<16xf32>
      %swap3A_1065 = vector.shape_cast %div3A_1060 : vector<16xf32> to vector<1x16xf32>
      tpu.vector_store %arg8[%swap3A_1061, %swap3A_1062], %swap3A_1065 {strides = array<i32>} : memref<64x128xf32, #tpu.memory_space<vmem>>, vector<1x16xf32>,
      %get3A_1066 = arith.index_cast %scan3A_994 : i32 to index
      %get3A_1067 = arith.constant 64 : index
      %get3A_1068 = tpu.vector_load %arg8[%get3A_1066, %get3A_1067] {strides = array<i32>} : memref<64x128xf32, #tpu.memory_space<vmem>>, vector<1x16xf32>,
      %get3A_1069 = vector.shape_cast %get3A_1068 : vector<1x16xf32> to vector<16xf32>
      %neg3A_1070 = arith.constant 0.000000e+00 : f32
      %neg3A_1071 = vector.broadcast %neg3A_1070 : f32 to vector<16xf32>
      %neg3A_1072 = arith.subf %neg3A_1071, %get3A_1069 : vector<16xf32>
      %exp3A_1073 = math.exp %neg3A_1072 : vector<16xf32>
      %add3A_1074 = arith.constant 1.000000e+00 : f32
      %add3A_1075 = vector.broadcast %add3A_1074 : f32 to vector<16xf32>
      %add3A_1076 = arith.addf %add3A_1075, %exp3A_1073 : vector<16xf32>
      %div3A_1077 = arith.constant 1.000000e+00 : f32
      %div3A_1078 = vector.broadcast %div3A_1077 : f32 to vector<16xf32>
      %div3A_1079 = arith.divf %div3A_1078, %add3A_1076 : vector<16xf32>
      %swap3A_1080 = arith.index_cast %scan3A_994 : i32 to index
      %swap3A_1081 = arith.constant 64 : index
      %swap3A_1082 = tpu.vector_load %arg8[%swap3A_1080, %swap3A_1081] {strides = array<i32>} : memref<64x128xf32, #tpu.memory_space<vmem>>, vector<1x16xf32>,
      %swap3A_1083 = vector.shape_cast %swap3A_1082 : vector<1x16xf32> to vector<16xf32>
      %swap3A_1084 = vector.shape_cast %div3A_1079 : vector<16xf32> to vector<1x16xf32>
      tpu.vector_store %arg8[%swap3A_1080, %swap3A_1081], %swap3A_1084 {strides = array<i32>} : memref<64x128xf32, #tpu.memory_space<vmem>>, vector<1x16xf32>,
      %get3A_1085 = arith.index_cast %scan3A_994 : i32 to index
      %get3A_1086 = arith.constant 80 : index
      %get3A_1087 = tpu.vector_load %arg8[%get3A_1085, %get3A_1086] {strides = array<i32>} : memref<64x128xf32, #tpu.memory_space<vmem>>, vector<1x16xf32>,
      %get3A_1088 = vector.shape_cast %get3A_1087 : vector<1x16xf32> to vector<16xf32>
      %neg3A_1089 = arith.constant 0.000000e+00 : f32
      %neg3A_1090 = vector.broadcast %neg3A_1089 : f32 to vector<16xf32>
      %neg3A_1091 = arith.subf %neg3A_1090, %get3A_1088 : vector<16xf32>
      %exp3A_1092 = math.exp %neg3A_1091 : vector<16xf32>
      %add3A_1093 = arith.constant 1.000000e+00 : f32
      %add3A_1094 = vector.broadcast %add3A_1093 : f32 to vector<16xf32>
      %add3A_1095 = arith.addf %add3A_1094, %exp3A_1092 : vector<16xf32>
      %div3A_1096 = arith.constant 1.000000e+00 : f32
      %div3A_1097 = vector.broadcast %div3A_1096 : f32 to vector<16xf32>
      %div3A_1098 = arith.divf %div3A_1097, %add3A_1095 : vector<16xf32>
      %swap3A_1099 = arith.index_cast %scan3A_994 : i32 to index
      %swap3A_1100 = arith.constant 80 : index
      %swap3A_1101 = tpu.vector_load %arg8[%swap3A_1099, %swap3A_1100] {strides = array<i32>} : memref<64x128xf32, #tpu.memory_space<vmem>>, vector<1x16xf32>,
      %swap3A_1102 = vector.shape_cast %swap3A_1101 : vector<1x16xf32> to vector<16xf32>
      %swap3A_1103 = vector.shape_cast %div3A_1098 : vector<16xf32> to vector<1x16xf32>
      tpu.vector_store %arg8[%swap3A_1099, %swap3A_1100], %swap3A_1103 {strides = array<i32>} : memref<64x128xf32, #tpu.memory_space<vmem>>, vector<1x16xf32>,
      %get3A_1104 = arith.index_cast %scan3A_994 : i32 to index
      %get3A_1105 = arith.constant 96 : index
      %get3A_1106 = tpu.vector_load %arg8[%get3A_1104, %get3A_1105] {strides = array<i32>} : memref<64x128xf32, #tpu.memory_space<vmem>>, vector<1x16xf32>,
      %get3A_1107 = vector.shape_cast %get3A_1106 : vector<1x16xf32> to vector<16xf32>
      %neg3A_1108 = arith.constant 0.000000e+00 : f32
      %neg3A_1109 = vector.broadcast %neg3A_1108 : f32 to vector<16xf32>
      %neg3A_1110 = arith.subf %neg3A_1109, %get3A_1107 : vector<16xf32>
      %exp3A_1111 = math.exp %neg3A_1110 : vector<16xf32>
      %add3A_1112 = arith.constant 1.000000e+00 : f32
      %add3A_1113 = vector.broadcast %add3A_1112 : f32 to vector<16xf32>
      %add3A_1114 = arith.addf %add3A_1113, %exp3A_1111 : vector<16xf32>
      %div3A_1115 = arith.constant 1.000000e+00 : f32
      %div3A_1116 = vector.broadcast %div3A_1115 : f32 to vector<16xf32>
      %div3A_1117 = arith.divf %div3A_1116, %add3A_1114 : vector<16xf32>
      %swap3A_1118 = arith.index_cast %scan3A_994 : i32 to index
      %swap3A_1119 = arith.constant 96 : index
      %swap3A_1120 = tpu.vector_load %arg8[%swap3A_1118, %swap3A_1119] {strides = array<i32>} : memref<64x128xf32, #tpu.memory_space<vmem>>, vector<1x16xf32>,
      %swap3A_1121 = vector.shape_cast %swap3A_1120 : vector<1x16xf32> to vector<16xf32>
      %swap3A_1122 = vector.shape_cast %div3A_1117 : vector<16xf32> to vector<1x16xf32>
      tpu.vector_store %arg8[%swap3A_1118, %swap3A_1119], %swap3A_1122 {strides = array<i32>} : memref<64x128xf32, #tpu.memory_space<vmem>>, vector<1x16xf32>,
      %get3A_1123 = arith.index_cast %scan3A_994 : i32 to index
      %get3A_1124 = arith.constant 112 : index
      %get3A_1125 = tpu.vector_load %arg8[%get3A_1123, %get3A_1124] {strides = array<i32>} : memref<64x128xf32, #tpu.memory_space<vmem>>, vector<1x16xf32>,
      %get3A_1126 = vector.shape_cast %get3A_1125 : vector<1x16xf32> to vector<16xf32>
      %neg3A_1127 = arith.constant 0.000000e+00 : f32
      %neg3A_1128 = vector.broadcast %neg3A_1127 : f32 to vector<16xf32>
      %neg3A_1129 = arith.subf %neg3A_1128, %get3A_1126 : vector<16xf32>
      %exp3A_1130 = math.exp %neg3A_1129 : vector<16xf32>
      %add3A_1131 = arith.constant 1.000000e+00 : f32
      %add3A_1132 = vector.broadcast %add3A_1131 : f32 to vector<16xf32>
      %add3A_1133 = arith.addf %add3A_1132, %exp3A_1130 : vector<16xf32>
      %div3A_1134 = arith.constant 1.000000e+00 : f32
      %div3A_1135 = vector.broadcast %div3A_1134 : f32 to vector<16xf32>
      %div3A_1136 = arith.divf %div3A_1135, %add3A_1133 : vector<16xf32>
      %swap3A_1137 = arith.index_cast %scan3A_994 : i32 to index
      %swap3A_1138 = arith.constant 112 : index
      %swap3A_1139 = tpu.vector_load %arg8[%swap3A_1137, %swap3A_1138] {strides = array<i32>} : memref<64x128xf32, #tpu.memory_space<vmem>>, vector<1x16xf32>,
      %swap3A_1140 = vector.shape_cast %swap3A_1139 : vector<1x16xf32> to vector<16xf32>
      %swap3A_1141 = vector.shape_cast %div3A_1136 : vector<16xf32> to vector<1x16xf32>
      tpu.vector_store %arg8[%swap3A_1137, %swap3A_1138], %swap3A_1141 {strides = array<i32>} : memref<64x128xf32, #tpu.memory_space<vmem>>, vector<1x16xf32>,
    }
    %scan3A_395 = arith.constant 40 : i32
    %add3A_396 = arith.constant 96 : i32
    %add3A_397 = arith.addi %arg1, %add3A_396 : i32
    %mul3A_398 = arith.constant 40 : i32
    %mul3A_399 = arith.muli %add3A_397, %mul3A_398 : i32
    %dma_start3A_400 = arith.constant 0 : i32
    %dma_start3A_401 = arith.constant 0 : i32
    %dma_start3A_402 = tpu.memref_slice %arg8[%dma_start3A_400, %dma_start3A_401] : memref<64x128xf32, #tpu.memory_space<vmem>> -> memref<40x128xf32, #tpu.memory_space<vmem>>
    %dma_start3A_403 = arith.constant 0 : i32
    %dma_start3A_404 = tpu.memref_slice %arg10[%mul3A_399, %dma_start3A_403] : memref<10000x128xf32, #tpu.memory_space<vmem_shared>> -> memref<40x128xf32, #tpu.memory_space<vmem_shared>>
    %dma_start3A_405 = arith.constant 0 : i32
    %dma_start3A_406 = tpu.memref_slice %arg10[%mul3A_399, %dma_start3A_405] : memref<10000x128xf32, #tpu.memory_space<vmem_shared>> -> memref<40x128xf32, #tpu.memory_space<vmem_shared>>
    %dma_start3A_407 = arith.constant 0 : i32
    %dma_start3A_408 = arith.constant 0 : i32
    %dma_start3A_409 = tpu.memref_slice %arg8[%dma_start3A_407, %dma_start3A_408] : memref<64x128xf32, #tpu.memory_space<vmem>> -> memref<40x128xf32, #tpu.memory_space<vmem>>
    tpu.enqueue_dma source(%dma_start3A_409 : memref<40x128xf32, #tpu.memory_space<vmem>>) target(%dma_start3A_406 : memref<40x128xf32, #tpu.memory_space<vmem_shared>>) target_semaphore(%arg13 : memref<!tpu.dma_semaphore, #tpu.memory_space<semaphore_mem>>)
    %dma_wait3A_410 = arith.constant 0 : i32
    %dma_wait3A_411 = arith.constant 0 : i32
    %dma_wait3A_412 = tpu.memref_slice %arg7[%dma_wait3A_410, %dma_wait3A_411] : memref<64x128xf32, #tpu.memory_space<vmem>> -> memref<40x128xf32, #tpu.memory_space<vmem>>
    %dma_wait3A_413 = arith.constant 0 : i32
    %dma_wait3A_414 = arith.constant 0 : i32
    %dma_wait3A_415 = tpu.memref_slice %arg2[%dma_wait3A_413, %dma_wait3A_414] : memref<10000x128xf32, #tpu.memory_space<hbm>> -> memref<40x128xf32, #tpu.memory_space<hbm>>
    %dma_wait3A_416 = arith.constant 0 : i32
    %dma_wait3A_417 = arith.constant 0 : i32
    %dma_wait3A_418 = tpu.memref_slice %arg7[%dma_wait3A_416, %dma_wait3A_417] : memref<64x128xf32, #tpu.memory_space<vmem>> -> memref<40x128xf32, #tpu.memory_space<vmem>>
    %dma_wait3A_419 = arith.constant 0 : i32
    %dma_wait3A_420 = arith.constant 0 : i32
    %dma_wait3A_421 = tpu.memref_slice %arg2[%dma_wait3A_419, %dma_wait3A_420] : memref<10000x128xf32, #tpu.memory_space<hbm>> -> memref<40x128xf32, #tpu.memory_space<hbm>>
    tpu.wait_dma2 semaphore(%arg12 : memref<!tpu.dma_semaphore, #tpu.memory_space<semaphore_mem>>) src(%dma_wait3A_421 : memref<40x128xf32, #tpu.memory_space<hbm>>) dst(%dma_wait3A_418 : memref<40x128xf32, #tpu.memory_space<vmem>>)
    %add3A_422 = arith.constant 144 : i32
    %add3A_423 = arith.addi %arg1, %add3A_422 : i32
    %mul3A_424 = arith.constant 40 : i32
    %mul3A_425 = arith.muli %add3A_423, %mul3A_424 : i32
    %dma_start3A_426 = arith.constant 0 : i32
    %dma_start3A_427 = arith.constant 0 : i32
    %dma_start3A_428 = tpu.memref_slice %arg7[%dma_start3A_426, %dma_start3A_427] : memref<64x128xf32, #tpu.memory_space<vmem>> -> memref<40x128xf32, #tpu.memory_space<vmem>>
    %dma_start3A_429 = arith.constant 0 : i32
    %dma_start3A_430 = tpu.memref_slice %arg2[%mul3A_425, %dma_start3A_429] : memref<10000x128xf32, #tpu.memory_space<hbm>> -> memref<40x128xf32, #tpu.memory_space<hbm>>
    %dma_start3A_431 = arith.constant 0 : i32
    %dma_start3A_432 = arith.constant 0 : i32
    %dma_start3A_433 = tpu.memref_slice %arg7[%dma_start3A_431, %dma_start3A_432] : memref<64x128xf32, #tpu.memory_space<vmem>> -> memref<40x128xf32, #tpu.memory_space<vmem>>
    %dma_start3A_434 = arith.constant 0 : i32
    %dma_start3A_435 = tpu.memref_slice %arg2[%mul3A_425, %dma_start3A_434] : memref<10000x128xf32, #tpu.memory_space<hbm>> -> memref<40x128xf32, #tpu.memory_space<hbm>>
    tpu.enqueue_dma source(%dma_start3A_435 : memref<40x128xf32, #tpu.memory_space<hbm>>) target(%dma_start3A_433 : memref<40x128xf32, #tpu.memory_space<vmem>>) target_semaphore(%arg12 : memref<!tpu.dma_semaphore, #tpu.memory_space<semaphore_mem>>)
    %dma_wait3A_436 = arith.constant 0 : i32
    %dma_wait3A_437 = arith.constant 0 : i32
    %dma_wait3A_438 = tpu.memref_slice %arg9[%dma_wait3A_436, %dma_wait3A_437] : memref<64x128xf32, #tpu.memory_space<vmem>> -> memref<40x128xf32, #tpu.memory_space<vmem>>
    %dma_wait3A_439 = arith.constant 0 : i32
    %dma_wait3A_440 = arith.constant 0 : i32
    %dma_wait3A_441 = tpu.memref_slice %arg2[%dma_wait3A_439, %dma_wait3A_440] : memref<10000x128xf32, #tpu.memory_space<hbm>> -> memref<40x128xf32, #tpu.memory_space<hbm>>
    %dma_wait3A_442 = arith.constant 0 : i32
    %dma_wait3A_443 = arith.constant 0 : i32
    %dma_wait3A_444 = tpu.memref_slice %arg9[%dma_wait3A_442, %dma_wait3A_443] : memref<64x128xf32, #tpu.memory_space<vmem>> -> memref<40x128xf32, #tpu.memory_space<vmem>>
    %dma_wait3A_445 = arith.constant 0 : i32
    %dma_wait3A_446 = arith.constant 0 : i32
    %dma_wait3A_447 = tpu.memref_slice %arg2[%dma_wait3A_445, %dma_wait3A_446] : memref<10000x128xf32, #tpu.memory_space<hbm>> -> memref<40x128xf32, #tpu.memory_space<hbm>>
    tpu.wait_dma2 semaphore(%arg14 : memref<!tpu.dma_semaphore, #tpu.memory_space<semaphore_mem>>) src(%dma_wait3A_447 : memref<40x128xf32, #tpu.memory_space<hbm>>) dst(%dma_wait3A_444 : memref<40x128xf32, #tpu.memory_space<vmem>>)
    %scan3A_448 = arith.constant 0 : i32
    %scan3A_449 = arith.constant 0 : i32
    %scan3A_450 = arith.constant 40 : i32
    %scan3A_451 = arith.addi %scan3A_449, %scan3A_450 : i32
    %scan3A_452 = arith.constant 1 : i32
    scf.for %scan3A_994 = %scan3A_449 to %scan3A_451 step %scan3A_452  : i32 {
      %get3A = arith.index_cast %scan3A_994 : i32 to index
      %get3A_995 = arith.constant 0 : index
      %get3A_996 = tpu.vector_load %arg9[%get3A, %get3A_995] {strides = array<i32>} : memref<64x128xf32, #tpu.memory_space<vmem>>, vector<1x16xf32>,
      %get3A_997 = vector.shape_cast %get3A_996 : vector<1x16xf32> to vector<16xf32>
      %neg3A = arith.constant 0.000000e+00 : f32
      %neg3A_998 = vector.broadcast %neg3A : f32 to vector<16xf32>
      %neg3A_999 = arith.subf %neg3A_998, %get3A_997 : vector<16xf32>
      %exp3A = math.exp %neg3A_999 : vector<16xf32>
      %add3A_1000 = arith.constant 1.000000e+00 : f32
      %add3A_1001 = vector.broadcast %add3A_1000 : f32 to vector<16xf32>
      %add3A_1002 = arith.addf %add3A_1001, %exp3A : vector<16xf32>
      %div3A = arith.constant 1.000000e+00 : f32
      %div3A_1003 = vector.broadcast %div3A : f32 to vector<16xf32>
      %div3A_1004 = arith.divf %div3A_1003, %add3A_1002 : vector<16xf32>
      %swap3A = arith.index_cast %scan3A_994 : i32 to index
      %swap3A_1005 = arith.constant 0 : index
      %swap3A_1006 = tpu.vector_load %arg9[%swap3A, %swap3A_1005] {strides = array<i32>} : memref<64x128xf32, #tpu.memory_space<vmem>>, vector<1x16xf32>,
      %swap3A_1007 = vector.shape_cast %swap3A_1006 : vector<1x16xf32> to vector<16xf32>
      %swap3A_1008 = vector.shape_cast %div3A_1004 : vector<16xf32> to vector<1x16xf32>
      tpu.vector_store %arg9[%swap3A, %swap3A_1005], %swap3A_1008 {strides = array<i32>} : memref<64x128xf32, #tpu.memory_space<vmem>>, vector<1x16xf32>,
      %get3A_1009 = arith.index_cast %scan3A_994 : i32 to index
      %get3A_1010 = arith.constant 16 : index
      %get3A_1011 = tpu.vector_load %arg9[%get3A_1009, %get3A_1010] {strides = array<i32>} : memref<64x128xf32, #tpu.memory_space<vmem>>, vector<1x16xf32>,
      %get3A_1012 = vector.shape_cast %get3A_1011 : vector<1x16xf32> to vector<16xf32>
      %neg3A_1013 = arith.constant 0.000000e+00 : f32
      %neg3A_1014 = vector.broadcast %neg3A_1013 : f32 to vector<16xf32>
      %neg3A_1015 = arith.subf %neg3A_1014, %get3A_1012 : vector<16xf32>
      %exp3A_1016 = math.exp %neg3A_1015 : vector<16xf32>
      %add3A_1017 = arith.constant 1.000000e+00 : f32
      %add3A_1018 = vector.broadcast %add3A_1017 : f32 to vector<16xf32>
      %add3A_1019 = arith.addf %add3A_1018, %exp3A_1016 : vector<16xf32>
      %div3A_1020 = arith.constant 1.000000e+00 : f32
      %div3A_1021 = vector.broadcast %div3A_1020 : f32 to vector<16xf32>
      %div3A_1022 = arith.divf %div3A_1021, %add3A_1019 : vector<16xf32>
      %swap3A_1023 = arith.index_cast %scan3A_994 : i32 to index
      %swap3A_1024 = arith.constant 16 : index
      %swap3A_1025 = tpu.vector_load %arg9[%swap3A_1023, %swap3A_1024] {strides = array<i32>} : memref<64x128xf32, #tpu.memory_space<vmem>>, vector<1x16xf32>,
      %swap3A_1026 = vector.shape_cast %swap3A_1025 : vector<1x16xf32> to vector<16xf32>
      %swap3A_1027 = vector.shape_cast %div3A_1022 : vector<16xf32> to vector<1x16xf32>
      tpu.vector_store %arg9[%swap3A_1023, %swap3A_1024], %swap3A_1027 {strides = array<i32>} : memref<64x128xf32, #tpu.memory_space<vmem>>, vector<1x16xf32>,
      %get3A_1028 = arith.index_cast %scan3A_994 : i32 to index
      %get3A_1029 = arith.constant 32 : index
      %get3A_1030 = tpu.vector_load %arg9[%get3A_1028, %get3A_1029] {strides = array<i32>} : memref<64x128xf32, #tpu.memory_space<vmem>>, vector<1x16xf32>,
      %get3A_1031 = vector.shape_cast %get3A_1030 : vector<1x16xf32> to vector<16xf32>
      %neg3A_1032 = arith.constant 0.000000e+00 : f32
      %neg3A_1033 = vector.broadcast %neg3A_1032 : f32 to vector<16xf32>
      %neg3A_1034 = arith.subf %neg3A_1033, %get3A_1031 : vector<16xf32>
      %exp3A_1035 = math.exp %neg3A_1034 : vector<16xf32>
      %add3A_1036 = arith.constant 1.000000e+00 : f32
      %add3A_1037 = vector.broadcast %add3A_1036 : f32 to vector<16xf32>
      %add3A_1038 = arith.addf %add3A_1037, %exp3A_1035 : vector<16xf32>
      %div3A_1039 = arith.constant 1.000000e+00 : f32
      %div3A_1040 = vector.broadcast %div3A_1039 : f32 to vector<16xf32>
      %div3A_1041 = arith.divf %div3A_1040, %add3A_1038 : vector<16xf32>
      %swap3A_1042 = arith.index_cast %scan3A_994 : i32 to index
      %swap3A_1043 = arith.constant 32 : index
      %swap3A_1044 = tpu.vector_load %arg9[%swap3A_1042, %swap3A_1043] {strides = array<i32>} : memref<64x128xf32, #tpu.memory_space<vmem>>, vector<1x16xf32>,
      %swap3A_1045 = vector.shape_cast %swap3A_1044 : vector<1x16xf32> to vector<16xf32>
      %swap3A_1046 = vector.shape_cast %div3A_1041 : vector<16xf32> to vector<1x16xf32>
      tpu.vector_store %arg9[%swap3A_1042, %swap3A_1043], %swap3A_1046 {strides = array<i32>} : memref<64x128xf32, #tpu.memory_space<vmem>>, vector<1x16xf32>,
      %get3A_1047 = arith.index_cast %scan3A_994 : i32 to index
      %get3A_1048 = arith.constant 48 : index
      %get3A_1049 = tpu.vector_load %arg9[%get3A_1047, %get3A_1048] {strides = array<i32>} : memref<64x128xf32, #tpu.memory_space<vmem>>, vector<1x16xf32>,
      %get3A_1050 = vector.shape_cast %get3A_1049 : vector<1x16xf32> to vector<16xf32>
      %neg3A_1051 = arith.constant 0.000000e+00 : f32
      %neg3A_1052 = vector.broadcast %neg3A_1051 : f32 to vector<16xf32>
      %neg3A_1053 = arith.subf %neg3A_1052, %get3A_1050 : vector<16xf32>
      %exp3A_1054 = math.exp %neg3A_1053 : vector<16xf32>
      %add3A_1055 = arith.constant 1.000000e+00 : f32
      %add3A_1056 = vector.broadcast %add3A_1055 : f32 to vector<16xf32>
      %add3A_1057 = arith.addf %add3A_1056, %exp3A_1054 : vector<16xf32>
      %div3A_1058 = arith.constant 1.000000e+00 : f32
      %div3A_1059 = vector.broadcast %div3A_1058 : f32 to vector<16xf32>
      %div3A_1060 = arith.divf %div3A_1059, %add3A_1057 : vector<16xf32>
      %swap3A_1061 = arith.index_cast %scan3A_994 : i32 to index
      %swap3A_1062 = arith.constant 48 : index
      %swap3A_1063 = tpu.vector_load %arg9[%swap3A_1061, %swap3A_1062] {strides = array<i32>} : memref<64x128xf32, #tpu.memory_space<vmem>>, vector<1x16xf32>,
      %swap3A_1064 = vector.shape_cast %swap3A_1063 : vector<1x16xf32> to vector<16xf32>
      %swap3A_1065 = vector.shape_cast %div3A_1060 : vector<16xf32> to vector<1x16xf32>
      tpu.vector_store %arg9[%swap3A_1061, %swap3A_1062], %swap3A_1065 {strides = array<i32>} : memref<64x128xf32, #tpu.memory_space<vmem>>, vector<1x16xf32>,
      %get3A_1066 = arith.index_cast %scan3A_994 : i32 to index
      %get3A_1067 = arith.constant 64 : index
      %get3A_1068 = tpu.vector_load %arg9[%get3A_1066, %get3A_1067] {strides = array<i32>} : memref<64x128xf32, #tpu.memory_space<vmem>>, vector<1x16xf32>,
      %get3A_1069 = vector.shape_cast %get3A_1068 : vector<1x16xf32> to vector<16xf32>
      %neg3A_1070 = arith.constant 0.000000e+00 : f32
      %neg3A_1071 = vector.broadcast %neg3A_1070 : f32 to vector<16xf32>
      %neg3A_1072 = arith.subf %neg3A_1071, %get3A_1069 : vector<16xf32>
      %exp3A_1073 = math.exp %neg3A_1072 : vector<16xf32>
      %add3A_1074 = arith.constant 1.000000e+00 : f32
      %add3A_1075 = vector.broadcast %add3A_1074 : f32 to vector<16xf32>
      %add3A_1076 = arith.addf %add3A_1075, %exp3A_1073 : vector<16xf32>
      %div3A_1077 = arith.constant 1.000000e+00 : f32
      %div3A_1078 = vector.broadcast %div3A_1077 : f32 to vector<16xf32>
      %div3A_1079 = arith.divf %div3A_1078, %add3A_1076 : vector<16xf32>
      %swap3A_1080 = arith.index_cast %scan3A_994 : i32 to index
      %swap3A_1081 = arith.constant 64 : index
      %swap3A_1082 = tpu.vector_load %arg9[%swap3A_1080, %swap3A_1081] {strides = array<i32>} : memref<64x128xf32, #tpu.memory_space<vmem>>, vector<1x16xf32>,
      %swap3A_1083 = vector.shape_cast %swap3A_1082 : vector<1x16xf32> to vector<16xf32>
      %swap3A_1084 = vector.shape_cast %div3A_1079 : vector<16xf32> to vector<1x16xf32>
      tpu.vector_store %arg9[%swap3A_1080, %swap3A_1081], %swap3A_1084 {strides = array<i32>} : memref<64x128xf32, #tpu.memory_space<vmem>>, vector<1x16xf32>,
      %get3A_1085 = arith.index_cast %scan3A_994 : i32 to index
      %get3A_1086 = arith.constant 80 : index
      %get3A_1087 = tpu.vector_load %arg9[%get3A_1085, %get3A_1086] {strides = array<i32>} : memref<64x128xf32, #tpu.memory_space<vmem>>, vector<1x16xf32>,
      %get3A_1088 = vector.shape_cast %get3A_1087 : vector<1x16xf32> to vector<16xf32>
      %neg3A_1089 = arith.constant 0.000000e+00 : f32
      %neg3A_1090 = vector.broadcast %neg3A_1089 : f32 to vector<16xf32>
      %neg3A_1091 = arith.subf %neg3A_1090, %get3A_1088 : vector<16xf32>
      %exp3A_1092 = math.exp %neg3A_1091 : vector<16xf32>
      %add3A_1093 = arith.constant 1.000000e+00 : f32
      %add3A_1094 = vector.broadcast %add3A_1093 : f32 to vector<16xf32>
      %add3A_1095 = arith.addf %add3A_1094, %exp3A_1092 : vector<16xf32>
      %div3A_1096 = arith.constant 1.000000e+00 : f32
      %div3A_1097 = vector.broadcast %div3A_1096 : f32 to vector<16xf32>
      %div3A_1098 = arith.divf %div3A_1097, %add3A_1095 : vector<16xf32>
      %swap3A_1099 = arith.index_cast %scan3A_994 : i32 to index
      %swap3A_1100 = arith.constant 80 : index
      %swap3A_1101 = tpu.vector_load %arg9[%swap3A_1099, %swap3A_1100] {strides = array<i32>} : memref<64x128xf32, #tpu.memory_space<vmem>>, vector<1x16xf32>,
      %swap3A_1102 = vector.shape_cast %swap3A_1101 : vector<1x16xf32> to vector<16xf32>
      %swap3A_1103 = vector.shape_cast %div3A_1098 : vector<16xf32> to vector<1x16xf32>
      tpu.vector_store %arg9[%swap3A_1099, %swap3A_1100], %swap3A_1103 {strides = array<i32>} : memref<64x128xf32, #tpu.memory_space<vmem>>, vector<1x16xf32>,
      %get3A_1104 = arith.index_cast %scan3A_994 : i32 to index
      %get3A_1105 = arith.constant 96 : index
      %get3A_1106 = tpu.vector_load %arg9[%get3A_1104, %get3A_1105] {strides = array<i32>} : memref<64x128xf32, #tpu.memory_space<vmem>>, vector<1x16xf32>,
      %get3A_1107 = vector.shape_cast %get3A_1106 : vector<1x16xf32> to vector<16xf32>
      %neg3A_1108 = arith.constant 0.000000e+00 : f32
      %neg3A_1109 = vector.broadcast %neg3A_1108 : f32 to vector<16xf32>
      %neg3A_1110 = arith.subf %neg3A_1109, %get3A_1107 : vector<16xf32>
      %exp3A_1111 = math.exp %neg3A_1110 : vector<16xf32>
      %add3A_1112 = arith.constant 1.000000e+00 : f32
      %add3A_1113 = vector.broadcast %add3A_1112 : f32 to vector<16xf32>
      %add3A_1114 = arith.addf %add3A_1113, %exp3A_1111 : vector<16xf32>
      %div3A_1115 = arith.constant 1.000000e+00 : f32
      %div3A_1116 = vector.broadcast %div3A_1115 : f32 to vector<16xf32>
      %div3A_1117 = arith.divf %div3A_1116, %add3A_1114 : vector<16xf32>
      %swap3A_1118 = arith.index_cast %scan3A_994 : i32 to index
      %swap3A_1119 = arith.constant 96 : index
      %swap3A_1120 = tpu.vector_load %arg9[%swap3A_1118, %swap3A_1119] {strides = array<i32>} : memref<64x128xf32, #tpu.memory_space<vmem>>, vector<1x16xf32>,
      %swap3A_1121 = vector.shape_cast %swap3A_1120 : vector<1x16xf32> to vector<16xf32>
      %swap3A_1122 = vector.shape_cast %div3A_1117 : vector<16xf32> to vector<1x16xf32>
      tpu.vector_store %arg9[%swap3A_1118, %swap3A_1119], %swap3A_1122 {strides = array<i32>} : memref<64x128xf32, #tpu.memory_space<vmem>>, vector<1x16xf32>,
      %get3A_1123 = arith.index_cast %scan3A_994 : i32 to index
      %get3A_1124 = arith.constant 112 : index
      %get3A_1125 = tpu.vector_load %arg9[%get3A_1123, %get3A_1124] {strides = array<i32>} : memref<64x128xf32, #tpu.memory_space<vmem>>, vector<1x16xf32>,
      %get3A_1126 = vector.shape_cast %get3A_1125 : vector<1x16xf32> to vector<16xf32>
      %neg3A_1127 = arith.constant 0.000000e+00 : f32
      %neg3A_1128 = vector.broadcast %neg3A_1127 : f32 to vector<16xf32>
      %neg3A_1129 = arith.subf %neg3A_1128, %get3A_1126 : vector<16xf32>
      %exp3A_1130 = math.exp %neg3A_1129 : vector<16xf32>
      %add3A_1131 = arith.constant 1.000000e+00 : f32
      %add3A_1132 = vector.broadcast %add3A_1131 : f32 to vector<16xf32>
      %add3A_1133 = arith.addf %add3A_1132, %exp3A_1130 : vector<16xf32>
      %div3A_1134 = arith.constant 1.000000e+00 : f32
      %div3A_1135 = vector.broadcast %div3A_1134 : f32 to vector<16xf32>
      %div3A_1136 = arith.divf %div3A_1135, %add3A_1133 : vector<16xf32>
      %swap3A_1137 = arith.index_cast %scan3A_994 : i32 to index
      %swap3A_1138 = arith.constant 112 : index
      %swap3A_1139 = tpu.vector_load %arg9[%swap3A_1137, %swap3A_1138] {strides = array<i32>} : memref<64x128xf32, #tpu.memory_space<vmem>>, vector<1x16xf32>,
      %swap3A_1140 = vector.shape_cast %swap3A_1139 : vector<1x16xf32> to vector<16xf32>
      %swap3A_1141 = vector.shape_cast %div3A_1136 : vector<16xf32> to vector<1x16xf32>
      tpu.vector_store %arg9[%swap3A_1137, %swap3A_1138], %swap3A_1141 {strides = array<i32>} : memref<64x128xf32, #tpu.memory_space<vmem>>, vector<1x16xf32>,
    }
    %scan3A_453 = arith.constant 40 : i32
    %add3A_454 = arith.constant 112 : i32
    %add3A_455 = arith.addi %arg1, %add3A_454 : i32
    %mul3A_456 = arith.constant 40 : i32
    %mul3A_457 = arith.muli %add3A_455, %mul3A_456 : i32
    %dma_start3A_458 = arith.constant 0 : i32
    %dma_start3A_459 = arith.constant 0 : i32
    %dma_start3A_460 = tpu.memref_slice %arg9[%dma_start3A_458, %dma_start3A_459] : memref<64x128xf32, #tpu.memory_space<vmem>> -> memref<40x128xf32, #tpu.memory_space<vmem>>
    %dma_start3A_461 = arith.constant 0 : i32
    %dma_start3A_462 = tpu.memref_slice %arg10[%mul3A_457, %dma_start3A_461] : memref<10000x128xf32, #tpu.memory_space<vmem_shared>> -> memref<40x128xf32, #tpu.memory_space<vmem_shared>>
    %dma_start3A_463 = arith.constant 0 : i32
    %dma_start3A_464 = tpu.memref_slice %arg10[%mul3A_457, %dma_start3A_463] : memref<10000x128xf32, #tpu.memory_space<vmem_shared>> -> memref<40x128xf32, #tpu.memory_space<vmem_shared>>
    %dma_start3A_465 = arith.constant 0 : i32
    %dma_start3A_466 = arith.constant 0 : i32
    %dma_start3A_467 = tpu.memref_slice %arg9[%dma_start3A_465, %dma_start3A_466] : memref<64x128xf32, #tpu.memory_space<vmem>> -> memref<40x128xf32, #tpu.memory_space<vmem>>
    tpu.enqueue_dma source(%dma_start3A_467 : memref<40x128xf32, #tpu.memory_space<vmem>>) target(%dma_start3A_464 : memref<40x128xf32, #tpu.memory_space<vmem_shared>>) target_semaphore(%arg14 : memref<!tpu.dma_semaphore, #tpu.memory_space<semaphore_mem>>)
    %dma_wait3A_468 = arith.constant 0 : i32
    %dma_wait3A_469 = arith.constant 0 : i32
    %dma_wait3A_470 = tpu.memref_slice %arg8[%dma_wait3A_468, %dma_wait3A_469] : memref<64x128xf32, #tpu.memory_space<vmem>> -> memref<40x128xf32, #tpu.memory_space<vmem>>
    %dma_wait3A_471 = arith.constant 0 : i32
    %dma_wait3A_472 = arith.constant 0 : i32
    %dma_wait3A_473 = tpu.memref_slice %arg2[%dma_wait3A_471, %dma_wait3A_472] : memref<10000x128xf32, #tpu.memory_space<hbm>> -> memref<40x128xf32, #tpu.memory_space<hbm>>
    %dma_wait3A_474 = arith.constant 0 : i32
    %dma_wait3A_475 = arith.constant 0 : i32
    %dma_wait3A_476 = tpu.memref_slice %arg8[%dma_wait3A_474, %dma_wait3A_475] : memref<64x128xf32, #tpu.memory_space<vmem>> -> memref<40x128xf32, #tpu.memory_space<vmem>>
    %dma_wait3A_477 = arith.constant 0 : i32
    %dma_wait3A_478 = arith.constant 0 : i32
    %dma_wait3A_479 = tpu.memref_slice %arg2[%dma_wait3A_477, %dma_wait3A_478] : memref<10000x128xf32, #tpu.memory_space<hbm>> -> memref<40x128xf32, #tpu.memory_space<hbm>>
    tpu.wait_dma2 semaphore(%arg13 : memref<!tpu.dma_semaphore, #tpu.memory_space<semaphore_mem>>) src(%dma_wait3A_479 : memref<40x128xf32, #tpu.memory_space<hbm>>) dst(%dma_wait3A_476 : memref<40x128xf32, #tpu.memory_space<vmem>>)
    %add3A_480 = arith.constant 160 : i32
    %add3A_481 = arith.addi %arg1, %add3A_480 : i32
    %mul3A_482 = arith.constant 40 : i32
    %mul3A_483 = arith.muli %add3A_481, %mul3A_482 : i32
    %dma_start3A_484 = arith.constant 0 : i32
    %dma_start3A_485 = arith.constant 0 : i32
    %dma_start3A_486 = tpu.memref_slice %arg8[%dma_start3A_484, %dma_start3A_485] : memref<64x128xf32, #tpu.memory_space<vmem>> -> memref<40x128xf32, #tpu.memory_space<vmem>>
    %dma_start3A_487 = arith.constant 0 : i32
    %dma_start3A_488 = tpu.memref_slice %arg2[%mul3A_483, %dma_start3A_487] : memref<10000x128xf32, #tpu.memory_space<hbm>> -> memref<40x128xf32, #tpu.memory_space<hbm>>
    %dma_start3A_489 = arith.constant 0 : i32
    %dma_start3A_490 = arith.constant 0 : i32
    %dma_start3A_491 = tpu.memref_slice %arg8[%dma_start3A_489, %dma_start3A_490] : memref<64x128xf32, #tpu.memory_space<vmem>> -> memref<40x128xf32, #tpu.memory_space<vmem>>
    %dma_start3A_492 = arith.constant 0 : i32
    %dma_start3A_493 = tpu.memref_slice %arg2[%mul3A_483, %dma_start3A_492] : memref<10000x128xf32, #tpu.memory_space<hbm>> -> memref<40x128xf32, #tpu.memory_space<hbm>>
    tpu.enqueue_dma source(%dma_start3A_493 : memref<40x128xf32, #tpu.memory_space<hbm>>) target(%dma_start3A_491 : memref<40x128xf32, #tpu.memory_space<vmem>>) target_semaphore(%arg13 : memref<!tpu.dma_semaphore, #tpu.memory_space<semaphore_mem>>)
    %dma_wait3A_494 = arith.constant 0 : i32
    %dma_wait3A_495 = arith.constant 0 : i32
    %dma_wait3A_496 = tpu.memref_slice %arg6[%dma_wait3A_494, %dma_wait3A_495] : memref<64x128xf32, #tpu.memory_space<vmem>> -> memref<40x128xf32, #tpu.memory_space<vmem>>
    %dma_wait3A_497 = arith.constant 0 : i32
    %dma_wait3A_498 = arith.constant 0 : i32
    %dma_wait3A_499 = tpu.memref_slice %arg2[%dma_wait3A_497, %dma_wait3A_498] : memref<10000x128xf32, #tpu.memory_space<hbm>> -> memref<40x128xf32, #tpu.memory_space<hbm>>
    %dma_wait3A_500 = arith.constant 0 : i32
    %dma_wait3A_501 = arith.constant 0 : i32
    %dma_wait3A_502 = tpu.memref_slice %arg6[%dma_wait3A_500, %dma_wait3A_501] : memref<64x128xf32, #tpu.memory_space<vmem>> -> memref<40x128xf32, #tpu.memory_space<vmem>>
    %dma_wait3A_503 = arith.constant 0 : i32
    %dma_wait3A_504 = arith.constant 0 : i32
    %dma_wait3A_505 = tpu.memref_slice %arg2[%dma_wait3A_503, %dma_wait3A_504] : memref<10000x128xf32, #tpu.memory_space<hbm>> -> memref<40x128xf32, #tpu.memory_space<hbm>>
    tpu.wait_dma2 semaphore(%arg11 : memref<!tpu.dma_semaphore, #tpu.memory_space<semaphore_mem>>) src(%dma_wait3A_505 : memref<40x128xf32, #tpu.memory_space<hbm>>) dst(%dma_wait3A_502 : memref<40x128xf32, #tpu.memory_space<vmem>>)
    %scan3A_506 = arith.constant 0 : i32
    %scan3A_507 = arith.constant 0 : i32
    %scan3A_508 = arith.constant 40 : i32
    %scan3A_509 = arith.addi %scan3A_507, %scan3A_508 : i32
    %scan3A_510 = arith.constant 1 : i32
    scf.for %scan3A_994 = %scan3A_507 to %scan3A_509 step %scan3A_510  : i32 {
      %get3A = arith.index_cast %scan3A_994 : i32 to index
      %get3A_995 = arith.constant 0 : index
      %get3A_996 = tpu.vector_load %arg6[%get3A, %get3A_995] {strides = array<i32>} : memref<64x128xf32, #tpu.memory_space<vmem>>, vector<1x16xf32>,
      %get3A_997 = vector.shape_cast %get3A_996 : vector<1x16xf32> to vector<16xf32>
      %neg3A = arith.constant 0.000000e+00 : f32
      %neg3A_998 = vector.broadcast %neg3A : f32 to vector<16xf32>
      %neg3A_999 = arith.subf %neg3A_998, %get3A_997 : vector<16xf32>
      %exp3A = math.exp %neg3A_999 : vector<16xf32>
      %add3A_1000 = arith.constant 1.000000e+00 : f32
      %add3A_1001 = vector.broadcast %add3A_1000 : f32 to vector<16xf32>
      %add3A_1002 = arith.addf %add3A_1001, %exp3A : vector<16xf32>
      %div3A = arith.constant 1.000000e+00 : f32
      %div3A_1003 = vector.broadcast %div3A : f32 to vector<16xf32>
      %div3A_1004 = arith.divf %div3A_1003, %add3A_1002 : vector<16xf32>
      %swap3A = arith.index_cast %scan3A_994 : i32 to index
      %swap3A_1005 = arith.constant 0 : index
      %swap3A_1006 = tpu.vector_load %arg6[%swap3A, %swap3A_1005] {strides = array<i32>} : memref<64x128xf32, #tpu.memory_space<vmem>>, vector<1x16xf32>,
      %swap3A_1007 = vector.shape_cast %swap3A_1006 : vector<1x16xf32> to vector<16xf32>
      %swap3A_1008 = vector.shape_cast %div3A_1004 : vector<16xf32> to vector<1x16xf32>
      tpu.vector_store %arg6[%swap3A, %swap3A_1005], %swap3A_1008 {strides = array<i32>} : memref<64x128xf32, #tpu.memory_space<vmem>>, vector<1x16xf32>,
      %get3A_1009 = arith.index_cast %scan3A_994 : i32 to index
      %get3A_1010 = arith.constant 16 : index
      %get3A_1011 = tpu.vector_load %arg6[%get3A_1009, %get3A_1010] {strides = array<i32>} : memref<64x128xf32, #tpu.memory_space<vmem>>, vector<1x16xf32>,
      %get3A_1012 = vector.shape_cast %get3A_1011 : vector<1x16xf32> to vector<16xf32>
      %neg3A_1013 = arith.constant 0.000000e+00 : f32
      %neg3A_1014 = vector.broadcast %neg3A_1013 : f32 to vector<16xf32>
      %neg3A_1015 = arith.subf %neg3A_1014, %get3A_1012 : vector<16xf32>
      %exp3A_1016 = math.exp %neg3A_1015 : vector<16xf32>
      %add3A_1017 = arith.constant 1.000000e+00 : f32
      %add3A_1018 = vector.broadcast %add3A_1017 : f32 to vector<16xf32>
      %add3A_1019 = arith.addf %add3A_1018, %exp3A_1016 : vector<16xf32>
      %div3A_1020 = arith.constant 1.000000e+00 : f32
      %div3A_1021 = vector.broadcast %div3A_1020 : f32 to vector<16xf32>
      %div3A_1022 = arith.divf %div3A_1021, %add3A_1019 : vector<16xf32>
      %swap3A_1023 = arith.index_cast %scan3A_994 : i32 to index
      %swap3A_1024 = arith.constant 16 : index
      %swap3A_1025 = tpu.vector_load %arg6[%swap3A_1023, %swap3A_1024] {strides = array<i32>} : memref<64x128xf32, #tpu.memory_space<vmem>>, vector<1x16xf32>,
      %swap3A_1026 = vector.shape_cast %swap3A_1025 : vector<1x16xf32> to vector<16xf32>
      %swap3A_1027 = vector.shape_cast %div3A_1022 : vector<16xf32> to vector<1x16xf32>
      tpu.vector_store %arg6[%swap3A_1023, %swap3A_1024], %swap3A_1027 {strides = array<i32>} : memref<64x128xf32, #tpu.memory_space<vmem>>, vector<1x16xf32>,
      %get3A_1028 = arith.index_cast %scan3A_994 : i32 to index
      %get3A_1029 = arith.constant 32 : index
      %get3A_1030 = tpu.vector_load %arg6[%get3A_1028, %get3A_1029] {strides = array<i32>} : memref<64x128xf32, #tpu.memory_space<vmem>>, vector<1x16xf32>,
      %get3A_1031 = vector.shape_cast %get3A_1030 : vector<1x16xf32> to vector<16xf32>
      %neg3A_1032 = arith.constant 0.000000e+00 : f32
      %neg3A_1033 = vector.broadcast %neg3A_1032 : f32 to vector<16xf32>
      %neg3A_1034 = arith.subf %neg3A_1033, %get3A_1031 : vector<16xf32>
      %exp3A_1035 = math.exp %neg3A_1034 : vector<16xf32>
      %add3A_1036 = arith.constant 1.000000e+00 : f32
      %add3A_1037 = vector.broadcast %add3A_1036 : f32 to vector<16xf32>
      %add3A_1038 = arith.addf %add3A_1037, %exp3A_1035 : vector<16xf32>
      %div3A_1039 = arith.constant 1.000000e+00 : f32
      %div3A_1040 = vector.broadcast %div3A_1039 : f32 to vector<16xf32>
      %div3A_1041 = arith.divf %div3A_1040, %add3A_1038 : vector<16xf32>
      %swap3A_1042 = arith.index_cast %scan3A_994 : i32 to index
      %swap3A_1043 = arith.constant 32 : index
      %swap3A_1044 = tpu.vector_load %arg6[%swap3A_1042, %swap3A_1043] {strides = array<i32>} : memref<64x128xf32, #tpu.memory_space<vmem>>, vector<1x16xf32>,
      %swap3A_1045 = vector.shape_cast %swap3A_1044 : vector<1x16xf32> to vector<16xf32>
      %swap3A_1046 = vector.shape_cast %div3A_1041 : vector<16xf32> to vector<1x16xf32>
      tpu.vector_store %arg6[%swap3A_1042, %swap3A_1043], %swap3A_1046 {strides = array<i32>} : memref<64x128xf32, #tpu.memory_space<vmem>>, vector<1x16xf32>,
      %get3A_1047 = arith.index_cast %scan3A_994 : i32 to index
      %get3A_1048 = arith.constant 48 : index
      %get3A_1049 = tpu.vector_load %arg6[%get3A_1047, %get3A_1048] {strides = array<i32>} : memref<64x128xf32, #tpu.memory_space<vmem>>, vector<1x16xf32>,
      %get3A_1050 = vector.shape_cast %get3A_1049 : vector<1x16xf32> to vector<16xf32>
      %neg3A_1051 = arith.constant 0.000000e+00 : f32
      %neg3A_1052 = vector.broadcast %neg3A_1051 : f32 to vector<16xf32>
      %neg3A_1053 = arith.subf %neg3A_1052, %get3A_1050 : vector<16xf32>
      %exp3A_1054 = math.exp %neg3A_1053 : vector<16xf32>
      %add3A_1055 = arith.constant 1.000000e+00 : f32
      %add3A_1056 = vector.broadcast %add3A_1055 : f32 to vector<16xf32>
      %add3A_1057 = arith.addf %add3A_1056, %exp3A_1054 : vector<16xf32>
      %div3A_1058 = arith.constant 1.000000e+00 : f32
      %div3A_1059 = vector.broadcast %div3A_1058 : f32 to vector<16xf32>
      %div3A_1060 = arith.divf %div3A_1059, %add3A_1057 : vector<16xf32>
      %swap3A_1061 = arith.index_cast %scan3A_994 : i32 to index
      %swap3A_1062 = arith.constant 48 : index
      %swap3A_1063 = tpu.vector_load %arg6[%swap3A_1061, %swap3A_1062] {strides = array<i32>} : memref<64x128xf32, #tpu.memory_space<vmem>>, vector<1x16xf32>,
      %swap3A_1064 = vector.shape_cast %swap3A_1063 : vector<1x16xf32> to vector<16xf32>
      %swap3A_1065 = vector.shape_cast %div3A_1060 : vector<16xf32> to vector<1x16xf32>
      tpu.vector_store %arg6[%swap3A_1061, %swap3A_1062], %swap3A_1065 {strides = array<i32>} : memref<64x128xf32, #tpu.memory_space<vmem>>, vector<1x16xf32>,
      %get3A_1066 = arith.index_cast %scan3A_994 : i32 to index
      %get3A_1067 = arith.constant 64 : index
      %get3A_1068 = tpu.vector_load %arg6[%get3A_1066, %get3A_1067] {strides = array<i32>} : memref<64x128xf32, #tpu.memory_space<vmem>>, vector<1x16xf32>,
      %get3A_1069 = vector.shape_cast %get3A_1068 : vector<1x16xf32> to vector<16xf32>
      %neg3A_1070 = arith.constant 0.000000e+00 : f32
      %neg3A_1071 = vector.broadcast %neg3A_1070 : f32 to vector<16xf32>
      %neg3A_1072 = arith.subf %neg3A_1071, %get3A_1069 : vector<16xf32>
      %exp3A_1073 = math.exp %neg3A_1072 : vector<16xf32>
      %add3A_1074 = arith.constant 1.000000e+00 : f32
      %add3A_1075 = vector.broadcast %add3A_1074 : f32 to vector<16xf32>
      %add3A_1076 = arith.addf %add3A_1075, %exp3A_1073 : vector<16xf32>
      %div3A_1077 = arith.constant 1.000000e+00 : f32
      %div3A_1078 = vector.broadcast %div3A_1077 : f32 to vector<16xf32>
      %div3A_1079 = arith.divf %div3A_1078, %add3A_1076 : vector<16xf32>
      %swap3A_1080 = arith.index_cast %scan3A_994 : i32 to index
      %swap3A_1081 = arith.constant 64 : index
      %swap3A_1082 = tpu.vector_load %arg6[%swap3A_1080, %swap3A_1081] {strides = array<i32>} : memref<64x128xf32, #tpu.memory_space<vmem>>, vector<1x16xf32>,
      %swap3A_1083 = vector.shape_cast %swap3A_1082 : vector<1x16xf32> to vector<16xf32>
      %swap3A_1084 = vector.shape_cast %div3A_1079 : vector<16xf32> to vector<1x16xf32>
      tpu.vector_store %arg6[%swap3A_1080, %swap3A_1081], %swap3A_1084 {strides = array<i32>} : memref<64x128xf32, #tpu.memory_space<vmem>>, vector<1x16xf32>,
      %get3A_1085 = arith.index_cast %scan3A_994 : i32 to index
      %get3A_1086 = arith.constant 80 : index
      %get3A_1087 = tpu.vector_load %arg6[%get3A_1085, %get3A_1086] {strides = array<i32>} : memref<64x128xf32, #tpu.memory_space<vmem>>, vector<1x16xf32>,
      %get3A_1088 = vector.shape_cast %get3A_1087 : vector<1x16xf32> to vector<16xf32>
      %neg3A_1089 = arith.constant 0.000000e+00 : f32
      %neg3A_1090 = vector.broadcast %neg3A_1089 : f32 to vector<16xf32>
      %neg3A_1091 = arith.subf %neg3A_1090, %get3A_1088 : vector<16xf32>
      %exp3A_1092 = math.exp %neg3A_1091 : vector<16xf32>
      %add3A_1093 = arith.constant 1.000000e+00 : f32
      %add3A_1094 = vector.broadcast %add3A_1093 : f32 to vector<16xf32>
      %add3A_1095 = arith.addf %add3A_1094, %exp3A_1092 : vector<16xf32>
      %div3A_1096 = arith.constant 1.000000e+00 : f32
      %div3A_1097 = vector.broadcast %div3A_1096 : f32 to vector<16xf32>
      %div3A_1098 = arith.divf %div3A_1097, %add3A_1095 : vector<16xf32>
      %swap3A_1099 = arith.index_cast %scan3A_994 : i32 to index
      %swap3A_1100 = arith.constant 80 : index
      %swap3A_1101 = tpu.vector_load %arg6[%swap3A_1099, %swap3A_1100] {strides = array<i32>} : memref<64x128xf32, #tpu.memory_space<vmem>>, vector<1x16xf32>,
      %swap3A_1102 = vector.shape_cast %swap3A_1101 : vector<1x16xf32> to vector<16xf32>
      %swap3A_1103 = vector.shape_cast %div3A_1098 : vector<16xf32> to vector<1x16xf32>
      tpu.vector_store %arg6[%swap3A_1099, %swap3A_1100], %swap3A_1103 {strides = array<i32>} : memref<64x128xf32, #tpu.memory_space<vmem>>, vector<1x16xf32>,
      %get3A_1104 = arith.index_cast %scan3A_994 : i32 to index
      %get3A_1105 = arith.constant 96 : index
      %get3A_1106 = tpu.vector_load %arg6[%get3A_1104, %get3A_1105] {strides = array<i32>} : memref<64x128xf32, #tpu.memory_space<vmem>>, vector<1x16xf32>,
      %get3A_1107 = vector.shape_cast %get3A_1106 : vector<1x16xf32> to vector<16xf32>
      %neg3A_1108 = arith.constant 0.000000e+00 : f32
      %neg3A_1109 = vector.broadcast %neg3A_1108 : f32 to vector<16xf32>
      %neg3A_1110 = arith.subf %neg3A_1109, %get3A_1107 : vector<16xf32>
      %exp3A_1111 = math.exp %neg3A_1110 : vector<16xf32>
      %add3A_1112 = arith.constant 1.000000e+00 : f32
      %add3A_1113 = vector.broadcast %add3A_1112 : f32 to vector<16xf32>
      %add3A_1114 = arith.addf %add3A_1113, %exp3A_1111 : vector<16xf32>
      %div3A_1115 = arith.constant 1.000000e+00 : f32
      %div3A_1116 = vector.broadcast %div3A_1115 : f32 to vector<16xf32>
      %div3A_1117 = arith.divf %div3A_1116, %add3A_1114 : vector<16xf32>
      %swap3A_1118 = arith.index_cast %scan3A_994 : i32 to index
      %swap3A_1119 = arith.constant 96 : index
      %swap3A_1120 = tpu.vector_load %arg6[%swap3A_1118, %swap3A_1119] {strides = array<i32>} : memref<64x128xf32, #tpu.memory_space<vmem>>, vector<1x16xf32>,
      %swap3A_1121 = vector.shape_cast %swap3A_1120 : vector<1x16xf32> to vector<16xf32>
      %swap3A_1122 = vector.shape_cast %div3A_1117 : vector<16xf32> to vector<1x16xf32>
      tpu.vector_store %arg6[%swap3A_1118, %swap3A_1119], %swap3A_1122 {strides = array<i32>} : memref<64x128xf32, #tpu.memory_space<vmem>>, vector<1x16xf32>,
      %get3A_1123 = arith.index_cast %scan3A_994 : i32 to index
      %get3A_1124 = arith.constant 112 : index
      %get3A_1125 = tpu.vector_load %arg6[%get3A_1123, %get3A_1124] {strides = array<i32>} : memref<64x128xf32, #tpu.memory_space<vmem>>, vector<1x16xf32>,
      %get3A_1126 = vector.shape_cast %get3A_1125 : vector<1x16xf32> to vector<16xf32>
      %neg3A_1127 = arith.constant 0.000000e+00 : f32
      %neg3A_1128 = vector.broadcast %neg3A_1127 : f32 to vector<16xf32>
      %neg3A_1129 = arith.subf %neg3A_1128, %get3A_1126 : vector<16xf32>
      %exp3A_1130 = math.exp %neg3A_1129 : vector<16xf32>
      %add3A_1131 = arith.constant 1.000000e+00 : f32
      %add3A_1132 = vector.broadcast %add3A_1131 : f32 to vector<16xf32>
      %add3A_1133 = arith.addf %add3A_1132, %exp3A_1130 : vector<16xf32>
      %div3A_1134 = arith.constant 1.000000e+00 : f32
      %div3A_1135 = vector.broadcast %div3A_1134 : f32 to vector<16xf32>
      %div3A_1136 = arith.divf %div3A_1135, %add3A_1133 : vector<16xf32>
      %swap3A_1137 = arith.index_cast %scan3A_994 : i32 to index
      %swap3A_1138 = arith.constant 112 : index
      %swap3A_1139 = tpu.vector_load %arg6[%swap3A_1137, %swap3A_1138] {strides = array<i32>} : memref<64x128xf32, #tpu.memory_space<vmem>>, vector<1x16xf32>,
      %swap3A_1140 = vector.shape_cast %swap3A_1139 : vector<1x16xf32> to vector<16xf32>
      %swap3A_1141 = vector.shape_cast %div3A_1136 : vector<16xf32> to vector<1x16xf32>
      tpu.vector_store %arg6[%swap3A_1137, %swap3A_1138], %swap3A_1141 {strides = array<i32>} : memref<64x128xf32, #tpu.memory_space<vmem>>, vector<1x16xf32>,
    }
    %scan3A_511 = arith.constant 40 : i32
    %add3A_512 = arith.constant 128 : i32
    %add3A_513 = arith.addi %arg1, %add3A_512 : i32
    %mul3A_514 = arith.constant 40 : i32
    %mul3A_515 = arith.muli %add3A_513, %mul3A_514 : i32
    %dma_start3A_516 = arith.constant 0 : i32
    %dma_start3A_517 = arith.constant 0 : i32
    %dma_start3A_518 = tpu.memref_slice %arg6[%dma_start3A_516, %dma_start3A_517] : memref<64x128xf32, #tpu.memory_space<vmem>> -> memref<40x128xf32, #tpu.memory_space<vmem>>
    %dma_start3A_519 = arith.constant 0 : i32
    %dma_start3A_520 = tpu.memref_slice %arg10[%mul3A_515, %dma_start3A_519] : memref<10000x128xf32, #tpu.memory_space<vmem_shared>> -> memref<40x128xf32, #tpu.memory_space<vmem_shared>>
    %dma_start3A_521 = arith.constant 0 : i32
    %dma_start3A_522 = tpu.memref_slice %arg10[%mul3A_515, %dma_start3A_521] : memref<10000x128xf32, #tpu.memory_space<vmem_shared>> -> memref<40x128xf32, #tpu.memory_space<vmem_shared>>
    %dma_start3A_523 = arith.constant 0 : i32
    %dma_start3A_524 = arith.constant 0 : i32
    %dma_start3A_525 = tpu.memref_slice %arg6[%dma_start3A_523, %dma_start3A_524] : memref<64x128xf32, #tpu.memory_space<vmem>> -> memref<40x128xf32, #tpu.memory_space<vmem>>
    tpu.enqueue_dma source(%dma_start3A_525 : memref<40x128xf32, #tpu.memory_space<vmem>>) target(%dma_start3A_522 : memref<40x128xf32, #tpu.memory_space<vmem_shared>>) target_semaphore(%arg11 : memref<!tpu.dma_semaphore, #tpu.memory_space<semaphore_mem>>)
    %dma_wait3A_526 = arith.constant 0 : i32
    %dma_wait3A_527 = arith.constant 0 : i32
    %dma_wait3A_528 = tpu.memref_slice %arg9[%dma_wait3A_526, %dma_wait3A_527] : memref<64x128xf32, #tpu.memory_space<vmem>> -> memref<40x128xf32, #tpu.memory_space<vmem>>
    %dma_wait3A_529 = arith.constant 0 : i32
    %dma_wait3A_530 = arith.constant 0 : i32
    %dma_wait3A_531 = tpu.memref_slice %arg2[%dma_wait3A_529, %dma_wait3A_530] : memref<10000x128xf32, #tpu.memory_space<hbm>> -> memref<40x128xf32, #tpu.memory_space<hbm>>
    %dma_wait3A_532 = arith.constant 0 : i32
    %dma_wait3A_533 = arith.constant 0 : i32
    %dma_wait3A_534 = tpu.memref_slice %arg9[%dma_wait3A_532, %dma_wait3A_533] : memref<64x128xf32, #tpu.memory_space<vmem>> -> memref<40x128xf32, #tpu.memory_space<vmem>>
    %dma_wait3A_535 = arith.constant 0 : i32
    %dma_wait3A_536 = arith.constant 0 : i32
    %dma_wait3A_537 = tpu.memref_slice %arg2[%dma_wait3A_535, %dma_wait3A_536] : memref<10000x128xf32, #tpu.memory_space<hbm>> -> memref<40x128xf32, #tpu.memory_space<hbm>>
    tpu.wait_dma2 semaphore(%arg14 : memref<!tpu.dma_semaphore, #tpu.memory_space<semaphore_mem>>) src(%dma_wait3A_537 : memref<40x128xf32, #tpu.memory_space<hbm>>) dst(%dma_wait3A_534 : memref<40x128xf32, #tpu.memory_space<vmem>>)
    %add3A_538 = arith.constant 176 : i32
    %add3A_539 = arith.addi %arg1, %add3A_538 : i32
    %mul3A_540 = arith.constant 40 : i32
    %mul3A_541 = arith.muli %add3A_539, %mul3A_540 : i32
    %dma_start3A_542 = arith.constant 0 : i32
    %dma_start3A_543 = arith.constant 0 : i32
    %dma_start3A_544 = tpu.memref_slice %arg9[%dma_start3A_542, %dma_start3A_543] : memref<64x128xf32, #tpu.memory_space<vmem>> -> memref<40x128xf32, #tpu.memory_space<vmem>>
    %dma_start3A_545 = arith.constant 0 : i32
    %dma_start3A_546 = tpu.memref_slice %arg2[%mul3A_541, %dma_start3A_545] : memref<10000x128xf32, #tpu.memory_space<hbm>> -> memref<40x128xf32, #tpu.memory_space<hbm>>
    %dma_start3A_547 = arith.constant 0 : i32
    %dma_start3A_548 = arith.constant 0 : i32
    %dma_start3A_549 = tpu.memref_slice %arg9[%dma_start3A_547, %dma_start3A_548] : memref<64x128xf32, #tpu.memory_space<vmem>> -> memref<40x128xf32, #tpu.memory_space<vmem>>
    %dma_start3A_550 = arith.constant 0 : i32
    %dma_start3A_551 = tpu.memref_slice %arg2[%mul3A_541, %dma_start3A_550] : memref<10000x128xf32, #tpu.memory_space<hbm>> -> memref<40x128xf32, #tpu.memory_space<hbm>>
    tpu.enqueue_dma source(%dma_start3A_551 : memref<40x128xf32, #tpu.memory_space<hbm>>) target(%dma_start3A_549 : memref<40x128xf32, #tpu.memory_space<vmem>>) target_semaphore(%arg14 : memref<!tpu.dma_semaphore, #tpu.memory_space<semaphore_mem>>)
    %dma_wait3A_552 = arith.constant 0 : i32
    %dma_wait3A_553 = arith.constant 0 : i32
    %dma_wait3A_554 = tpu.memref_slice %arg7[%dma_wait3A_552, %dma_wait3A_553] : memref<64x128xf32, #tpu.memory_space<vmem>> -> memref<40x128xf32, #tpu.memory_space<vmem>>
    %dma_wait3A_555 = arith.constant 0 : i32
    %dma_wait3A_556 = arith.constant 0 : i32
    %dma_wait3A_557 = tpu.memref_slice %arg2[%dma_wait3A_555, %dma_wait3A_556] : memref<10000x128xf32, #tpu.memory_space<hbm>> -> memref<40x128xf32, #tpu.memory_space<hbm>>
    %dma_wait3A_558 = arith.constant 0 : i32
    %dma_wait3A_559 = arith.constant 0 : i32
    %dma_wait3A_560 = tpu.memref_slice %arg7[%dma_wait3A_558, %dma_wait3A_559] : memref<64x128xf32, #tpu.memory_space<vmem>> -> memref<40x128xf32, #tpu.memory_space<vmem>>
    %dma_wait3A_561 = arith.constant 0 : i32
    %dma_wait3A_562 = arith.constant 0 : i32
    %dma_wait3A_563 = tpu.memref_slice %arg2[%dma_wait3A_561, %dma_wait3A_562] : memref<10000x128xf32, #tpu.memory_space<hbm>> -> memref<40x128xf32, #tpu.memory_space<hbm>>
    tpu.wait_dma2 semaphore(%arg12 : memref<!tpu.dma_semaphore, #tpu.memory_space<semaphore_mem>>) src(%dma_wait3A_563 : memref<40x128xf32, #tpu.memory_space<hbm>>) dst(%dma_wait3A_560 : memref<40x128xf32, #tpu.memory_space<vmem>>)
    %scan3A_564 = arith.constant 0 : i32
    %scan3A_565 = arith.constant 0 : i32
    %scan3A_566 = arith.constant 40 : i32
    %scan3A_567 = arith.addi %scan3A_565, %scan3A_566 : i32
    %scan3A_568 = arith.constant 1 : i32
    scf.for %scan3A_994 = %scan3A_565 to %scan3A_567 step %scan3A_568  : i32 {
      %get3A = arith.index_cast %scan3A_994 : i32 to index
      %get3A_995 = arith.constant 0 : index
      %get3A_996 = tpu.vector_load %arg7[%get3A, %get3A_995] {strides = array<i32>} : memref<64x128xf32, #tpu.memory_space<vmem>>, vector<1x16xf32>,
      %get3A_997 = vector.shape_cast %get3A_996 : vector<1x16xf32> to vector<16xf32>
      %neg3A = arith.constant 0.000000e+00 : f32
      %neg3A_998 = vector.broadcast %neg3A : f32 to vector<16xf32>
      %neg3A_999 = arith.subf %neg3A_998, %get3A_997 : vector<16xf32>
      %exp3A = math.exp %neg3A_999 : vector<16xf32>
      %add3A_1000 = arith.constant 1.000000e+00 : f32
      %add3A_1001 = vector.broadcast %add3A_1000 : f32 to vector<16xf32>
      %add3A_1002 = arith.addf %add3A_1001, %exp3A : vector<16xf32>
      %div3A = arith.constant 1.000000e+00 : f32
      %div3A_1003 = vector.broadcast %div3A : f32 to vector<16xf32>
      %div3A_1004 = arith.divf %div3A_1003, %add3A_1002 : vector<16xf32>
      %swap3A = arith.index_cast %scan3A_994 : i32 to index
      %swap3A_1005 = arith.constant 0 : index
      %swap3A_1006 = tpu.vector_load %arg7[%swap3A, %swap3A_1005] {strides = array<i32>} : memref<64x128xf32, #tpu.memory_space<vmem>>, vector<1x16xf32>,
      %swap3A_1007 = vector.shape_cast %swap3A_1006 : vector<1x16xf32> to vector<16xf32>
      %swap3A_1008 = vector.shape_cast %div3A_1004 : vector<16xf32> to vector<1x16xf32>
      tpu.vector_store %arg7[%swap3A, %swap3A_1005], %swap3A_1008 {strides = array<i32>} : memref<64x128xf32, #tpu.memory_space<vmem>>, vector<1x16xf32>,
      %get3A_1009 = arith.index_cast %scan3A_994 : i32 to index
      %get3A_1010 = arith.constant 16 : index
      %get3A_1011 = tpu.vector_load %arg7[%get3A_1009, %get3A_1010] {strides = array<i32>} : memref<64x128xf32, #tpu.memory_space<vmem>>, vector<1x16xf32>,
      %get3A_1012 = vector.shape_cast %get3A_1011 : vector<1x16xf32> to vector<16xf32>
      %neg3A_1013 = arith.constant 0.000000e+00 : f32
      %neg3A_1014 = vector.broadcast %neg3A_1013 : f32 to vector<16xf32>
      %neg3A_1015 = arith.subf %neg3A_1014, %get3A_1012 : vector<16xf32>
      %exp3A_1016 = math.exp %neg3A_1015 : vector<16xf32>
      %add3A_1017 = arith.constant 1.000000e+00 : f32
      %add3A_1018 = vector.broadcast %add3A_1017 : f32 to vector<16xf32>
      %add3A_1019 = arith.addf %add3A_1018, %exp3A_1016 : vector<16xf32>
      %div3A_1020 = arith.constant 1.000000e+00 : f32
      %div3A_1021 = vector.broadcast %div3A_1020 : f32 to vector<16xf32>
      %div3A_1022 = arith.divf %div3A_1021, %add3A_1019 : vector<16xf32>
      %swap3A_1023 = arith.index_cast %scan3A_994 : i32 to index
      %swap3A_1024 = arith.constant 16 : index
      %swap3A_1025 = tpu.vector_load %arg7[%swap3A_1023, %swap3A_1024] {strides = array<i32>} : memref<64x128xf32, #tpu.memory_space<vmem>>, vector<1x16xf32>,
      %swap3A_1026 = vector.shape_cast %swap3A_1025 : vector<1x16xf32> to vector<16xf32>
      %swap3A_1027 = vector.shape_cast %div3A_1022 : vector<16xf32> to vector<1x16xf32>
      tpu.vector_store %arg7[%swap3A_1023, %swap3A_1024], %swap3A_1027 {strides = array<i32>} : memref<64x128xf32, #tpu.memory_space<vmem>>, vector<1x16xf32>,
      %get3A_1028 = arith.index_cast %scan3A_994 : i32 to index
      %get3A_1029 = arith.constant 32 : index
      %get3A_1030 = tpu.vector_load %arg7[%get3A_1028, %get3A_1029] {strides = array<i32>} : memref<64x128xf32, #tpu.memory_space<vmem>>, vector<1x16xf32>,
      %get3A_1031 = vector.shape_cast %get3A_1030 : vector<1x16xf32> to vector<16xf32>
      %neg3A_1032 = arith.constant 0.000000e+00 : f32
      %neg3A_1033 = vector.broadcast %neg3A_1032 : f32 to vector<16xf32>
      %neg3A_1034 = arith.subf %neg3A_1033, %get3A_1031 : vector<16xf32>
      %exp3A_1035 = math.exp %neg3A_1034 : vector<16xf32>
      %add3A_1036 = arith.constant 1.000000e+00 : f32
      %add3A_1037 = vector.broadcast %add3A_1036 : f32 to vector<16xf32>
      %add3A_1038 = arith.addf %add3A_1037, %exp3A_1035 : vector<16xf32>
      %div3A_1039 = arith.constant 1.000000e+00 : f32
      %div3A_1040 = vector.broadcast %div3A_1039 : f32 to vector<16xf32>
      %div3A_1041 = arith.divf %div3A_1040, %add3A_1038 : vector<16xf32>
      %swap3A_1042 = arith.index_cast %scan3A_994 : i32 to index
      %swap3A_1043 = arith.constant 32 : index
      %swap3A_1044 = tpu.vector_load %arg7[%swap3A_1042, %swap3A_1043] {strides = array<i32>} : memref<64x128xf32, #tpu.memory_space<vmem>>, vector<1x16xf32>,
      %swap3A_1045 = vector.shape_cast %swap3A_1044 : vector<1x16xf32> to vector<16xf32>
      %swap3A_1046 = vector.shape_cast %div3A_1041 : vector<16xf32> to vector<1x16xf32>
      tpu.vector_store %arg7[%swap3A_1042, %swap3A_1043], %swap3A_1046 {strides = array<i32>} : memref<64x128xf32, #tpu.memory_space<vmem>>, vector<1x16xf32>,
      %get3A_1047 = arith.index_cast %scan3A_994 : i32 to index
      %get3A_1048 = arith.constant 48 : index
      %get3A_1049 = tpu.vector_load %arg7[%get3A_1047, %get3A_1048] {strides = array<i32>} : memref<64x128xf32, #tpu.memory_space<vmem>>, vector<1x16xf32>,
      %get3A_1050 = vector.shape_cast %get3A_1049 : vector<1x16xf32> to vector<16xf32>
      %neg3A_1051 = arith.constant 0.000000e+00 : f32
      %neg3A_1052 = vector.broadcast %neg3A_1051 : f32 to vector<16xf32>
      %neg3A_1053 = arith.subf %neg3A_1052, %get3A_1050 : vector<16xf32>
      %exp3A_1054 = math.exp %neg3A_1053 : vector<16xf32>
      %add3A_1055 = arith.constant 1.000000e+00 : f32
      %add3A_1056 = vector.broadcast %add3A_1055 : f32 to vector<16xf32>
      %add3A_1057 = arith.addf %add3A_1056, %exp3A_1054 : vector<16xf32>
      %div3A_1058 = arith.constant 1.000000e+00 : f32
      %div3A_1059 = vector.broadcast %div3A_1058 : f32 to vector<16xf32>
      %div3A_1060 = arith.divf %div3A_1059, %add3A_1057 : vector<16xf32>
      %swap3A_1061 = arith.index_cast %scan3A_994 : i32 to index
      %swap3A_1062 = arith.constant 48 : index
      %swap3A_1063 = tpu.vector_load %arg7[%swap3A_1061, %swap3A_1062] {strides = array<i32>} : memref<64x128xf32, #tpu.memory_space<vmem>>, vector<1x16xf32>,
      %swap3A_1064 = vector.shape_cast %swap3A_1063 : vector<1x16xf32> to vector<16xf32>
      %swap3A_1065 = vector.shape_cast %div3A_1060 : vector<16xf32> to vector<1x16xf32>
      tpu.vector_store %arg7[%swap3A_1061, %swap3A_1062], %swap3A_1065 {strides = array<i32>} : memref<64x128xf32, #tpu.memory_space<vmem>>, vector<1x16xf32>,
      %get3A_1066 = arith.index_cast %scan3A_994 : i32 to index
      %get3A_1067 = arith.constant 64 : index
      %get3A_1068 = tpu.vector_load %arg7[%get3A_1066, %get3A_1067] {strides = array<i32>} : memref<64x128xf32, #tpu.memory_space<vmem>>, vector<1x16xf32>,
      %get3A_1069 = vector.shape_cast %get3A_1068 : vector<1x16xf32> to vector<16xf32>
      %neg3A_1070 = arith.constant 0.000000e+00 : f32
      %neg3A_1071 = vector.broadcast %neg3A_1070 : f32 to vector<16xf32>
      %neg3A_1072 = arith.subf %neg3A_1071, %get3A_1069 : vector<16xf32>
      %exp3A_1073 = math.exp %neg3A_1072 : vector<16xf32>
      %add3A_1074 = arith.constant 1.000000e+00 : f32
      %add3A_1075 = vector.broadcast %add3A_1074 : f32 to vector<16xf32>
      %add3A_1076 = arith.addf %add3A_1075, %exp3A_1073 : vector<16xf32>
      %div3A_1077 = arith.constant 1.000000e+00 : f32
      %div3A_1078 = vector.broadcast %div3A_1077 : f32 to vector<16xf32>
      %div3A_1079 = arith.divf %div3A_1078, %add3A_1076 : vector<16xf32>
      %swap3A_1080 = arith.index_cast %scan3A_994 : i32 to index
      %swap3A_1081 = arith.constant 64 : index
      %swap3A_1082 = tpu.vector_load %arg7[%swap3A_1080, %swap3A_1081] {strides = array<i32>} : memref<64x128xf32, #tpu.memory_space<vmem>>, vector<1x16xf32>,
      %swap3A_1083 = vector.shape_cast %swap3A_1082 : vector<1x16xf32> to vector<16xf32>
      %swap3A_1084 = vector.shape_cast %div3A_1079 : vector<16xf32> to vector<1x16xf32>
      tpu.vector_store %arg7[%swap3A_1080, %swap3A_1081], %swap3A_1084 {strides = array<i32>} : memref<64x128xf32, #tpu.memory_space<vmem>>, vector<1x16xf32>,
      %get3A_1085 = arith.index_cast %scan3A_994 : i32 to index
      %get3A_1086 = arith.constant 80 : index
      %get3A_1087 = tpu.vector_load %arg7[%get3A_1085, %get3A_1086] {strides = array<i32>} : memref<64x128xf32, #tpu.memory_space<vmem>>, vector<1x16xf32>,
      %get3A_1088 = vector.shape_cast %get3A_1087 : vector<1x16xf32> to vector<16xf32>
      %neg3A_1089 = arith.constant 0.000000e+00 : f32
      %neg3A_1090 = vector.broadcast %neg3A_1089 : f32 to vector<16xf32>
      %neg3A_1091 = arith.subf %neg3A_1090, %get3A_1088 : vector<16xf32>
      %exp3A_1092 = math.exp %neg3A_1091 : vector<16xf32>
      %add3A_1093 = arith.constant 1.000000e+00 : f32
      %add3A_1094 = vector.broadcast %add3A_1093 : f32 to vector<16xf32>
      %add3A_1095 = arith.addf %add3A_1094, %exp3A_1092 : vector<16xf32>
      %div3A_1096 = arith.constant 1.000000e+00 : f32
      %div3A_1097 = vector.broadcast %div3A_1096 : f32 to vector<16xf32>
      %div3A_1098 = arith.divf %div3A_1097, %add3A_1095 : vector<16xf32>
      %swap3A_1099 = arith.index_cast %scan3A_994 : i32 to index
      %swap3A_1100 = arith.constant 80 : index
      %swap3A_1101 = tpu.vector_load %arg7[%swap3A_1099, %swap3A_1100] {strides = array<i32>} : memref<64x128xf32, #tpu.memory_space<vmem>>, vector<1x16xf32>,
      %swap3A_1102 = vector.shape_cast %swap3A_1101 : vector<1x16xf32> to vector<16xf32>
      %swap3A_1103 = vector.shape_cast %div3A_1098 : vector<16xf32> to vector<1x16xf32>
      tpu.vector_store %arg7[%swap3A_1099, %swap3A_1100], %swap3A_1103 {strides = array<i32>} : memref<64x128xf32, #tpu.memory_space<vmem>>, vector<1x16xf32>,
      %get3A_1104 = arith.index_cast %scan3A_994 : i32 to index
      %get3A_1105 = arith.constant 96 : index
      %get3A_1106 = tpu.vector_load %arg7[%get3A_1104, %get3A_1105] {strides = array<i32>} : memref<64x128xf32, #tpu.memory_space<vmem>>, vector<1x16xf32>,
      %get3A_1107 = vector.shape_cast %get3A_1106 : vector<1x16xf32> to vector<16xf32>
      %neg3A_1108 = arith.constant 0.000000e+00 : f32
      %neg3A_1109 = vector.broadcast %neg3A_1108 : f32 to vector<16xf32>
      %neg3A_1110 = arith.subf %neg3A_1109, %get3A_1107 : vector<16xf32>
      %exp3A_1111 = math.exp %neg3A_1110 : vector<16xf32>
      %add3A_1112 = arith.constant 1.000000e+00 : f32
      %add3A_1113 = vector.broadcast %add3A_1112 : f32 to vector<16xf32>
      %add3A_1114 = arith.addf %add3A_1113, %exp3A_1111 : vector<16xf32>
      %div3A_1115 = arith.constant 1.000000e+00 : f32
      %div3A_1116 = vector.broadcast %div3A_1115 : f32 to vector<16xf32>
      %div3A_1117 = arith.divf %div3A_1116, %add3A_1114 : vector<16xf32>
      %swap3A_1118 = arith.index_cast %scan3A_994 : i32 to index
      %swap3A_1119 = arith.constant 96 : index
      %swap3A_1120 = tpu.vector_load %arg7[%swap3A_1118, %swap3A_1119] {strides = array<i32>} : memref<64x128xf32, #tpu.memory_space<vmem>>, vector<1x16xf32>,
      %swap3A_1121 = vector.shape_cast %swap3A_1120 : vector<1x16xf32> to vector<16xf32>
      %swap3A_1122 = vector.shape_cast %div3A_1117 : vector<16xf32> to vector<1x16xf32>
      tpu.vector_store %arg7[%swap3A_1118, %swap3A_1119], %swap3A_1122 {strides = array<i32>} : memref<64x128xf32, #tpu.memory_space<vmem>>, vector<1x16xf32>,
      %get3A_1123 = arith.index_cast %scan3A_994 : i32 to index
      %get3A_1124 = arith.constant 112 : index
      %get3A_1125 = tpu.vector_load %arg7[%get3A_1123, %get3A_1124] {strides = array<i32>} : memref<64x128xf32, #tpu.memory_space<vmem>>, vector<1x16xf32>,
      %get3A_1126 = vector.shape_cast %get3A_1125 : vector<1x16xf32> to vector<16xf32>
      %neg3A_1127 = arith.constant 0.000000e+00 : f32
      %neg3A_1128 = vector.broadcast %neg3A_1127 : f32 to vector<16xf32>
      %neg3A_1129 = arith.subf %neg3A_1128, %get3A_1126 : vector<16xf32>
      %exp3A_1130 = math.exp %neg3A_1129 : vector<16xf32>
      %add3A_1131 = arith.constant 1.000000e+00 : f32
      %add3A_1132 = vector.broadcast %add3A_1131 : f32 to vector<16xf32>
      %add3A_1133 = arith.addf %add3A_1132, %exp3A_1130 : vector<16xf32>
      %div3A_1134 = arith.constant 1.000000e+00 : f32
      %div3A_1135 = vector.broadcast %div3A_1134 : f32 to vector<16xf32>
      %div3A_1136 = arith.divf %div3A_1135, %add3A_1133 : vector<16xf32>
      %swap3A_1137 = arith.index_cast %scan3A_994 : i32 to index
      %swap3A_1138 = arith.constant 112 : index
      %swap3A_1139 = tpu.vector_load %arg7[%swap3A_1137, %swap3A_1138] {strides = array<i32>} : memref<64x128xf32, #tpu.memory_space<vmem>>, vector<1x16xf32>,
      %swap3A_1140 = vector.shape_cast %swap3A_1139 : vector<1x16xf32> to vector<16xf32>
      %swap3A_1141 = vector.shape_cast %div3A_1136 : vector<16xf32> to vector<1x16xf32>
      tpu.vector_store %arg7[%swap3A_1137, %swap3A_1138], %swap3A_1141 {strides = array<i32>} : memref<64x128xf32, #tpu.memory_space<vmem>>, vector<1x16xf32>,
    }
    %scan3A_569 = arith.constant 40 : i32
    %add3A_570 = arith.constant 144 : i32
    %add3A_571 = arith.addi %arg1, %add3A_570 : i32
    %mul3A_572 = arith.constant 40 : i32
    %mul3A_573 = arith.muli %add3A_571, %mul3A_572 : i32
    %dma_start3A_574 = arith.constant 0 : i32
    %dma_start3A_575 = arith.constant 0 : i32
    %dma_start3A_576 = tpu.memref_slice %arg7[%dma_start3A_574, %dma_start3A_575] : memref<64x128xf32, #tpu.memory_space<vmem>> -> memref<40x128xf32, #tpu.memory_space<vmem>>
    %dma_start3A_577 = arith.constant 0 : i32
    %dma_start3A_578 = tpu.memref_slice %arg10[%mul3A_573, %dma_start3A_577] : memref<10000x128xf32, #tpu.memory_space<vmem_shared>> -> memref<40x128xf32, #tpu.memory_space<vmem_shared>>
    %dma_start3A_579 = arith.constant 0 : i32
    %dma_start3A_580 = tpu.memref_slice %arg10[%mul3A_573, %dma_start3A_579] : memref<10000x128xf32, #tpu.memory_space<vmem_shared>> -> memref<40x128xf32, #tpu.memory_space<vmem_shared>>
    %dma_start3A_581 = arith.constant 0 : i32
    %dma_start3A_582 = arith.constant 0 : i32
    %dma_start3A_583 = tpu.memref_slice %arg7[%dma_start3A_581, %dma_start3A_582] : memref<64x128xf32, #tpu.memory_space<vmem>> -> memref<40x128xf32, #tpu.memory_space<vmem>>
    tpu.enqueue_dma source(%dma_start3A_583 : memref<40x128xf32, #tpu.memory_space<vmem>>) target(%dma_start3A_580 : memref<40x128xf32, #tpu.memory_space<vmem_shared>>) target_semaphore(%arg12 : memref<!tpu.dma_semaphore, #tpu.memory_space<semaphore_mem>>)
    %dma_wait3A_584 = arith.constant 0 : i32
    %dma_wait3A_585 = arith.constant 0 : i32
    %dma_wait3A_586 = tpu.memref_slice %arg6[%dma_wait3A_584, %dma_wait3A_585] : memref<64x128xf32, #tpu.memory_space<vmem>> -> memref<40x128xf32, #tpu.memory_space<vmem>>
    %dma_wait3A_587 = arith.constant 0 : i32
    %dma_wait3A_588 = arith.constant 0 : i32
    %dma_wait3A_589 = tpu.memref_slice %arg2[%dma_wait3A_587, %dma_wait3A_588] : memref<10000x128xf32, #tpu.memory_space<hbm>> -> memref<40x128xf32, #tpu.memory_space<hbm>>
    %dma_wait3A_590 = arith.constant 0 : i32
    %dma_wait3A_591 = arith.constant 0 : i32
    %dma_wait3A_592 = tpu.memref_slice %arg6[%dma_wait3A_590, %dma_wait3A_591] : memref<64x128xf32, #tpu.memory_space<vmem>> -> memref<40x128xf32, #tpu.memory_space<vmem>>
    %dma_wait3A_593 = arith.constant 0 : i32
    %dma_wait3A_594 = arith.constant 0 : i32
    %dma_wait3A_595 = tpu.memref_slice %arg2[%dma_wait3A_593, %dma_wait3A_594] : memref<10000x128xf32, #tpu.memory_space<hbm>> -> memref<40x128xf32, #tpu.memory_space<hbm>>
    tpu.wait_dma2 semaphore(%arg11 : memref<!tpu.dma_semaphore, #tpu.memory_space<semaphore_mem>>) src(%dma_wait3A_595 : memref<40x128xf32, #tpu.memory_space<hbm>>) dst(%dma_wait3A_592 : memref<40x128xf32, #tpu.memory_space<vmem>>)
    %add3A_596 = arith.constant 192 : i32
    %add3A_597 = arith.addi %arg1, %add3A_596 : i32
    %mul3A_598 = arith.constant 40 : i32
    %mul3A_599 = arith.muli %add3A_597, %mul3A_598 : i32
    %dma_start3A_600 = arith.constant 0 : i32
    %dma_start3A_601 = arith.constant 0 : i32
    %dma_start3A_602 = tpu.memref_slice %arg6[%dma_start3A_600, %dma_start3A_601] : memref<64x128xf32, #tpu.memory_space<vmem>> -> memref<40x128xf32, #tpu.memory_space<vmem>>
    %dma_start3A_603 = arith.constant 0 : i32
    %dma_start3A_604 = tpu.memref_slice %arg2[%mul3A_599, %dma_start3A_603] : memref<10000x128xf32, #tpu.memory_space<hbm>> -> memref<40x128xf32, #tpu.memory_space<hbm>>
    %dma_start3A_605 = arith.constant 0 : i32
    %dma_start3A_606 = arith.constant 0 : i32
    %dma_start3A_607 = tpu.memref_slice %arg6[%dma_start3A_605, %dma_start3A_606] : memref<64x128xf32, #tpu.memory_space<vmem>> -> memref<40x128xf32, #tpu.memory_space<vmem>>
    %dma_start3A_608 = arith.constant 0 : i32
    %dma_start3A_609 = tpu.memref_slice %arg2[%mul3A_599, %dma_start3A_608] : memref<10000x128xf32, #tpu.memory_space<hbm>> -> memref<40x128xf32, #tpu.memory_space<hbm>>
    tpu.enqueue_dma source(%dma_start3A_609 : memref<40x128xf32, #tpu.memory_space<hbm>>) target(%dma_start3A_607 : memref<40x128xf32, #tpu.memory_space<vmem>>) target_semaphore(%arg11 : memref<!tpu.dma_semaphore, #tpu.memory_space<semaphore_mem>>)
    %dma_wait3A_610 = arith.constant 0 : i32
    %dma_wait3A_611 = arith.constant 0 : i32
    %dma_wait3A_612 = tpu.memref_slice %arg8[%dma_wait3A_610, %dma_wait3A_611] : memref<64x128xf32, #tpu.memory_space<vmem>> -> memref<40x128xf32, #tpu.memory_space<vmem>>
    %dma_wait3A_613 = arith.constant 0 : i32
    %dma_wait3A_614 = arith.constant 0 : i32
    %dma_wait3A_615 = tpu.memref_slice %arg2[%dma_wait3A_613, %dma_wait3A_614] : memref<10000x128xf32, #tpu.memory_space<hbm>> -> memref<40x128xf32, #tpu.memory_space<hbm>>
    %dma_wait3A_616 = arith.constant 0 : i32
    %dma_wait3A_617 = arith.constant 0 : i32
    %dma_wait3A_618 = tpu.memref_slice %arg8[%dma_wait3A_616, %dma_wait3A_617] : memref<64x128xf32, #tpu.memory_space<vmem>> -> memref<40x128xf32, #tpu.memory_space<vmem>>
    %dma_wait3A_619 = arith.constant 0 : i32
    %dma_wait3A_620 = arith.constant 0 : i32
    %dma_wait3A_621 = tpu.memref_slice %arg2[%dma_wait3A_619, %dma_wait3A_620] : memref<10000x128xf32, #tpu.memory_space<hbm>> -> memref<40x128xf32, #tpu.memory_space<hbm>>
    tpu.wait_dma2 semaphore(%arg13 : memref<!tpu.dma_semaphore, #tpu.memory_space<semaphore_mem>>) src(%dma_wait3A_621 : memref<40x128xf32, #tpu.memory_space<hbm>>) dst(%dma_wait3A_618 : memref<40x128xf32, #tpu.memory_space<vmem>>)
    %scan3A_622 = arith.constant 0 : i32
    %scan3A_623 = arith.constant 0 : i32
    %scan3A_624 = arith.constant 40 : i32
    %scan3A_625 = arith.addi %scan3A_623, %scan3A_624 : i32
    %scan3A_626 = arith.constant 1 : i32
    scf.for %scan3A_994 = %scan3A_623 to %scan3A_625 step %scan3A_626  : i32 {
      %get3A = arith.index_cast %scan3A_994 : i32 to index
      %get3A_995 = arith.constant 0 : index
      %get3A_996 = tpu.vector_load %arg8[%get3A, %get3A_995] {strides = array<i32>} : memref<64x128xf32, #tpu.memory_space<vmem>>, vector<1x16xf32>,
      %get3A_997 = vector.shape_cast %get3A_996 : vector<1x16xf32> to vector<16xf32>
      %neg3A = arith.constant 0.000000e+00 : f32
      %neg3A_998 = vector.broadcast %neg3A : f32 to vector<16xf32>
      %neg3A_999 = arith.subf %neg3A_998, %get3A_997 : vector<16xf32>
      %exp3A = math.exp %neg3A_999 : vector<16xf32>
      %add3A_1000 = arith.constant 1.000000e+00 : f32
      %add3A_1001 = vector.broadcast %add3A_1000 : f32 to vector<16xf32>
      %add3A_1002 = arith.addf %add3A_1001, %exp3A : vector<16xf32>
      %div3A = arith.constant 1.000000e+00 : f32
      %div3A_1003 = vector.broadcast %div3A : f32 to vector<16xf32>
      %div3A_1004 = arith.divf %div3A_1003, %add3A_1002 : vector<16xf32>
      %swap3A = arith.index_cast %scan3A_994 : i32 to index
      %swap3A_1005 = arith.constant 0 : index
      %swap3A_1006 = tpu.vector_load %arg8[%swap3A, %swap3A_1005] {strides = array<i32>} : memref<64x128xf32, #tpu.memory_space<vmem>>, vector<1x16xf32>,
      %swap3A_1007 = vector.shape_cast %swap3A_1006 : vector<1x16xf32> to vector<16xf32>
      %swap3A_1008 = vector.shape_cast %div3A_1004 : vector<16xf32> to vector<1x16xf32>
      tpu.vector_store %arg8[%swap3A, %swap3A_1005], %swap3A_1008 {strides = array<i32>} : memref<64x128xf32, #tpu.memory_space<vmem>>, vector<1x16xf32>,
      %get3A_1009 = arith.index_cast %scan3A_994 : i32 to index
      %get3A_1010 = arith.constant 16 : index
      %get3A_1011 = tpu.vector_load %arg8[%get3A_1009, %get3A_1010] {strides = array<i32>} : memref<64x128xf32, #tpu.memory_space<vmem>>, vector<1x16xf32>,
      %get3A_1012 = vector.shape_cast %get3A_1011 : vector<1x16xf32> to vector<16xf32>
      %neg3A_1013 = arith.constant 0.000000e+00 : f32
      %neg3A_1014 = vector.broadcast %neg3A_1013 : f32 to vector<16xf32>
      %neg3A_1015 = arith.subf %neg3A_1014, %get3A_1012 : vector<16xf32>
      %exp3A_1016 = math.exp %neg3A_1015 : vector<16xf32>
      %add3A_1017 = arith.constant 1.000000e+00 : f32
      %add3A_1018 = vector.broadcast %add3A_1017 : f32 to vector<16xf32>
      %add3A_1019 = arith.addf %add3A_1018, %exp3A_1016 : vector<16xf32>
      %div3A_1020 = arith.constant 1.000000e+00 : f32
      %div3A_1021 = vector.broadcast %div3A_1020 : f32 to vector<16xf32>
      %div3A_1022 = arith.divf %div3A_1021, %add3A_1019 : vector<16xf32>
      %swap3A_1023 = arith.index_cast %scan3A_994 : i32 to index
      %swap3A_1024 = arith.constant 16 : index
      %swap3A_1025 = tpu.vector_load %arg8[%swap3A_1023, %swap3A_1024] {strides = array<i32>} : memref<64x128xf32, #tpu.memory_space<vmem>>, vector<1x16xf32>,
      %swap3A_1026 = vector.shape_cast %swap3A_1025 : vector<1x16xf32> to vector<16xf32>
      %swap3A_1027 = vector.shape_cast %div3A_1022 : vector<16xf32> to vector<1x16xf32>
      tpu.vector_store %arg8[%swap3A_1023, %swap3A_1024], %swap3A_1027 {strides = array<i32>} : memref<64x128xf32, #tpu.memory_space<vmem>>, vector<1x16xf32>,
      %get3A_1028 = arith.index_cast %scan3A_994 : i32 to index
      %get3A_1029 = arith.constant 32 : index
      %get3A_1030 = tpu.vector_load %arg8[%get3A_1028, %get3A_1029] {strides = array<i32>} : memref<64x128xf32, #tpu.memory_space<vmem>>, vector<1x16xf32>,
      %get3A_1031 = vector.shape_cast %get3A_1030 : vector<1x16xf32> to vector<16xf32>
      %neg3A_1032 = arith.constant 0.000000e+00 : f32
      %neg3A_1033 = vector.broadcast %neg3A_1032 : f32 to vector<16xf32>
      %neg3A_1034 = arith.subf %neg3A_1033, %get3A_1031 : vector<16xf32>
      %exp3A_1035 = math.exp %neg3A_1034 : vector<16xf32>
      %add3A_1036 = arith.constant 1.000000e+00 : f32
      %add3A_1037 = vector.broadcast %add3A_1036 : f32 to vector<16xf32>
      %add3A_1038 = arith.addf %add3A_1037, %exp3A_1035 : vector<16xf32>
      %div3A_1039 = arith.constant 1.000000e+00 : f32
      %div3A_1040 = vector.broadcast %div3A_1039 : f32 to vector<16xf32>
      %div3A_1041 = arith.divf %div3A_1040, %add3A_1038 : vector<16xf32>
      %swap3A_1042 = arith.index_cast %scan3A_994 : i32 to index
      %swap3A_1043 = arith.constant 32 : index
      %swap3A_1044 = tpu.vector_load %arg8[%swap3A_1042, %swap3A_1043] {strides = array<i32>} : memref<64x128xf32, #tpu.memory_space<vmem>>, vector<1x16xf32>,
      %swap3A_1045 = vector.shape_cast %swap3A_1044 : vector<1x16xf32> to vector<16xf32>
      %swap3A_1046 = vector.shape_cast %div3A_1041 : vector<16xf32> to vector<1x16xf32>
      tpu.vector_store %arg8[%swap3A_1042, %swap3A_1043], %swap3A_1046 {strides = array<i32>} : memref<64x128xf32, #tpu.memory_space<vmem>>, vector<1x16xf32>,
      %get3A_1047 = arith.index_cast %scan3A_994 : i32 to index
      %get3A_1048 = arith.constant 48 : index
      %get3A_1049 = tpu.vector_load %arg8[%get3A_1047, %get3A_1048] {strides = array<i32>} : memref<64x128xf32, #tpu.memory_space<vmem>>, vector<1x16xf32>,
      %get3A_1050 = vector.shape_cast %get3A_1049 : vector<1x16xf32> to vector<16xf32>
      %neg3A_1051 = arith.constant 0.000000e+00 : f32
      %neg3A_1052 = vector.broadcast %neg3A_1051 : f32 to vector<16xf32>
      %neg3A_1053 = arith.subf %neg3A_1052, %get3A_1050 : vector<16xf32>
      %exp3A_1054 = math.exp %neg3A_1053 : vector<16xf32>
      %add3A_1055 = arith.constant 1.000000e+00 : f32
      %add3A_1056 = vector.broadcast %add3A_1055 : f32 to vector<16xf32>
      %add3A_1057 = arith.addf %add3A_1056, %exp3A_1054 : vector<16xf32>
      %div3A_1058 = arith.constant 1.000000e+00 : f32
      %div3A_1059 = vector.broadcast %div3A_1058 : f32 to vector<16xf32>
      %div3A_1060 = arith.divf %div3A_1059, %add3A_1057 : vector<16xf32>
      %swap3A_1061 = arith.index_cast %scan3A_994 : i32 to index
      %swap3A_1062 = arith.constant 48 : index
      %swap3A_1063 = tpu.vector_load %arg8[%swap3A_1061, %swap3A_1062] {strides = array<i32>} : memref<64x128xf32, #tpu.memory_space<vmem>>, vector<1x16xf32>,
      %swap3A_1064 = vector.shape_cast %swap3A_1063 : vector<1x16xf32> to vector<16xf32>
      %swap3A_1065 = vector.shape_cast %div3A_1060 : vector<16xf32> to vector<1x16xf32>
      tpu.vector_store %arg8[%swap3A_1061, %swap3A_1062], %swap3A_1065 {strides = array<i32>} : memref<64x128xf32, #tpu.memory_space<vmem>>, vector<1x16xf32>,
      %get3A_1066 = arith.index_cast %scan3A_994 : i32 to index
      %get3A_1067 = arith.constant 64 : index
      %get3A_1068 = tpu.vector_load %arg8[%get3A_1066, %get3A_1067] {strides = array<i32>} : memref<64x128xf32, #tpu.memory_space<vmem>>, vector<1x16xf32>,
      %get3A_1069 = vector.shape_cast %get3A_1068 : vector<1x16xf32> to vector<16xf32>
      %neg3A_1070 = arith.constant 0.000000e+00 : f32
      %neg3A_1071 = vector.broadcast %neg3A_1070 : f32 to vector<16xf32>
      %neg3A_1072 = arith.subf %neg3A_1071, %get3A_1069 : vector<16xf32>
      %exp3A_1073 = math.exp %neg3A_1072 : vector<16xf32>
      %add3A_1074 = arith.constant 1.000000e+00 : f32
      %add3A_1075 = vector.broadcast %add3A_1074 : f32 to vector<16xf32>
      %add3A_1076 = arith.addf %add3A_1075, %exp3A_1073 : vector<16xf32>
      %div3A_1077 = arith.constant 1.000000e+00 : f32
      %div3A_1078 = vector.broadcast %div3A_1077 : f32 to vector<16xf32>
      %div3A_1079 = arith.divf %div3A_1078, %add3A_1076 : vector<16xf32>
      %swap3A_1080 = arith.index_cast %scan3A_994 : i32 to index
      %swap3A_1081 = arith.constant 64 : index
      %swap3A_1082 = tpu.vector_load %arg8[%swap3A_1080, %swap3A_1081] {strides = array<i32>} : memref<64x128xf32, #tpu.memory_space<vmem>>, vector<1x16xf32>,
      %swap3A_1083 = vector.shape_cast %swap3A_1082 : vector<1x16xf32> to vector<16xf32>
      %swap3A_1084 = vector.shape_cast %div3A_1079 : vector<16xf32> to vector<1x16xf32>
      tpu.vector_store %arg8[%swap3A_1080, %swap3A_1081], %swap3A_1084 {strides = array<i32>} : memref<64x128xf32, #tpu.memory_space<vmem>>, vector<1x16xf32>,
      %get3A_1085 = arith.index_cast %scan3A_994 : i32 to index
      %get3A_1086 = arith.constant 80 : index
      %get3A_1087 = tpu.vector_load %arg8[%get3A_1085, %get3A_1086] {strides = array<i32>} : memref<64x128xf32, #tpu.memory_space<vmem>>, vector<1x16xf32>,
      %get3A_1088 = vector.shape_cast %get3A_1087 : vector<1x16xf32> to vector<16xf32>
      %neg3A_1089 = arith.constant 0.000000e+00 : f32
      %neg3A_1090 = vector.broadcast %neg3A_1089 : f32 to vector<16xf32>
      %neg3A_1091 = arith.subf %neg3A_1090, %get3A_1088 : vector<16xf32>
      %exp3A_1092 = math.exp %neg3A_1091 : vector<16xf32>
      %add3A_1093 = arith.constant 1.000000e+00 : f32
      %add3A_1094 = vector.broadcast %add3A_1093 : f32 to vector<16xf32>
      %add3A_1095 = arith.addf %add3A_1094, %exp3A_1092 : vector<16xf32>
      %div3A_1096 = arith.constant 1.000000e+00 : f32
      %div3A_1097 = vector.broadcast %div3A_1096 : f32 to vector<16xf32>
      %div3A_1098 = arith.divf %div3A_1097, %add3A_1095 : vector<16xf32>
      %swap3A_1099 = arith.index_cast %scan3A_994 : i32 to index
      %swap3A_1100 = arith.constant 80 : index
      %swap3A_1101 = tpu.vector_load %arg8[%swap3A_1099, %swap3A_1100] {strides = array<i32>} : memref<64x128xf32, #tpu.memory_space<vmem>>, vector<1x16xf32>,
      %swap3A_1102 = vector.shape_cast %swap3A_1101 : vector<1x16xf32> to vector<16xf32>
      %swap3A_1103 = vector.shape_cast %div3A_1098 : vector<16xf32> to vector<1x16xf32>
      tpu.vector_store %arg8[%swap3A_1099, %swap3A_1100], %swap3A_1103 {strides = array<i32>} : memref<64x128xf32, #tpu.memory_space<vmem>>, vector<1x16xf32>,
      %get3A_1104 = arith.index_cast %scan3A_994 : i32 to index
      %get3A_1105 = arith.constant 96 : index
      %get3A_1106 = tpu.vector_load %arg8[%get3A_1104, %get3A_1105] {strides = array<i32>} : memref<64x128xf32, #tpu.memory_space<vmem>>, vector<1x16xf32>,
      %get3A_1107 = vector.shape_cast %get3A_1106 : vector<1x16xf32> to vector<16xf32>
      %neg3A_1108 = arith.constant 0.000000e+00 : f32
      %neg3A_1109 = vector.broadcast %neg3A_1108 : f32 to vector<16xf32>
      %neg3A_1110 = arith.subf %neg3A_1109, %get3A_1107 : vector<16xf32>
      %exp3A_1111 = math.exp %neg3A_1110 : vector<16xf32>
      %add3A_1112 = arith.constant 1.000000e+00 : f32
      %add3A_1113 = vector.broadcast %add3A_1112 : f32 to vector<16xf32>
      %add3A_1114 = arith.addf %add3A_1113, %exp3A_1111 : vector<16xf32>
      %div3A_1115 = arith.constant 1.000000e+00 : f32
      %div3A_1116 = vector.broadcast %div3A_1115 : f32 to vector<16xf32>
      %div3A_1117 = arith.divf %div3A_1116, %add3A_1114 : vector<16xf32>
      %swap3A_1118 = arith.index_cast %scan3A_994 : i32 to index
      %swap3A_1119 = arith.constant 96 : index
      %swap3A_1120 = tpu.vector_load %arg8[%swap3A_1118, %swap3A_1119] {strides = array<i32>} : memref<64x128xf32, #tpu.memory_space<vmem>>, vector<1x16xf32>,
      %swap3A_1121 = vector.shape_cast %swap3A_1120 : vector<1x16xf32> to vector<16xf32>
      %swap3A_1122 = vector.shape_cast %div3A_1117 : vector<16xf32> to vector<1x16xf32>
      tpu.vector_store %arg8[%swap3A_1118, %swap3A_1119], %swap3A_1122 {strides = array<i32>} : memref<64x128xf32, #tpu.memory_space<vmem>>, vector<1x16xf32>,
      %get3A_1123 = arith.index_cast %scan3A_994 : i32 to index
      %get3A_1124 = arith.constant 112 : index
      %get3A_1125 = tpu.vector_load %arg8[%get3A_1123, %get3A_1124] {strides = array<i32>} : memref<64x128xf32, #tpu.memory_space<vmem>>, vector<1x16xf32>,
      %get3A_1126 = vector.shape_cast %get3A_1125 : vector<1x16xf32> to vector<16xf32>
      %neg3A_1127 = arith.constant 0.000000e+00 : f32
      %neg3A_1128 = vector.broadcast %neg3A_1127 : f32 to vector<16xf32>
      %neg3A_1129 = arith.subf %neg3A_1128, %get3A_1126 : vector<16xf32>
      %exp3A_1130 = math.exp %neg3A_1129 : vector<16xf32>
      %add3A_1131 = arith.constant 1.000000e+00 : f32
      %add3A_1132 = vector.broadcast %add3A_1131 : f32 to vector<16xf32>
      %add3A_1133 = arith.addf %add3A_1132, %exp3A_1130 : vector<16xf32>
      %div3A_1134 = arith.constant 1.000000e+00 : f32
      %div3A_1135 = vector.broadcast %div3A_1134 : f32 to vector<16xf32>
      %div3A_1136 = arith.divf %div3A_1135, %add3A_1133 : vector<16xf32>
      %swap3A_1137 = arith.index_cast %scan3A_994 : i32 to index
      %swap3A_1138 = arith.constant 112 : index
      %swap3A_1139 = tpu.vector_load %arg8[%swap3A_1137, %swap3A_1138] {strides = array<i32>} : memref<64x128xf32, #tpu.memory_space<vmem>>, vector<1x16xf32>,
      %swap3A_1140 = vector.shape_cast %swap3A_1139 : vector<1x16xf32> to vector<16xf32>
      %swap3A_1141 = vector.shape_cast %div3A_1136 : vector<16xf32> to vector<1x16xf32>
      tpu.vector_store %arg8[%swap3A_1137, %swap3A_1138], %swap3A_1141 {strides = array<i32>} : memref<64x128xf32, #tpu.memory_space<vmem>>, vector<1x16xf32>,
    }
    %scan3A_627 = arith.constant 40 : i32
    %add3A_628 = arith.constant 160 : i32
    %add3A_629 = arith.addi %arg1, %add3A_628 : i32
    %mul3A_630 = arith.constant 40 : i32
    %mul3A_631 = arith.muli %add3A_629, %mul3A_630 : i32
    %dma_start3A_632 = arith.constant 0 : i32
    %dma_start3A_633 = arith.constant 0 : i32
    %dma_start3A_634 = tpu.memref_slice %arg8[%dma_start3A_632, %dma_start3A_633] : memref<64x128xf32, #tpu.memory_space<vmem>> -> memref<40x128xf32, #tpu.memory_space<vmem>>
    %dma_start3A_635 = arith.constant 0 : i32
    %dma_start3A_636 = tpu.memref_slice %arg10[%mul3A_631, %dma_start3A_635] : memref<10000x128xf32, #tpu.memory_space<vmem_shared>> -> memref<40x128xf32, #tpu.memory_space<vmem_shared>>
    %dma_start3A_637 = arith.constant 0 : i32
    %dma_start3A_638 = tpu.memref_slice %arg10[%mul3A_631, %dma_start3A_637] : memref<10000x128xf32, #tpu.memory_space<vmem_shared>> -> memref<40x128xf32, #tpu.memory_space<vmem_shared>>
    %dma_start3A_639 = arith.constant 0 : i32
    %dma_start3A_640 = arith.constant 0 : i32
    %dma_start3A_641 = tpu.memref_slice %arg8[%dma_start3A_639, %dma_start3A_640] : memref<64x128xf32, #tpu.memory_space<vmem>> -> memref<40x128xf32, #tpu.memory_space<vmem>>
    tpu.enqueue_dma source(%dma_start3A_641 : memref<40x128xf32, #tpu.memory_space<vmem>>) target(%dma_start3A_638 : memref<40x128xf32, #tpu.memory_space<vmem_shared>>) target_semaphore(%arg13 : memref<!tpu.dma_semaphore, #tpu.memory_space<semaphore_mem>>)
    %dma_wait3A_642 = arith.constant 0 : i32
    %dma_wait3A_643 = arith.constant 0 : i32
    %dma_wait3A_644 = tpu.memref_slice %arg7[%dma_wait3A_642, %dma_wait3A_643] : memref<64x128xf32, #tpu.memory_space<vmem>> -> memref<40x128xf32, #tpu.memory_space<vmem>>
    %dma_wait3A_645 = arith.constant 0 : i32
    %dma_wait3A_646 = arith.constant 0 : i32
    %dma_wait3A_647 = tpu.memref_slice %arg2[%dma_wait3A_645, %dma_wait3A_646] : memref<10000x128xf32, #tpu.memory_space<hbm>> -> memref<40x128xf32, #tpu.memory_space<hbm>>
    %dma_wait3A_648 = arith.constant 0 : i32
    %dma_wait3A_649 = arith.constant 0 : i32
    %dma_wait3A_650 = tpu.memref_slice %arg7[%dma_wait3A_648, %dma_wait3A_649] : memref<64x128xf32, #tpu.memory_space<vmem>> -> memref<40x128xf32, #tpu.memory_space<vmem>>
    %dma_wait3A_651 = arith.constant 0 : i32
    %dma_wait3A_652 = arith.constant 0 : i32
    %dma_wait3A_653 = tpu.memref_slice %arg2[%dma_wait3A_651, %dma_wait3A_652] : memref<10000x128xf32, #tpu.memory_space<hbm>> -> memref<40x128xf32, #tpu.memory_space<hbm>>
    tpu.wait_dma2 semaphore(%arg12 : memref<!tpu.dma_semaphore, #tpu.memory_space<semaphore_mem>>) src(%dma_wait3A_653 : memref<40x128xf32, #tpu.memory_space<hbm>>) dst(%dma_wait3A_650 : memref<40x128xf32, #tpu.memory_space<vmem>>)
    %add3A_654 = arith.constant 208 : i32
    %add3A_655 = arith.addi %arg1, %add3A_654 : i32
    %mul3A_656 = arith.constant 40 : i32
    %mul3A_657 = arith.muli %add3A_655, %mul3A_656 : i32
    %dma_start3A_658 = arith.constant 0 : i32
    %dma_start3A_659 = arith.constant 0 : i32
    %dma_start3A_660 = tpu.memref_slice %arg7[%dma_start3A_658, %dma_start3A_659] : memref<64x128xf32, #tpu.memory_space<vmem>> -> memref<40x128xf32, #tpu.memory_space<vmem>>
    %dma_start3A_661 = arith.constant 0 : i32
    %dma_start3A_662 = tpu.memref_slice %arg2[%mul3A_657, %dma_start3A_661] : memref<10000x128xf32, #tpu.memory_space<hbm>> -> memref<40x128xf32, #tpu.memory_space<hbm>>
    %dma_start3A_663 = arith.constant 0 : i32
    %dma_start3A_664 = arith.constant 0 : i32
    %dma_start3A_665 = tpu.memref_slice %arg7[%dma_start3A_663, %dma_start3A_664] : memref<64x128xf32, #tpu.memory_space<vmem>> -> memref<40x128xf32, #tpu.memory_space<vmem>>
    %dma_start3A_666 = arith.constant 0 : i32
    %dma_start3A_667 = tpu.memref_slice %arg2[%mul3A_657, %dma_start3A_666] : memref<10000x128xf32, #tpu.memory_space<hbm>> -> memref<40x128xf32, #tpu.memory_space<hbm>>
    tpu.enqueue_dma source(%dma_start3A_667 : memref<40x128xf32, #tpu.memory_space<hbm>>) target(%dma_start3A_665 : memref<40x128xf32, #tpu.memory_space<vmem>>) target_semaphore(%arg12 : memref<!tpu.dma_semaphore, #tpu.memory_space<semaphore_mem>>)
    %dma_wait3A_668 = arith.constant 0 : i32
    %dma_wait3A_669 = arith.constant 0 : i32
    %dma_wait3A_670 = tpu.memref_slice %arg9[%dma_wait3A_668, %dma_wait3A_669] : memref<64x128xf32, #tpu.memory_space<vmem>> -> memref<40x128xf32, #tpu.memory_space<vmem>>
    %dma_wait3A_671 = arith.constant 0 : i32
    %dma_wait3A_672 = arith.constant 0 : i32
    %dma_wait3A_673 = tpu.memref_slice %arg2[%dma_wait3A_671, %dma_wait3A_672] : memref<10000x128xf32, #tpu.memory_space<hbm>> -> memref<40x128xf32, #tpu.memory_space<hbm>>
    %dma_wait3A_674 = arith.constant 0 : i32
    %dma_wait3A_675 = arith.constant 0 : i32
    %dma_wait3A_676 = tpu.memref_slice %arg9[%dma_wait3A_674, %dma_wait3A_675] : memref<64x128xf32, #tpu.memory_space<vmem>> -> memref<40x128xf32, #tpu.memory_space<vmem>>
    %dma_wait3A_677 = arith.constant 0 : i32
    %dma_wait3A_678 = arith.constant 0 : i32
    %dma_wait3A_679 = tpu.memref_slice %arg2[%dma_wait3A_677, %dma_wait3A_678] : memref<10000x128xf32, #tpu.memory_space<hbm>> -> memref<40x128xf32, #tpu.memory_space<hbm>>
    tpu.wait_dma2 semaphore(%arg14 : memref<!tpu.dma_semaphore, #tpu.memory_space<semaphore_mem>>) src(%dma_wait3A_679 : memref<40x128xf32, #tpu.memory_space<hbm>>) dst(%dma_wait3A_676 : memref<40x128xf32, #tpu.memory_space<vmem>>)
    %scan3A_680 = arith.constant 0 : i32
    %scan3A_681 = arith.constant 0 : i32
    %scan3A_682 = arith.constant 40 : i32
    %scan3A_683 = arith.addi %scan3A_681, %scan3A_682 : i32
    %scan3A_684 = arith.constant 1 : i32
    scf.for %scan3A_994 = %scan3A_681 to %scan3A_683 step %scan3A_684  : i32 {
      %get3A = arith.index_cast %scan3A_994 : i32 to index
      %get3A_995 = arith.constant 0 : index
      %get3A_996 = tpu.vector_load %arg9[%get3A, %get3A_995] {strides = array<i32>} : memref<64x128xf32, #tpu.memory_space<vmem>>, vector<1x16xf32>,
      %get3A_997 = vector.shape_cast %get3A_996 : vector<1x16xf32> to vector<16xf32>
      %neg3A = arith.constant 0.000000e+00 : f32
      %neg3A_998 = vector.broadcast %neg3A : f32 to vector<16xf32>
      %neg3A_999 = arith.subf %neg3A_998, %get3A_997 : vector<16xf32>
      %exp3A = math.exp %neg3A_999 : vector<16xf32>
      %add3A_1000 = arith.constant 1.000000e+00 : f32
      %add3A_1001 = vector.broadcast %add3A_1000 : f32 to vector<16xf32>
      %add3A_1002 = arith.addf %add3A_1001, %exp3A : vector<16xf32>
      %div3A = arith.constant 1.000000e+00 : f32
      %div3A_1003 = vector.broadcast %div3A : f32 to vector<16xf32>
      %div3A_1004 = arith.divf %div3A_1003, %add3A_1002 : vector<16xf32>
      %swap3A = arith.index_cast %scan3A_994 : i32 to index
      %swap3A_1005 = arith.constant 0 : index
      %swap3A_1006 = tpu.vector_load %arg9[%swap3A, %swap3A_1005] {strides = array<i32>} : memref<64x128xf32, #tpu.memory_space<vmem>>, vector<1x16xf32>,
      %swap3A_1007 = vector.shape_cast %swap3A_1006 : vector<1x16xf32> to vector<16xf32>
      %swap3A_1008 = vector.shape_cast %div3A_1004 : vector<16xf32> to vector<1x16xf32>
      tpu.vector_store %arg9[%swap3A, %swap3A_1005], %swap3A_1008 {strides = array<i32>} : memref<64x128xf32, #tpu.memory_space<vmem>>, vector<1x16xf32>,
      %get3A_1009 = arith.index_cast %scan3A_994 : i32 to index
      %get3A_1010 = arith.constant 16 : index
      %get3A_1011 = tpu.vector_load %arg9[%get3A_1009, %get3A_1010] {strides = array<i32>} : memref<64x128xf32, #tpu.memory_space<vmem>>, vector<1x16xf32>,
      %get3A_1012 = vector.shape_cast %get3A_1011 : vector<1x16xf32> to vector<16xf32>
      %neg3A_1013 = arith.constant 0.000000e+00 : f32
      %neg3A_1014 = vector.broadcast %neg3A_1013 : f32 to vector<16xf32>
      %neg3A_1015 = arith.subf %neg3A_1014, %get3A_1012 : vector<16xf32>
      %exp3A_1016 = math.exp %neg3A_1015 : vector<16xf32>
      %add3A_1017 = arith.constant 1.000000e+00 : f32
      %add3A_1018 = vector.broadcast %add3A_1017 : f32 to vector<16xf32>
      %add3A_1019 = arith.addf %add3A_1018, %exp3A_1016 : vector<16xf32>
      %div3A_1020 = arith.constant 1.000000e+00 : f32
      %div3A_1021 = vector.broadcast %div3A_1020 : f32 to vector<16xf32>
      %div3A_1022 = arith.divf %div3A_1021, %add3A_1019 : vector<16xf32>
      %swap3A_1023 = arith.index_cast %scan3A_994 : i32 to index
      %swap3A_1024 = arith.constant 16 : index
      %swap3A_1025 = tpu.vector_load %arg9[%swap3A_1023, %swap3A_1024] {strides = array<i32>} : memref<64x128xf32, #tpu.memory_space<vmem>>, vector<1x16xf32>,
      %swap3A_1026 = vector.shape_cast %swap3A_1025 : vector<1x16xf32> to vector<16xf32>
      %swap3A_1027 = vector.shape_cast %div3A_1022 : vector<16xf32> to vector<1x16xf32>
      tpu.vector_store %arg9[%swap3A_1023, %swap3A_1024], %swap3A_1027 {strides = array<i32>} : memref<64x128xf32, #tpu.memory_space<vmem>>, vector<1x16xf32>,
      %get3A_1028 = arith.index_cast %scan3A_994 : i32 to index
      %get3A_1029 = arith.constant 32 : index
      %get3A_1030 = tpu.vector_load %arg9[%get3A_1028, %get3A_1029] {strides = array<i32>} : memref<64x128xf32, #tpu.memory_space<vmem>>, vector<1x16xf32>,
      %get3A_1031 = vector.shape_cast %get3A_1030 : vector<1x16xf32> to vector<16xf32>
      %neg3A_1032 = arith.constant 0.000000e+00 : f32
      %neg3A_1033 = vector.broadcast %neg3A_1032 : f32 to vector<16xf32>
      %neg3A_1034 = arith.subf %neg3A_1033, %get3A_1031 : vector<16xf32>
      %exp3A_1035 = math.exp %neg3A_1034 : vector<16xf32>
      %add3A_1036 = arith.constant 1.000000e+00 : f32
      %add3A_1037 = vector.broadcast %add3A_1036 : f32 to vector<16xf32>
      %add3A_1038 = arith.addf %add3A_1037, %exp3A_1035 : vector<16xf32>
      %div3A_1039 = arith.constant 1.000000e+00 : f32
      %div3A_1040 = vector.broadcast %div3A_1039 : f32 to vector<16xf32>
      %div3A_1041 = arith.divf %div3A_1040, %add3A_1038 : vector<16xf32>
      %swap3A_1042 = arith.index_cast %scan3A_994 : i32 to index
      %swap3A_1043 = arith.constant 32 : index
      %swap3A_1044 = tpu.vector_load %arg9[%swap3A_1042, %swap3A_1043] {strides = array<i32>} : memref<64x128xf32, #tpu.memory_space<vmem>>, vector<1x16xf32>,
      %swap3A_1045 = vector.shape_cast %swap3A_1044 : vector<1x16xf32> to vector<16xf32>
      %swap3A_1046 = vector.shape_cast %div3A_1041 : vector<16xf32> to vector<1x16xf32>
      tpu.vector_store %arg9[%swap3A_1042, %swap3A_1043], %swap3A_1046 {strides = array<i32>} : memref<64x128xf32, #tpu.memory_space<vmem>>, vector<1x16xf32>,
      %get3A_1047 = arith.index_cast %scan3A_994 : i32 to index
      %get3A_1048 = arith.constant 48 : index
      %get3A_1049 = tpu.vector_load %arg9[%get3A_1047, %get3A_1048] {strides = array<i32>} : memref<64x128xf32, #tpu.memory_space<vmem>>, vector<1x16xf32>,
      %get3A_1050 = vector.shape_cast %get3A_1049 : vector<1x16xf32> to vector<16xf32>
      %neg3A_1051 = arith.constant 0.000000e+00 : f32
      %neg3A_1052 = vector.broadcast %neg3A_1051 : f32 to vector<16xf32>
      %neg3A_1053 = arith.subf %neg3A_1052, %get3A_1050 : vector<16xf32>
      %exp3A_1054 = math.exp %neg3A_1053 : vector<16xf32>
      %add3A_1055 = arith.constant 1.000000e+00 : f32
      %add3A_1056 = vector.broadcast %add3A_1055 : f32 to vector<16xf32>
      %add3A_1057 = arith.addf %add3A_1056, %exp3A_1054 : vector<16xf32>
      %div3A_1058 = arith.constant 1.000000e+00 : f32
      %div3A_1059 = vector.broadcast %div3A_1058 : f32 to vector<16xf32>
      %div3A_1060 = arith.divf %div3A_1059, %add3A_1057 : vector<16xf32>
      %swap3A_1061 = arith.index_cast %scan3A_994 : i32 to index
      %swap3A_1062 = arith.constant 48 : index
      %swap3A_1063 = tpu.vector_load %arg9[%swap3A_1061, %swap3A_1062] {strides = array<i32>} : memref<64x128xf32, #tpu.memory_space<vmem>>, vector<1x16xf32>,
      %swap3A_1064 = vector.shape_cast %swap3A_1063 : vector<1x16xf32> to vector<16xf32>
      %swap3A_1065 = vector.shape_cast %div3A_1060 : vector<16xf32> to vector<1x16xf32>
      tpu.vector_store %arg9[%swap3A_1061, %swap3A_1062], %swap3A_1065 {strides = array<i32>} : memref<64x128xf32, #tpu.memory_space<vmem>>, vector<1x16xf32>,
      %get3A_1066 = arith.index_cast %scan3A_994 : i32 to index
      %get3A_1067 = arith.constant 64 : index
      %get3A_1068 = tpu.vector_load %arg9[%get3A_1066, %get3A_1067] {strides = array<i32>} : memref<64x128xf32, #tpu.memory_space<vmem>>, vector<1x16xf32>,
      %get3A_1069 = vector.shape_cast %get3A_1068 : vector<1x16xf32> to vector<16xf32>
      %neg3A_1070 = arith.constant 0.000000e+00 : f32
      %neg3A_1071 = vector.broadcast %neg3A_1070 : f32 to vector<16xf32>
      %neg3A_1072 = arith.subf %neg3A_1071, %get3A_1069 : vector<16xf32>
      %exp3A_1073 = math.exp %neg3A_1072 : vector<16xf32>
      %add3A_1074 = arith.constant 1.000000e+00 : f32
      %add3A_1075 = vector.broadcast %add3A_1074 : f32 to vector<16xf32>
      %add3A_1076 = arith.addf %add3A_1075, %exp3A_1073 : vector<16xf32>
      %div3A_1077 = arith.constant 1.000000e+00 : f32
      %div3A_1078 = vector.broadcast %div3A_1077 : f32 to vector<16xf32>
      %div3A_1079 = arith.divf %div3A_1078, %add3A_1076 : vector<16xf32>
      %swap3A_1080 = arith.index_cast %scan3A_994 : i32 to index
      %swap3A_1081 = arith.constant 64 : index
      %swap3A_1082 = tpu.vector_load %arg9[%swap3A_1080, %swap3A_1081] {strides = array<i32>} : memref<64x128xf32, #tpu.memory_space<vmem>>, vector<1x16xf32>,
      %swap3A_1083 = vector.shape_cast %swap3A_1082 : vector<1x16xf32> to vector<16xf32>
      %swap3A_1084 = vector.shape_cast %div3A_1079 : vector<16xf32> to vector<1x16xf32>
      tpu.vector_store %arg9[%swap3A_1080, %swap3A_1081], %swap3A_1084 {strides = array<i32>} : memref<64x128xf32, #tpu.memory_space<vmem>>, vector<1x16xf32>,
      %get3A_1085 = arith.index_cast %scan3A_994 : i32 to index
      %get3A_1086 = arith.constant 80 : index
      %get3A_1087 = tpu.vector_load %arg9[%get3A_1085, %get3A_1086] {strides = array<i32>} : memref<64x128xf32, #tpu.memory_space<vmem>>, vector<1x16xf32>,
      %get3A_1088 = vector.shape_cast %get3A_1087 : vector<1x16xf32> to vector<16xf32>
      %neg3A_1089 = arith.constant 0.000000e+00 : f32
      %neg3A_1090 = vector.broadcast %neg3A_1089 : f32 to vector<16xf32>
      %neg3A_1091 = arith.subf %neg3A_1090, %get3A_1088 : vector<16xf32>
      %exp3A_1092 = math.exp %neg3A_1091 : vector<16xf32>
      %add3A_1093 = arith.constant 1.000000e+00 : f32
      %add3A_1094 = vector.broadcast %add3A_1093 : f32 to vector<16xf32>
      %add3A_1095 = arith.addf %add3A_1094, %exp3A_1092 : vector<16xf32>
      %div3A_1096 = arith.constant 1.000000e+00 : f32
      %div3A_1097 = vector.broadcast %div3A_1096 : f32 to vector<16xf32>
      %div3A_1098 = arith.divf %div3A_1097, %add3A_1095 : vector<16xf32>
      %swap3A_1099 = arith.index_cast %scan3A_994 : i32 to index
      %swap3A_1100 = arith.constant 80 : index
      %swap3A_1101 = tpu.vector_load %arg9[%swap3A_1099, %swap3A_1100] {strides = array<i32>} : memref<64x128xf32, #tpu.memory_space<vmem>>, vector<1x16xf32>,
      %swap3A_1102 = vector.shape_cast %swap3A_1101 : vector<1x16xf32> to vector<16xf32>
      %swap3A_1103 = vector.shape_cast %div3A_1098 : vector<16xf32> to vector<1x16xf32>
      tpu.vector_store %arg9[%swap3A_1099, %swap3A_1100], %swap3A_1103 {strides = array<i32>} : memref<64x128xf32, #tpu.memory_space<vmem>>, vector<1x16xf32>,
      %get3A_1104 = arith.index_cast %scan3A_994 : i32 to index
      %get3A_1105 = arith.constant 96 : index
      %get3A_1106 = tpu.vector_load %arg9[%get3A_1104, %get3A_1105] {strides = array<i32>} : memref<64x128xf32, #tpu.memory_space<vmem>>, vector<1x16xf32>,
      %get3A_1107 = vector.shape_cast %get3A_1106 : vector<1x16xf32> to vector<16xf32>
      %neg3A_1108 = arith.constant 0.000000e+00 : f32
      %neg3A_1109 = vector.broadcast %neg3A_1108 : f32 to vector<16xf32>
      %neg3A_1110 = arith.subf %neg3A_1109, %get3A_1107 : vector<16xf32>
      %exp3A_1111 = math.exp %neg3A_1110 : vector<16xf32>
      %add3A_1112 = arith.constant 1.000000e+00 : f32
      %add3A_1113 = vector.broadcast %add3A_1112 : f32 to vector<16xf32>
      %add3A_1114 = arith.addf %add3A_1113, %exp3A_1111 : vector<16xf32>
      %div3A_1115 = arith.constant 1.000000e+00 : f32
      %div3A_1116 = vector.broadcast %div3A_1115 : f32 to vector<16xf32>
      %div3A_1117 = arith.divf %div3A_1116, %add3A_1114 : vector<16xf32>
      %swap3A_1118 = arith.index_cast %scan3A_994 : i32 to index
      %swap3A_1119 = arith.constant 96 : index
      %swap3A_1120 = tpu.vector_load %arg9[%swap3A_1118, %swap3A_1119] {strides = array<i32>} : memref<64x128xf32, #tpu.memory_space<vmem>>, vector<1x16xf32>,
      %swap3A_1121 = vector.shape_cast %swap3A_1120 : vector<1x16xf32> to vector<16xf32>
      %swap3A_1122 = vector.shape_cast %div3A_1117 : vector<16xf32> to vector<1x16xf32>
      tpu.vector_store %arg9[%swap3A_1118, %swap3A_1119], %swap3A_1122 {strides = array<i32>} : memref<64x128xf32, #tpu.memory_space<vmem>>, vector<1x16xf32>,
      %get3A_1123 = arith.index_cast %scan3A_994 : i32 to index
      %get3A_1124 = arith.constant 112 : index
      %get3A_1125 = tpu.vector_load %arg9[%get3A_1123, %get3A_1124] {strides = array<i32>} : memref<64x128xf32, #tpu.memory_space<vmem>>, vector<1x16xf32>,
      %get3A_1126 = vector.shape_cast %get3A_1125 : vector<1x16xf32> to vector<16xf32>
      %neg3A_1127 = arith.constant 0.000000e+00 : f32
      %neg3A_1128 = vector.broadcast %neg3A_1127 : f32 to vector<16xf32>
      %neg3A_1129 = arith.subf %neg3A_1128, %get3A_1126 : vector<16xf32>
      %exp3A_1130 = math.exp %neg3A_1129 : vector<16xf32>
      %add3A_1131 = arith.constant 1.000000e+00 : f32
      %add3A_1132 = vector.broadcast %add3A_1131 : f32 to vector<16xf32>
      %add3A_1133 = arith.addf %add3A_1132, %exp3A_1130 : vector<16xf32>
      %div3A_1134 = arith.constant 1.000000e+00 : f32
      %div3A_1135 = vector.broadcast %div3A_1134 : f32 to vector<16xf32>
      %div3A_1136 = arith.divf %div3A_1135, %add3A_1133 : vector<16xf32>
      %swap3A_1137 = arith.index_cast %scan3A_994 : i32 to index
      %swap3A_1138 = arith.constant 112 : index
      %swap3A_1139 = tpu.vector_load %arg9[%swap3A_1137, %swap3A_1138] {strides = array<i32>} : memref<64x128xf32, #tpu.memory_space<vmem>>, vector<1x16xf32>,
      %swap3A_1140 = vector.shape_cast %swap3A_1139 : vector<1x16xf32> to vector<16xf32>
      %swap3A_1141 = vector.shape_cast %div3A_1136 : vector<16xf32> to vector<1x16xf32>
      tpu.vector_store %arg9[%swap3A_1137, %swap3A_1138], %swap3A_1141 {strides = array<i32>} : memref<64x128xf32, #tpu.memory_space<vmem>>, vector<1x16xf32>,
    }
    %scan3A_685 = arith.constant 40 : i32
    %add3A_686 = arith.constant 176 : i32
    %add3A_687 = arith.addi %arg1, %add3A_686 : i32
    %mul3A_688 = arith.constant 40 : i32
    %mul3A_689 = arith.muli %add3A_687, %mul3A_688 : i32
    %dma_start3A_690 = arith.constant 0 : i32
    %dma_start3A_691 = arith.constant 0 : i32
    %dma_start3A_692 = tpu.memref_slice %arg9[%dma_start3A_690, %dma_start3A_691] : memref<64x128xf32, #tpu.memory_space<vmem>> -> memref<40x128xf32, #tpu.memory_space<vmem>>
    %dma_start3A_693 = arith.constant 0 : i32
    %dma_start3A_694 = tpu.memref_slice %arg10[%mul3A_689, %dma_start3A_693] : memref<10000x128xf32, #tpu.memory_space<vmem_shared>> -> memref<40x128xf32, #tpu.memory_space<vmem_shared>>
    %dma_start3A_695 = arith.constant 0 : i32
    %dma_start3A_696 = tpu.memref_slice %arg10[%mul3A_689, %dma_start3A_695] : memref<10000x128xf32, #tpu.memory_space<vmem_shared>> -> memref<40x128xf32, #tpu.memory_space<vmem_shared>>
    %dma_start3A_697 = arith.constant 0 : i32
    %dma_start3A_698 = arith.constant 0 : i32
    %dma_start3A_699 = tpu.memref_slice %arg9[%dma_start3A_697, %dma_start3A_698] : memref<64x128xf32, #tpu.memory_space<vmem>> -> memref<40x128xf32, #tpu.memory_space<vmem>>
    tpu.enqueue_dma source(%dma_start3A_699 : memref<40x128xf32, #tpu.memory_space<vmem>>) target(%dma_start3A_696 : memref<40x128xf32, #tpu.memory_space<vmem_shared>>) target_semaphore(%arg14 : memref<!tpu.dma_semaphore, #tpu.memory_space<semaphore_mem>>)
    %dma_wait3A_700 = arith.constant 0 : i32
    %dma_wait3A_701 = arith.constant 0 : i32
    %dma_wait3A_702 = tpu.memref_slice %arg8[%dma_wait3A_700, %dma_wait3A_701] : memref<64x128xf32, #tpu.memory_space<vmem>> -> memref<40x128xf32, #tpu.memory_space<vmem>>
    %dma_wait3A_703 = arith.constant 0 : i32
    %dma_wait3A_704 = arith.constant 0 : i32
    %dma_wait3A_705 = tpu.memref_slice %arg2[%dma_wait3A_703, %dma_wait3A_704] : memref<10000x128xf32, #tpu.memory_space<hbm>> -> memref<40x128xf32, #tpu.memory_space<hbm>>
    %dma_wait3A_706 = arith.constant 0 : i32
    %dma_wait3A_707 = arith.constant 0 : i32
    %dma_wait3A_708 = tpu.memref_slice %arg8[%dma_wait3A_706, %dma_wait3A_707] : memref<64x128xf32, #tpu.memory_space<vmem>> -> memref<40x128xf32, #tpu.memory_space<vmem>>
    %dma_wait3A_709 = arith.constant 0 : i32
    %dma_wait3A_710 = arith.constant 0 : i32
    %dma_wait3A_711 = tpu.memref_slice %arg2[%dma_wait3A_709, %dma_wait3A_710] : memref<10000x128xf32, #tpu.memory_space<hbm>> -> memref<40x128xf32, #tpu.memory_space<hbm>>
    tpu.wait_dma2 semaphore(%arg13 : memref<!tpu.dma_semaphore, #tpu.memory_space<semaphore_mem>>) src(%dma_wait3A_711 : memref<40x128xf32, #tpu.memory_space<hbm>>) dst(%dma_wait3A_708 : memref<40x128xf32, #tpu.memory_space<vmem>>)
    %add3A_712 = arith.constant 224 : i32
    %add3A_713 = arith.addi %arg1, %add3A_712 : i32
    %mul3A_714 = arith.constant 40 : i32
    %mul3A_715 = arith.muli %add3A_713, %mul3A_714 : i32
    %dma_start3A_716 = arith.constant 0 : i32
    %dma_start3A_717 = arith.constant 0 : i32
    %dma_start3A_718 = tpu.memref_slice %arg8[%dma_start3A_716, %dma_start3A_717] : memref<64x128xf32, #tpu.memory_space<vmem>> -> memref<40x128xf32, #tpu.memory_space<vmem>>
    %dma_start3A_719 = arith.constant 0 : i32
    %dma_start3A_720 = tpu.memref_slice %arg2[%mul3A_715, %dma_start3A_719] : memref<10000x128xf32, #tpu.memory_space<hbm>> -> memref<40x128xf32, #tpu.memory_space<hbm>>
    %dma_start3A_721 = arith.constant 0 : i32
    %dma_start3A_722 = arith.constant 0 : i32
    %dma_start3A_723 = tpu.memref_slice %arg8[%dma_start3A_721, %dma_start3A_722] : memref<64x128xf32, #tpu.memory_space<vmem>> -> memref<40x128xf32, #tpu.memory_space<vmem>>
    %dma_start3A_724 = arith.constant 0 : i32
    %dma_start3A_725 = tpu.memref_slice %arg2[%mul3A_715, %dma_start3A_724] : memref<10000x128xf32, #tpu.memory_space<hbm>> -> memref<40x128xf32, #tpu.memory_space<hbm>>
    tpu.enqueue_dma source(%dma_start3A_725 : memref<40x128xf32, #tpu.memory_space<hbm>>) target(%dma_start3A_723 : memref<40x128xf32, #tpu.memory_space<vmem>>) target_semaphore(%arg13 : memref<!tpu.dma_semaphore, #tpu.memory_space<semaphore_mem>>)
    %dma_wait3A_726 = arith.constant 0 : i32
    %dma_wait3A_727 = arith.constant 0 : i32
    %dma_wait3A_728 = tpu.memref_slice %arg6[%dma_wait3A_726, %dma_wait3A_727] : memref<64x128xf32, #tpu.memory_space<vmem>> -> memref<40x128xf32, #tpu.memory_space<vmem>>
    %dma_wait3A_729 = arith.constant 0 : i32
    %dma_wait3A_730 = arith.constant 0 : i32
    %dma_wait3A_731 = tpu.memref_slice %arg2[%dma_wait3A_729, %dma_wait3A_730] : memref<10000x128xf32, #tpu.memory_space<hbm>> -> memref<40x128xf32, #tpu.memory_space<hbm>>
    %dma_wait3A_732 = arith.constant 0 : i32
    %dma_wait3A_733 = arith.constant 0 : i32
    %dma_wait3A_734 = tpu.memref_slice %arg6[%dma_wait3A_732, %dma_wait3A_733] : memref<64x128xf32, #tpu.memory_space<vmem>> -> memref<40x128xf32, #tpu.memory_space<vmem>>
    %dma_wait3A_735 = arith.constant 0 : i32
    %dma_wait3A_736 = arith.constant 0 : i32
    %dma_wait3A_737 = tpu.memref_slice %arg2[%dma_wait3A_735, %dma_wait3A_736] : memref<10000x128xf32, #tpu.memory_space<hbm>> -> memref<40x128xf32, #tpu.memory_space<hbm>>
    tpu.wait_dma2 semaphore(%arg11 : memref<!tpu.dma_semaphore, #tpu.memory_space<semaphore_mem>>) src(%dma_wait3A_737 : memref<40x128xf32, #tpu.memory_space<hbm>>) dst(%dma_wait3A_734 : memref<40x128xf32, #tpu.memory_space<vmem>>)
    %scan3A_738 = arith.constant 0 : i32
    %scan3A_739 = arith.constant 0 : i32
    %scan3A_740 = arith.constant 40 : i32
    %scan3A_741 = arith.addi %scan3A_739, %scan3A_740 : i32
    %scan3A_742 = arith.constant 1 : i32
    scf.for %scan3A_994 = %scan3A_739 to %scan3A_741 step %scan3A_742  : i32 {
      %get3A = arith.index_cast %scan3A_994 : i32 to index
      %get3A_995 = arith.constant 0 : index
      %get3A_996 = tpu.vector_load %arg6[%get3A, %get3A_995] {strides = array<i32>} : memref<64x128xf32, #tpu.memory_space<vmem>>, vector<1x16xf32>,
      %get3A_997 = vector.shape_cast %get3A_996 : vector<1x16xf32> to vector<16xf32>
      %neg3A = arith.constant 0.000000e+00 : f32
      %neg3A_998 = vector.broadcast %neg3A : f32 to vector<16xf32>
      %neg3A_999 = arith.subf %neg3A_998, %get3A_997 : vector<16xf32>
      %exp3A = math.exp %neg3A_999 : vector<16xf32>
      %add3A_1000 = arith.constant 1.000000e+00 : f32
      %add3A_1001 = vector.broadcast %add3A_1000 : f32 to vector<16xf32>
      %add3A_1002 = arith.addf %add3A_1001, %exp3A : vector<16xf32>
      %div3A = arith.constant 1.000000e+00 : f32
      %div3A_1003 = vector.broadcast %div3A : f32 to vector<16xf32>
      %div3A_1004 = arith.divf %div3A_1003, %add3A_1002 : vector<16xf32>
      %swap3A = arith.index_cast %scan3A_994 : i32 to index
      %swap3A_1005 = arith.constant 0 : index
      %swap3A_1006 = tpu.vector_load %arg6[%swap3A, %swap3A_1005] {strides = array<i32>} : memref<64x128xf32, #tpu.memory_space<vmem>>, vector<1x16xf32>,
      %swap3A_1007 = vector.shape_cast %swap3A_1006 : vector<1x16xf32> to vector<16xf32>
      %swap3A_1008 = vector.shape_cast %div3A_1004 : vector<16xf32> to vector<1x16xf32>
      tpu.vector_store %arg6[%swap3A, %swap3A_1005], %swap3A_1008 {strides = array<i32>} : memref<64x128xf32, #tpu.memory_space<vmem>>, vector<1x16xf32>,
      %get3A_1009 = arith.index_cast %scan3A_994 : i32 to index
      %get3A_1010 = arith.constant 16 : index
      %get3A_1011 = tpu.vector_load %arg6[%get3A_1009, %get3A_1010] {strides = array<i32>} : memref<64x128xf32, #tpu.memory_space<vmem>>, vector<1x16xf32>,
      %get3A_1012 = vector.shape_cast %get3A_1011 : vector<1x16xf32> to vector<16xf32>
      %neg3A_1013 = arith.constant 0.000000e+00 : f32
      %neg3A_1014 = vector.broadcast %neg3A_1013 : f32 to vector<16xf32>
      %neg3A_1015 = arith.subf %neg3A_1014, %get3A_1012 : vector<16xf32>
      %exp3A_1016 = math.exp %neg3A_1015 : vector<16xf32>
      %add3A_1017 = arith.constant 1.000000e+00 : f32
      %add3A_1018 = vector.broadcast %add3A_1017 : f32 to vector<16xf32>
      %add3A_1019 = arith.addf %add3A_1018, %exp3A_1016 : vector<16xf32>
      %div3A_1020 = arith.constant 1.000000e+00 : f32
      %div3A_1021 = vector.broadcast %div3A_1020 : f32 to vector<16xf32>
      %div3A_1022 = arith.divf %div3A_1021, %add3A_1019 : vector<16xf32>
      %swap3A_1023 = arith.index_cast %scan3A_994 : i32 to index
      %swap3A_1024 = arith.constant 16 : index
      %swap3A_1025 = tpu.vector_load %arg6[%swap3A_1023, %swap3A_1024] {strides = array<i32>} : memref<64x128xf32, #tpu.memory_space<vmem>>, vector<1x16xf32>,
      %swap3A_1026 = vector.shape_cast %swap3A_1025 : vector<1x16xf32> to vector<16xf32>
      %swap3A_1027 = vector.shape_cast %div3A_1022 : vector<16xf32> to vector<1x16xf32>
      tpu.vector_store %arg6[%swap3A_1023, %swap3A_1024], %swap3A_1027 {strides = array<i32>} : memref<64x128xf32, #tpu.memory_space<vmem>>, vector<1x16xf32>,
      %get3A_1028 = arith.index_cast %scan3A_994 : i32 to index
      %get3A_1029 = arith.constant 32 : index
      %get3A_1030 = tpu.vector_load %arg6[%get3A_1028, %get3A_1029] {strides = array<i32>} : memref<64x128xf32, #tpu.memory_space<vmem>>, vector<1x16xf32>,
      %get3A_1031 = vector.shape_cast %get3A_1030 : vector<1x16xf32> to vector<16xf32>
      %neg3A_1032 = arith.constant 0.000000e+00 : f32
      %neg3A_1033 = vector.broadcast %neg3A_1032 : f32 to vector<16xf32>
      %neg3A_1034 = arith.subf %neg3A_1033, %get3A_1031 : vector<16xf32>
      %exp3A_1035 = math.exp %neg3A_1034 : vector<16xf32>
      %add3A_1036 = arith.constant 1.000000e+00 : f32
      %add3A_1037 = vector.broadcast %add3A_1036 : f32 to vector<16xf32>
      %add3A_1038 = arith.addf %add3A_1037, %exp3A_1035 : vector<16xf32>
      %div3A_1039 = arith.constant 1.000000e+00 : f32
      %div3A_1040 = vector.broadcast %div3A_1039 : f32 to vector<16xf32>
      %div3A_1041 = arith.divf %div3A_1040, %add3A_1038 : vector<16xf32>
      %swap3A_1042 = arith.index_cast %scan3A_994 : i32 to index
      %swap3A_1043 = arith.constant 32 : index
      %swap3A_1044 = tpu.vector_load %arg6[%swap3A_1042, %swap3A_1043] {strides = array<i32>} : memref<64x128xf32, #tpu.memory_space<vmem>>, vector<1x16xf32>,
      %swap3A_1045 = vector.shape_cast %swap3A_1044 : vector<1x16xf32> to vector<16xf32>
      %swap3A_1046 = vector.shape_cast %div3A_1041 : vector<16xf32> to vector<1x16xf32>
      tpu.vector_store %arg6[%swap3A_1042, %swap3A_1043], %swap3A_1046 {strides = array<i32>} : memref<64x128xf32, #tpu.memory_space<vmem>>, vector<1x16xf32>,
      %get3A_1047 = arith.index_cast %scan3A_994 : i32 to index
      %get3A_1048 = arith.constant 48 : index
      %get3A_1049 = tpu.vector_load %arg6[%get3A_1047, %get3A_1048] {strides = array<i32>} : memref<64x128xf32, #tpu.memory_space<vmem>>, vector<1x16xf32>,
      %get3A_1050 = vector.shape_cast %get3A_1049 : vector<1x16xf32> to vector<16xf32>
      %neg3A_1051 = arith.constant 0.000000e+00 : f32
      %neg3A_1052 = vector.broadcast %neg3A_1051 : f32 to vector<16xf32>
      %neg3A_1053 = arith.subf %neg3A_1052, %get3A_1050 : vector<16xf32>
      %exp3A_1054 = math.exp %neg3A_1053 : vector<16xf32>
      %add3A_1055 = arith.constant 1.000000e+00 : f32
      %add3A_1056 = vector.broadcast %add3A_1055 : f32 to vector<16xf32>
      %add3A_1057 = arith.addf %add3A_1056, %exp3A_1054 : vector<16xf32>
      %div3A_1058 = arith.constant 1.000000e+00 : f32
      %div3A_1059 = vector.broadcast %div3A_1058 : f32 to vector<16xf32>
      %div3A_1060 = arith.divf %div3A_1059, %add3A_1057 : vector<16xf32>
      %swap3A_1061 = arith.index_cast %scan3A_994 : i32 to index
      %swap3A_1062 = arith.constant 48 : index
      %swap3A_1063 = tpu.vector_load %arg6[%swap3A_1061, %swap3A_1062] {strides = array<i32>} : memref<64x128xf32, #tpu.memory_space<vmem>>, vector<1x16xf32>,
      %swap3A_1064 = vector.shape_cast %swap3A_1063 : vector<1x16xf32> to vector<16xf32>
      %swap3A_1065 = vector.shape_cast %div3A_1060 : vector<16xf32> to vector<1x16xf32>
      tpu.vector_store %arg6[%swap3A_1061, %swap3A_1062], %swap3A_1065 {strides = array<i32>} : memref<64x128xf32, #tpu.memory_space<vmem>>, vector<1x16xf32>,
      %get3A_1066 = arith.index_cast %scan3A_994 : i32 to index
      %get3A_1067 = arith.constant 64 : index
      %get3A_1068 = tpu.vector_load %arg6[%get3A_1066, %get3A_1067] {strides = array<i32>} : memref<64x128xf32, #tpu.memory_space<vmem>>, vector<1x16xf32>,
      %get3A_1069 = vector.shape_cast %get3A_1068 : vector<1x16xf32> to vector<16xf32>
      %neg3A_1070 = arith.constant 0.000000e+00 : f32
      %neg3A_1071 = vector.broadcast %neg3A_1070 : f32 to vector<16xf32>
      %neg3A_1072 = arith.subf %neg3A_1071, %get3A_1069 : vector<16xf32>
      %exp3A_1073 = math.exp %neg3A_1072 : vector<16xf32>
      %add3A_1074 = arith.constant 1.000000e+00 : f32
      %add3A_1075 = vector.broadcast %add3A_1074 : f32 to vector<16xf32>
      %add3A_1076 = arith.addf %add3A_1075, %exp3A_1073 : vector<16xf32>
      %div3A_1077 = arith.constant 1.000000e+00 : f32
      %div3A_1078 = vector.broadcast %div3A_1077 : f32 to vector<16xf32>
      %div3A_1079 = arith.divf %div3A_1078, %add3A_1076 : vector<16xf32>
      %swap3A_1080 = arith.index_cast %scan3A_994 : i32 to index
      %swap3A_1081 = arith.constant 64 : index
      %swap3A_1082 = tpu.vector_load %arg6[%swap3A_1080, %swap3A_1081] {strides = array<i32>} : memref<64x128xf32, #tpu.memory_space<vmem>>, vector<1x16xf32>,
      %swap3A_1083 = vector.shape_cast %swap3A_1082 : vector<1x16xf32> to vector<16xf32>
      %swap3A_1084 = vector.shape_cast %div3A_1079 : vector<16xf32> to vector<1x16xf32>
      tpu.vector_store %arg6[%swap3A_1080, %swap3A_1081], %swap3A_1084 {strides = array<i32>} : memref<64x128xf32, #tpu.memory_space<vmem>>, vector<1x16xf32>,
      %get3A_1085 = arith.index_cast %scan3A_994 : i32 to index
      %get3A_1086 = arith.constant 80 : index
      %get3A_1087 = tpu.vector_load %arg6[%get3A_1085, %get3A_1086] {strides = array<i32>} : memref<64x128xf32, #tpu.memory_space<vmem>>, vector<1x16xf32>,
      %get3A_1088 = vector.shape_cast %get3A_1087 : vector<1x16xf32> to vector<16xf32>
      %neg3A_1089 = arith.constant 0.000000e+00 : f32
      %neg3A_1090 = vector.broadcast %neg3A_1089 : f32 to vector<16xf32>
      %neg3A_1091 = arith.subf %neg3A_1090, %get3A_1088 : vector<16xf32>
      %exp3A_1092 = math.exp %neg3A_1091 : vector<16xf32>
      %add3A_1093 = arith.constant 1.000000e+00 : f32
      %add3A_1094 = vector.broadcast %add3A_1093 : f32 to vector<16xf32>
      %add3A_1095 = arith.addf %add3A_1094, %exp3A_1092 : vector<16xf32>
      %div3A_1096 = arith.constant 1.000000e+00 : f32
      %div3A_1097 = vector.broadcast %div3A_1096 : f32 to vector<16xf32>
      %div3A_1098 = arith.divf %div3A_1097, %add3A_1095 : vector<16xf32>
      %swap3A_1099 = arith.index_cast %scan3A_994 : i32 to index
      %swap3A_1100 = arith.constant 80 : index
      %swap3A_1101 = tpu.vector_load %arg6[%swap3A_1099, %swap3A_1100] {strides = array<i32>} : memref<64x128xf32, #tpu.memory_space<vmem>>, vector<1x16xf32>,
      %swap3A_1102 = vector.shape_cast %swap3A_1101 : vector<1x16xf32> to vector<16xf32>
      %swap3A_1103 = vector.shape_cast %div3A_1098 : vector<16xf32> to vector<1x16xf32>
      tpu.vector_store %arg6[%swap3A_1099, %swap3A_1100], %swap3A_1103 {strides = array<i32>} : memref<64x128xf32, #tpu.memory_space<vmem>>, vector<1x16xf32>,
      %get3A_1104 = arith.index_cast %scan3A_994 : i32 to index
      %get3A_1105 = arith.constant 96 : index
      %get3A_1106 = tpu.vector_load %arg6[%get3A_1104, %get3A_1105] {strides = array<i32>} : memref<64x128xf32, #tpu.memory_space<vmem>>, vector<1x16xf32>,
      %get3A_1107 = vector.shape_cast %get3A_1106 : vector<1x16xf32> to vector<16xf32>
      %neg3A_1108 = arith.constant 0.000000e+00 : f32
      %neg3A_1109 = vector.broadcast %neg3A_1108 : f32 to vector<16xf32>
      %neg3A_1110 = arith.subf %neg3A_1109, %get3A_1107 : vector<16xf32>
      %exp3A_1111 = math.exp %neg3A_1110 : vector<16xf32>
      %add3A_1112 = arith.constant 1.000000e+00 : f32
      %add3A_1113 = vector.broadcast %add3A_1112 : f32 to vector<16xf32>
      %add3A_1114 = arith.addf %add3A_1113, %exp3A_1111 : vector<16xf32>
      %div3A_1115 = arith.constant 1.000000e+00 : f32
      %div3A_1116 = vector.broadcast %div3A_1115 : f32 to vector<16xf32>
      %div3A_1117 = arith.divf %div3A_1116, %add3A_1114 : vector<16xf32>
      %swap3A_1118 = arith.index_cast %scan3A_994 : i32 to index
      %swap3A_1119 = arith.constant 96 : index
      %swap3A_1120 = tpu.vector_load %arg6[%swap3A_1118, %swap3A_1119] {strides = array<i32>} : memref<64x128xf32, #tpu.memory_space<vmem>>, vector<1x16xf32>,
      %swap3A_1121 = vector.shape_cast %swap3A_1120 : vector<1x16xf32> to vector<16xf32>
      %swap3A_1122 = vector.shape_cast %div3A_1117 : vector<16xf32> to vector<1x16xf32>
      tpu.vector_store %arg6[%swap3A_1118, %swap3A_1119], %swap3A_1122 {strides = array<i32>} : memref<64x128xf32, #tpu.memory_space<vmem>>, vector<1x16xf32>,
      %get3A_1123 = arith.index_cast %scan3A_994 : i32 to index
      %get3A_1124 = arith.constant 112 : index
      %get3A_1125 = tpu.vector_load %arg6[%get3A_1123, %get3A_1124] {strides = array<i32>} : memref<64x128xf32, #tpu.memory_space<vmem>>, vector<1x16xf32>,
      %get3A_1126 = vector.shape_cast %get3A_1125 : vector<1x16xf32> to vector<16xf32>
      %neg3A_1127 = arith.constant 0.000000e+00 : f32
      %neg3A_1128 = vector.broadcast %neg3A_1127 : f32 to vector<16xf32>
      %neg3A_1129 = arith.subf %neg3A_1128, %get3A_1126 : vector<16xf32>
      %exp3A_1130 = math.exp %neg3A_1129 : vector<16xf32>
      %add3A_1131 = arith.constant 1.000000e+00 : f32
      %add3A_1132 = vector.broadcast %add3A_1131 : f32 to vector<16xf32>
      %add3A_1133 = arith.addf %add3A_1132, %exp3A_1130 : vector<16xf32>
      %div3A_1134 = arith.constant 1.000000e+00 : f32
      %div3A_1135 = vector.broadcast %div3A_1134 : f32 to vector<16xf32>
      %div3A_1136 = arith.divf %div3A_1135, %add3A_1133 : vector<16xf32>
      %swap3A_1137 = arith.index_cast %scan3A_994 : i32 to index
      %swap3A_1138 = arith.constant 112 : index
      %swap3A_1139 = tpu.vector_load %arg6[%swap3A_1137, %swap3A_1138] {strides = array<i32>} : memref<64x128xf32, #tpu.memory_space<vmem>>, vector<1x16xf32>,
      %swap3A_1140 = vector.shape_cast %swap3A_1139 : vector<1x16xf32> to vector<16xf32>
      %swap3A_1141 = vector.shape_cast %div3A_1136 : vector<16xf32> to vector<1x16xf32>
      tpu.vector_store %arg6[%swap3A_1137, %swap3A_1138], %swap3A_1141 {strides = array<i32>} : memref<64x128xf32, #tpu.memory_space<vmem>>, vector<1x16xf32>,
    }
    %scan3A_743 = arith.constant 40 : i32
    %add3A_744 = arith.constant 192 : i32
    %add3A_745 = arith.addi %arg1, %add3A_744 : i32
    %mul3A_746 = arith.constant 40 : i32
    %mul3A_747 = arith.muli %add3A_745, %mul3A_746 : i32
    %dma_start3A_748 = arith.constant 0 : i32
    %dma_start3A_749 = arith.constant 0 : i32
    %dma_start3A_750 = tpu.memref_slice %arg6[%dma_start3A_748, %dma_start3A_749] : memref<64x128xf32, #tpu.memory_space<vmem>> -> memref<40x128xf32, #tpu.memory_space<vmem>>
    %dma_start3A_751 = arith.constant 0 : i32
    %dma_start3A_752 = tpu.memref_slice %arg10[%mul3A_747, %dma_start3A_751] : memref<10000x128xf32, #tpu.memory_space<vmem_shared>> -> memref<40x128xf32, #tpu.memory_space<vmem_shared>>
    %dma_start3A_753 = arith.constant 0 : i32
    %dma_start3A_754 = tpu.memref_slice %arg10[%mul3A_747, %dma_start3A_753] : memref<10000x128xf32, #tpu.memory_space<vmem_shared>> -> memref<40x128xf32, #tpu.memory_space<vmem_shared>>
    %dma_start3A_755 = arith.constant 0 : i32
    %dma_start3A_756 = arith.constant 0 : i32
    %dma_start3A_757 = tpu.memref_slice %arg6[%dma_start3A_755, %dma_start3A_756] : memref<64x128xf32, #tpu.memory_space<vmem>> -> memref<40x128xf32, #tpu.memory_space<vmem>>
    tpu.enqueue_dma source(%dma_start3A_757 : memref<40x128xf32, #tpu.memory_space<vmem>>) target(%dma_start3A_754 : memref<40x128xf32, #tpu.memory_space<vmem_shared>>) target_semaphore(%arg11 : memref<!tpu.dma_semaphore, #tpu.memory_space<semaphore_mem>>)
    %dma_wait3A_758 = arith.constant 0 : i32
    %dma_wait3A_759 = arith.constant 0 : i32
    %dma_wait3A_760 = tpu.memref_slice %arg7[%dma_wait3A_758, %dma_wait3A_759] : memref<64x128xf32, #tpu.memory_space<vmem>> -> memref<40x128xf32, #tpu.memory_space<vmem>>
    %dma_wait3A_761 = arith.constant 0 : i32
    %dma_wait3A_762 = arith.constant 0 : i32
    %dma_wait3A_763 = tpu.memref_slice %arg2[%dma_wait3A_761, %dma_wait3A_762] : memref<10000x128xf32, #tpu.memory_space<hbm>> -> memref<40x128xf32, #tpu.memory_space<hbm>>
    %dma_wait3A_764 = arith.constant 0 : i32
    %dma_wait3A_765 = arith.constant 0 : i32
    %dma_wait3A_766 = tpu.memref_slice %arg7[%dma_wait3A_764, %dma_wait3A_765] : memref<64x128xf32, #tpu.memory_space<vmem>> -> memref<40x128xf32, #tpu.memory_space<vmem>>
    %dma_wait3A_767 = arith.constant 0 : i32
    %dma_wait3A_768 = arith.constant 0 : i32
    %dma_wait3A_769 = tpu.memref_slice %arg2[%dma_wait3A_767, %dma_wait3A_768] : memref<10000x128xf32, #tpu.memory_space<hbm>> -> memref<40x128xf32, #tpu.memory_space<hbm>>
    tpu.wait_dma2 semaphore(%arg12 : memref<!tpu.dma_semaphore, #tpu.memory_space<semaphore_mem>>) src(%dma_wait3A_769 : memref<40x128xf32, #tpu.memory_space<hbm>>) dst(%dma_wait3A_766 : memref<40x128xf32, #tpu.memory_space<vmem>>)
    %scan3A_770 = arith.constant 0 : i32
    %scan3A_771 = arith.constant 0 : i32
    %scan3A_772 = arith.constant 40 : i32
    %scan3A_773 = arith.addi %scan3A_771, %scan3A_772 : i32
    %scan3A_774 = arith.constant 1 : i32
    scf.for %scan3A_994 = %scan3A_771 to %scan3A_773 step %scan3A_774  : i32 {
      %get3A = arith.index_cast %scan3A_994 : i32 to index
      %get3A_995 = arith.constant 0 : index
      %get3A_996 = tpu.vector_load %arg7[%get3A, %get3A_995] {strides = array<i32>} : memref<64x128xf32, #tpu.memory_space<vmem>>, vector<1x16xf32>,
      %get3A_997 = vector.shape_cast %get3A_996 : vector<1x16xf32> to vector<16xf32>
      %neg3A = arith.constant 0.000000e+00 : f32
      %neg3A_998 = vector.broadcast %neg3A : f32 to vector<16xf32>
      %neg3A_999 = arith.subf %neg3A_998, %get3A_997 : vector<16xf32>
      %exp3A = math.exp %neg3A_999 : vector<16xf32>
      %add3A_1000 = arith.constant 1.000000e+00 : f32
      %add3A_1001 = vector.broadcast %add3A_1000 : f32 to vector<16xf32>
      %add3A_1002 = arith.addf %add3A_1001, %exp3A : vector<16xf32>
      %div3A = arith.constant 1.000000e+00 : f32
      %div3A_1003 = vector.broadcast %div3A : f32 to vector<16xf32>
      %div3A_1004 = arith.divf %div3A_1003, %add3A_1002 : vector<16xf32>
      %swap3A = arith.index_cast %scan3A_994 : i32 to index
      %swap3A_1005 = arith.constant 0 : index
      %swap3A_1006 = tpu.vector_load %arg7[%swap3A, %swap3A_1005] {strides = array<i32>} : memref<64x128xf32, #tpu.memory_space<vmem>>, vector<1x16xf32>,
      %swap3A_1007 = vector.shape_cast %swap3A_1006 : vector<1x16xf32> to vector<16xf32>
      %swap3A_1008 = vector.shape_cast %div3A_1004 : vector<16xf32> to vector<1x16xf32>
      tpu.vector_store %arg7[%swap3A, %swap3A_1005], %swap3A_1008 {strides = array<i32>} : memref<64x128xf32, #tpu.memory_space<vmem>>, vector<1x16xf32>,
      %get3A_1009 = arith.index_cast %scan3A_994 : i32 to index
      %get3A_1010 = arith.constant 16 : index
      %get3A_1011 = tpu.vector_load %arg7[%get3A_1009, %get3A_1010] {strides = array<i32>} : memref<64x128xf32, #tpu.memory_space<vmem>>, vector<1x16xf32>,
      %get3A_1012 = vector.shape_cast %get3A_1011 : vector<1x16xf32> to vector<16xf32>
      %neg3A_1013 = arith.constant 0.000000e+00 : f32
      %neg3A_1014 = vector.broadcast %neg3A_1013 : f32 to vector<16xf32>
      %neg3A_1015 = arith.subf %neg3A_1014, %get3A_1012 : vector<16xf32>
      %exp3A_1016 = math.exp %neg3A_1015 : vector<16xf32>
      %add3A_1017 = arith.constant 1.000000e+00 : f32
      %add3A_1018 = vector.broadcast %add3A_1017 : f32 to vector<16xf32>
      %add3A_1019 = arith.addf %add3A_1018, %exp3A_1016 : vector<16xf32>
      %div3A_1020 = arith.constant 1.000000e+00 : f32
      %div3A_1021 = vector.broadcast %div3A_1020 : f32 to vector<16xf32>
      %div3A_1022 = arith.divf %div3A_1021, %add3A_1019 : vector<16xf32>
      %swap3A_1023 = arith.index_cast %scan3A_994 : i32 to index
      %swap3A_1024 = arith.constant 16 : index
      %swap3A_1025 = tpu.vector_load %arg7[%swap3A_1023, %swap3A_1024] {strides = array<i32>} : memref<64x128xf32, #tpu.memory_space<vmem>>, vector<1x16xf32>,
      %swap3A_1026 = vector.shape_cast %swap3A_1025 : vector<1x16xf32> to vector<16xf32>
      %swap3A_1027 = vector.shape_cast %div3A_1022 : vector<16xf32> to vector<1x16xf32>
      tpu.vector_store %arg7[%swap3A_1023, %swap3A_1024], %swap3A_1027 {strides = array<i32>} : memref<64x128xf32, #tpu.memory_space<vmem>>, vector<1x16xf32>,
      %get3A_1028 = arith.index_cast %scan3A_994 : i32 to index
      %get3A_1029 = arith.constant 32 : index
      %get3A_1030 = tpu.vector_load %arg7[%get3A_1028, %get3A_1029] {strides = array<i32>} : memref<64x128xf32, #tpu.memory_space<vmem>>, vector<1x16xf32>,
      %get3A_1031 = vector.shape_cast %get3A_1030 : vector<1x16xf32> to vector<16xf32>
      %neg3A_1032 = arith.constant 0.000000e+00 : f32
      %neg3A_1033 = vector.broadcast %neg3A_1032 : f32 to vector<16xf32>
      %neg3A_1034 = arith.subf %neg3A_1033, %get3A_1031 : vector<16xf32>
      %exp3A_1035 = math.exp %neg3A_1034 : vector<16xf32>
      %add3A_1036 = arith.constant 1.000000e+00 : f32
      %add3A_1037 = vector.broadcast %add3A_1036 : f32 to vector<16xf32>
      %add3A_1038 = arith.addf %add3A_1037, %exp3A_1035 : vector<16xf32>
      %div3A_1039 = arith.constant 1.000000e+00 : f32
      %div3A_1040 = vector.broadcast %div3A_1039 : f32 to vector<16xf32>
      %div3A_1041 = arith.divf %div3A_1040, %add3A_1038 : vector<16xf32>
      %swap3A_1042 = arith.index_cast %scan3A_994 : i32 to index
      %swap3A_1043 = arith.constant 32 : index
      %swap3A_1044 = tpu.vector_load %arg7[%swap3A_1042, %swap3A_1043] {strides = array<i32>} : memref<64x128xf32, #tpu.memory_space<vmem>>, vector<1x16xf32>,
      %swap3A_1045 = vector.shape_cast %swap3A_1044 : vector<1x16xf32> to vector<16xf32>
      %swap3A_1046 = vector.shape_cast %div3A_1041 : vector<16xf32> to vector<1x16xf32>
      tpu.vector_store %arg7[%swap3A_1042, %swap3A_1043], %swap3A_1046 {strides = array<i32>} : memref<64x128xf32, #tpu.memory_space<vmem>>, vector<1x16xf32>,
      %get3A_1047 = arith.index_cast %scan3A_994 : i32 to index
      %get3A_1048 = arith.constant 48 : index
      %get3A_1049 = tpu.vector_load %arg7[%get3A_1047, %get3A_1048] {strides = array<i32>} : memref<64x128xf32, #tpu.memory_space<vmem>>, vector<1x16xf32>,
      %get3A_1050 = vector.shape_cast %get3A_1049 : vector<1x16xf32> to vector<16xf32>
      %neg3A_1051 = arith.constant 0.000000e+00 : f32
      %neg3A_1052 = vector.broadcast %neg3A_1051 : f32 to vector<16xf32>
      %neg3A_1053 = arith.subf %neg3A_1052, %get3A_1050 : vector<16xf32>
      %exp3A_1054 = math.exp %neg3A_1053 : vector<16xf32>
      %add3A_1055 = arith.constant 1.000000e+00 : f32
      %add3A_1056 = vector.broadcast %add3A_1055 : f32 to vector<16xf32>
      %add3A_1057 = arith.addf %add3A_1056, %exp3A_1054 : vector<16xf32>
      %div3A_1058 = arith.constant 1.000000e+00 : f32
      %div3A_1059 = vector.broadcast %div3A_1058 : f32 to vector<16xf32>
      %div3A_1060 = arith.divf %div3A_1059, %add3A_1057 : vector<16xf32>
      %swap3A_1061 = arith.index_cast %scan3A_994 : i32 to index
      %swap3A_1062 = arith.constant 48 : index
      %swap3A_1063 = tpu.vector_load %arg7[%swap3A_1061, %swap3A_1062] {strides = array<i32>} : memref<64x128xf32, #tpu.memory_space<vmem>>, vector<1x16xf32>,
      %swap3A_1064 = vector.shape_cast %swap3A_1063 : vector<1x16xf32> to vector<16xf32>
      %swap3A_1065 = vector.shape_cast %div3A_1060 : vector<16xf32> to vector<1x16xf32>
      tpu.vector_store %arg7[%swap3A_1061, %swap3A_1062], %swap3A_1065 {strides = array<i32>} : memref<64x128xf32, #tpu.memory_space<vmem>>, vector<1x16xf32>,
      %get3A_1066 = arith.index_cast %scan3A_994 : i32 to index
      %get3A_1067 = arith.constant 64 : index
      %get3A_1068 = tpu.vector_load %arg7[%get3A_1066, %get3A_1067] {strides = array<i32>} : memref<64x128xf32, #tpu.memory_space<vmem>>, vector<1x16xf32>,
      %get3A_1069 = vector.shape_cast %get3A_1068 : vector<1x16xf32> to vector<16xf32>
      %neg3A_1070 = arith.constant 0.000000e+00 : f32
      %neg3A_1071 = vector.broadcast %neg3A_1070 : f32 to vector<16xf32>
      %neg3A_1072 = arith.subf %neg3A_1071, %get3A_1069 : vector<16xf32>
      %exp3A_1073 = math.exp %neg3A_1072 : vector<16xf32>
      %add3A_1074 = arith.constant 1.000000e+00 : f32
      %add3A_1075 = vector.broadcast %add3A_1074 : f32 to vector<16xf32>
      %add3A_1076 = arith.addf %add3A_1075, %exp3A_1073 : vector<16xf32>
      %div3A_1077 = arith.constant 1.000000e+00 : f32
      %div3A_1078 = vector.broadcast %div3A_1077 : f32 to vector<16xf32>
      %div3A_1079 = arith.divf %div3A_1078, %add3A_1076 : vector<16xf32>
      %swap3A_1080 = arith.index_cast %scan3A_994 : i32 to index
      %swap3A_1081 = arith.constant 64 : index
      %swap3A_1082 = tpu.vector_load %arg7[%swap3A_1080, %swap3A_1081] {strides = array<i32>} : memref<64x128xf32, #tpu.memory_space<vmem>>, vector<1x16xf32>,
      %swap3A_1083 = vector.shape_cast %swap3A_1082 : vector<1x16xf32> to vector<16xf32>
      %swap3A_1084 = vector.shape_cast %div3A_1079 : vector<16xf32> to vector<1x16xf32>
      tpu.vector_store %arg7[%swap3A_1080, %swap3A_1081], %swap3A_1084 {strides = array<i32>} : memref<64x128xf32, #tpu.memory_space<vmem>>, vector<1x16xf32>,
      %get3A_1085 = arith.index_cast %scan3A_994 : i32 to index
      %get3A_1086 = arith.constant 80 : index
      %get3A_1087 = tpu.vector_load %arg7[%get3A_1085, %get3A_1086] {strides = array<i32>} : memref<64x128xf32, #tpu.memory_space<vmem>>, vector<1x16xf32>,
      %get3A_1088 = vector.shape_cast %get3A_1087 : vector<1x16xf32> to vector<16xf32>
      %neg3A_1089 = arith.constant 0.000000e+00 : f32
      %neg3A_1090 = vector.broadcast %neg3A_1089 : f32 to vector<16xf32>
      %neg3A_1091 = arith.subf %neg3A_1090, %get3A_1088 : vector<16xf32>
      %exp3A_1092 = math.exp %neg3A_1091 : vector<16xf32>
      %add3A_1093 = arith.constant 1.000000e+00 : f32
      %add3A_1094 = vector.broadcast %add3A_1093 : f32 to vector<16xf32>
      %add3A_1095 = arith.addf %add3A_1094, %exp3A_1092 : vector<16xf32>
      %div3A_1096 = arith.constant 1.000000e+00 : f32
      %div3A_1097 = vector.broadcast %div3A_1096 : f32 to vector<16xf32>
      %div3A_1098 = arith.divf %div3A_1097, %add3A_1095 : vector<16xf32>
      %swap3A_1099 = arith.index_cast %scan3A_994 : i32 to index
      %swap3A_1100 = arith.constant 80 : index
      %swap3A_1101 = tpu.vector_load %arg7[%swap3A_1099, %swap3A_1100] {strides = array<i32>} : memref<64x128xf32, #tpu.memory_space<vmem>>, vector<1x16xf32>,
      %swap3A_1102 = vector.shape_cast %swap3A_1101 : vector<1x16xf32> to vector<16xf32>
      %swap3A_1103 = vector.shape_cast %div3A_1098 : vector<16xf32> to vector<1x16xf32>
      tpu.vector_store %arg7[%swap3A_1099, %swap3A_1100], %swap3A_1103 {strides = array<i32>} : memref<64x128xf32, #tpu.memory_space<vmem>>, vector<1x16xf32>,
      %get3A_1104 = arith.index_cast %scan3A_994 : i32 to index
      %get3A_1105 = arith.constant 96 : index
      %get3A_1106 = tpu.vector_load %arg7[%get3A_1104, %get3A_1105] {strides = array<i32>} : memref<64x128xf32, #tpu.memory_space<vmem>>, vector<1x16xf32>,
      %get3A_1107 = vector.shape_cast %get3A_1106 : vector<1x16xf32> to vector<16xf32>
      %neg3A_1108 = arith.constant 0.000000e+00 : f32
      %neg3A_1109 = vector.broadcast %neg3A_1108 : f32 to vector<16xf32>
      %neg3A_1110 = arith.subf %neg3A_1109, %get3A_1107 : vector<16xf32>
      %exp3A_1111 = math.exp %neg3A_1110 : vector<16xf32>
      %add3A_1112 = arith.constant 1.000000e+00 : f32
      %add3A_1113 = vector.broadcast %add3A_1112 : f32 to vector<16xf32>
      %add3A_1114 = arith.addf %add3A_1113, %exp3A_1111 : vector<16xf32>
      %div3A_1115 = arith.constant 1.000000e+00 : f32
      %div3A_1116 = vector.broadcast %div3A_1115 : f32 to vector<16xf32>
      %div3A_1117 = arith.divf %div3A_1116, %add3A_1114 : vector<16xf32>
      %swap3A_1118 = arith.index_cast %scan3A_994 : i32 to index
      %swap3A_1119 = arith.constant 96 : index
      %swap3A_1120 = tpu.vector_load %arg7[%swap3A_1118, %swap3A_1119] {strides = array<i32>} : memref<64x128xf32, #tpu.memory_space<vmem>>, vector<1x16xf32>,
      %swap3A_1121 = vector.shape_cast %swap3A_1120 : vector<1x16xf32> to vector<16xf32>
      %swap3A_1122 = vector.shape_cast %div3A_1117 : vector<16xf32> to vector<1x16xf32>
      tpu.vector_store %arg7[%swap3A_1118, %swap3A_1119], %swap3A_1122 {strides = array<i32>} : memref<64x128xf32, #tpu.memory_space<vmem>>, vector<1x16xf32>,
      %get3A_1123 = arith.index_cast %scan3A_994 : i32 to index
      %get3A_1124 = arith.constant 112 : index
      %get3A_1125 = tpu.vector_load %arg7[%get3A_1123, %get3A_1124] {strides = array<i32>} : memref<64x128xf32, #tpu.memory_space<vmem>>, vector<1x16xf32>,
      %get3A_1126 = vector.shape_cast %get3A_1125 : vector<1x16xf32> to vector<16xf32>
      %neg3A_1127 = arith.constant 0.000000e+00 : f32
      %neg3A_1128 = vector.broadcast %neg3A_1127 : f32 to vector<16xf32>
      %neg3A_1129 = arith.subf %neg3A_1128, %get3A_1126 : vector<16xf32>
      %exp3A_1130 = math.exp %neg3A_1129 : vector<16xf32>
      %add3A_1131 = arith.constant 1.000000e+00 : f32
      %add3A_1132 = vector.broadcast %add3A_1131 : f32 to vector<16xf32>
      %add3A_1133 = arith.addf %add3A_1132, %exp3A_1130 : vector<16xf32>
      %div3A_1134 = arith.constant 1.000000e+00 : f32
      %div3A_1135 = vector.broadcast %div3A_1134 : f32 to vector<16xf32>
      %div3A_1136 = arith.divf %div3A_1135, %add3A_1133 : vector<16xf32>
      %swap3A_1137 = arith.index_cast %scan3A_994 : i32 to index
      %swap3A_1138 = arith.constant 112 : index
      %swap3A_1139 = tpu.vector_load %arg7[%swap3A_1137, %swap3A_1138] {strides = array<i32>} : memref<64x128xf32, #tpu.memory_space<vmem>>, vector<1x16xf32>,
      %swap3A_1140 = vector.shape_cast %swap3A_1139 : vector<1x16xf32> to vector<16xf32>
      %swap3A_1141 = vector.shape_cast %div3A_1136 : vector<16xf32> to vector<1x16xf32>
      tpu.vector_store %arg7[%swap3A_1137, %swap3A_1138], %swap3A_1141 {strides = array<i32>} : memref<64x128xf32, #tpu.memory_space<vmem>>, vector<1x16xf32>,
    }
    %scan3A_775 = arith.constant 40 : i32
    %add3A_776 = arith.constant 208 : i32
    %add3A_777 = arith.addi %arg1, %add3A_776 : i32
    %mul3A_778 = arith.constant 40 : i32
    %mul3A_779 = arith.muli %add3A_777, %mul3A_778 : i32
    %dma_start3A_780 = arith.constant 0 : i32
    %dma_start3A_781 = arith.constant 0 : i32
    %dma_start3A_782 = tpu.memref_slice %arg7[%dma_start3A_780, %dma_start3A_781] : memref<64x128xf32, #tpu.memory_space<vmem>> -> memref<40x128xf32, #tpu.memory_space<vmem>>
    %dma_start3A_783 = arith.constant 0 : i32
    %dma_start3A_784 = tpu.memref_slice %arg10[%mul3A_779, %dma_start3A_783] : memref<10000x128xf32, #tpu.memory_space<vmem_shared>> -> memref<40x128xf32, #tpu.memory_space<vmem_shared>>
    %dma_start3A_785 = arith.constant 0 : i32
    %dma_start3A_786 = tpu.memref_slice %arg10[%mul3A_779, %dma_start3A_785] : memref<10000x128xf32, #tpu.memory_space<vmem_shared>> -> memref<40x128xf32, #tpu.memory_space<vmem_shared>>
    %dma_start3A_787 = arith.constant 0 : i32
    %dma_start3A_788 = arith.constant 0 : i32
    %dma_start3A_789 = tpu.memref_slice %arg7[%dma_start3A_787, %dma_start3A_788] : memref<64x128xf32, #tpu.memory_space<vmem>> -> memref<40x128xf32, #tpu.memory_space<vmem>>
    tpu.enqueue_dma source(%dma_start3A_789 : memref<40x128xf32, #tpu.memory_space<vmem>>) target(%dma_start3A_786 : memref<40x128xf32, #tpu.memory_space<vmem_shared>>) target_semaphore(%arg12 : memref<!tpu.dma_semaphore, #tpu.memory_space<semaphore_mem>>)
    %dma_wait3A_790 = arith.constant 0 : i32
    %dma_wait3A_791 = arith.constant 0 : i32
    %dma_wait3A_792 = tpu.memref_slice %arg8[%dma_wait3A_790, %dma_wait3A_791] : memref<64x128xf32, #tpu.memory_space<vmem>> -> memref<40x128xf32, #tpu.memory_space<vmem>>
    %dma_wait3A_793 = arith.constant 0 : i32
    %dma_wait3A_794 = arith.constant 0 : i32
    %dma_wait3A_795 = tpu.memref_slice %arg2[%dma_wait3A_793, %dma_wait3A_794] : memref<10000x128xf32, #tpu.memory_space<hbm>> -> memref<40x128xf32, #tpu.memory_space<hbm>>
    %dma_wait3A_796 = arith.constant 0 : i32
    %dma_wait3A_797 = arith.constant 0 : i32
    %dma_wait3A_798 = tpu.memref_slice %arg8[%dma_wait3A_796, %dma_wait3A_797] : memref<64x128xf32, #tpu.memory_space<vmem>> -> memref<40x128xf32, #tpu.memory_space<vmem>>
    %dma_wait3A_799 = arith.constant 0 : i32
    %dma_wait3A_800 = arith.constant 0 : i32
    %dma_wait3A_801 = tpu.memref_slice %arg2[%dma_wait3A_799, %dma_wait3A_800] : memref<10000x128xf32, #tpu.memory_space<hbm>> -> memref<40x128xf32, #tpu.memory_space<hbm>>
    tpu.wait_dma2 semaphore(%arg13 : memref<!tpu.dma_semaphore, #tpu.memory_space<semaphore_mem>>) src(%dma_wait3A_801 : memref<40x128xf32, #tpu.memory_space<hbm>>) dst(%dma_wait3A_798 : memref<40x128xf32, #tpu.memory_space<vmem>>)
    %scan3A_802 = arith.constant 0 : i32
    %scan3A_803 = arith.constant 0 : i32
    %scan3A_804 = arith.constant 40 : i32
    %scan3A_805 = arith.addi %scan3A_803, %scan3A_804 : i32
    %scan3A_806 = arith.constant 1 : i32
    scf.for %scan3A_994 = %scan3A_803 to %scan3A_805 step %scan3A_806  : i32 {
      %get3A = arith.index_cast %scan3A_994 : i32 to index
      %get3A_995 = arith.constant 0 : index
      %get3A_996 = tpu.vector_load %arg8[%get3A, %get3A_995] {strides = array<i32>} : memref<64x128xf32, #tpu.memory_space<vmem>>, vector<1x16xf32>,
      %get3A_997 = vector.shape_cast %get3A_996 : vector<1x16xf32> to vector<16xf32>
      %neg3A = arith.constant 0.000000e+00 : f32
      %neg3A_998 = vector.broadcast %neg3A : f32 to vector<16xf32>
      %neg3A_999 = arith.subf %neg3A_998, %get3A_997 : vector<16xf32>
      %exp3A = math.exp %neg3A_999 : vector<16xf32>
      %add3A_1000 = arith.constant 1.000000e+00 : f32
      %add3A_1001 = vector.broadcast %add3A_1000 : f32 to vector<16xf32>
      %add3A_1002 = arith.addf %add3A_1001, %exp3A : vector<16xf32>
      %div3A = arith.constant 1.000000e+00 : f32
      %div3A_1003 = vector.broadcast %div3A : f32 to vector<16xf32>
      %div3A_1004 = arith.divf %div3A_1003, %add3A_1002 : vector<16xf32>
      %swap3A = arith.index_cast %scan3A_994 : i32 to index
      %swap3A_1005 = arith.constant 0 : index
      %swap3A_1006 = tpu.vector_load %arg8[%swap3A, %swap3A_1005] {strides = array<i32>} : memref<64x128xf32, #tpu.memory_space<vmem>>, vector<1x16xf32>,
      %swap3A_1007 = vector.shape_cast %swap3A_1006 : vector<1x16xf32> to vector<16xf32>
      %swap3A_1008 = vector.shape_cast %div3A_1004 : vector<16xf32> to vector<1x16xf32>
      tpu.vector_store %arg8[%swap3A, %swap3A_1005], %swap3A_1008 {strides = array<i32>} : memref<64x128xf32, #tpu.memory_space<vmem>>, vector<1x16xf32>,
      %get3A_1009 = arith.index_cast %scan3A_994 : i32 to index
      %get3A_1010 = arith.constant 16 : index
      %get3A_1011 = tpu.vector_load %arg8[%get3A_1009, %get3A_1010] {strides = array<i32>} : memref<64x128xf32, #tpu.memory_space<vmem>>, vector<1x16xf32>,
      %get3A_1012 = vector.shape_cast %get3A_1011 : vector<1x16xf32> to vector<16xf32>
      %neg3A_1013 = arith.constant 0.000000e+00 : f32
      %neg3A_1014 = vector.broadcast %neg3A_1013 : f32 to vector<16xf32>
      %neg3A_1015 = arith.subf %neg3A_1014, %get3A_1012 : vector<16xf32>
      %exp3A_1016 = math.exp %neg3A_1015 : vector<16xf32>
      %add3A_1017 = arith.constant 1.000000e+00 : f32
      %add3A_1018 = vector.broadcast %add3A_1017 : f32 to vector<16xf32>
      %add3A_1019 = arith.addf %add3A_1018, %exp3A_1016 : vector<16xf32>
      %div3A_1020 = arith.constant 1.000000e+00 : f32
      %div3A_1021 = vector.broadcast %div3A_1020 : f32 to vector<16xf32>
      %div3A_1022 = arith.divf %div3A_1021, %add3A_1019 : vector<16xf32>
      %swap3A_1023 = arith.index_cast %scan3A_994 : i32 to index
      %swap3A_1024 = arith.constant 16 : index
      %swap3A_1025 = tpu.vector_load %arg8[%swap3A_1023, %swap3A_1024] {strides = array<i32>} : memref<64x128xf32, #tpu.memory_space<vmem>>, vector<1x16xf32>,
      %swap3A_1026 = vector.shape_cast %swap3A_1025 : vector<1x16xf32> to vector<16xf32>
      %swap3A_1027 = vector.shape_cast %div3A_1022 : vector<16xf32> to vector<1x16xf32>
      tpu.vector_store %arg8[%swap3A_1023, %swap3A_1024], %swap3A_1027 {strides = array<i32>} : memref<64x128xf32, #tpu.memory_space<vmem>>, vector<1x16xf32>,
      %get3A_1028 = arith.index_cast %scan3A_994 : i32 to index
      %get3A_1029 = arith.constant 32 : index
      %get3A_1030 = tpu.vector_load %arg8[%get3A_1028, %get3A_1029] {strides = array<i32>} : memref<64x128xf32, #tpu.memory_space<vmem>>, vector<1x16xf32>,
      %get3A_1031 = vector.shape_cast %get3A_1030 : vector<1x16xf32> to vector<16xf32>
      %neg3A_1032 = arith.constant 0.000000e+00 : f32
      %neg3A_1033 = vector.broadcast %neg3A_1032 : f32 to vector<16xf32>
      %neg3A_1034 = arith.subf %neg3A_1033, %get3A_1031 : vector<16xf32>
      %exp3A_1035 = math.exp %neg3A_1034 : vector<16xf32>
      %add3A_1036 = arith.constant 1.000000e+00 : f32
      %add3A_1037 = vector.broadcast %add3A_1036 : f32 to vector<16xf32>
      %add3A_1038 = arith.addf %add3A_1037, %exp3A_1035 : vector<16xf32>
      %div3A_1039 = arith.constant 1.000000e+00 : f32
      %div3A_1040 = vector.broadcast %div3A_1039 : f32 to vector<16xf32>
      %div3A_1041 = arith.divf %div3A_1040, %add3A_1038 : vector<16xf32>
      %swap3A_1042 = arith.index_cast %scan3A_994 : i32 to index
      %swap3A_1043 = arith.constant 32 : index
      %swap3A_1044 = tpu.vector_load %arg8[%swap3A_1042, %swap3A_1043] {strides = array<i32>} : memref<64x128xf32, #tpu.memory_space<vmem>>, vector<1x16xf32>,
      %swap3A_1045 = vector.shape_cast %swap3A_1044 : vector<1x16xf32> to vector<16xf32>
      %swap3A_1046 = vector.shape_cast %div3A_1041 : vector<16xf32> to vector<1x16xf32>
      tpu.vector_store %arg8[%swap3A_1042, %swap3A_1043], %swap3A_1046 {strides = array<i32>} : memref<64x128xf32, #tpu.memory_space<vmem>>, vector<1x16xf32>,
      %get3A_1047 = arith.index_cast %scan3A_994 : i32 to index
      %get3A_1048 = arith.constant 48 : index
      %get3A_1049 = tpu.vector_load %arg8[%get3A_1047, %get3A_1048] {strides = array<i32>} : memref<64x128xf32, #tpu.memory_space<vmem>>, vector<1x16xf32>,
      %get3A_1050 = vector.shape_cast %get3A_1049 : vector<1x16xf32> to vector<16xf32>
      %neg3A_1051 = arith.constant 0.000000e+00 : f32
      %neg3A_1052 = vector.broadcast %neg3A_1051 : f32 to vector<16xf32>
      %neg3A_1053 = arith.subf %neg3A_1052, %get3A_1050 : vector<16xf32>
      %exp3A_1054 = math.exp %neg3A_1053 : vector<16xf32>
      %add3A_1055 = arith.constant 1.000000e+00 : f32
      %add3A_1056 = vector.broadcast %add3A_1055 : f32 to vector<16xf32>
      %add3A_1057 = arith.addf %add3A_1056, %exp3A_1054 : vector<16xf32>
      %div3A_1058 = arith.constant 1.000000e+00 : f32
      %div3A_1059 = vector.broadcast %div3A_1058 : f32 to vector<16xf32>
      %div3A_1060 = arith.divf %div3A_1059, %add3A_1057 : vector<16xf32>
      %swap3A_1061 = arith.index_cast %scan3A_994 : i32 to index
      %swap3A_1062 = arith.constant 48 : index
      %swap3A_1063 = tpu.vector_load %arg8[%swap3A_1061, %swap3A_1062] {strides = array<i32>} : memref<64x128xf32, #tpu.memory_space<vmem>>, vector<1x16xf32>,
      %swap3A_1064 = vector.shape_cast %swap3A_1063 : vector<1x16xf32> to vector<16xf32>
      %swap3A_1065 = vector.shape_cast %div3A_1060 : vector<16xf32> to vector<1x16xf32>
      tpu.vector_store %arg8[%swap3A_1061, %swap3A_1062], %swap3A_1065 {strides = array<i32>} : memref<64x128xf32, #tpu.memory_space<vmem>>, vector<1x16xf32>,
      %get3A_1066 = arith.index_cast %scan3A_994 : i32 to index
      %get3A_1067 = arith.constant 64 : index
      %get3A_1068 = tpu.vector_load %arg8[%get3A_1066, %get3A_1067] {strides = array<i32>} : memref<64x128xf32, #tpu.memory_space<vmem>>, vector<1x16xf32>,
      %get3A_1069 = vector.shape_cast %get3A_1068 : vector<1x16xf32> to vector<16xf32>
      %neg3A_1070 = arith.constant 0.000000e+00 : f32
      %neg3A_1071 = vector.broadcast %neg3A_1070 : f32 to vector<16xf32>
      %neg3A_1072 = arith.subf %neg3A_1071, %get3A_1069 : vector<16xf32>
      %exp3A_1073 = math.exp %neg3A_1072 : vector<16xf32>
      %add3A_1074 = arith.constant 1.000000e+00 : f32
      %add3A_1075 = vector.broadcast %add3A_1074 : f32 to vector<16xf32>
      %add3A_1076 = arith.addf %add3A_1075, %exp3A_1073 : vector<16xf32>
      %div3A_1077 = arith.constant 1.000000e+00 : f32
      %div3A_1078 = vector.broadcast %div3A_1077 : f32 to vector<16xf32>
      %div3A_1079 = arith.divf %div3A_1078, %add3A_1076 : vector<16xf32>
      %swap3A_1080 = arith.index_cast %scan3A_994 : i32 to index
      %swap3A_1081 = arith.constant 64 : index
      %swap3A_1082 = tpu.vector_load %arg8[%swap3A_1080, %swap3A_1081] {strides = array<i32>} : memref<64x128xf32, #tpu.memory_space<vmem>>, vector<1x16xf32>,
      %swap3A_1083 = vector.shape_cast %swap3A_1082 : vector<1x16xf32> to vector<16xf32>
      %swap3A_1084 = vector.shape_cast %div3A_1079 : vector<16xf32> to vector<1x16xf32>
      tpu.vector_store %arg8[%swap3A_1080, %swap3A_1081], %swap3A_1084 {strides = array<i32>} : memref<64x128xf32, #tpu.memory_space<vmem>>, vector<1x16xf32>,
      %get3A_1085 = arith.index_cast %scan3A_994 : i32 to index
      %get3A_1086 = arith.constant 80 : index
      %get3A_1087 = tpu.vector_load %arg8[%get3A_1085, %get3A_1086] {strides = array<i32>} : memref<64x128xf32, #tpu.memory_space<vmem>>, vector<1x16xf32>,
      %get3A_1088 = vector.shape_cast %get3A_1087 : vector<1x16xf32> to vector<16xf32>
      %neg3A_1089 = arith.constant 0.000000e+00 : f32
      %neg3A_1090 = vector.broadcast %neg3A_1089 : f32 to vector<16xf32>
      %neg3A_1091 = arith.subf %neg3A_1090, %get3A_1088 : vector<16xf32>
      %exp3A_1092 = math.exp %neg3A_1091 : vector<16xf32>
      %add3A_1093 = arith.constant 1.000000e+00 : f32
      %add3A_1094 = vector.broadcast %add3A_1093 : f32 to vector<16xf32>
      %add3A_1095 = arith.addf %add3A_1094, %exp3A_1092 : vector<16xf32>
      %div3A_1096 = arith.constant 1.000000e+00 : f32
      %div3A_1097 = vector.broadcast %div3A_1096 : f32 to vector<16xf32>
      %div3A_1098 = arith.divf %div3A_1097, %add3A_1095 : vector<16xf32>
      %swap3A_1099 = arith.index_cast %scan3A_994 : i32 to index
      %swap3A_1100 = arith.constant 80 : index
      %swap3A_1101 = tpu.vector_load %arg8[%swap3A_1099, %swap3A_1100] {strides = array<i32>} : memref<64x128xf32, #tpu.memory_space<vmem>>, vector<1x16xf32>,
      %swap3A_1102 = vector.shape_cast %swap3A_1101 : vector<1x16xf32> to vector<16xf32>
      %swap3A_1103 = vector.shape_cast %div3A_1098 : vector<16xf32> to vector<1x16xf32>
      tpu.vector_store %arg8[%swap3A_1099, %swap3A_1100], %swap3A_1103 {strides = array<i32>} : memref<64x128xf32, #tpu.memory_space<vmem>>, vector<1x16xf32>,
      %get3A_1104 = arith.index_cast %scan3A_994 : i32 to index
      %get3A_1105 = arith.constant 96 : index
      %get3A_1106 = tpu.vector_load %arg8[%get3A_1104, %get3A_1105] {strides = array<i32>} : memref<64x128xf32, #tpu.memory_space<vmem>>, vector<1x16xf32>,
      %get3A_1107 = vector.shape_cast %get3A_1106 : vector<1x16xf32> to vector<16xf32>
      %neg3A_1108 = arith.constant 0.000000e+00 : f32
      %neg3A_1109 = vector.broadcast %neg3A_1108 : f32 to vector<16xf32>
      %neg3A_1110 = arith.subf %neg3A_1109, %get3A_1107 : vector<16xf32>
      %exp3A_1111 = math.exp %neg3A_1110 : vector<16xf32>
      %add3A_1112 = arith.constant 1.000000e+00 : f32
      %add3A_1113 = vector.broadcast %add3A_1112 : f32 to vector<16xf32>
      %add3A_1114 = arith.addf %add3A_1113, %exp3A_1111 : vector<16xf32>
      %div3A_1115 = arith.constant 1.000000e+00 : f32
      %div3A_1116 = vector.broadcast %div3A_1115 : f32 to vector<16xf32>
      %div3A_1117 = arith.divf %div3A_1116, %add3A_1114 : vector<16xf32>
      %swap3A_1118 = arith.index_cast %scan3A_994 : i32 to index
      %swap3A_1119 = arith.constant 96 : index
      %swap3A_1120 = tpu.vector_load %arg8[%swap3A_1118, %swap3A_1119] {strides = array<i32>} : memref<64x128xf32, #tpu.memory_space<vmem>>, vector<1x16xf32>,
      %swap3A_1121 = vector.shape_cast %swap3A_1120 : vector<1x16xf32> to vector<16xf32>
      %swap3A_1122 = vector.shape_cast %div3A_1117 : vector<16xf32> to vector<1x16xf32>
      tpu.vector_store %arg8[%swap3A_1118, %swap3A_1119], %swap3A_1122 {strides = array<i32>} : memref<64x128xf32, #tpu.memory_space<vmem>>, vector<1x16xf32>,
      %get3A_1123 = arith.index_cast %scan3A_994 : i32 to index
      %get3A_1124 = arith.constant 112 : index
      %get3A_1125 = tpu.vector_load %arg8[%get3A_1123, %get3A_1124] {strides = array<i32>} : memref<64x128xf32, #tpu.memory_space<vmem>>, vector<1x16xf32>,
      %get3A_1126 = vector.shape_cast %get3A_1125 : vector<1x16xf32> to vector<16xf32>
      %neg3A_1127 = arith.constant 0.000000e+00 : f32
      %neg3A_1128 = vector.broadcast %neg3A_1127 : f32 to vector<16xf32>
      %neg3A_1129 = arith.subf %neg3A_1128, %get3A_1126 : vector<16xf32>
      %exp3A_1130 = math.exp %neg3A_1129 : vector<16xf32>
      %add3A_1131 = arith.constant 1.000000e+00 : f32
      %add3A_1132 = vector.broadcast %add3A_1131 : f32 to vector<16xf32>
      %add3A_1133 = arith.addf %add3A_1132, %exp3A_1130 : vector<16xf32>
      %div3A_1134 = arith.constant 1.000000e+00 : f32
      %div3A_1135 = vector.broadcast %div3A_1134 : f32 to vector<16xf32>
      %div3A_1136 = arith.divf %div3A_1135, %add3A_1133 : vector<16xf32>
      %swap3A_1137 = arith.index_cast %scan3A_994 : i32 to index
      %swap3A_1138 = arith.constant 112 : index
      %swap3A_1139 = tpu.vector_load %arg8[%swap3A_1137, %swap3A_1138] {strides = array<i32>} : memref<64x128xf32, #tpu.memory_space<vmem>>, vector<1x16xf32>,
      %swap3A_1140 = vector.shape_cast %swap3A_1139 : vector<1x16xf32> to vector<16xf32>
      %swap3A_1141 = vector.shape_cast %div3A_1136 : vector<16xf32> to vector<1x16xf32>
      tpu.vector_store %arg8[%swap3A_1137, %swap3A_1138], %swap3A_1141 {strides = array<i32>} : memref<64x128xf32, #tpu.memory_space<vmem>>, vector<1x16xf32>,
    }
    %scan3A_807 = arith.constant 40 : i32
    %add3A_808 = arith.constant 224 : i32
    %add3A_809 = arith.addi %arg1, %add3A_808 : i32
    %mul3A_810 = arith.constant 40 : i32
    %mul3A_811 = arith.muli %add3A_809, %mul3A_810 : i32
    %dma_start3A_812 = arith.constant 0 : i32
    %dma_start3A_813 = arith.constant 0 : i32
    %dma_start3A_814 = tpu.memref_slice %arg8[%dma_start3A_812, %dma_start3A_813] : memref<64x128xf32, #tpu.memory_space<vmem>> -> memref<40x128xf32, #tpu.memory_space<vmem>>
    %dma_start3A_815 = arith.constant 0 : i32
    %dma_start3A_816 = tpu.memref_slice %arg10[%mul3A_811, %dma_start3A_815] : memref<10000x128xf32, #tpu.memory_space<vmem_shared>> -> memref<40x128xf32, #tpu.memory_space<vmem_shared>>
    %dma_start3A_817 = arith.constant 0 : i32
    %dma_start3A_818 = tpu.memref_slice %arg10[%mul3A_811, %dma_start3A_817] : memref<10000x128xf32, #tpu.memory_space<vmem_shared>> -> memref<40x128xf32, #tpu.memory_space<vmem_shared>>
    %dma_start3A_819 = arith.constant 0 : i32
    %dma_start3A_820 = arith.constant 0 : i32
    %dma_start3A_821 = tpu.memref_slice %arg8[%dma_start3A_819, %dma_start3A_820] : memref<64x128xf32, #tpu.memory_space<vmem>> -> memref<40x128xf32, #tpu.memory_space<vmem>>
    tpu.enqueue_dma source(%dma_start3A_821 : memref<40x128xf32, #tpu.memory_space<vmem>>) target(%dma_start3A_818 : memref<40x128xf32, #tpu.memory_space<vmem_shared>>) target_semaphore(%arg13 : memref<!tpu.dma_semaphore, #tpu.memory_space<semaphore_mem>>)
    %dma_wait3A_822 = arith.constant 0 : i32
    %dma_wait3A_823 = arith.constant 0 : i32
    %dma_wait3A_824 = tpu.memref_slice %arg9[%dma_wait3A_822, %dma_wait3A_823] : memref<64x128xf32, #tpu.memory_space<vmem>> -> memref<40x128xf32, #tpu.memory_space<vmem>>
    %dma_wait3A_825 = arith.constant 0 : i32
    %dma_wait3A_826 = arith.constant 0 : i32
    %dma_wait3A_827 = tpu.memref_slice %arg2[%dma_wait3A_825, %dma_wait3A_826] : memref<10000x128xf32, #tpu.memory_space<hbm>> -> memref<40x128xf32, #tpu.memory_space<hbm>>
    %dma_wait3A_828 = arith.constant 0 : i32
    %dma_wait3A_829 = arith.constant 0 : i32
    %dma_wait3A_830 = tpu.memref_slice %arg9[%dma_wait3A_828, %dma_wait3A_829] : memref<64x128xf32, #tpu.memory_space<vmem>> -> memref<40x128xf32, #tpu.memory_space<vmem>>
    %dma_wait3A_831 = arith.constant 0 : i32
    %dma_wait3A_832 = arith.constant 0 : i32
    %dma_wait3A_833 = tpu.memref_slice %arg2[%dma_wait3A_831, %dma_wait3A_832] : memref<10000x128xf32, #tpu.memory_space<hbm>> -> memref<40x128xf32, #tpu.memory_space<hbm>>
    tpu.wait_dma2 semaphore(%arg14 : memref<!tpu.dma_semaphore, #tpu.memory_space<semaphore_mem>>) src(%dma_wait3A_833 : memref<40x128xf32, #tpu.memory_space<hbm>>) dst(%dma_wait3A_830 : memref<40x128xf32, #tpu.memory_space<vmem>>)
    %dma_wait3A_834 = arith.constant 0 : i32
    %dma_wait3A_835 = arith.constant 0 : i32
    %dma_wait3A_836 = tpu.memref_slice %arg6[%dma_wait3A_834, %dma_wait3A_835] : memref<64x128xf32, #tpu.memory_space<vmem>> -> memref<40x128xf32, #tpu.memory_space<vmem>>
    %dma_wait3A_837 = arith.constant 0 : i32
    %dma_wait3A_838 = arith.constant 0 : i32
    %dma_wait3A_839 = tpu.memref_slice %arg2[%dma_wait3A_837, %dma_wait3A_838] : memref<10000x128xf32, #tpu.memory_space<hbm>> -> memref<40x128xf32, #tpu.memory_space<hbm>>
    %dma_wait3A_840 = arith.constant 0 : i32
    %dma_wait3A_841 = arith.constant 0 : i32
    %dma_wait3A_842 = tpu.memref_slice %arg6[%dma_wait3A_840, %dma_wait3A_841] : memref<64x128xf32, #tpu.memory_space<vmem>> -> memref<40x128xf32, #tpu.memory_space<vmem>>
    %dma_wait3A_843 = arith.constant 0 : i32
    %dma_wait3A_844 = arith.constant 0 : i32
    %dma_wait3A_845 = tpu.memref_slice %arg2[%dma_wait3A_843, %dma_wait3A_844] : memref<10000x128xf32, #tpu.memory_space<hbm>> -> memref<40x128xf32, #tpu.memory_space<hbm>>
    tpu.wait_dma2 semaphore(%arg11 : memref<!tpu.dma_semaphore, #tpu.memory_space<semaphore_mem>>) src(%dma_wait3A_845 : memref<40x128xf32, #tpu.memory_space<hbm>>) dst(%dma_wait3A_842 : memref<40x128xf32, #tpu.memory_space<vmem>>)
    %dma_wait3A_846 = arith.constant 0 : i32
    %dma_wait3A_847 = arith.constant 0 : i32
    %dma_wait3A_848 = tpu.memref_slice %arg7[%dma_wait3A_846, %dma_wait3A_847] : memref<64x128xf32, #tpu.memory_space<vmem>> -> memref<40x128xf32, #tpu.memory_space<vmem>>
    %dma_wait3A_849 = arith.constant 0 : i32
    %dma_wait3A_850 = arith.constant 0 : i32
    %dma_wait3A_851 = tpu.memref_slice %arg2[%dma_wait3A_849, %dma_wait3A_850] : memref<10000x128xf32, #tpu.memory_space<hbm>> -> memref<40x128xf32, #tpu.memory_space<hbm>>
    %dma_wait3A_852 = arith.constant 0 : i32
    %dma_wait3A_853 = arith.constant 0 : i32
    %dma_wait3A_854 = tpu.memref_slice %arg7[%dma_wait3A_852, %dma_wait3A_853] : memref<64x128xf32, #tpu.memory_space<vmem>> -> memref<40x128xf32, #tpu.memory_space<vmem>>
    %dma_wait3A_855 = arith.constant 0 : i32
    %dma_wait3A_856 = arith.constant 0 : i32
    %dma_wait3A_857 = tpu.memref_slice %arg2[%dma_wait3A_855, %dma_wait3A_856] : memref<10000x128xf32, #tpu.memory_space<hbm>> -> memref<40x128xf32, #tpu.memory_space<hbm>>
    tpu.wait_dma2 semaphore(%arg12 : memref<!tpu.dma_semaphore, #tpu.memory_space<semaphore_mem>>) src(%dma_wait3A_857 : memref<40x128xf32, #tpu.memory_space<hbm>>) dst(%dma_wait3A_854 : memref<40x128xf32, #tpu.memory_space<vmem>>)
    %dma_wait3A_858 = arith.constant 0 : i32
    %dma_wait3A_859 = arith.constant 0 : i32
    %dma_wait3A_860 = tpu.memref_slice %arg8[%dma_wait3A_858, %dma_wait3A_859] : memref<64x128xf32, #tpu.memory_space<vmem>> -> memref<40x128xf32, #tpu.memory_space<vmem>>
    %dma_wait3A_861 = arith.constant 0 : i32
    %dma_wait3A_862 = arith.constant 0 : i32
    %dma_wait3A_863 = tpu.memref_slice %arg2[%dma_wait3A_861, %dma_wait3A_862] : memref<10000x128xf32, #tpu.memory_space<hbm>> -> memref<40x128xf32, #tpu.memory_space<hbm>>
    %dma_wait3A_864 = arith.constant 0 : i32
    %dma_wait3A_865 = arith.constant 0 : i32
    %dma_wait3A_866 = tpu.memref_slice %arg8[%dma_wait3A_864, %dma_wait3A_865] : memref<64x128xf32, #tpu.memory_space<vmem>> -> memref<40x128xf32, #tpu.memory_space<vmem>>
    %dma_wait3A_867 = arith.constant 0 : i32
    %dma_wait3A_868 = arith.constant 0 : i32
    %dma_wait3A_869 = tpu.memref_slice %arg2[%dma_wait3A_867, %dma_wait3A_868] : memref<10000x128xf32, #tpu.memory_space<hbm>> -> memref<40x128xf32, #tpu.memory_space<hbm>>
    tpu.wait_dma2 semaphore(%arg13 : memref<!tpu.dma_semaphore, #tpu.memory_space<semaphore_mem>>) src(%dma_wait3A_869 : memref<40x128xf32, #tpu.memory_space<hbm>>) dst(%dma_wait3A_866 : memref<40x128xf32, #tpu.memory_space<vmem>>)
    %lt3A = arith.constant 10 : i32
    %lt3A_870 = arith.cmpi slt, %arg1, %lt3A : i32
    %convert_element_type3A = arith.extui %lt3A_870 : i1 to i32
    %cond3A = arith.constant 0 : i32
    %cond3A_871 = arith.cmpi ne, %convert_element_type3A, %cond3A : i32
    scf.if %cond3A_871 {
      %add3A_994 = arith.constant 240 : i32
      %add3A_995 = arith.addi %arg1, %add3A_994 : i32
      %mul3A_996 = arith.constant 40 : i32
      %mul3A_997 = arith.muli %add3A_995, %mul3A_996 : i32
      "tpu.region"() ({
        %run_scoped3A = tpu.sem_alloc : memref<!tpu.dma_semaphore, #tpu.memory_space<semaphore_mem>>
        %dma_start3A_1004 = arith.constant 0 : i32
        %dma_start3A_1005 = arith.constant 0 : i32
        %dma_start3A_1006 = tpu.memref_slice %arg6[%dma_start3A_1004, %dma_start3A_1005] : memref<64x128xf32, #tpu.memory_space<vmem>> -> memref<40x128xf32, #tpu.memory_space<vmem>>
        %dma_start3A_1007 = arith.constant 0 : i32
        %dma_start3A_1008 = tpu.memref_slice %arg2[%mul3A_997, %dma_start3A_1007] : memref<10000x128xf32, #tpu.memory_space<hbm>> -> memref<40x128xf32, #tpu.memory_space<hbm>>
        %dma_start3A_1009 = arith.constant 0 : i32
        %dma_start3A_1010 = arith.constant 0 : i32
        %dma_start3A_1011 = tpu.memref_slice %arg6[%dma_start3A_1009, %dma_start3A_1010] : memref<64x128xf32, #tpu.memory_space<vmem>> -> memref<40x128xf32, #tpu.memory_space<vmem>>
        %dma_start3A_1012 = arith.constant 0 : i32
        %dma_start3A_1013 = tpu.memref_slice %arg2[%mul3A_997, %dma_start3A_1012] : memref<10000x128xf32, #tpu.memory_space<hbm>> -> memref<40x128xf32, #tpu.memory_space<hbm>>
        tpu.enqueue_dma source(%dma_start3A_1013 : memref<40x128xf32, #tpu.memory_space<hbm>>) target(%dma_start3A_1011 : memref<40x128xf32, #tpu.memory_space<vmem>>) target_semaphore(%run_scoped3A : memref<!tpu.dma_semaphore, #tpu.memory_space<semaphore_mem>>)
        %dma_wait3A_1014 = arith.constant 0 : i32
        %dma_wait3A_1015 = arith.constant 0 : i32
        %dma_wait3A_1016 = tpu.memref_slice %arg6[%dma_wait3A_1014, %dma_wait3A_1015] : memref<64x128xf32, #tpu.memory_space<vmem>> -> memref<40x128xf32, #tpu.memory_space<vmem>>
        %dma_wait3A_1017 = arith.constant 0 : i32
        %dma_wait3A_1018 = tpu.memref_slice %arg2[%mul3A_997, %dma_wait3A_1017] : memref<10000x128xf32, #tpu.memory_space<hbm>> -> memref<40x128xf32, #tpu.memory_space<hbm>>
        %dma_wait3A_1019 = arith.constant 0 : i32
        %dma_wait3A_1020 = arith.constant 0 : i32
        %dma_wait3A_1021 = tpu.memref_slice %arg6[%dma_wait3A_1019, %dma_wait3A_1020] : memref<64x128xf32, #tpu.memory_space<vmem>> -> memref<40x128xf32, #tpu.memory_space<vmem>>
        %dma_wait3A_1022 = arith.constant 0 : i32
        %dma_wait3A_1023 = tpu.memref_slice %arg2[%mul3A_997, %dma_wait3A_1022] : memref<10000x128xf32, #tpu.memory_space<hbm>> -> memref<40x128xf32, #tpu.memory_space<hbm>>
        tpu.wait_dma2 semaphore(%run_scoped3A : memref<!tpu.dma_semaphore, #tpu.memory_space<semaphore_mem>>) src(%dma_wait3A_1023 : memref<40x128xf32, #tpu.memory_space<hbm>>) dst(%dma_wait3A_1021 : memref<40x128xf32, #tpu.memory_space<vmem>>)
        tpu.yield
      }) : () -> ()
      %scan3A_998 = arith.constant 0 : i32
      %scan3A_999 = arith.constant 0 : i32
      %scan3A_1000 = arith.constant 40 : i32
      %scan3A_1001 = arith.addi %scan3A_999, %scan3A_1000 : i32
      %scan3A_1002 = arith.constant 1 : i32
      scf.for %scan3A_1004 = %scan3A_999 to %scan3A_1001 step %scan3A_1002  : i32 {
        %get3A = arith.index_cast %scan3A_1004 : i32 to index
        %get3A_1005 = arith.constant 0 : index
        %get3A_1006 = tpu.vector_load %arg6[%get3A, %get3A_1005] {strides = array<i32>} : memref<64x128xf32, #tpu.memory_space<vmem>>, vector<1x16xf32>,
        %get3A_1007 = vector.shape_cast %get3A_1006 : vector<1x16xf32> to vector<16xf32>
        %neg3A = arith.constant 0.000000e+00 : f32
        %neg3A_1008 = vector.broadcast %neg3A : f32 to vector<16xf32>
        %neg3A_1009 = arith.subf %neg3A_1008, %get3A_1007 : vector<16xf32>
        %exp3A = math.exp %neg3A_1009 : vector<16xf32>
        %add3A_1010 = arith.constant 1.000000e+00 : f32
        %add3A_1011 = vector.broadcast %add3A_1010 : f32 to vector<16xf32>
        %add3A_1012 = arith.addf %add3A_1011, %exp3A : vector<16xf32>
        %div3A = arith.constant 1.000000e+00 : f32
        %div3A_1013 = vector.broadcast %div3A : f32 to vector<16xf32>
        %div3A_1014 = arith.divf %div3A_1013, %add3A_1012 : vector<16xf32>
        %swap3A = arith.index_cast %scan3A_1004 : i32 to index
        %swap3A_1015 = arith.constant 0 : index
        %swap3A_1016 = tpu.vector_load %arg6[%swap3A, %swap3A_1015] {strides = array<i32>} : memref<64x128xf32, #tpu.memory_space<vmem>>, vector<1x16xf32>,
        %swap3A_1017 = vector.shape_cast %swap3A_1016 : vector<1x16xf32> to vector<16xf32>
        %swap3A_1018 = vector.shape_cast %div3A_1014 : vector<16xf32> to vector<1x16xf32>
        tpu.vector_store %arg6[%swap3A, %swap3A_1015], %swap3A_1018 {strides = array<i32>} : memref<64x128xf32, #tpu.memory_space<vmem>>, vector<1x16xf32>,
        %get3A_1019 = arith.index_cast %scan3A_1004 : i32 to index
        %get3A_1020 = arith.constant 16 : index
        %get3A_1021 = tpu.vector_load %arg6[%get3A_1019, %get3A_1020] {strides = array<i32>} : memref<64x128xf32, #tpu.memory_space<vmem>>, vector<1x16xf32>,
        %get3A_1022 = vector.shape_cast %get3A_1021 : vector<1x16xf32> to vector<16xf32>
        %neg3A_1023 = arith.constant 0.000000e+00 : f32
        %neg3A_1024 = vector.broadcast %neg3A_1023 : f32 to vector<16xf32>
        %neg3A_1025 = arith.subf %neg3A_1024, %get3A_1022 : vector<16xf32>
        %exp3A_1026 = math.exp %neg3A_1025 : vector<16xf32>
        %add3A_1027 = arith.constant 1.000000e+00 : f32
        %add3A_1028 = vector.broadcast %add3A_1027 : f32 to vector<16xf32>
        %add3A_1029 = arith.addf %add3A_1028, %exp3A_1026 : vector<16xf32>
        %div3A_1030 = arith.constant 1.000000e+00 : f32
        %div3A_1031 = vector.broadcast %div3A_1030 : f32 to vector<16xf32>
        %div3A_1032 = arith.divf %div3A_1031, %add3A_1029 : vector<16xf32>
        %swap3A_1033 = arith.index_cast %scan3A_1004 : i32 to index
        %swap3A_1034 = arith.constant 16 : index
        %swap3A_1035 = tpu.vector_load %arg6[%swap3A_1033, %swap3A_1034] {strides = array<i32>} : memref<64x128xf32, #tpu.memory_space<vmem>>, vector<1x16xf32>,
        %swap3A_1036 = vector.shape_cast %swap3A_1035 : vector<1x16xf32> to vector<16xf32>
        %swap3A_1037 = vector.shape_cast %div3A_1032 : vector<16xf32> to vector<1x16xf32>
        tpu.vector_store %arg6[%swap3A_1033, %swap3A_1034], %swap3A_1037 {strides = array<i32>} : memref<64x128xf32, #tpu.memory_space<vmem>>, vector<1x16xf32>,
        %get3A_1038 = arith.index_cast %scan3A_1004 : i32 to index
        %get3A_1039 = arith.constant 32 : index
        %get3A_1040 = tpu.vector_load %arg6[%get3A_1038, %get3A_1039] {strides = array<i32>} : memref<64x128xf32, #tpu.memory_space<vmem>>, vector<1x16xf32>,
        %get3A_1041 = vector.shape_cast %get3A_1040 : vector<1x16xf32> to vector<16xf32>
        %neg3A_1042 = arith.constant 0.000000e+00 : f32
        %neg3A_1043 = vector.broadcast %neg3A_1042 : f32 to vector<16xf32>
        %neg3A_1044 = arith.subf %neg3A_1043, %get3A_1041 : vector<16xf32>
        %exp3A_1045 = math.exp %neg3A_1044 : vector<16xf32>
        %add3A_1046 = arith.constant 1.000000e+00 : f32
        %add3A_1047 = vector.broadcast %add3A_1046 : f32 to vector<16xf32>
        %add3A_1048 = arith.addf %add3A_1047, %exp3A_1045 : vector<16xf32>
        %div3A_1049 = arith.constant 1.000000e+00 : f32
        %div3A_1050 = vector.broadcast %div3A_1049 : f32 to vector<16xf32>
        %div3A_1051 = arith.divf %div3A_1050, %add3A_1048 : vector<16xf32>
        %swap3A_1052 = arith.index_cast %scan3A_1004 : i32 to index
        %swap3A_1053 = arith.constant 32 : index
        %swap3A_1054 = tpu.vector_load %arg6[%swap3A_1052, %swap3A_1053] {strides = array<i32>} : memref<64x128xf32, #tpu.memory_space<vmem>>, vector<1x16xf32>,
        %swap3A_1055 = vector.shape_cast %swap3A_1054 : vector<1x16xf32> to vector<16xf32>
        %swap3A_1056 = vector.shape_cast %div3A_1051 : vector<16xf32> to vector<1x16xf32>
        tpu.vector_store %arg6[%swap3A_1052, %swap3A_1053], %swap3A_1056 {strides = array<i32>} : memref<64x128xf32, #tpu.memory_space<vmem>>, vector<1x16xf32>,
        %get3A_1057 = arith.index_cast %scan3A_1004 : i32 to index
        %get3A_1058 = arith.constant 48 : index
        %get3A_1059 = tpu.vector_load %arg6[%get3A_1057, %get3A_1058] {strides = array<i32>} : memref<64x128xf32, #tpu.memory_space<vmem>>, vector<1x16xf32>,
        %get3A_1060 = vector.shape_cast %get3A_1059 : vector<1x16xf32> to vector<16xf32>
        %neg3A_1061 = arith.constant 0.000000e+00 : f32
        %neg3A_1062 = vector.broadcast %neg3A_1061 : f32 to vector<16xf32>
        %neg3A_1063 = arith.subf %neg3A_1062, %get3A_1060 : vector<16xf32>
        %exp3A_1064 = math.exp %neg3A_1063 : vector<16xf32>
        %add3A_1065 = arith.constant 1.000000e+00 : f32
        %add3A_1066 = vector.broadcast %add3A_1065 : f32 to vector<16xf32>
        %add3A_1067 = arith.addf %add3A_1066, %exp3A_1064 : vector<16xf32>
        %div3A_1068 = arith.constant 1.000000e+00 : f32
        %div3A_1069 = vector.broadcast %div3A_1068 : f32 to vector<16xf32>
        %div3A_1070 = arith.divf %div3A_1069, %add3A_1067 : vector<16xf32>
        %swap3A_1071 = arith.index_cast %scan3A_1004 : i32 to index
        %swap3A_1072 = arith.constant 48 : index
        %swap3A_1073 = tpu.vector_load %arg6[%swap3A_1071, %swap3A_1072] {strides = array<i32>} : memref<64x128xf32, #tpu.memory_space<vmem>>, vector<1x16xf32>,
        %swap3A_1074 = vector.shape_cast %swap3A_1073 : vector<1x16xf32> to vector<16xf32>
        %swap3A_1075 = vector.shape_cast %div3A_1070 : vector<16xf32> to vector<1x16xf32>
        tpu.vector_store %arg6[%swap3A_1071, %swap3A_1072], %swap3A_1075 {strides = array<i32>} : memref<64x128xf32, #tpu.memory_space<vmem>>, vector<1x16xf32>,
        %get3A_1076 = arith.index_cast %scan3A_1004 : i32 to index
        %get3A_1077 = arith.constant 64 : index
        %get3A_1078 = tpu.vector_load %arg6[%get3A_1076, %get3A_1077] {strides = array<i32>} : memref<64x128xf32, #tpu.memory_space<vmem>>, vector<1x16xf32>,
        %get3A_1079 = vector.shape_cast %get3A_1078 : vector<1x16xf32> to vector<16xf32>
        %neg3A_1080 = arith.constant 0.000000e+00 : f32
        %neg3A_1081 = vector.broadcast %neg3A_1080 : f32 to vector<16xf32>
        %neg3A_1082 = arith.subf %neg3A_1081, %get3A_1079 : vector<16xf32>
        %exp3A_1083 = math.exp %neg3A_1082 : vector<16xf32>
        %add3A_1084 = arith.constant 1.000000e+00 : f32
        %add3A_1085 = vector.broadcast %add3A_1084 : f32 to vector<16xf32>
        %add3A_1086 = arith.addf %add3A_1085, %exp3A_1083 : vector<16xf32>
        %div3A_1087 = arith.constant 1.000000e+00 : f32
        %div3A_1088 = vector.broadcast %div3A_1087 : f32 to vector<16xf32>
        %div3A_1089 = arith.divf %div3A_1088, %add3A_1086 : vector<16xf32>
        %swap3A_1090 = arith.index_cast %scan3A_1004 : i32 to index
        %swap3A_1091 = arith.constant 64 : index
        %swap3A_1092 = tpu.vector_load %arg6[%swap3A_1090, %swap3A_1091] {strides = array<i32>} : memref<64x128xf32, #tpu.memory_space<vmem>>, vector<1x16xf32>,
        %swap3A_1093 = vector.shape_cast %swap3A_1092 : vector<1x16xf32> to vector<16xf32>
        %swap3A_1094 = vector.shape_cast %div3A_1089 : vector<16xf32> to vector<1x16xf32>
        tpu.vector_store %arg6[%swap3A_1090, %swap3A_1091], %swap3A_1094 {strides = array<i32>} : memref<64x128xf32, #tpu.memory_space<vmem>>, vector<1x16xf32>,
        %get3A_1095 = arith.index_cast %scan3A_1004 : i32 to index
        %get3A_1096 = arith.constant 80 : index
        %get3A_1097 = tpu.vector_load %arg6[%get3A_1095, %get3A_1096] {strides = array<i32>} : memref<64x128xf32, #tpu.memory_space<vmem>>, vector<1x16xf32>,
        %get3A_1098 = vector.shape_cast %get3A_1097 : vector<1x16xf32> to vector<16xf32>
        %neg3A_1099 = arith.constant 0.000000e+00 : f32
        %neg3A_1100 = vector.broadcast %neg3A_1099 : f32 to vector<16xf32>
        %neg3A_1101 = arith.subf %neg3A_1100, %get3A_1098 : vector<16xf32>
        %exp3A_1102 = math.exp %neg3A_1101 : vector<16xf32>
        %add3A_1103 = arith.constant 1.000000e+00 : f32
        %add3A_1104 = vector.broadcast %add3A_1103 : f32 to vector<16xf32>
        %add3A_1105 = arith.addf %add3A_1104, %exp3A_1102 : vector<16xf32>
        %div3A_1106 = arith.constant 1.000000e+00 : f32
        %div3A_1107 = vector.broadcast %div3A_1106 : f32 to vector<16xf32>
        %div3A_1108 = arith.divf %div3A_1107, %add3A_1105 : vector<16xf32>
        %swap3A_1109 = arith.index_cast %scan3A_1004 : i32 to index
        %swap3A_1110 = arith.constant 80 : index
        %swap3A_1111 = tpu.vector_load %arg6[%swap3A_1109, %swap3A_1110] {strides = array<i32>} : memref<64x128xf32, #tpu.memory_space<vmem>>, vector<1x16xf32>,
        %swap3A_1112 = vector.shape_cast %swap3A_1111 : vector<1x16xf32> to vector<16xf32>
        %swap3A_1113 = vector.shape_cast %div3A_1108 : vector<16xf32> to vector<1x16xf32>
        tpu.vector_store %arg6[%swap3A_1109, %swap3A_1110], %swap3A_1113 {strides = array<i32>} : memref<64x128xf32, #tpu.memory_space<vmem>>, vector<1x16xf32>,
        %get3A_1114 = arith.index_cast %scan3A_1004 : i32 to index
        %get3A_1115 = arith.constant 96 : index
        %get3A_1116 = tpu.vector_load %arg6[%get3A_1114, %get3A_1115] {strides = array<i32>} : memref<64x128xf32, #tpu.memory_space<vmem>>, vector<1x16xf32>,
        %get3A_1117 = vector.shape_cast %get3A_1116 : vector<1x16xf32> to vector<16xf32>
        %neg3A_1118 = arith.constant 0.000000e+00 : f32
        %neg3A_1119 = vector.broadcast %neg3A_1118 : f32 to vector<16xf32>
        %neg3A_1120 = arith.subf %neg3A_1119, %get3A_1117 : vector<16xf32>
        %exp3A_1121 = math.exp %neg3A_1120 : vector<16xf32>
        %add3A_1122 = arith.constant 1.000000e+00 : f32
        %add3A_1123 = vector.broadcast %add3A_1122 : f32 to vector<16xf32>
        %add3A_1124 = arith.addf %add3A_1123, %exp3A_1121 : vector<16xf32>
        %div3A_1125 = arith.constant 1.000000e+00 : f32
        %div3A_1126 = vector.broadcast %div3A_1125 : f32 to vector<16xf32>
        %div3A_1127 = arith.divf %div3A_1126, %add3A_1124 : vector<16xf32>
        %swap3A_1128 = arith.index_cast %scan3A_1004 : i32 to index
        %swap3A_1129 = arith.constant 96 : index
        %swap3A_1130 = tpu.vector_load %arg6[%swap3A_1128, %swap3A_1129] {strides = array<i32>} : memref<64x128xf32, #tpu.memory_space<vmem>>, vector<1x16xf32>,
        %swap3A_1131 = vector.shape_cast %swap3A_1130 : vector<1x16xf32> to vector<16xf32>
        %swap3A_1132 = vector.shape_cast %div3A_1127 : vector<16xf32> to vector<1x16xf32>
        tpu.vector_store %arg6[%swap3A_1128, %swap3A_1129], %swap3A_1132 {strides = array<i32>} : memref<64x128xf32, #tpu.memory_space<vmem>>, vector<1x16xf32>,
        %get3A_1133 = arith.index_cast %scan3A_1004 : i32 to index
        %get3A_1134 = arith.constant 112 : index
        %get3A_1135 = tpu.vector_load %arg6[%get3A_1133, %get3A_1134] {strides = array<i32>} : memref<64x128xf32, #tpu.memory_space<vmem>>, vector<1x16xf32>,
        %get3A_1136 = vector.shape_cast %get3A_1135 : vector<1x16xf32> to vector<16xf32>
        %neg3A_1137 = arith.constant 0.000000e+00 : f32
        %neg3A_1138 = vector.broadcast %neg3A_1137 : f32 to vector<16xf32>
        %neg3A_1139 = arith.subf %neg3A_1138, %get3A_1136 : vector<16xf32>
        %exp3A_1140 = math.exp %neg3A_1139 : vector<16xf32>
        %add3A_1141 = arith.constant 1.000000e+00 : f32
        %add3A_1142 = vector.broadcast %add3A_1141 : f32 to vector<16xf32>
        %add3A_1143 = arith.addf %add3A_1142, %exp3A_1140 : vector<16xf32>
        %div3A_1144 = arith.constant 1.000000e+00 : f32
        %div3A_1145 = vector.broadcast %div3A_1144 : f32 to vector<16xf32>
        %div3A_1146 = arith.divf %div3A_1145, %add3A_1143 : vector<16xf32>
        %swap3A_1147 = arith.index_cast %scan3A_1004 : i32 to index
        %swap3A_1148 = arith.constant 112 : index
        %swap3A_1149 = tpu.vector_load %arg6[%swap3A_1147, %swap3A_1148] {strides = array<i32>} : memref<64x128xf32, #tpu.memory_space<vmem>>, vector<1x16xf32>,
        %swap3A_1150 = vector.shape_cast %swap3A_1149 : vector<1x16xf32> to vector<16xf32>
        %swap3A_1151 = vector.shape_cast %div3A_1146 : vector<16xf32> to vector<1x16xf32>
        tpu.vector_store %arg6[%swap3A_1147, %swap3A_1148], %swap3A_1151 {strides = array<i32>} : memref<64x128xf32, #tpu.memory_space<vmem>>, vector<1x16xf32>,
      }
      %scan3A_1003 = arith.constant 40 : i32
      "tpu.region"() ({
        %run_scoped3A = tpu.sem_alloc : memref<!tpu.dma_semaphore, #tpu.memory_space<semaphore_mem>>
        %dma_start3A_1004 = arith.constant 0 : i32
        %dma_start3A_1005 = arith.constant 0 : i32
        %dma_start3A_1006 = tpu.memref_slice %arg6[%dma_start3A_1004, %dma_start3A_1005] : memref<64x128xf32, #tpu.memory_space<vmem>> -> memref<40x128xf32, #tpu.memory_space<vmem>>
        %dma_start3A_1007 = arith.constant 0 : i32
        %dma_start3A_1008 = tpu.memref_slice %arg10[%mul3A_997, %dma_start3A_1007] : memref<10000x128xf32, #tpu.memory_space<vmem_shared>> -> memref<40x128xf32, #tpu.memory_space<vmem_shared>>
        %dma_start3A_1009 = arith.constant 0 : i32
        %dma_start3A_1010 = tpu.memref_slice %arg10[%mul3A_997, %dma_start3A_1009] : memref<10000x128xf32, #tpu.memory_space<vmem_shared>> -> memref<40x128xf32, #tpu.memory_space<vmem_shared>>
        %dma_start3A_1011 = arith.constant 0 : i32
        %dma_start3A_1012 = arith.constant 0 : i32
        %dma_start3A_1013 = tpu.memref_slice %arg6[%dma_start3A_1011, %dma_start3A_1012] : memref<64x128xf32, #tpu.memory_space<vmem>> -> memref<40x128xf32, #tpu.memory_space<vmem>>
        tpu.enqueue_dma source(%dma_start3A_1013 : memref<40x128xf32, #tpu.memory_space<vmem>>) target(%dma_start3A_1010 : memref<40x128xf32, #tpu.memory_space<vmem_shared>>) target_semaphore(%run_scoped3A : memref<!tpu.dma_semaphore, #tpu.memory_space<semaphore_mem>>)
        %dma_wait3A_1014 = arith.constant 0 : i32
        %dma_wait3A_1015 = arith.constant 0 : i32
        %dma_wait3A_1016 = tpu.memref_slice %arg6[%dma_wait3A_1014, %dma_wait3A_1015] : memref<64x128xf32, #tpu.memory_space<vmem>> -> memref<40x128xf32, #tpu.memory_space<vmem>>
        %dma_wait3A_1017 = arith.constant 0 : i32
        %dma_wait3A_1018 = tpu.memref_slice %arg10[%mul3A_997, %dma_wait3A_1017] : memref<10000x128xf32, #tpu.memory_space<vmem_shared>> -> memref<40x128xf32, #tpu.memory_space<vmem_shared>>
        %dma_wait3A_1019 = arith.constant 0 : i32
        %dma_wait3A_1020 = tpu.memref_slice %arg10[%mul3A_997, %dma_wait3A_1019] : memref<10000x128xf32, #tpu.memory_space<vmem_shared>> -> memref<40x128xf32, #tpu.memory_space<vmem_shared>>
        %dma_wait3A_1021 = arith.constant 0 : i32
        %dma_wait3A_1022 = arith.constant 0 : i32
        %dma_wait3A_1023 = tpu.memref_slice %arg6[%dma_wait3A_1021, %dma_wait3A_1022] : memref<64x128xf32, #tpu.memory_space<vmem>> -> memref<40x128xf32, #tpu.memory_space<vmem>>
        tpu.wait_dma2 semaphore(%run_scoped3A : memref<!tpu.dma_semaphore, #tpu.memory_space<semaphore_mem>>) src(%dma_wait3A_1023 : memref<40x128xf32, #tpu.memory_space<vmem>>) dst(%dma_wait3A_1020 : memref<40x128xf32, #tpu.memory_space<vmem_shared>>)
        tpu.yield
      }) : () -> ()
    } else {
    }
    %barrier3A = arith.constant 0 : index
    tpu.barrier barrier_id(%barrier3A)
    %dma_start3A_872 = arith.constant 0 : i32
    %dma_start3A_873 = tpu.memref_slice %arg5[%dma_start3A_872] : memref<10000xi32, #tpu.memory_space<vmem>> -> memref<64xi32, #tpu.memory_space<vmem>>
    %dma_start3A_874 = arith.constant 0 : i32
    %dma_start3A_875 = arith.constant 0 : i32
    %dma_start3A_876 = tpu.memref_slice %arg10[%dma_start3A_874, %dma_start3A_875] : memref<10000x128xf32, #tpu.memory_space<vmem_shared>> -> memref<10000x128xf32, #tpu.memory_space<vmem_shared>>
    tpu.enqueue_indirect_dma source(%dma_start3A_876 : memref<10000x128xf32, #tpu.memory_space<vmem_shared>>) target(%arg6 : memref<64x128xf32, #tpu.memory_space<vmem>>) offsets(%dma_start3A_873 : memref<64xi32, #tpu.memory_space<vmem>>) semaphore(%arg11 : memref<!tpu.dma_semaphore, #tpu.memory_space<semaphore_mem>>)
    %dma_start3A_877 = arith.constant 64 : i32
    %dma_start3A_878 = tpu.memref_slice %arg5[%dma_start3A_877] : memref<10000xi32, #tpu.memory_space<vmem>> -> memref<64xi32, #tpu.memory_space<vmem>>
    %dma_start3A_879 = arith.constant 0 : i32
    %dma_start3A_880 = arith.constant 0 : i32
    %dma_start3A_881 = tpu.memref_slice %arg10[%dma_start3A_879, %dma_start3A_880] : memref<10000x128xf32, #tpu.memory_space<vmem_shared>> -> memref<10000x128xf32, #tpu.memory_space<vmem_shared>>
    tpu.enqueue_indirect_dma source(%dma_start3A_881 : memref<10000x128xf32, #tpu.memory_space<vmem_shared>>) target(%arg7 : memref<64x128xf32, #tpu.memory_space<vmem>>) offsets(%dma_start3A_878 : memref<64xi32, #tpu.memory_space<vmem>>) semaphore(%arg12 : memref<!tpu.dma_semaphore, #tpu.memory_space<semaphore_mem>>)
    %dma_start3A_882 = arith.constant 128 : i32
    %dma_start3A_883 = tpu.memref_slice %arg5[%dma_start3A_882] : memref<10000xi32, #tpu.memory_space<vmem>> -> memref<64xi32, #tpu.memory_space<vmem>>
    %dma_start3A_884 = arith.constant 0 : i32
    %dma_start3A_885 = arith.constant 0 : i32
    %dma_start3A_886 = tpu.memref_slice %arg10[%dma_start3A_884, %dma_start3A_885] : memref<10000x128xf32, #tpu.memory_space<vmem_shared>> -> memref<10000x128xf32, #tpu.memory_space<vmem_shared>>
    tpu.enqueue_indirect_dma source(%dma_start3A_886 : memref<10000x128xf32, #tpu.memory_space<vmem_shared>>) target(%arg8 : memref<64x128xf32, #tpu.memory_space<vmem>>) offsets(%dma_start3A_883 : memref<64xi32, #tpu.memory_space<vmem>>) semaphore(%arg13 : memref<!tpu.dma_semaphore, #tpu.memory_space<semaphore_mem>>)
    %dma_wait3A_887 = arith.constant 0 : i32
    %dma_wait3A_888 = tpu.memref_slice %arg4[%mul3A_2, %dma_wait3A_887] : memref<320000x128xf32, #tpu.memory_space<hbm>> -> memref<64x128xf32, #tpu.memory_space<hbm>>
    %dma_wait3A_889 = arith.constant 0 : i32
    %dma_wait3A_890 = tpu.memref_slice %arg4[%mul3A_2, %dma_wait3A_889] : memref<320000x128xf32, #tpu.memory_space<hbm>> -> memref<64x128xf32, #tpu.memory_space<hbm>>
    tpu.wait_dma2 semaphore(%arg11 : memref<!tpu.dma_semaphore, #tpu.memory_space<semaphore_mem>>) src(%dma_wait3A_890 : memref<64x128xf32, #tpu.memory_space<hbm>>) dst(%arg6 : memref<64x128xf32, #tpu.memory_space<vmem>>)
    %add3A_891 = arith.constant 0 : i32
    %add3A_892 = arith.addi %mul3A_2, %add3A_891 : i32
    %dma_start3A_893 = arith.constant 0 : i32
    %dma_start3A_894 = tpu.memref_slice %arg4[%add3A_892, %dma_start3A_893] : memref<320000x128xf32, #tpu.memory_space<hbm>> -> memref<64x128xf32, #tpu.memory_space<hbm>>
    %dma_start3A_895 = arith.constant 0 : i32
    %dma_start3A_896 = tpu.memref_slice %arg4[%add3A_892, %dma_start3A_895] : memref<320000x128xf32, #tpu.memory_space<hbm>> -> memref<64x128xf32, #tpu.memory_space<hbm>>
    tpu.enqueue_dma source(%arg6 : memref<64x128xf32, #tpu.memory_space<vmem>>) target(%dma_start3A_896 : memref<64x128xf32, #tpu.memory_space<hbm>>) target_semaphore(%arg11 : memref<!tpu.dma_semaphore, #tpu.memory_space<semaphore_mem>>)
    %dma_start3A_897 = arith.constant 192 : i32
    %dma_start3A_898 = tpu.memref_slice %arg5[%dma_start3A_897] : memref<10000xi32, #tpu.memory_space<vmem>> -> memref<64xi32, #tpu.memory_space<vmem>>
    %dma_start3A_899 = arith.constant 0 : i32
    %dma_start3A_900 = arith.constant 0 : i32
    %dma_start3A_901 = tpu.memref_slice %arg10[%dma_start3A_899, %dma_start3A_900] : memref<10000x128xf32, #tpu.memory_space<vmem_shared>> -> memref<10000x128xf32, #tpu.memory_space<vmem_shared>>
    tpu.enqueue_indirect_dma source(%dma_start3A_901 : memref<10000x128xf32, #tpu.memory_space<vmem_shared>>) target(%arg9 : memref<64x128xf32, #tpu.memory_space<vmem>>) offsets(%dma_start3A_898 : memref<64xi32, #tpu.memory_space<vmem>>) semaphore(%arg14 : memref<!tpu.dma_semaphore, #tpu.memory_space<semaphore_mem>>)
    %scan3A_902 = arith.constant 0 : i32
    %scan3A_903 = arith.constant 0 : i32
    %scan3A_904 = arith.constant 38 : i32
    %scan3A_905 = arith.addi %scan3A_903, %scan3A_904 : i32
    %scan3A_906 = arith.constant 1 : i32
    scf.for %scan3A_994 = %scan3A_903 to %scan3A_905 step %scan3A_906  : i32 {
      %mul3A_995 = arith.constant 4 : i32
      %mul3A_996 = arith.muli %mul3A_995, %scan3A_994 : i32
      %add3A_997 = arith.constant 1 : i32
      %add3A_998 = arith.addi %mul3A_996, %add3A_997 : i32
      %add3A_999 = arith.constant 0 : i32
      %add3A_1000 = arith.addi %add3A_998, %add3A_999 : i32
      %dma_wait3A_1001 = arith.constant 0 : i32
      %dma_wait3A_1002 = tpu.memref_slice %arg4[%mul3A_2, %dma_wait3A_1001] : memref<320000x128xf32, #tpu.memory_space<hbm>> -> memref<64x128xf32, #tpu.memory_space<hbm>>
      %dma_wait3A_1003 = arith.constant 0 : i32
      %dma_wait3A_1004 = tpu.memref_slice %arg4[%mul3A_2, %dma_wait3A_1003] : memref<320000x128xf32, #tpu.memory_space<hbm>> -> memref<64x128xf32, #tpu.memory_space<hbm>>
      tpu.wait_dma2 semaphore(%arg12 : memref<!tpu.dma_semaphore, #tpu.memory_space<semaphore_mem>>) src(%dma_wait3A_1004 : memref<64x128xf32, #tpu.memory_space<hbm>>) dst(%arg7 : memref<64x128xf32, #tpu.memory_space<vmem>>)
      %mul3A_1005 = arith.constant 64 : i32
      %mul3A_1006 = arith.muli %add3A_1000, %mul3A_1005 : i32
      %add3A_1007 = arith.addi %mul3A_2, %mul3A_1006 : i32
      %dma_start3A_1008 = arith.constant 0 : i32
      %dma_start3A_1009 = tpu.memref_slice %arg4[%add3A_1007, %dma_start3A_1008] : memref<320000x128xf32, #tpu.memory_space<hbm>> -> memref<64x128xf32, #tpu.memory_space<hbm>>
      %dma_start3A_1010 = arith.constant 0 : i32
      %dma_start3A_1011 = tpu.memref_slice %arg4[%add3A_1007, %dma_start3A_1010] : memref<320000x128xf32, #tpu.memory_space<hbm>> -> memref<64x128xf32, #tpu.memory_space<hbm>>
      tpu.enqueue_dma source(%arg7 : memref<64x128xf32, #tpu.memory_space<vmem>>) target(%dma_start3A_1011 : memref<64x128xf32, #tpu.memory_space<hbm>>) target_semaphore(%arg12 : memref<!tpu.dma_semaphore, #tpu.memory_space<semaphore_mem>>)
      %dma_wait3A_1012 = arith.constant 0 : i32
      %dma_wait3A_1013 = tpu.memref_slice %arg4[%mul3A_2, %dma_wait3A_1012] : memref<320000x128xf32, #tpu.memory_space<hbm>> -> memref<64x128xf32, #tpu.memory_space<hbm>>
      %dma_wait3A_1014 = arith.constant 0 : i32
      %dma_wait3A_1015 = tpu.memref_slice %arg4[%mul3A_2, %dma_wait3A_1014] : memref<320000x128xf32, #tpu.memory_space<hbm>> -> memref<64x128xf32, #tpu.memory_space<hbm>>
      tpu.wait_dma2 semaphore(%arg11 : memref<!tpu.dma_semaphore, #tpu.memory_space<semaphore_mem>>) src(%dma_wait3A_1015 : memref<64x128xf32, #tpu.memory_space<hbm>>) dst(%arg6 : memref<64x128xf32, #tpu.memory_space<vmem>>)
      %add3A_1016 = arith.constant 4 : i32
      %add3A_1017 = arith.addi %add3A_1000, %add3A_1016 : i32
      %sub3A = arith.constant 1 : i32
      %sub3A_1018 = arith.subi %add3A_1017, %sub3A : i32
      %mul3A_1019 = arith.constant 64 : i32
      %mul3A_1020 = arith.muli %sub3A_1018, %mul3A_1019 : i32
      %dma_start3A_1021 = tpu.memref_slice %arg5[%mul3A_1020] : memref<10000xi32, #tpu.memory_space<vmem>> -> memref<64xi32, #tpu.memory_space<vmem>>
      %dma_start3A_1022 = arith.constant 0 : i32
      %dma_start3A_1023 = arith.constant 0 : i32
      %dma_start3A_1024 = tpu.memref_slice %arg10[%dma_start3A_1022, %dma_start3A_1023] : memref<10000x128xf32, #tpu.memory_space<vmem_shared>> -> memref<10000x128xf32, #tpu.memory_space<vmem_shared>>
      tpu.enqueue_indirect_dma source(%dma_start3A_1024 : memref<10000x128xf32, #tpu.memory_space<vmem_shared>>) target(%arg6 : memref<64x128xf32, #tpu.memory_space<vmem>>) offsets(%dma_start3A_1021 : memref<64xi32, #tpu.memory_space<vmem>>) semaphore(%arg11 : memref<!tpu.dma_semaphore, #tpu.memory_space<semaphore_mem>>)
      %add3A_1025 = arith.constant 1 : i32
      %add3A_1026 = arith.addi %add3A_998, %add3A_1025 : i32
      %dma_wait3A_1027 = arith.constant 0 : i32
      %dma_wait3A_1028 = tpu.memref_slice %arg4[%mul3A_2, %dma_wait3A_1027] : memref<320000x128xf32, #tpu.memory_space<hbm>> -> memref<64x128xf32, #tpu.memory_space<hbm>>
      %dma_wait3A_1029 = arith.constant 0 : i32
      %dma_wait3A_1030 = tpu.memref_slice %arg4[%mul3A_2, %dma_wait3A_1029] : memref<320000x128xf32, #tpu.memory_space<hbm>> -> memref<64x128xf32, #tpu.memory_space<hbm>>
      tpu.wait_dma2 semaphore(%arg13 : memref<!tpu.dma_semaphore, #tpu.memory_space<semaphore_mem>>) src(%dma_wait3A_1030 : memref<64x128xf32, #tpu.memory_space<hbm>>) dst(%arg8 : memref<64x128xf32, #tpu.memory_space<vmem>>)
      %mul3A_1031 = arith.constant 64 : i32
      %mul3A_1032 = arith.muli %add3A_1026, %mul3A_1031 : i32
      %add3A_1033 = arith.addi %mul3A_2, %mul3A_1032 : i32
      %dma_start3A_1034 = arith.constant 0 : i32
      %dma_start3A_1035 = tpu.memref_slice %arg4[%add3A_1033, %dma_start3A_1034] : memref<320000x128xf32, #tpu.memory_space<hbm>> -> memref<64x128xf32, #tpu.memory_space<hbm>>
      %dma_start3A_1036 = arith.constant 0 : i32
      %dma_start3A_1037 = tpu.memref_slice %arg4[%add3A_1033, %dma_start3A_1036] : memref<320000x128xf32, #tpu.memory_space<hbm>> -> memref<64x128xf32, #tpu.memory_space<hbm>>
      tpu.enqueue_dma source(%arg8 : memref<64x128xf32, #tpu.memory_space<vmem>>) target(%dma_start3A_1037 : memref<64x128xf32, #tpu.memory_space<hbm>>) target_semaphore(%arg13 : memref<!tpu.dma_semaphore, #tpu.memory_space<semaphore_mem>>)
      %dma_wait3A_1038 = arith.constant 0 : i32
      %dma_wait3A_1039 = tpu.memref_slice %arg4[%mul3A_2, %dma_wait3A_1038] : memref<320000x128xf32, #tpu.memory_space<hbm>> -> memref<64x128xf32, #tpu.memory_space<hbm>>
      %dma_wait3A_1040 = arith.constant 0 : i32
      %dma_wait3A_1041 = tpu.memref_slice %arg4[%mul3A_2, %dma_wait3A_1040] : memref<320000x128xf32, #tpu.memory_space<hbm>> -> memref<64x128xf32, #tpu.memory_space<hbm>>
      tpu.wait_dma2 semaphore(%arg12 : memref<!tpu.dma_semaphore, #tpu.memory_space<semaphore_mem>>) src(%dma_wait3A_1041 : memref<64x128xf32, #tpu.memory_space<hbm>>) dst(%arg7 : memref<64x128xf32, #tpu.memory_space<vmem>>)
      %add3A_1042 = arith.constant 4 : i32
      %add3A_1043 = arith.addi %add3A_1026, %add3A_1042 : i32
      %sub3A_1044 = arith.constant 1 : i32
      %sub3A_1045 = arith.subi %add3A_1043, %sub3A_1044 : i32
      %mul3A_1046 = arith.constant 64 : i32
      %mul3A_1047 = arith.muli %sub3A_1045, %mul3A_1046 : i32
      %dma_start3A_1048 = tpu.memref_slice %arg5[%mul3A_1047] : memref<10000xi32, #tpu.memory_space<vmem>> -> memref<64xi32, #tpu.memory_space<vmem>>
      %dma_start3A_1049 = arith.constant 0 : i32
      %dma_start3A_1050 = arith.constant 0 : i32
      %dma_start3A_1051 = tpu.memref_slice %arg10[%dma_start3A_1049, %dma_start3A_1050] : memref<10000x128xf32, #tpu.memory_space<vmem_shared>> -> memref<10000x128xf32, #tpu.memory_space<vmem_shared>>
      tpu.enqueue_indirect_dma source(%dma_start3A_1051 : memref<10000x128xf32, #tpu.memory_space<vmem_shared>>) target(%arg7 : memref<64x128xf32, #tpu.memory_space<vmem>>) offsets(%dma_start3A_1048 : memref<64xi32, #tpu.memory_space<vmem>>) semaphore(%arg12 : memref<!tpu.dma_semaphore, #tpu.memory_space<semaphore_mem>>)
      %add3A_1052 = arith.constant 2 : i32
      %add3A_1053 = arith.addi %add3A_998, %add3A_1052 : i32
      %dma_wait3A_1054 = arith.constant 0 : i32
      %dma_wait3A_1055 = tpu.memref_slice %arg4[%mul3A_2, %dma_wait3A_1054] : memref<320000x128xf32, #tpu.memory_space<hbm>> -> memref<64x128xf32, #tpu.memory_space<hbm>>
      %dma_wait3A_1056 = arith.constant 0 : i32
      %dma_wait3A_1057 = tpu.memref_slice %arg4[%mul3A_2, %dma_wait3A_1056] : memref<320000x128xf32, #tpu.memory_space<hbm>> -> memref<64x128xf32, #tpu.memory_space<hbm>>
      tpu.wait_dma2 semaphore(%arg14 : memref<!tpu.dma_semaphore, #tpu.memory_space<semaphore_mem>>) src(%dma_wait3A_1057 : memref<64x128xf32, #tpu.memory_space<hbm>>) dst(%arg9 : memref<64x128xf32, #tpu.memory_space<vmem>>)
      %mul3A_1058 = arith.constant 64 : i32
      %mul3A_1059 = arith.muli %add3A_1053, %mul3A_1058 : i32
      %add3A_1060 = arith.addi %mul3A_2, %mul3A_1059 : i32
      %dma_start3A_1061 = arith.constant 0 : i32
      %dma_start3A_1062 = tpu.memref_slice %arg4[%add3A_1060, %dma_start3A_1061] : memref<320000x128xf32, #tpu.memory_space<hbm>> -> memref<64x128xf32, #tpu.memory_space<hbm>>
      %dma_start3A_1063 = arith.constant 0 : i32
      %dma_start3A_1064 = tpu.memref_slice %arg4[%add3A_1060, %dma_start3A_1063] : memref<320000x128xf32, #tpu.memory_space<hbm>> -> memref<64x128xf32, #tpu.memory_space<hbm>>
      tpu.enqueue_dma source(%arg9 : memref<64x128xf32, #tpu.memory_space<vmem>>) target(%dma_start3A_1064 : memref<64x128xf32, #tpu.memory_space<hbm>>) target_semaphore(%arg14 : memref<!tpu.dma_semaphore, #tpu.memory_space<semaphore_mem>>)
      %dma_wait3A_1065 = arith.constant 0 : i32
      %dma_wait3A_1066 = tpu.memref_slice %arg4[%mul3A_2, %dma_wait3A_1065] : memref<320000x128xf32, #tpu.memory_space<hbm>> -> memref<64x128xf32, #tpu.memory_space<hbm>>
      %dma_wait3A_1067 = arith.constant 0 : i32
      %dma_wait3A_1068 = tpu.memref_slice %arg4[%mul3A_2, %dma_wait3A_1067] : memref<320000x128xf32, #tpu.memory_space<hbm>> -> memref<64x128xf32, #tpu.memory_space<hbm>>
      tpu.wait_dma2 semaphore(%arg13 : memref<!tpu.dma_semaphore, #tpu.memory_space<semaphore_mem>>) src(%dma_wait3A_1068 : memref<64x128xf32, #tpu.memory_space<hbm>>) dst(%arg8 : memref<64x128xf32, #tpu.memory_space<vmem>>)
      %add3A_1069 = arith.constant 4 : i32
      %add3A_1070 = arith.addi %add3A_1053, %add3A_1069 : i32
      %sub3A_1071 = arith.constant 1 : i32
      %sub3A_1072 = arith.subi %add3A_1070, %sub3A_1071 : i32
      %mul3A_1073 = arith.constant 64 : i32
      %mul3A_1074 = arith.muli %sub3A_1072, %mul3A_1073 : i32
      %dma_start3A_1075 = tpu.memref_slice %arg5[%mul3A_1074] : memref<10000xi32, #tpu.memory_space<vmem>> -> memref<64xi32, #tpu.memory_space<vmem>>
      %dma_start3A_1076 = arith.constant 0 : i32
      %dma_start3A_1077 = arith.constant 0 : i32
      %dma_start3A_1078 = tpu.memref_slice %arg10[%dma_start3A_1076, %dma_start3A_1077] : memref<10000x128xf32, #tpu.memory_space<vmem_shared>> -> memref<10000x128xf32, #tpu.memory_space<vmem_shared>>
      tpu.enqueue_indirect_dma source(%dma_start3A_1078 : memref<10000x128xf32, #tpu.memory_space<vmem_shared>>) target(%arg8 : memref<64x128xf32, #tpu.memory_space<vmem>>) offsets(%dma_start3A_1075 : memref<64xi32, #tpu.memory_space<vmem>>) semaphore(%arg13 : memref<!tpu.dma_semaphore, #tpu.memory_space<semaphore_mem>>)
      %add3A_1079 = arith.constant 3 : i32
      %add3A_1080 = arith.addi %add3A_998, %add3A_1079 : i32
      %dma_wait3A_1081 = arith.constant 0 : i32
      %dma_wait3A_1082 = tpu.memref_slice %arg4[%mul3A_2, %dma_wait3A_1081] : memref<320000x128xf32, #tpu.memory_space<hbm>> -> memref<64x128xf32, #tpu.memory_space<hbm>>
      %dma_wait3A_1083 = arith.constant 0 : i32
      %dma_wait3A_1084 = tpu.memref_slice %arg4[%mul3A_2, %dma_wait3A_1083] : memref<320000x128xf32, #tpu.memory_space<hbm>> -> memref<64x128xf32, #tpu.memory_space<hbm>>
      tpu.wait_dma2 semaphore(%arg11 : memref<!tpu.dma_semaphore, #tpu.memory_space<semaphore_mem>>) src(%dma_wait3A_1084 : memref<64x128xf32, #tpu.memory_space<hbm>>) dst(%arg6 : memref<64x128xf32, #tpu.memory_space<vmem>>)
      %mul3A_1085 = arith.constant 64 : i32
      %mul3A_1086 = arith.muli %add3A_1080, %mul3A_1085 : i32
      %add3A_1087 = arith.addi %mul3A_2, %mul3A_1086 : i32
      %dma_start3A_1088 = arith.constant 0 : i32
      %dma_start3A_1089 = tpu.memref_slice %arg4[%add3A_1087, %dma_start3A_1088] : memref<320000x128xf32, #tpu.memory_space<hbm>> -> memref<64x128xf32, #tpu.memory_space<hbm>>
      %dma_start3A_1090 = arith.constant 0 : i32
      %dma_start3A_1091 = tpu.memref_slice %arg4[%add3A_1087, %dma_start3A_1090] : memref<320000x128xf32, #tpu.memory_space<hbm>> -> memref<64x128xf32, #tpu.memory_space<hbm>>
      tpu.enqueue_dma source(%arg6 : memref<64x128xf32, #tpu.memory_space<vmem>>) target(%dma_start3A_1091 : memref<64x128xf32, #tpu.memory_space<hbm>>) target_semaphore(%arg11 : memref<!tpu.dma_semaphore, #tpu.memory_space<semaphore_mem>>)
      %dma_wait3A_1092 = arith.constant 0 : i32
      %dma_wait3A_1093 = tpu.memref_slice %arg4[%mul3A_2, %dma_wait3A_1092] : memref<320000x128xf32, #tpu.memory_space<hbm>> -> memref<64x128xf32, #tpu.memory_space<hbm>>
      %dma_wait3A_1094 = arith.constant 0 : i32
      %dma_wait3A_1095 = tpu.memref_slice %arg4[%mul3A_2, %dma_wait3A_1094] : memref<320000x128xf32, #tpu.memory_space<hbm>> -> memref<64x128xf32, #tpu.memory_space<hbm>>
      tpu.wait_dma2 semaphore(%arg14 : memref<!tpu.dma_semaphore, #tpu.memory_space<semaphore_mem>>) src(%dma_wait3A_1095 : memref<64x128xf32, #tpu.memory_space<hbm>>) dst(%arg9 : memref<64x128xf32, #tpu.memory_space<vmem>>)
      %add3A_1096 = arith.constant 4 : i32
      %add3A_1097 = arith.addi %add3A_1080, %add3A_1096 : i32
      %sub3A_1098 = arith.constant 1 : i32
      %sub3A_1099 = arith.subi %add3A_1097, %sub3A_1098 : i32
      %mul3A_1100 = arith.constant 64 : i32
      %mul3A_1101 = arith.muli %sub3A_1099, %mul3A_1100 : i32
      %dma_start3A_1102 = tpu.memref_slice %arg5[%mul3A_1101] : memref<10000xi32, #tpu.memory_space<vmem>> -> memref<64xi32, #tpu.memory_space<vmem>>
      %dma_start3A_1103 = arith.constant 0 : i32
      %dma_start3A_1104 = arith.constant 0 : i32
      %dma_start3A_1105 = tpu.memref_slice %arg10[%dma_start3A_1103, %dma_start3A_1104] : memref<10000x128xf32, #tpu.memory_space<vmem_shared>> -> memref<10000x128xf32, #tpu.memory_space<vmem_shared>>
      tpu.enqueue_indirect_dma source(%dma_start3A_1105 : memref<10000x128xf32, #tpu.memory_space<vmem_shared>>) target(%arg9 : memref<64x128xf32, #tpu.memory_space<vmem>>) offsets(%dma_start3A_1102 : memref<64xi32, #tpu.memory_space<vmem>>) semaphore(%arg14 : memref<!tpu.dma_semaphore, #tpu.memory_space<semaphore_mem>>)
    }
    %scan3A_907 = arith.constant 38 : i32
    %dma_wait3A_908 = arith.constant 0 : i32
    %dma_wait3A_909 = tpu.memref_slice %arg4[%mul3A_2, %dma_wait3A_908] : memref<320000x128xf32, #tpu.memory_space<hbm>> -> memref<64x128xf32, #tpu.memory_space<hbm>>
    %dma_wait3A_910 = arith.constant 0 : i32
    %dma_wait3A_911 = tpu.memref_slice %arg4[%mul3A_2, %dma_wait3A_910] : memref<320000x128xf32, #tpu.memory_space<hbm>> -> memref<64x128xf32, #tpu.memory_space<hbm>>
    tpu.wait_dma2 semaphore(%arg12 : memref<!tpu.dma_semaphore, #tpu.memory_space<semaphore_mem>>) src(%dma_wait3A_911 : memref<64x128xf32, #tpu.memory_space<hbm>>) dst(%arg7 : memref<64x128xf32, #tpu.memory_space<vmem>>)
    %add3A_912 = arith.constant 9792 : i32
    %add3A_913 = arith.addi %mul3A_2, %add3A_912 : i32
    %dma_start3A_914 = arith.constant 0 : i32
    %dma_start3A_915 = tpu.memref_slice %arg4[%add3A_913, %dma_start3A_914] : memref<320000x128xf32, #tpu.memory_space<hbm>> -> memref<64x128xf32, #tpu.memory_space<hbm>>
    %dma_start3A_916 = arith.constant 0 : i32
    %dma_start3A_917 = tpu.memref_slice %arg4[%add3A_913, %dma_start3A_916] : memref<320000x128xf32, #tpu.memory_space<hbm>> -> memref<64x128xf32, #tpu.memory_space<hbm>>
    tpu.enqueue_dma source(%arg7 : memref<64x128xf32, #tpu.memory_space<vmem>>) target(%dma_start3A_917 : memref<64x128xf32, #tpu.memory_space<hbm>>) target_semaphore(%arg12 : memref<!tpu.dma_semaphore, #tpu.memory_space<semaphore_mem>>)
    %dma_wait3A_918 = arith.constant 0 : i32
    %dma_wait3A_919 = tpu.memref_slice %arg4[%mul3A_2, %dma_wait3A_918] : memref<320000x128xf32, #tpu.memory_space<hbm>> -> memref<64x128xf32, #tpu.memory_space<hbm>>
    %dma_wait3A_920 = arith.constant 0 : i32
    %dma_wait3A_921 = tpu.memref_slice %arg4[%mul3A_2, %dma_wait3A_920] : memref<320000x128xf32, #tpu.memory_space<hbm>> -> memref<64x128xf32, #tpu.memory_space<hbm>>
    tpu.wait_dma2 semaphore(%arg11 : memref<!tpu.dma_semaphore, #tpu.memory_space<semaphore_mem>>) src(%dma_wait3A_921 : memref<64x128xf32, #tpu.memory_space<hbm>>) dst(%arg6 : memref<64x128xf32, #tpu.memory_space<vmem>>)
    %dma_start3A_922 = arith.constant 0 : i32
    %dma_start3A_923 = arith.constant 0 : i32
    %dma_start3A_924 = tpu.memref_slice %arg6[%dma_start3A_922, %dma_start3A_923] : memref<64x128xf32, #tpu.memory_space<vmem>> -> memref<16x128xf32, #tpu.memory_space<vmem>>
    %dma_start3A_925 = arith.constant 9984 : i32
    %dma_start3A_926 = tpu.memref_slice %arg5[%dma_start3A_925] : memref<10000xi32, #tpu.memory_space<vmem>> -> memref<16xi32, #tpu.memory_space<vmem>>
    %dma_start3A_927 = arith.constant 0 : i32
    %dma_start3A_928 = arith.constant 0 : i32
    %dma_start3A_929 = tpu.memref_slice %arg10[%dma_start3A_927, %dma_start3A_928] : memref<10000x128xf32, #tpu.memory_space<vmem_shared>> -> memref<10000x128xf32, #tpu.memory_space<vmem_shared>>
    tpu.enqueue_indirect_dma source(%dma_start3A_929 : memref<10000x128xf32, #tpu.memory_space<vmem_shared>>) target(%dma_start3A_924 : memref<16x128xf32, #tpu.memory_space<vmem>>) offsets(%dma_start3A_926 : memref<16xi32, #tpu.memory_space<vmem>>) semaphore(%arg11 : memref<!tpu.dma_semaphore, #tpu.memory_space<semaphore_mem>>)
    %dma_wait3A_930 = arith.constant 0 : i32
    %dma_wait3A_931 = tpu.memref_slice %arg4[%mul3A_2, %dma_wait3A_930] : memref<320000x128xf32, #tpu.memory_space<hbm>> -> memref<64x128xf32, #tpu.memory_space<hbm>>
    %dma_wait3A_932 = arith.constant 0 : i32
    %dma_wait3A_933 = tpu.memref_slice %arg4[%mul3A_2, %dma_wait3A_932] : memref<320000x128xf32, #tpu.memory_space<hbm>> -> memref<64x128xf32, #tpu.memory_space<hbm>>
    tpu.wait_dma2 semaphore(%arg13 : memref<!tpu.dma_semaphore, #tpu.memory_space<semaphore_mem>>) src(%dma_wait3A_933 : memref<64x128xf32, #tpu.memory_space<hbm>>) dst(%arg8 : memref<64x128xf32, #tpu.memory_space<vmem>>)
    %add3A_934 = arith.constant 9856 : i32
    %add3A_935 = arith.addi %mul3A_2, %add3A_934 : i32
    %dma_start3A_936 = arith.constant 0 : i32
    %dma_start3A_937 = tpu.memref_slice %arg4[%add3A_935, %dma_start3A_936] : memref<320000x128xf32, #tpu.memory_space<hbm>> -> memref<64x128xf32, #tpu.memory_space<hbm>>
    %dma_start3A_938 = arith.constant 0 : i32
    %dma_start3A_939 = tpu.memref_slice %arg4[%add3A_935, %dma_start3A_938] : memref<320000x128xf32, #tpu.memory_space<hbm>> -> memref<64x128xf32, #tpu.memory_space<hbm>>
    tpu.enqueue_dma source(%arg8 : memref<64x128xf32, #tpu.memory_space<vmem>>) target(%dma_start3A_939 : memref<64x128xf32, #tpu.memory_space<hbm>>) target_semaphore(%arg13 : memref<!tpu.dma_semaphore, #tpu.memory_space<semaphore_mem>>)
    %dma_wait3A_940 = arith.constant 0 : i32
    %dma_wait3A_941 = tpu.memref_slice %arg4[%mul3A_2, %dma_wait3A_940] : memref<320000x128xf32, #tpu.memory_space<hbm>> -> memref<64x128xf32, #tpu.memory_space<hbm>>
    %dma_wait3A_942 = arith.constant 0 : i32
    %dma_wait3A_943 = tpu.memref_slice %arg4[%mul3A_2, %dma_wait3A_942] : memref<320000x128xf32, #tpu.memory_space<hbm>> -> memref<64x128xf32, #tpu.memory_space<hbm>>
    tpu.wait_dma2 semaphore(%arg14 : memref<!tpu.dma_semaphore, #tpu.memory_space<semaphore_mem>>) src(%dma_wait3A_943 : memref<64x128xf32, #tpu.memory_space<hbm>>) dst(%arg9 : memref<64x128xf32, #tpu.memory_space<vmem>>)
    %add3A_944 = arith.constant 9920 : i32
    %add3A_945 = arith.addi %mul3A_2, %add3A_944 : i32
    %dma_start3A_946 = arith.constant 0 : i32
    %dma_start3A_947 = tpu.memref_slice %arg4[%add3A_945, %dma_start3A_946] : memref<320000x128xf32, #tpu.memory_space<hbm>> -> memref<64x128xf32, #tpu.memory_space<hbm>>
    %dma_start3A_948 = arith.constant 0 : i32
    %dma_start3A_949 = tpu.memref_slice %arg4[%add3A_945, %dma_start3A_948] : memref<320000x128xf32, #tpu.memory_space<hbm>> -> memref<64x128xf32, #tpu.memory_space<hbm>>
    tpu.enqueue_dma source(%arg9 : memref<64x128xf32, #tpu.memory_space<vmem>>) target(%dma_start3A_949 : memref<64x128xf32, #tpu.memory_space<hbm>>) target_semaphore(%arg14 : memref<!tpu.dma_semaphore, #tpu.memory_space<semaphore_mem>>)
    %dma_wait3A_950 = arith.constant 0 : i32
    %dma_wait3A_951 = arith.constant 0 : i32
    %dma_wait3A_952 = tpu.memref_slice %arg6[%dma_wait3A_950, %dma_wait3A_951] : memref<64x128xf32, #tpu.memory_space<vmem>> -> memref<16x128xf32, #tpu.memory_space<vmem>>
    %dma_wait3A_953 = arith.constant 0 : i32
    %dma_wait3A_954 = tpu.memref_slice %arg4[%mul3A_2, %dma_wait3A_953] : memref<320000x128xf32, #tpu.memory_space<hbm>> -> memref<16x128xf32, #tpu.memory_space<hbm>>
    %dma_wait3A_955 = arith.constant 0 : i32
    %dma_wait3A_956 = arith.constant 0 : i32
    %dma_wait3A_957 = tpu.memref_slice %arg6[%dma_wait3A_955, %dma_wait3A_956] : memref<64x128xf32, #tpu.memory_space<vmem>> -> memref<16x128xf32, #tpu.memory_space<vmem>>
    %dma_wait3A_958 = arith.constant 0 : i32
    %dma_wait3A_959 = tpu.memref_slice %arg4[%mul3A_2, %dma_wait3A_958] : memref<320000x128xf32, #tpu.memory_space<hbm>> -> memref<16x128xf32, #tpu.memory_space<hbm>>
    tpu.wait_dma2 semaphore(%arg11 : memref<!tpu.dma_semaphore, #tpu.memory_space<semaphore_mem>>) src(%dma_wait3A_959 : memref<16x128xf32, #tpu.memory_space<hbm>>) dst(%dma_wait3A_957 : memref<16x128xf32, #tpu.memory_space<vmem>>)
    %add3A_960 = arith.constant 9984 : i32
    %add3A_961 = arith.addi %mul3A_2, %add3A_960 : i32
    %dma_start3A_962 = arith.constant 0 : i32
    %dma_start3A_963 = arith.constant 0 : i32
    %dma_start3A_964 = tpu.memref_slice %arg6[%dma_start3A_962, %dma_start3A_963] : memref<64x128xf32, #tpu.memory_space<vmem>> -> memref<16x128xf32, #tpu.memory_space<vmem>>
    %dma_start3A_965 = arith.constant 0 : i32
    %dma_start3A_966 = tpu.memref_slice %arg4[%add3A_961, %dma_start3A_965] : memref<320000x128xf32, #tpu.memory_space<hbm>> -> memref<16x128xf32, #tpu.memory_space<hbm>>
    %dma_start3A_967 = arith.constant 0 : i32
    %dma_start3A_968 = tpu.memref_slice %arg4[%add3A_961, %dma_start3A_967] : memref<320000x128xf32, #tpu.memory_space<hbm>> -> memref<16x128xf32, #tpu.memory_space<hbm>>
    %dma_start3A_969 = arith.constant 0 : i32
    %dma_start3A_970 = arith.constant 0 : i32
    %dma_start3A_971 = tpu.memref_slice %arg6[%dma_start3A_969, %dma_start3A_970] : memref<64x128xf32, #tpu.memory_space<vmem>> -> memref<16x128xf32, #tpu.memory_space<vmem>>
    tpu.enqueue_dma source(%dma_start3A_971 : memref<16x128xf32, #tpu.memory_space<vmem>>) target(%dma_start3A_968 : memref<16x128xf32, #tpu.memory_space<hbm>>) target_semaphore(%arg11 : memref<!tpu.dma_semaphore, #tpu.memory_space<semaphore_mem>>)
    %dma_wait3A_972 = arith.constant 0 : i32
    %dma_wait3A_973 = tpu.memref_slice %arg4[%mul3A_2, %dma_wait3A_972] : memref<320000x128xf32, #tpu.memory_space<hbm>> -> memref<64x128xf32, #tpu.memory_space<hbm>>
    %dma_wait3A_974 = arith.constant 0 : i32
    %dma_wait3A_975 = tpu.memref_slice %arg4[%mul3A_2, %dma_wait3A_974] : memref<320000x128xf32, #tpu.memory_space<hbm>> -> memref<64x128xf32, #tpu.memory_space<hbm>>
    tpu.wait_dma2 semaphore(%arg12 : memref<!tpu.dma_semaphore, #tpu.memory_space<semaphore_mem>>) src(%dma_wait3A_975 : memref<64x128xf32, #tpu.memory_space<hbm>>) dst(%arg7 : memref<64x128xf32, #tpu.memory_space<vmem>>)
    %dma_wait3A_976 = arith.constant 0 : i32
    %dma_wait3A_977 = tpu.memref_slice %arg4[%mul3A_2, %dma_wait3A_976] : memref<320000x128xf32, #tpu.memory_space<hbm>> -> memref<64x128xf32, #tpu.memory_space<hbm>>
    %dma_wait3A_978 = arith.constant 0 : i32
    %dma_wait3A_979 = tpu.memref_slice %arg4[%mul3A_2, %dma_wait3A_978] : memref<320000x128xf32, #tpu.memory_space<hbm>> -> memref<64x128xf32, #tpu.memory_space<hbm>>
    tpu.wait_dma2 semaphore(%arg13 : memref<!tpu.dma_semaphore, #tpu.memory_space<semaphore_mem>>) src(%dma_wait3A_979 : memref<64x128xf32, #tpu.memory_space<hbm>>) dst(%arg8 : memref<64x128xf32, #tpu.memory_space<vmem>>)
    %dma_wait3A_980 = arith.constant 0 : i32
    %dma_wait3A_981 = tpu.memref_slice %arg4[%mul3A_2, %dma_wait3A_980] : memref<320000x128xf32, #tpu.memory_space<hbm>> -> memref<64x128xf32, #tpu.memory_space<hbm>>
    %dma_wait3A_982 = arith.constant 0 : i32
    %dma_wait3A_983 = tpu.memref_slice %arg4[%mul3A_2, %dma_wait3A_982] : memref<320000x128xf32, #tpu.memory_space<hbm>> -> memref<64x128xf32, #tpu.memory_space<hbm>>
    tpu.wait_dma2 semaphore(%arg14 : memref<!tpu.dma_semaphore, #tpu.memory_space<semaphore_mem>>) src(%dma_wait3A_983 : memref<64x128xf32, #tpu.memory_space<hbm>>) dst(%arg9 : memref<64x128xf32, #tpu.memory_space<vmem>>)
    %dma_wait3A_984 = arith.constant 0 : i32
    %dma_wait3A_985 = arith.constant 0 : i32
    %dma_wait3A_986 = tpu.memref_slice %arg6[%dma_wait3A_984, %dma_wait3A_985] : memref<64x128xf32, #tpu.memory_space<vmem>> -> memref<16x128xf32, #tpu.memory_space<vmem>>
    %dma_wait3A_987 = arith.constant 0 : i32
    %dma_wait3A_988 = tpu.memref_slice %arg4[%mul3A_2, %dma_wait3A_987] : memref<320000x128xf32, #tpu.memory_space<hbm>> -> memref<16x128xf32, #tpu.memory_space<hbm>>
    %dma_wait3A_989 = arith.constant 0 : i32
    %dma_wait3A_990 = arith.constant 0 : i32
    %dma_wait3A_991 = tpu.memref_slice %arg6[%dma_wait3A_989, %dma_wait3A_990] : memref<64x128xf32, #tpu.memory_space<vmem>> -> memref<16x128xf32, #tpu.memory_space<vmem>>
    %dma_wait3A_992 = arith.constant 0 : i32
    %dma_wait3A_993 = tpu.memref_slice %arg4[%mul3A_2, %dma_wait3A_992] : memref<320000x128xf32, #tpu.memory_space<hbm>> -> memref<16x128xf32, #tpu.memory_space<hbm>>
    tpu.wait_dma2 semaphore(%arg11 : memref<!tpu.dma_semaphore, #tpu.memory_space<semaphore_mem>>) src(%dma_wait3A_993 : memref<16x128xf32, #tpu.memory_space<hbm>>) dst(%dma_wait3A_991 : memref<16x128xf32, #tpu.memory_space<vmem>>)
    return
  }
}

</mosaic_0001>

<sc_bundles>
// kernel: kernel.3.cloned.1.call-start
scs
__scs_entry_jumppad:
0x0: {  	(pc) =	sbr.rel $0x88, $3  }
0x1: {  	(tag) =	ssettag $0x0;
	lr =	simm.s32 $0x1  }
0x2: {  	[smem:$0x3F9F] =	sst lr;
	_ =	strace $0xD0000000  }
0x3: {  	_ = 	snop  }
0x4: {  	_ = 	snop  }
0x5: {  	_ = 	snop  }
0x6: {  	_ = 	snop  }
0x7: {  	_ = 	snop  }
__scs_overlays_trampoline_lowered:
0x8: {  	[smem:$0x3FAE] =	sst s0  }
0x9: {  	[smem:$0x3FAF] =	sst s1  }
0xa: {  	[smem:$0x3FB0] =	sst s2  }
0xb: {  	[smem:$0x3FB1] =	sst s3  }
0xc: {  	[smem:$0x3FB2] =	sst s4  }
0xd: {  	[smem:$0x3FB3] =	sst s5  }
0xe: {  	[smem:$0x3FB4] =	sst s6  }
0xf: {  	[smem:$0x3FB5] =	sst s7  }
0x10: {  	[smem:$0x3FB6] =	sst s8  }
0x11: {  	[smem:$0x3FB7] =	sst s9;
	s0 =	simm.s32 @!p0 $0x0  }
0x12: {  	s1 =	sld [smem:$0x3F9D];
	s0 =	simm.s32 @p0 $0x1  }
0x13: {  	[smem:$0x3FB8] =	sst s0;
	s0 =	simm.s32 @!p1 $0x0  }
0x14: {  	s2 =	sld [smem:$0x3F9C];
	s0 =	simm.s32 @p1 $0x1  }
0x15: {  	[smem:$0x3FB9] =	sst s0;
	s0 =	simm.s32 @!p2 $0x0  }
0x16: {  	s3 =	sld [smem:$0x3FDB];
	s0 =	simm.s32 @p2 $0x1  }
0x17: {  	s4 =	simm.s32 $0x1BF5;
	[smem:$0x3FBB] =	sst s0  }
0x18: {  	s0 =	sld [smem:$0x3F9E];
	_ =	swait.ge [sflag:s4], $0x0  }
0x19: {  	s7 =	sld [smem:$0x3F9F]  }
0x1a: {  	s8 =	sadd.s32 $0xFFFFE003, lr  }
0x1b: {  	s9 =	sadd.s32 $0xFFFFFEF7, lr;
	s5 =	simm.s32 $0xFFFFFFFF;
	p2 =	slt.u32 s8, $0xFFFFF086  }
0x1c: {  	p1 =	slt.u32 s9, $0xF7A;
	s5 =	simm.s32 @!p2 $0x0  }
0x1d: {  	s5 =	simm.s32 @p1 $0x1;
	p0 =	seq.s32 s7, s2  }
0x1e: {  	s7 =	smul.u32 @!p0 $0xF7A, s2;
	p2 =	seq.s32 @!p0 s5, $0x0  }
0x1f: {  	s9 =	smul.u32 $0xF7A, s1;
	s8 =	simm.s32 @!p0 $0x1BF5;
	p2 =	por !p2, p0  }
0x20: {  	[sflag:s8] =	ssyncset.s32 @!p0 $0xFFFFF086;
	s6 =	sadd.s32 @!p0 s3, s7;
	s7 =	simm.s32 @!p0 $0x108  }
0x21: {  	s3 =	sadd.s32 s3, s9;
	s6 =	sadd.s32 @!p0 $0x88, s6;
	s7 =	simm.s32 @p2 $0x1082  }
0x22: {  	[simem:s7], [sflag:s8] =	dma.local @!p0 [hbm:s6], $0xF7A  }
0x23: {  	s9 =	sor.u32 $0xD0000000, s2;
	s6 =	simm.s32 $0x108;
	_ =	swait.ge @!p0 [sflag:s8], $0x0  }
0x24: {  	s3 =	sadd.s32 $0x88, s3;
	s6 =	simm.s32 @!p1 $0x1082;
	[sflag:s4] =	ssyncset.s32 $0xFFFFF086  }
0x25: {  	[simem:s6], [sflag:s4] =	dma.local [hbm:s3], $0xF7A  }
0x26: {  	[smem:$0x3F9F] =	sst s1;
	(tag) =	ssettag s2;
	_ =	strace s9  }
0x27: {  	s1 =	sld [smem:$0x3FAF]  }
0x28: {  	s2 =	sld [smem:$0x3FB0]  }
0x29: {  	s4 =	sld [smem:$0x3FB2]  }
0x2a: {  	p0 =	seq.s32 s5, $0x0;
	s5 =	sld [smem:$0x3FB3]  }
0x2b: {  	s6 =	sld [smem:$0x3FB4]  }
0x2c: {  	s7 =	sld [smem:$0x3FB5]  }
0x2d: {  	s3 =	simm.s32 $0x108;
	s8 =	sld [smem:$0x3FB6]  }
0x2e: {  	s3 =	simm.s32 @!p0 $0x1082;
	s9 =	sld [smem:$0x3FB7]  }
0x2f: {  	lr =	sadd.s32 s0, s3;
	s0 =	sld [smem:$0x3FAE]  }
0x30: {  	s3 =	sld [smem:$0x3FB1]  }
0x31: {  	[smem:$0x3FBA] =	sst s10  }
0x32: {  	s10 =	sld [smem:$0x3FB8];
	_ =	sdelay $0x3  }
0x33: {  	p0 =	seq.s32 s10, $0x1;
	s10 =	sld [smem:$0x3FBA];
	_ =	sdelay $0x3  }
0x34: {  	[smem:$0x3FBA] =	sst s10  }
0x35: {  	s10 =	sld [smem:$0x3FB9];
	_ =	sdelay $0x3  }
0x36: {  	p1 =	seq.s32 s10, $0x1;
	s10 =	sld [smem:$0x3FBA];
	_ =	sdelay $0x3  }
0x37: {  	[smem:$0x3FBA] =	sst s10  }
0x38: {  	s10 =	sld [smem:$0x3FBB]  }
0x39: {  	_ = 	snop;
	(pc) =	sbr.ind lr, $3  }
0x3a: {  	_ = 	snop  }
0x3b: {  	_ = 	snop  }
0x3c: {  	p2 =	seq.s32 s10, $0x1;
	s10 =	sld [smem:$0x3FBA]  }
0x3d: {  	_ =	shalt  }
0x3e: {  	_ =	shalt  }
0x3f: {  	_ =	shalt  }
0x40: {  	_ =	shalt  }
0x41: {  	_ =	shalt  }
0x42: {  	_ =	shalt  }
0x43: {  	_ =	shalt  }
0x44: {  	_ =	shalt  }
0x45: {  	_ =	shalt  }
0x46: {  	_ =	shalt  }
0x47: {  	_ =	shalt  }
0x48: {  	_ =	shalt  }
0x49: {  	_ =	shalt  }
0x4a: {  	_ =	shalt  }
0x4b: {  	_ =	shalt  }
0x4c: {  	_ =	shalt  }
0x4d: {  	_ =	shalt  }
0x4e: {  	_ =	shalt  }
0x4f: {  	_ =	shalt  }
0x50: {  	_ =	shalt  }
0x51: {  	_ =	shalt  }
0x52: {  	_ =	shalt  }
0x53: {  	_ =	shalt  }
0x54: {  	_ =	shalt  }
0x55: {  	_ =	shalt  }
0x56: {  	_ =	shalt  }
0x57: {  	_ =	shalt  }
0x58: {  	_ =	shalt  }
0x59: {  	_ =	shalt  }
0x5a: {  	_ =	shalt  }
0x5b: {  	_ =	shalt  }
0x5c: {  	_ =	shalt  }
0x5d: {  	_ =	shalt  }
0x5e: {  	_ =	shalt  }
0x5f: {  	_ =	shalt  }
0x60: {  	_ =	shalt  }
0x61: {  	_ =	shalt  }
0x62: {  	_ =	shalt  }
0x63: {  	_ =	shalt  }
0x64: {  	_ =	shalt  }
0x65: {  	_ =	shalt  }
0x66: {  	_ =	shalt  }
0x67: {  	_ =	shalt  }
0x68: {  	_ =	shalt  }
0x69: {  	_ =	shalt  }
0x6a: {  	_ =	shalt  }
0x6b: {  	_ =	shalt  }
0x6c: {  	_ =	shalt  }
0x6d: {  	_ =	shalt  }
0x6e: {  	_ =	shalt  }
0x6f: {  	_ =	shalt  }
0x70: {  	_ =	shalt  }
0x71: {  	_ =	shalt  }
0x72: {  	_ =	shalt  }
0x73: {  	_ =	shalt  }
0x74: {  	_ =	shalt  }
0x75: {  	_ =	shalt  }
0x76: {  	_ =	shalt  }
0x77: {  	_ =	shalt  }
0x78: {  	_ =	shalt  }
0x79: {  	_ =	shalt  }
0x7a: {  	_ =	shalt  }
0x7b: {  	_ =	shalt  }
0x7c: {  	_ =	shalt  }
0x7d: {  	_ =	shalt  }
0x7e: {  	_ =	shalt  }
0x7f: {  	_ =	shalt  }
0x80: {  	_ =	shalt  }
0x81: {  	_ =	shalt  }
0x82: {  	_ =	shalt  }
0x83: {  	_ =	shalt  }
0x84: {  	_ =	shalt  }
0x85: {  	_ =	shalt  }
0x86: {  	_ =	shalt  }
0x87: {  	_ =	shalt  }
.Lfunc_end0:
.L_simem_size_0:
called_computation_lowered:
.L_overlay_start_0:
0x88: {  	s2 =	sld [smem:$0x3FD9]  }
0x89: {  	s3 =	sld [smem:$0x3FFE];
	_ =	sdelay $0x1  }
0x8a: {  	s1 =	srdreg.scid  }
0x8b: {  	s0 =	sand.u32 $0x1, s1  }
0x8c: {  	s18 =	sshll.u32 s0, $0xA;
	s2 =	sadd.s32 s3, s2  }
0x8d: {  	s2 =	sadd.s32 s2, s18  }
0x8e: {  	[smem:$0x3FC6] =	sst s2  }
0x8f: {  	_ = 	snop  }
0x90: {  	s2 =	sld [smem:$0x3FC9]  }
0x91: {  	s19 =	sld [smem:$0x3FC8]  }
0x92: {  	s4 =	sld [smem:$0x3FD0];
	(tm) =	ssettm $0x1  }
0x93: {  	s5 =	sld [smem:$0x3FFB];
	_ =	sdelay $0x3  }
0x94: {  	_ =	strace s5  }
0x95: {  	s5 =	sld [smem:$0x3FFC];
	_ =	sdelay $0x3  }
0x96: {  	_ =	strace s5  }
0x97: {  	s5 =	sld [smem:$0x3FFD];
	_ =	sdelay $0x3  }
0x98: {  	_ =	strace s5  }
0x99: {  	_ =	strace $0x8FFFFFFF  }
0x9a: {  	s20 =	sld [smem:$0x3FDB];
	_ =	sdelay $0x1  }
0x9b: {  	s6 =	simm.s32 $_scs_section_size  }
0x9c: {  	s7 =	simm.s32 $_size__tile_overlayer_lowered;
	s8 =	simm.s32 $_tile_overlayer_lowered  }
0x9d: {  	s23 =	simm.s32 $0x1BFF;
	s22 =	sshll.u32 s8, $0x1;
	s5 =	sadd.s32 s6, s20  }
0x9e: {  	s9 =	simm.s32 $0x0;
	s21 =	sshll.u32 s7, $0x1;
	s7 =	sadd.s32 s22, s5  }
0x9f: {  	[timem:s9], [sflag:s23] =	dma.local [hbm:s7], s21  }
0xa0: {  	_ =	swait.ge [sflag:s23], s21  }
0xa1: {  	s6 =	ssub.s32 $0x0, s21;
	[sflag:s23] =	ssyncset.done $0x0  }
0xa2: {  	[sflag:s23] =	ssyncadd.s32 s6;
	_ =	sdelay $0x1  }
0xa3: {  	s24 =	simm.s32 $0x1B8B  }
0xa4: {  	_ =	swait.ge [sflag:s24], $0x1  }
0xa5: {  	[sflag:s24] =	ssyncset.done $0x0  }
0xa6: {  	s25 =	simm.s32 $0x1B8E;
	[sflag:s24] =	ssyncadd.s32 $0xFFFFFFFF  }
0xa7: {  	s26 =	simm.s32 $execute0_lowered;
	[smem:$0x3FD2] =	sst s25  }
0xa8: {  	s6 =	sshll.u32 s26, $0x1;
	_ =	strace $0x80000046;
	[dreg:$0x1] =	wrdreg $0xFFFFFFFF  }
0xa9: {  	s28 =	simm.s32 $_size_execute0_lowered;
	s5 =	sadd.s32 s5, s6;
	[dreg:$0x0] =	wrdreg $0x0  }
0xaa: {  	s6 =	sshll.u32 s28, $0x1;
	[dreg:$0x2] =	wrdreg s5  }
0xab: {  	[dreg:$0x3] =	wrdreg s6  }
0xac: {  	[dreg:$0x4] =	wrdreg $0xC0  }
0xad: {  	_ =	task [dreg:s9], $0x5FFFF  }
0xae: {  	[dreg:$0x1] =	wrdreg $0xFFFFFFFF  }
0xaf: {  	[dreg:$0x0] =	wrdreg $0x60  }
0xb0: {  	[dreg:$0x2] =	wrdreg s19  }
0xb1: {  	[dreg:$0x3] =	wrdreg s2  }
0xb2: {  	[dreg:$0x4] =	wrdreg s4  }
0xb3: {  	[dreg:$0x5] =	wrdreg $0xA7800  }
0xb4: {  	[dreg:$0x6] =	wrdreg $0x9  }
0xb5: {  	_ =	task.clear_ibuf [dreg:s9], $0x7FFFF;
	_ =	strace $0x90000046  }
0xb6: {  	s29 =	simm.s32 $0x9;
	_ =	strace $0x80000048  }
0xb7: {  	_ =	swait.ge [sflag:s29], $0x1  }
0xb8: {  	[sflag:s29] =	ssyncadd.s32 $0xFFFFFFFF  }
0xb9: {  	_ =	strace $0x90000048  }
0xba: {  	_ =	sfence  }
0xbb: {  	s30 =	sld [smem:$0x0];
	_ =	sdelay $0x2  }
0xbc: {  	s31 =	sshll.u32 s1, $0xD;
	s1 =	sshrl.u32 s1, $0x2  }
0xbd: {  	s3 =	sand.u32 $0x4000, s31;
	s1 =	sadd.s32 s1, s30  }
0xbe: {  	s0 =	sor.u32 s3, s0;
	s1 =	sshll.u32 s1, $0x11  }
0xbf: {  	s0 =	sor.u32 s1, s0  }
0xc0: {  	s0 =	sadd.s32 $0x8F2B, s0  }
0xc1: {  	[sflag:s0] =	ssyncadd.remote.s32 $0x1  }
0xc2: {  	_ =	sfence.sel $0xFFFF  }
0xc3: {  	[dreg:$0x0] =	wrdreg $0xFFFFFFFF;
	(pc) =	sbr.abs _section_cstart, $3  }
0xc4: {  	[dreg:$0x1] =	wrdreg $0xFFFFFFFF  }
0xc5: {  	_ =	task.clear_ibuf [dreg:s9], $0x2FFFF;
	_ =	strace $0x9FFFFFFF  }
0xc6: {  	(tm) =	ssettm $0x7FFFFFFF  }
0xc7: {  	_ =	shalt  }
tec
execute0_lowered:
.L_overlay_start_1:
0x0: {  	(tag) =	ssettag $0x1  }
0x1: {  	s0 =	srdreg.scid;
	s3 =	rddreg [dreg:$0x0]  }
0x2: {  	s25 =	stileid.u32;
	s5 =	rddreg [dreg:$0x1];
	s1 =	simm.s32 $0x0  }
0x3: {  	s2 =	sand.u32 $0x1, s0;
	s22 =	sshll.u32 s25, $0x1;
	s7 =	smul.u32 $0x28, s25  }
0x4: {  	[smem:$0x7FF] =	sst s1;
	s10 =	smul.u32 $0x280, s25;
	p0 =	sgt.u32 s25, $0x9  }
0x5: {  	s4 =	sor.u32 s2, s22;
	s6 =	ssub.s32 $0x2, s2;
	s2 =	smul.u32 $0x27100, s2  }
0x6: {  	s0 =	smul.u32 $0x2710, s4;
	s8 =	sshrl.u32 s6, $0x1;
	s24 =	sadd.s32 s3, s10  }
0x7: {  	s11 =	sadd.s32 $0xA00, s7;
	s14 =	sadd.s32 $0x1180, s7;
	s21 =	smul.u32 $0x27100, s4  }
0x8: {  	s17 =	sadd.s32 $0x1900, s7;
	s22 =	sadd.s32 $0x2080, s7;
	s4 =	smul.u32 $0x138800, s4  }
0x9: {  	s9 =	ssub.s32 s6, s8;
	[dreg:$0x6] =	wrdreg s24;
	s6 =	sadd.s32 $0x780, s7  }
0xa: {  	s12 =	sshll.u32 s11, $0x4;
	s15 =	sshll.u32 s14, $0x4;
	s18 =	sshll.u32 s17, $0x4  }
0xb: {  	s20 =	sshll.u32 s22, $0x4;
	s23 =	sshrl.u32 s0, $0x3;
	s0 =	sadd.s32 $0x280, s7  }
0xc: {  	s24 =	rddreg [dreg:$0x2];
	s5 =	sadd.s32 s5, s23;
	s26 =	sshll.u32 s0, $0x4  }
0xd: {  	s29 =	sshll.u32 s6, $0x4;
	[dreg:$0x5] =	wrdreg s5;
	s5 =	sadd.s32 s3, s26  }
0xe: {  	s4 =	sshrl.u32 s4, $0x3;
	[dreg:$0x7] =	wrdreg s5;
	s5 =	sadd.s32 $0x500, s7  }
0xf: {  	s9 =	smax.u32 s9, $0x1;
	s10 =	sadd.s32 s3, s29;
	s28 =	sshll.u32 s5, $0x4  }
0x10: {  	s0 =	sshll.u32 s0, $0x7;
	[dreg:$0x9] =	wrdreg s10;
	s8 =	sadd.s32 s3, s28  }
0x11: {  	s10 =	sadd.s32 $0xF00, s7;
	[dreg:$0x8] =	wrdreg s8;
	s8 =	sadd.s32 s3, s12  }
0x12: {  	s13 =	sshll.u32 s10, $0x4;
	[dreg:$0xa] =	wrdreg s8;
	s8 =	sadd.s32 $0xC80, s7  }
0x13: {  	s26 =	smul.u32 $0x4E200, s25;
	s13 =	sadd.s32 s3, s13;
	s12 =	sshll.u32 s8, $0x4  }
0x14: {  	[dreg:$0xc] =	wrdreg s13;
	s13 =	sadd.s32 $0x1680, s7;
	s12 =	sadd.s32 s3, s12  }
0x15: {  	s28 =	smul.u32 $0x5000, s25;
	[dreg:$0xb] =	wrdreg s12;
	s12 =	sadd.s32 s3, s15  }
0x16: {  	s16 =	sshll.u32 s13, $0x4;
	[dreg:$0xd] =	wrdreg s12;
	s12 =	sor.u32 $0x1400, s7  }
0x17: {  	s13 =	sshll.u32 s13, $0x7;
	s16 =	sadd.s32 s3, s16;
	s15 =	sshll.u32 s12, $0x4  }
0x18: {  	[dreg:$0xf] =	wrdreg s16;
	s16 =	sadd.s32 $0x1E00, s7;
	s15 =	sadd.s32 s3, s15  }
0x19: {  	s19 =	sshll.u32 s16, $0x4;
	[dreg:$0xe] =	wrdreg s15;
	s15 =	sadd.s32 s3, s18  }
0x1a: {  	s19 =	sadd.s32 s3, s19;
	[dreg:$0x10] =	wrdreg s15;
	s15 =	sadd.s32 $0x1B80, s7  }
0x1b: {  	s29 =	sshrl.u32 s28, $0x2;
	[dreg:$0x12] =	wrdreg s19;
	s18 =	sshll.u32 s15, $0x4  }
0x1c: {  	s19 =	sadd.s32 $0x2300, s7;
	s12 =	sshll.u32 s12, $0x7;
	s18 =	sadd.s32 s3, s18  }
0x1d: {  	s7 =	sadd.s32 $0x2580, s7;
	[dreg:$0x11] =	wrdreg s18;
	s18 =	sadd.s32 s3, s20  }
0x1e: {  	s23 =	sshll.u32 s7, $0x4;
	s20 =	sshll.u32 s19, $0x4;
	[dreg:$0x13] =	wrdreg s18  }
0x1f: {  	s20 =	sadd.s32 s3, s20;
	s18 =	sadd.s32 s24, s21;
	s21 =	rddreg [dreg:$0x3]  }
0x20: {  	s28 =	sshll.u32 s19, $0x7;
	s3 =	sadd.s32 s3, s23;
	[dreg:$0x14] =	wrdreg s20  }
0x21: {  	s15 =	sshll.u32 s15, $0x7;
	s19 =	simm.s32 $0x3;
	[dreg:$0x15] =	wrdreg s3  }
0x22: {  	s23 =	sadd.s32 s24, s4;
	[dreg:$0x16] =	wrdreg s18;
	s3 =	sadd.s32 s26, s24  }
0x23: {  	s0 =	sadd.s32 s0, s21;
	s31 =	sadd.s32 s12, s21;
	s20 =	sadd.s32 s13, s21  }
0x24: {  	s18 =	sadd.s32 s15, s21;
	s26 =	sshll.u32 s22, $0x7;
	s12 =	simm.s32 $0x2780  }
0x25: {  	s13 =	simm.s32 $0x4780;
	s15 =	simm.s32 $0x1;
	s22 =	simm.s32 $0x4  }
0x26: {  	s24 =	sadd.s32 s2, s3;
	_ =	strace $0x80000047;
	s2 =	sadd.s32 s29, s21  }
0x27: {  	[dreg:$0x18] =	wrdreg s0;
	s3 =	sshll.u32 s6, $0x7;
	s6 =	sshll.u32 s8, $0x7  }
0x28: {  	s8 =	sshll.u32 s10, $0x7;
	s29 =	sshll.u32 s7, $0x7;
	s7 =	sadd.s32 $0x26C00, s23  }
0x29: {  	[dreg:$0x17] =	wrdreg s2;
	s2 =	sshll.u32 s5, $0x7;
	s4 =	sadd.s32 s3, s21  }
0x2a: {  	s5 =	sshll.u32 s11, $0x7;
	s10 =	sadd.s32 s8, s21;
	s11 =	sshll.u32 s14, $0x7  }
0x2b: {  	s14 =	sshll.u32 s17, $0x7;
	s17 =	sshll.u32 s16, $0x7;
	s3 =	sadd.s32 s26, s21  }
0x2c: {  	s8 =	sadd.s32 $0x27000, s23;
	s16 =	simm.s32 $0x8780;
	[dreg:$0x1a] =	wrdreg s4  }
0x2d: {  	s0 =	sadd.s32 s2, s21;
	[dreg:$0x1d] =	wrdreg s10;
	s30 =	sadd.s32 s11, s21  }
0x2e: {  	s2 =	sadd.s32 s17, s21;
	s4 =	sadd.s32 s28, s21;
	s10 =	sadd.s32 $0x800, s24  }
0x2f: {  	s11 =	simm.s32 $0x5;
	[dreg:$0x19] =	wrdreg s0;
	s0 =	sadd.s32 s5, s21  }
0x30: {  	s17 =	simm.s32 $0x2;
	s5 =	sadd.s32 s29, s21;
	[dreg:$0x1b] =	wrdreg s0  }
0x31: {  	s24 =	simm.s32 $0x0;
	s0 =	sadd.s32 s6, s21;
	[dreg:$0x1e] =	wrdreg s5  }
0x32: {  	s5 =	sadd.s32 $0x26400, s23;
	s6 =	sadd.s32 $0x26800, s23;
	s23 =	simm.s32 $0x40  }
0x33: {  	[dreg:$0x1c] =	wrdreg s0;
	s0 =	sadd.s32 s14, s21;
	s14 =	simm.s32 $0x6780  }
.LBB2_1:
0x34: {  	s25 =	rddreg [dreg:$0x5]  }
0x35: {  	[tilespmem:s1], [sflag:$0x5] =	stream.linear.gather [hbm4b:s25+s1], $0x2710, $0x38;
	[tilespmem:$0x1E000] =	vst v63  }
0x36: {  	_ =	swait.ge [sflag:s11], $0x2710  }
0x37: {  	[sflag:s11] =	ssyncset.done $0x0  }
0x38: {  	s26 =	rddreg [dreg:$0x6];
	[sflag:s11] =	ssyncadd.s32 $0xFFFFD8F0  }
0x39: {  	[tilespmem:s12], [sflag:$0x1] =	stream.linear.gather [hbm4b:s26+s1], $0x1400, $0x38;
	[tilespmem:$0x1E000] =	vst v63  }
0x3a: {  	s28 =	rddreg [dreg:$0x7]  }
0x3b: {  	[tilespmem:s13], [sflag:$0x2] =	stream.linear.gather [hbm4b:s28+s1], $0x1400, $0x38;
	[tilespmem:$0x1E000] =	vst v63  }
0x3c: {  	s29 =	rddreg [dreg:$0x8]  }
0x3d: {  	[tilespmem:s14], [sflag:$0x3] =	stream.linear.gather [hbm4b:s29+s1], $0x1400, $0x38;
	[tilespmem:$0x1E000] =	vst v63  }
0x3e: {  	_ =	swait.ge [sflag:s15], $0x1400  }
0x3f: {  	[sflag:s15] =	ssyncset.done $0x0  }
0x40: {  	s25 =	simm.s32 $0x0;
	[sflag:s15] =	ssyncadd.s32 $0xFFFFEC00  }
0x41: {  	v3 =	vld [tilespmem:s25+$0x2780]  }
0x42: {  	v5 =	vld [tilespmem:s25+$0x2790]  }
0x43: {  	v4 =	vld [tilespmem:s25+$0x27A0]  }
0x44: {  	v1 =	vld [tilespmem:s25+$0x27B0]  }
0x45: {  	v2 =	vld [tilespmem:s25+$0x27C0]  }
0x46: {  	v0 =	vld [tilespmem:s25+$0x27D0];
	v6 =	vsub.f32 $0.0e+00, v3  }
0x47: {  	s26 =	simm.s32 $0x200;
	v5 =	vsub.f32 $0.0e+00, v5;
	v3 =	vld [tilespmem:s25+$0x27E0]  }
.LBB2_2:
0x48: {  	p1 =	sne.s32 s26, $0x4E00;
	v6 =	vmul.f32 $1.442695020e+00, v6;
	v4 =	vsub.f32 $0.0e+00, v4;
	v7 =	vld [tilespmem:s25+$0x27F0]  }
0x49: {  	v5 =	vmul.f32 $1.442695020e+00, v5;
	v1 =	vsub.f32 $0.0e+00, v1  }
0x4a: {  	v4 =	vmul.f32 $1.442695020e+00, v4;
	v2 =	vsub.f32 $0.0e+00, v2;
	(erf) = vpow2.f32 v6  }
0x4b: {  	v1 =	vmul.f32 $1.442695020e+00, v1;
	v0 =	vsub.f32 $0.0e+00, v0;
	(erf) = vpow2.f32 v5  }
0x4c: {  	v2 =	vmul.f32 $1.442695020e+00, v2;
	v3 =	vsub.f32 $0.0e+00, v3;
	(erf) = vpow2.f32 v4  }
0x4d: {  	v0 =	vmul.f32 $1.442695020e+00, v0;
	v4 =	vsub.f32 $0.0e+00, v7;
	(erf) = vpow2.f32 v1  }
0x4e: {  	v1 =	vmul.f32 $1.442695020e+00, v3;
	(erf) = vpow2.f32 v2  }
0x4f: {  	v2 =	vmul.f32 $1.442695020e+00, v4;
	(erf) = vpow2.f32 v0  }
0x50: {  	(erf) = vpow2.f32 v1  }
0x51: {  	(erf) = vpow2.f32 v2;
	_ =	sdelay $0x1  }
0x52: {  	v0 =	vpop (erf)  }
0x53: {  	v3 =	vadd.f32 $1.000000000e+00, v0;
	v1 =	vpop (erf)  }
0x54: {  	v4 =	vadd.f32 $1.000000000e+00, v1;
	v2 =	vpop (erf)  }
0x55: {  	v5 =	vadd.f32 $1.000000000e+00, v2;
	(erf) = vrcp.f32 v3;
	v0 =	vpop (erf)  }
0x56: {  	v3 =	vadd.f32 $1.000000000e+00, v0;
	(erf) = vrcp.f32 v4;
	v1 =	vpop (erf)  }
0x57: {  	v4 =	vadd.f32 $1.000000000e+00, v1;
	(erf) = vrcp.f32 v5;
	v2 =	vpop (erf)  }
0x58: {  	v2 =	vadd.f32 $1.000000000e+00, v2;
	(erf) = vrcp.f32 v3;
	v0 =	vpop (erf)  }
0x59: {  	v0 =	vadd.f32 $1.000000000e+00, v0;
	(erf) = vrcp.f32 v4;
	v1 =	vpop (erf)  }
0x5a: {  	v1 =	vadd.f32 $1.000000000e+00, v1;
	(erf) = vrcp.f32 v2  }
0x5b: {  	(erf) = vrcp.f32 v0  }
0x5c: {  	(erf) = vrcp.f32 v1;
	_ =	sdelay $0x1  }
0x5d: {  	v0 =	vpop (erf)  }
0x5e: {  	s28 =	sshra.s32 s26, $0x2;
	[tilespmem:s25+$0x2780] =	vst v0;
	v0 =	vpop (erf)  }
0x5f: {  	v3 =	vld [tilespmem:s28+$0x2780];
	[tilespmem:s25+$0x2790] =	vst v0;
	v0 =	vpop (erf)  }
0x60: {  	v5 =	vld [tilespmem:s28+$0x2790];
	[tilespmem:s25+$0x27A0] =	vst v0;
	v0 =	vpop (erf)  }
.Ltmp0:
0x61: {  	v4 =	vld [tilespmem:s28+$0x27A0];
	[tilespmem:s25+$0x27B0] =	vst v0;
	v0 =	vpop (erf);
	(pc) =	sbr.rel @p1 .LBB2_2-.Ltmp0, $4  }
0x62: {  	v1 =	vld [tilespmem:s28+$0x27B0];
	[tilespmem:s25+$0x27C0] =	vst v0;
	v0 =	vpop (erf)  }
0x63: {  	v2 =	vld [tilespmem:s28+$0x27C0];
	[tilespmem:s25+$0x27D0] =	vst v0;
	v7 =	vpop (erf)  }
0x64: {  	v6 =	vsub.f32 $0.0e+00, v3;
	v0 =	vld [tilespmem:s28+$0x27D0];
	[tilespmem:s25+$0x27E0] =	vst v7;
	v7 =	vpop (erf)  }
0x65: {  	s26 =	sadd.s32 $0x200, s26;
	v5 =	vsub.f32 $0.0e+00, v5;
	v3 =	vld [tilespmem:s28+$0x27E0];
	[tilespmem:s25+$0x27F0] =	vst v7;
	s25 =	smov.u32 s28  }
0x66: {  	v6 =	vmul.f32 $1.442695020e+00, v6  }
0x67: {  	v5 =	vmul.f32 $1.442695020e+00, v5  }
0x68: {  	v4 =	vsub.f32 $0.0e+00, v4;
	(erf) = vpow2.f32 v6  }
0x69: {  	v1 =	vsub.f32 $0.0e+00, v1;
	(erf) = vpow2.f32 v5  }
0x6a: {  	v7 =	vld [tilespmem:s25+$0x27F0];
	v4 =	vmul.f32 $1.442695020e+00, v4;
	v2 =	vsub.f32 $0.0e+00, v2  }
0x6b: {  	v1 =	vmul.f32 $1.442695020e+00, v1;
	v0 =	vsub.f32 $0.0e+00, v0  }
0x6c: {  	v2 =	vmul.f32 $1.442695020e+00, v2;
	v3 =	vsub.f32 $0.0e+00, v3;
	(erf) = vpow2.f32 v4  }
0x6d: {  	v0 =	vmul.f32 $1.442695020e+00, v0;
	(erf) = vpow2.f32 v1  }
0x6e: {  	v1 =	vmul.f32 $1.442695020e+00, v3;
	(erf) = vpow2.f32 v2  }
0x6f: {  	v4 =	vsub.f32 $0.0e+00, v7;
	_ =	sdelay $0x1  }
0x70: {  	v2 =	vmul.f32 $1.442695020e+00, v4;
	(erf) = vpow2.f32 v0;
	v0 =	vpop (erf)  }
0x71: {  	(erf) = vpow2.f32 v1;
	v0 =	vadd.f32 $1.000000000e+00, v0;
	v1 =	vpop (erf)  }
0x72: {  	(erf) = vpow2.f32 v2;
	v1 =	vadd.f32 $1.000000000e+00, v1;
	_ =	sdelay $0x1  }
0x73: {  	v2 =	vpop (erf)  }
0x74: {  	v2 =	vadd.f32 $1.000000000e+00, v2;
	(erf) = vrcp.f32 v0;
	v0 =	vpop (erf)  }
0x75: {  	(erf) = vrcp.f32 v1;
	v0 =	vadd.f32 $1.000000000e+00, v0;
	v1 =	vpop (erf)  }
0x76: {  	v1 =	vadd.f32 $1.000000000e+00, v1;
	_ =	sdelay $0x1  }
0x77: {  	(erf) = vrcp.f32 v2;
	v2 =	vpop (erf)  }
0x78: {  	v2 =	vadd.f32 $1.000000000e+00, v2;
	(erf) = vrcp.f32 v0;
	v0 =	vpop (erf)  }
0x79: {  	(erf) = vrcp.f32 v1;
	v0 =	vadd.f32 $1.000000000e+00, v0;
	v1 =	vpop (erf)  }
0x7a: {  	(erf) = vrcp.f32 v2;
	v1 =	vadd.f32 $1.000000000e+00, v1  }
0x7b: {  	(erf) = vrcp.f32 v0  }
0x7c: {  	(erf) = vrcp.f32 v1;
	_ =	sdelay $0x1  }
0x7d: {  	v0 =	vpop (erf)  }
0x7e: {  	[tilespmem:s25+$0x2780] =	vst v0;
	v0 =	vpop (erf)  }
0x7f: {  	[tilespmem:s25+$0x2790] =	vst v0;
	v0 =	vpop (erf)  }
0x80: {  	[tilespmem:s25+$0x27A0] =	vst v0;
	v0 =	vpop (erf)  }
0x81: {  	[tilespmem:s25+$0x27B0] =	vst v0;
	v0 =	vpop (erf)  }
0x82: {  	[tilespmem:s25+$0x27C0] =	vst v0;
	v0 =	vpop (erf)  }
0x83: {  	[tilespmem:s25+$0x27D0] =	vst v0;
	v0 =	vpop (erf)  }
0x84: {  	[tilespmem:s25+$0x27E0] =	vst v0;
	v0 =	vpop (erf)  }
0x85: {  	s28 =	rddreg [dreg:$0x17];
	[tilespmem:s25+$0x27F0] =	vst v0  }
0x86: {  	[spmem:s28] =	stream.linear.scatter [tilespmem:s12], [sflag:$0x1], $0x1400, $0x38;
	[tilespmem:$0x1E000] =	vst v63  }
0x87: {  	s29 =	simm.s32 $0x0;
	s26 =	rddreg [dreg:$0x9]  }
0x88: {  	[tilespmem:s16], [sflag:$0x4] =	stream.linear.gather [hbm4b:s26+s29], $0x1400, $0x38;
	[tilespmem:$0x1E000] =	vst v63  }
0x89: {  	_ =	swait.ge [sflag:s17], $0x1400  }
0x8a: {  	[sflag:s17] =	ssyncset.done $0x0  }
0x8b: {  	s25 =	simm.s32 $0x0;
	[sflag:s17] =	ssyncadd.s32 $0xFFFFEC00  }
0x8c: {  	v3 =	vld [tilespmem:s25+$0x4780]  }
0x8d: {  	v5 =	vld [tilespmem:s25+$0x4790]  }
0x8e: {  	v4 =	vld [tilespmem:s25+$0x47A0]  }
0x8f: {  	v1 =	vld [tilespmem:s25+$0x47B0]  }
0x90: {  	v2 =	vld [tilespmem:s25+$0x47C0]  }
0x91: {  	v0 =	vld [tilespmem:s25+$0x47D0];
	v6 =	vsub.f32 $0.0e+00, v3  }
0x92: {  	s26 =	simm.s32 $0x200;
	v5 =	vsub.f32 $0.0e+00, v5;
	v3 =	vld [tilespmem:s25+$0x47E0]  }
.LBB2_4:
0x93: {  	p1 =	sne.s32 s26, $0x4E00;
	v6 =	vmul.f32 $1.442695020e+00, v6;
	v4 =	vsub.f32 $0.0e+00, v4;
	v7 =	vld [tilespmem:s25+$0x47F0]  }
0x94: {  	v5 =	vmul.f32 $1.442695020e+00, v5;
	v1 =	vsub.f32 $0.0e+00, v1  }
0x95: {  	v4 =	vmul.f32 $1.442695020e+00, v4;
	v2 =	vsub.f32 $0.0e+00, v2;
	(erf) = vpow2.f32 v6  }
0x96: {  	v1 =	vmul.f32 $1.442695020e+00, v1;
	v0 =	vsub.f32 $0.0e+00, v0;
	(erf) = vpow2.f32 v5  }
0x97: {  	v2 =	vmul.f32 $1.442695020e+00, v2;
	v3 =	vsub.f32 $0.0e+00, v3;
	(erf) = vpow2.f32 v4  }
0x98: {  	v0 =	vmul.f32 $1.442695020e+00, v0;
	v4 =	vsub.f32 $0.0e+00, v7;
	(erf) = vpow2.f32 v1  }
0x99: {  	v1 =	vmul.f32 $1.442695020e+00, v3;
	(erf) = vpow2.f32 v2  }
0x9a: {  	v2 =	vmul.f32 $1.442695020e+00, v4;
	(erf) = vpow2.f32 v0  }
0x9b: {  	(erf) = vpow2.f32 v1  }
0x9c: {  	(erf) = vpow2.f32 v2;
	_ =	sdelay $0x1  }
0x9d: {  	v0 =	vpop (erf)  }
0x9e: {  	v3 =	vadd.f32 $1.000000000e+00, v0;
	v1 =	vpop (erf)  }
0x9f: {  	v4 =	vadd.f32 $1.000000000e+00, v1;
	v2 =	vpop (erf)  }
0xa0: {  	v5 =	vadd.f32 $1.000000000e+00, v2;
	(erf) = vrcp.f32 v3;
	v0 =	vpop (erf)  }
0xa1: {  	v3 =	vadd.f32 $1.000000000e+00, v0;
	(erf) = vrcp.f32 v4;
	v1 =	vpop (erf)  }
0xa2: {  	v4 =	vadd.f32 $1.000000000e+00, v1;
	(erf) = vrcp.f32 v5;
	v2 =	vpop (erf)  }
0xa3: {  	v2 =	vadd.f32 $1.000000000e+00, v2;
	(erf) = vrcp.f32 v3;
	v0 =	vpop (erf)  }
0xa4: {  	v0 =	vadd.f32 $1.000000000e+00, v0;
	(erf) = vrcp.f32 v4;
	v1 =	vpop (erf)  }
0xa5: {  	v1 =	vadd.f32 $1.000000000e+00, v1;
	(erf) = vrcp.f32 v2  }
0xa6: {  	(erf) = vrcp.f32 v0  }
0xa7: {  	(erf) = vrcp.f32 v1;
	_ =	sdelay $0x1  }
0xa8: {  	v0 =	vpop (erf)  }
0xa9: {  	s28 =	sshra.s32 s26, $0x2;
	[tilespmem:s25+$0x4780] =	vst v0;
	v0 =	vpop (erf)  }
0xaa: {  	v3 =	vld [tilespmem:s28+$0x4780];
	[tilespmem:s25+$0x4790] =	vst v0;
	v0 =	vpop (erf)  }
0xab: {  	v5 =	vld [tilespmem:s28+$0x4790];
	[tilespmem:s25+$0x47A0] =	vst v0;
	v0 =	vpop (erf)  }
.Ltmp1:
0xac: {  	v4 =	vld [tilespmem:s28+$0x47A0];
	[tilespmem:s25+$0x47B0] =	vst v0;
	v0 =	vpop (erf);
	(pc) =	sbr.rel @p1 .LBB2_4-.Ltmp1, $4  }
0xad: {  	v1 =	vld [tilespmem:s28+$0x47B0];
	[tilespmem:s25+$0x47C0] =	vst v0;
	v0 =	vpop (erf)  }
0xae: {  	v2 =	vld [tilespmem:s28+$0x47C0];
	[tilespmem:s25+$0x47D0] =	vst v0;
	v7 =	vpop (erf)  }
0xaf: {  	v6 =	vsub.f32 $0.0e+00, v3;
	v0 =	vld [tilespmem:s28+$0x47D0];
	[tilespmem:s25+$0x47E0] =	vst v7;
	v7 =	vpop (erf)  }
0xb0: {  	s26 =	sadd.s32 $0x200, s26;
	v5 =	vsub.f32 $0.0e+00, v5;
	v3 =	vld [tilespmem:s28+$0x47E0];
	[tilespmem:s25+$0x47F0] =	vst v7;
	s25 =	smov.u32 s28  }
0xb1: {  	v6 =	vmul.f32 $1.442695020e+00, v6  }
0xb2: {  	v5 =	vmul.f32 $1.442695020e+00, v5  }
0xb3: {  	v4 =	vsub.f32 $0.0e+00, v4;
	(erf) = vpow2.f32 v6  }
0xb4: {  	v1 =	vsub.f32 $0.0e+00, v1;
	(erf) = vpow2.f32 v5  }
0xb5: {  	v7 =	vld [tilespmem:s25+$0x47F0];
	v4 =	vmul.f32 $1.442695020e+00, v4;
	v2 =	vsub.f32 $0.0e+00, v2  }
0xb6: {  	v1 =	vmul.f32 $1.442695020e+00, v1;
	v0 =	vsub.f32 $0.0e+00, v0  }
0xb7: {  	v2 =	vmul.f32 $1.442695020e+00, v2;
	v3 =	vsub.f32 $0.0e+00, v3;
	(erf) = vpow2.f32 v4  }
0xb8: {  	v0 =	vmul.f32 $1.442695020e+00, v0;
	(erf) = vpow2.f32 v1  }
0xb9: {  	v1 =	vmul.f32 $1.442695020e+00, v3;
	(erf) = vpow2.f32 v2  }
0xba: {  	v4 =	vsub.f32 $0.0e+00, v7;
	_ =	sdelay $0x1  }
0xbb: {  	v2 =	vmul.f32 $1.442695020e+00, v4;
	(erf) = vpow2.f32 v0;
	v0 =	vpop (erf)  }
0xbc: {  	(erf) = vpow2.f32 v1;
	v0 =	vadd.f32 $1.000000000e+00, v0;
	v1 =	vpop (erf)  }
0xbd: {  	(erf) = vpow2.f32 v2;
	v1 =	vadd.f32 $1.000000000e+00, v1;
	_ =	sdelay $0x1  }
0xbe: {  	v2 =	vpop (erf)  }
0xbf: {  	v2 =	vadd.f32 $1.000000000e+00, v2;
	(erf) = vrcp.f32 v0;
	v0 =	vpop (erf)  }
0xc0: {  	(erf) = vrcp.f32 v1;
	v0 =	vadd.f32 $1.000000000e+00, v0;
	v1 =	vpop (erf)  }
0xc1: {  	v1 =	vadd.f32 $1.000000000e+00, v1;
	_ =	sdelay $0x1  }
0xc2: {  	(erf) = vrcp.f32 v2;
	v2 =	vpop (erf)  }
0xc3: {  	v2 =	vadd.f32 $1.000000000e+00, v2;
	(erf) = vrcp.f32 v0;
	v0 =	vpop (erf)  }
0xc4: {  	(erf) = vrcp.f32 v1;
	v0 =	vadd.f32 $1.000000000e+00, v0;
	v1 =	vpop (erf)  }
0xc5: {  	(erf) = vrcp.f32 v2;
	v1 =	vadd.f32 $1.000000000e+00, v1  }
0xc6: {  	(erf) = vrcp.f32 v0  }
0xc7: {  	(erf) = vrcp.f32 v1;
	_ =	sdelay $0x1  }
0xc8: {  	v0 =	vpop (erf)  }
0xc9: {  	[tilespmem:s25+$0x4780] =	vst v0;
	v0 =	vpop (erf)  }
0xca: {  	[tilespmem:s25+$0x4790] =	vst v0;
	v0 =	vpop (erf)  }
0xcb: {  	[tilespmem:s25+$0x47A0] =	vst v0;
	v0 =	vpop (erf)  }
0xcc: {  	[tilespmem:s25+$0x47B0] =	vst v0;
	v0 =	vpop (erf)  }
0xcd: {  	[tilespmem:s25+$0x47C0] =	vst v0;
	v0 =	vpop (erf)  }
0xce: {  	[tilespmem:s25+$0x47D0] =	vst v0;
	v0 =	vpop (erf)  }
0xcf: {  	[tilespmem:s25+$0x47E0] =	vst v0;
	v0 =	vpop (erf)  }
0xd0: {  	s28 =	rddreg [dreg:$0x18];
	[tilespmem:s25+$0x47F0] =	vst v0  }
0xd1: {  	[spmem:s28] =	stream.linear.scatter [tilespmem:s13], [sflag:$0x2], $0x1400, $0x38;
	[tilespmem:$0x1E000] =	vst v63  }
0xd2: {  	_ =	swait.ge [sflag:s15], $0x1400  }
0xd3: {  	[sflag:s15] =	ssyncset.done $0x0  }
0xd4: {  	s29 =	simm.s32 $0x0;
	s26 =	rddreg [dreg:$0xa];
	[sflag:s15] =	ssyncadd.s32 $0xFFFFEC00  }
0xd5: {  	[tilespmem:s12], [sflag:$0x1] =	stream.linear.gather [hbm4b:s26+s29], $0x1400, $0x38;
	[tilespmem:$0x1E000] =	vst v63  }
0xd6: {  	_ =	swait.ge [sflag:s19], $0x1400  }
0xd7: {  	[sflag:s19] =	ssyncset.done $0x0  }
0xd8: {  	s25 =	simm.s32 $0x0;
	[sflag:s19] =	ssyncadd.s32 $0xFFFFEC00  }
0xd9: {  	v3 =	vld [tilespmem:s25+$0x6780]  }
0xda: {  	v5 =	vld [tilespmem:s25+$0x6790]  }
0xdb: {  	v4 =	vld [tilespmem:s25+$0x67A0]  }
0xdc: {  	v1 =	vld [tilespmem:s25+$0x67B0]  }
0xdd: {  	v2 =	vld [tilespmem:s25+$0x67C0]  }
0xde: {  	v0 =	vld [tilespmem:s25+$0x67D0];
	v6 =	vsub.f32 $0.0e+00, v3  }
0xdf: {  	s26 =	simm.s32 $0x200;
	v5 =	vsub.f32 $0.0e+00, v5;
	v3 =	vld [tilespmem:s25+$0x67E0]  }
.LBB2_6:
0xe0: {  	p1 =	sne.s32 s26, $0x4E00;
	v6 =	vmul.f32 $1.442695020e+00, v6;
	v4 =	vsub.f32 $0.0e+00, v4;
	v7 =	vld [tilespmem:s25+$0x67F0]  }
0xe1: {  	v5 =	vmul.f32 $1.442695020e+00, v5;
	v1 =	vsub.f32 $0.0e+00, v1  }
0xe2: {  	v4 =	vmul.f32 $1.442695020e+00, v4;
	v2 =	vsub.f32 $0.0e+00, v2;
	(erf) = vpow2.f32 v6  }
0xe3: {  	v1 =	vmul.f32 $1.442695020e+00, v1;
	v0 =	vsub.f32 $0.0e+00, v0;
	(erf) = vpow2.f32 v5  }
0xe4: {  	v2 =	vmul.f32 $1.442695020e+00, v2;
	v3 =	vsub.f32 $0.0e+00, v3;
	(erf) = vpow2.f32 v4  }
0xe5: {  	v0 =	vmul.f32 $1.442695020e+00, v0;
	v4 =	vsub.f32 $0.0e+00, v7;
	(erf) = vpow2.f32 v1  }
0xe6: {  	v1 =	vmul.f32 $1.442695020e+00, v3;
	(erf) = vpow2.f32 v2  }
0xe7: {  	v2 =	vmul.f32 $1.442695020e+00, v4;
	(erf) = vpow2.f32 v0  }
0xe8: {  	(erf) = vpow2.f32 v1  }
0xe9: {  	(erf) = vpow2.f32 v2;
	_ =	sdelay $0x1  }
0xea: {  	v0 =	vpop (erf)  }
0xeb: {  	v3 =	vadd.f32 $1.000000000e+00, v0;
	v1 =	vpop (erf)  }
0xec: {  	v4 =	vadd.f32 $1.000000000e+00, v1;
	v2 =	vpop (erf)  }
0xed: {  	v5 =	vadd.f32 $1.000000000e+00, v2;
	(erf) = vrcp.f32 v3;
	v0 =	vpop (erf)  }
0xee: {  	v3 =	vadd.f32 $1.000000000e+00, v0;
	(erf) = vrcp.f32 v4;
	v1 =	vpop (erf)  }
0xef: {  	v4 =	vadd.f32 $1.000000000e+00, v1;
	(erf) = vrcp.f32 v5;
	v2 =	vpop (erf)  }
0xf0: {  	v2 =	vadd.f32 $1.000000000e+00, v2;
	(erf) = vrcp.f32 v3;
	v0 =	vpop (erf)  }
0xf1: {  	v0 =	vadd.f32 $1.000000000e+00, v0;
	(erf) = vrcp.f32 v4;
	v1 =	vpop (erf)  }
0xf2: {  	v1 =	vadd.f32 $1.000000000e+00, v1;
	(erf) = vrcp.f32 v2  }
0xf3: {  	(erf) = vrcp.f32 v0  }
0xf4: {  	(erf) = vrcp.f32 v1;
	_ =	sdelay $0x1  }
0xf5: {  	v0 =	vpop (erf)  }
0xf6: {  	s28 =	sshra.s32 s26, $0x2;
	[tilespmem:s25+$0x6780] =	vst v0;
	v0 =	vpop (erf)  }
0xf7: {  	v3 =	vld [tilespmem:s28+$0x6780];
	[tilespmem:s25+$0x6790] =	vst v0;
	v0 =	vpop (erf)  }
0xf8: {  	v5 =	vld [tilespmem:s28+$0x6790];
	[tilespmem:s25+$0x67A0] =	vst v0;
	v0 =	vpop (erf)  }
.Ltmp2:
0xf9: {  	v4 =	vld [tilespmem:s28+$0x67A0];
	[tilespmem:s25+$0x67B0] =	vst v0;
	v0 =	vpop (erf);
	(pc) =	sbr.rel @p1 .LBB2_6-.Ltmp2, $4  }
0xfa: {  	v1 =	vld [tilespmem:s28+$0x67B0];
	[tilespmem:s25+$0x67C0] =	vst v0;
	v0 =	vpop (erf)  }
0xfb: {  	v2 =	vld [tilespmem:s28+$0x67C0];
	[tilespmem:s25+$0x67D0] =	vst v0;
	v7 =	vpop (erf)  }
0xfc: {  	v6 =	vsub.f32 $0.0e+00, v3;
	v0 =	vld [tilespmem:s28+$0x67D0];
	[tilespmem:s25+$0x67E0] =	vst v7;
	v7 =	vpop (erf)  }
0xfd: {  	s26 =	sadd.s32 $0x200, s26;
	v5 =	vsub.f32 $0.0e+00, v5;
	v3 =	vld [tilespmem:s28+$0x67E0];
	[tilespmem:s25+$0x67F0] =	vst v7;
	s25 =	smov.u32 s28  }
0xfe: {  	v6 =	vmul.f32 $1.442695020e+00, v6  }
0xff: {  	v5 =	vmul.f32 $1.442695020e+00, v5  }
0x100: {  	v4 =	vsub.f32 $0.0e+00, v4;
	(erf) = vpow2.f32 v6  }
0x101: {  	v1 =	vsub.f32 $0.0e+00, v1;
	(erf) = vpow2.f32 v5  }
0x102: {  	v7 =	vld [tilespmem:s25+$0x67F0];
	v4 =	vmul.f32 $1.442695020e+00, v4;
	v2 =	vsub.f32 $0.0e+00, v2  }
0x103: {  	v1 =	vmul.f32 $1.442695020e+00, v1;
	v0 =	vsub.f32 $0.0e+00, v0  }
0x104: {  	v2 =	vmul.f32 $1.442695020e+00, v2;
	v3 =	vsub.f32 $0.0e+00, v3;
	(erf) = vpow2.f32 v4  }
0x105: {  	v0 =	vmul.f32 $1.442695020e+00, v0;
	(erf) = vpow2.f32 v1  }
0x106: {  	v1 =	vmul.f32 $1.442695020e+00, v3;
	(erf) = vpow2.f32 v2  }
0x107: {  	v4 =	vsub.f32 $0.0e+00, v7;
	_ =	sdelay $0x1  }
0x108: {  	v2 =	vmul.f32 $1.442695020e+00, v4;
	(erf) = vpow2.f32 v0;
	v0 =	vpop (erf)  }
0x109: {  	(erf) = vpow2.f32 v1;
	v0 =	vadd.f32 $1.000000000e+00, v0;
	v1 =	vpop (erf)  }
0x10a: {  	(erf) = vpow2.f32 v2;
	v1 =	vadd.f32 $1.000000000e+00, v1;
	_ =	sdelay $0x1  }
0x10b: {  	v2 =	vpop (erf)  }
0x10c: {  	v2 =	vadd.f32 $1.000000000e+00, v2;
	(erf) = vrcp.f32 v0;
	v0 =	vpop (erf)  }
0x10d: {  	(erf) = vrcp.f32 v1;
	v0 =	vadd.f32 $1.000000000e+00, v0;
	v1 =	vpop (erf)  }
0x10e: {  	v1 =	vadd.f32 $1.000000000e+00, v1;
	_ =	sdelay $0x1  }
0x10f: {  	(erf) = vrcp.f32 v2;
	v2 =	vpop (erf)  }
0x110: {  	v2 =	vadd.f32 $1.000000000e+00, v2;
	(erf) = vrcp.f32 v0;
	v0 =	vpop (erf)  }
0x111: {  	(erf) = vrcp.f32 v1;
	v0 =	vadd.f32 $1.000000000e+00, v0;
	v1 =	vpop (erf)  }
0x112: {  	(erf) = vrcp.f32 v2;
	v1 =	vadd.f32 $1.000000000e+00, v1  }
0x113: {  	(erf) = vrcp.f32 v0  }
0x114: {  	(erf) = vrcp.f32 v1;
	_ =	sdelay $0x1  }
0x115: {  	v0 =	vpop (erf)  }
0x116: {  	[tilespmem:s25+$0x6780] =	vst v0;
	v0 =	vpop (erf)  }
0x117: {  	[tilespmem:s25+$0x6790] =	vst v0;
	v0 =	vpop (erf)  }
0x118: {  	[tilespmem:s25+$0x67A0] =	vst v0;
	v0 =	vpop (erf)  }
0x119: {  	[tilespmem:s25+$0x67B0] =	vst v0;
	v0 =	vpop (erf)  }
0x11a: {  	[tilespmem:s25+$0x67C0] =	vst v0;
	v0 =	vpop (erf)  }
0x11b: {  	[tilespmem:s25+$0x67D0] =	vst v0;
	v0 =	vpop (erf)  }
0x11c: {  	[tilespmem:s25+$0x67E0] =	vst v0;
	v0 =	vpop (erf)  }
0x11d: {  	s28 =	rddreg [dreg:$0x19];
	[tilespmem:s25+$0x67F0] =	vst v0  }
0x11e: {  	[spmem:s28] =	stream.linear.scatter [tilespmem:s14], [sflag:$0x3], $0x1400, $0x38;
	[tilespmem:$0x1E000] =	vst v63  }
0x11f: {  	_ =	swait.ge [sflag:s17], $0x1400  }
0x120: {  	[sflag:s17] =	ssyncset.done $0x0  }
0x121: {  	s29 =	simm.s32 $0x0;
	s26 =	rddreg [dreg:$0xb];
	[sflag:s17] =	ssyncadd.s32 $0xFFFFEC00  }
0x122: {  	[tilespmem:s13], [sflag:$0x2] =	stream.linear.gather [hbm4b:s26+s29], $0x1400, $0x38;
	[tilespmem:$0x1E000] =	vst v63  }
0x123: {  	_ =	swait.ge [sflag:s22], $0x1400  }
0x124: {  	[sflag:s22] =	ssyncset.done $0x0  }
0x125: {  	s25 =	simm.s32 $0x0;
	[sflag:s22] =	ssyncadd.s32 $0xFFFFEC00  }
0x126: {  	v3 =	vld [tilespmem:s25+$0x8780]  }
0x127: {  	v5 =	vld [tilespmem:s25+$0x8790]  }
0x128: {  	v4 =	vld [tilespmem:s25+$0x87A0]  }
0x129: {  	v1 =	vld [tilespmem:s25+$0x87B0]  }
0x12a: {  	v2 =	vld [tilespmem:s25+$0x87C0]  }
0x12b: {  	v0 =	vld [tilespmem:s25+$0x87D0];
	v6 =	vsub.f32 $0.0e+00, v3  }
0x12c: {  	s26 =	simm.s32 $0x200;
	v5 =	vsub.f32 $0.0e+00, v5;
	v3 =	vld [tilespmem:s25+$0x87E0]  }
.LBB2_8:
0x12d: {  	p1 =	sne.s32 s26, $0x4E00;
	v6 =	vmul.f32 $1.442695020e+00, v6;
	v4 =	vsub.f32 $0.0e+00, v4;
	v7 =	vld [tilespmem:s25+$0x87F0]  }
0x12e: {  	v5 =	vmul.f32 $1.442695020e+00, v5;
	v1 =	vsub.f32 $0.0e+00, v1  }
0x12f: {  	v4 =	vmul.f32 $1.442695020e+00, v4;
	v2 =	vsub.f32 $0.0e+00, v2;
	(erf) = vpow2.f32 v6  }
0x130: {  	v1 =	vmul.f32 $1.442695020e+00, v1;
	v0 =	vsub.f32 $0.0e+00, v0;
	(erf) = vpow2.f32 v5  }
0x131: {  	v2 =	vmul.f32 $1.442695020e+00, v2;
	v3 =	vsub.f32 $0.0e+00, v3;
	(erf) = vpow2.f32 v4  }
0x132: {  	v0 =	vmul.f32 $1.442695020e+00, v0;
	v4 =	vsub.f32 $0.0e+00, v7;
	(erf) = vpow2.f32 v1  }
0x133: {  	v1 =	vmul.f32 $1.442695020e+00, v3;
	(erf) = vpow2.f32 v2  }
0x134: {  	v2 =	vmul.f32 $1.442695020e+00, v4;
	(erf) = vpow2.f32 v0  }
0x135: {  	(erf) = vpow2.f32 v1  }
0x136: {  	(erf) = vpow2.f32 v2;
	_ =	sdelay $0x1  }
0x137: {  	v0 =	vpop (erf)  }
0x138: {  	v3 =	vadd.f32 $1.000000000e+00, v0;
	v1 =	vpop (erf)  }
0x139: {  	v4 =	vadd.f32 $1.000000000e+00, v1;
	v2 =	vpop (erf)  }
0x13a: {  	v5 =	vadd.f32 $1.000000000e+00, v2;
	(erf) = vrcp.f32 v3;
	v0 =	vpop (erf)  }
0x13b: {  	v3 =	vadd.f32 $1.000000000e+00, v0;
	(erf) = vrcp.f32 v4;
	v1 =	vpop (erf)  }
0x13c: {  	v4 =	vadd.f32 $1.000000000e+00, v1;
	(erf) = vrcp.f32 v5;
	v2 =	vpop (erf)  }
0x13d: {  	v2 =	vadd.f32 $1.000000000e+00, v2;
	(erf) = vrcp.f32 v3;
	v0 =	vpop (erf)  }
0x13e: {  	v0 =	vadd.f32 $1.000000000e+00, v0;
	(erf) = vrcp.f32 v4;
	v1 =	vpop (erf)  }
0x13f: {  	v1 =	vadd.f32 $1.000000000e+00, v1;
	(erf) = vrcp.f32 v2  }
0x140: {  	(erf) = vrcp.f32 v0  }
0x141: {  	(erf) = vrcp.f32 v1;
	_ =	sdelay $0x1  }
0x142: {  	v0 =	vpop (erf)  }
0x143: {  	s28 =	sshra.s32 s26, $0x2;
	[tilespmem:s25+$0x8780] =	vst v0;
	v0 =	vpop (erf)  }
0x144: {  	v3 =	vld [tilespmem:s28+$0x8780];
	[tilespmem:s25+$0x8790] =	vst v0;
	v0 =	vpop (erf)  }
0x145: {  	v5 =	vld [tilespmem:s28+$0x8790];
	[tilespmem:s25+$0x87A0] =	vst v0;
	v0 =	vpop (erf)  }
.Ltmp3:
0x146: {  	v4 =	vld [tilespmem:s28+$0x87A0];
	[tilespmem:s25+$0x87B0] =	vst v0;
	v0 =	vpop (erf);
	(pc) =	sbr.rel @p1 .LBB2_8-.Ltmp3, $4  }
0x147: {  	v1 =	vld [tilespmem:s28+$0x87B0];
	[tilespmem:s25+$0x87C0] =	vst v0;
	v0 =	vpop (erf)  }
0x148: {  	v2 =	vld [tilespmem:s28+$0x87C0];
	[tilespmem:s25+$0x87D0] =	vst v0;
	v7 =	vpop (erf)  }
0x149: {  	v6 =	vsub.f32 $0.0e+00, v3;
	v0 =	vld [tilespmem:s28+$0x87D0];
	[tilespmem:s25+$0x87E0] =	vst v7;
	v7 =	vpop (erf)  }
0x14a: {  	s26 =	sadd.s32 $0x200, s26;
	v5 =	vsub.f32 $0.0e+00, v5;
	v3 =	vld [tilespmem:s28+$0x87E0];
	[tilespmem:s25+$0x87F0] =	vst v7;
	s25 =	smov.u32 s28  }
0x14b: {  	v6 =	vmul.f32 $1.442695020e+00, v6  }
0x14c: {  	v5 =	vmul.f32 $1.442695020e+00, v5  }
0x14d: {  	v4 =	vsub.f32 $0.0e+00, v4;
	(erf) = vpow2.f32 v6  }
0x14e: {  	v1 =	vsub.f32 $0.0e+00, v1;
	(erf) = vpow2.f32 v5  }
0x14f: {  	v7 =	vld [tilespmem:s25+$0x87F0];
	v4 =	vmul.f32 $1.442695020e+00, v4;
	v2 =	vsub.f32 $0.0e+00, v2  }
0x150: {  	v1 =	vmul.f32 $1.442695020e+00, v1;
	v0 =	vsub.f32 $0.0e+00, v0  }
0x151: {  	v2 =	vmul.f32 $1.442695020e+00, v2;
	v3 =	vsub.f32 $0.0e+00, v3;
	(erf) = vpow2.f32 v4  }
0x152: {  	v0 =	vmul.f32 $1.442695020e+00, v0;
	(erf) = vpow2.f32 v1  }
0x153: {  	v1 =	vmul.f32 $1.442695020e+00, v3;
	(erf) = vpow2.f32 v2  }
0x154: {  	v4 =	vsub.f32 $0.0e+00, v7;
	_ =	sdelay $0x1  }
0x155: {  	v2 =	vmul.f32 $1.442695020e+00, v4;
	(erf) = vpow2.f32 v0;
	v0 =	vpop (erf)  }
0x156: {  	(erf) = vpow2.f32 v1;
	v0 =	vadd.f32 $1.000000000e+00, v0;
	v1 =	vpop (erf)  }
0x157: {  	(erf) = vpow2.f32 v2;
	v1 =	vadd.f32 $1.000000000e+00, v1;
	_ =	sdelay $0x1  }
0x158: {  	v2 =	vpop (erf)  }
0x159: {  	v2 =	vadd.f32 $1.000000000e+00, v2;
	(erf) = vrcp.f32 v0;
	v0 =	vpop (erf)  }
0x15a: {  	(erf) = vrcp.f32 v1;
	v0 =	vadd.f32 $1.000000000e+00, v0;
	v1 =	vpop (erf)  }
0x15b: {  	v1 =	vadd.f32 $1.000000000e+00, v1;
	_ =	sdelay $0x1  }
0x15c: {  	(erf) = vrcp.f32 v2;
	v2 =	vpop (erf)  }
0x15d: {  	v2 =	vadd.f32 $1.000000000e+00, v2;
	(erf) = vrcp.f32 v0;
	v0 =	vpop (erf)  }
0x15e: {  	(erf) = vrcp.f32 v1;
	v0 =	vadd.f32 $1.000000000e+00, v0;
	v1 =	vpop (erf)  }
0x15f: {  	(erf) = vrcp.f32 v2;
	v1 =	vadd.f32 $1.000000000e+00, v1  }
0x160: {  	(erf) = vrcp.f32 v0  }
0x161: {  	(erf) = vrcp.f32 v1;
	_ =	sdelay $0x1  }
0x162: {  	v0 =	vpop (erf)  }
0x163: {  	[tilespmem:s25+$0x8780] =	vst v0;
	v0 =	vpop (erf)  }
0x164: {  	[tilespmem:s25+$0x8790] =	vst v0;
	v0 =	vpop (erf)  }
0x165: {  	[tilespmem:s25+$0x87A0] =	vst v0;
	v0 =	vpop (erf)  }
0x166: {  	[tilespmem:s25+$0x87B0] =	vst v0;
	v0 =	vpop (erf)  }
0x167: {  	[tilespmem:s25+$0x87C0] =	vst v0;
	v0 =	vpop (erf)  }
0x168: {  	[tilespmem:s25+$0x87D0] =	vst v0;
	v0 =	vpop (erf)  }
0x169: {  	[tilespmem:s25+$0x87E0] =	vst v0;
	v0 =	vpop (erf)  }
0x16a: {  	s28 =	rddreg [dreg:$0x1a];
	[tilespmem:s25+$0x87F0] =	vst v0  }
0x16b: {  	[spmem:s28] =	stream.linear.scatter [tilespmem:s16], [sflag:$0x4], $0x1400, $0x38;
	[tilespmem:$0x1E000] =	vst v63  }
0x16c: {  	_ =	swait.ge [sflag:s19], $0x1400  }
0x16d: {  	[sflag:s19] =	ssyncset.done $0x0  }
0x16e: {  	s29 =	simm.s32 $0x0;
	s26 =	rddreg [dreg:$0xc];
	[sflag:s19] =	ssyncadd.s32 $0xFFFFEC00  }
0x16f: {  	[tilespmem:s14], [sflag:$0x3] =	stream.linear.gather [hbm4b:s26+s29], $0x1400, $0x38;
	[tilespmem:$0x1E000] =	vst v63  }
0x170: {  	_ =	swait.ge [sflag:s15], $0x1400  }
0x171: {  	[sflag:s15] =	ssyncset.done $0x0  }
0x172: {  	s25 =	simm.s32 $0x0;
	[sflag:s15] =	ssyncadd.s32 $0xFFFFEC00  }
0x173: {  	v3 =	vld [tilespmem:s25+$0x2780]  }
0x174: {  	v5 =	vld [tilespmem:s25+$0x2790]  }
0x175: {  	v4 =	vld [tilespmem:s25+$0x27A0]  }
0x176: {  	v1 =	vld [tilespmem:s25+$0x27B0]  }
0x177: {  	v2 =	vld [tilespmem:s25+$0x27C0]  }
0x178: {  	v0 =	vld [tilespmem:s25+$0x27D0];
	v6 =	vsub.f32 $0.0e+00, v3  }
0x179: {  	s26 =	simm.s32 $0x200;
	v5 =	vsub.f32 $0.0e+00, v5;
	v3 =	vld [tilespmem:s25+$0x27E0]  }
.LBB2_10:
0x17a: {  	p1 =	sne.s32 s26, $0x4E00;
	v6 =	vmul.f32 $1.442695020e+00, v6;
	v4 =	vsub.f32 $0.0e+00, v4;
	v7 =	vld [tilespmem:s25+$0x27F0]  }
0x17b: {  	v5 =	vmul.f32 $1.442695020e+00, v5;
	v1 =	vsub.f32 $0.0e+00, v1  }
0x17c: {  	v4 =	vmul.f32 $1.442695020e+00, v4;
	v2 =	vsub.f32 $0.0e+00, v2;
	(erf) = vpow2.f32 v6  }
0x17d: {  	v1 =	vmul.f32 $1.442695020e+00, v1;
	v0 =	vsub.f32 $0.0e+00, v0;
	(erf) = vpow2.f32 v5  }
0x17e: {  	v2 =	vmul.f32 $1.442695020e+00, v2;
	v3 =	vsub.f32 $0.0e+00, v3;
	(erf) = vpow2.f32 v4  }
0x17f: {  	v0 =	vmul.f32 $1.442695020e+00, v0;
	v4 =	vsub.f32 $0.0e+00, v7;
	(erf) = vpow2.f32 v1  }
0x180: {  	v1 =	vmul.f32 $1.442695020e+00, v3;
	(erf) = vpow2.f32 v2  }
0x181: {  	v2 =	vmul.f32 $1.442695020e+00, v4;
	(erf) = vpow2.f32 v0  }
0x182: {  	(erf) = vpow2.f32 v1  }
0x183: {  	(erf) = vpow2.f32 v2;
	_ =	sdelay $0x1  }
0x184: {  	v0 =	vpop (erf)  }
0x185: {  	v3 =	vadd.f32 $1.000000000e+00, v0;
	v1 =	vpop (erf)  }
0x186: {  	v4 =	vadd.f32 $1.000000000e+00, v1;
	v2 =	vpop (erf)  }
0x187: {  	v5 =	vadd.f32 $1.000000000e+00, v2;
	(erf) = vrcp.f32 v3;
	v0 =	vpop (erf)  }
0x188: {  	v3 =	vadd.f32 $1.000000000e+00, v0;
	(erf) = vrcp.f32 v4;
	v1 =	vpop (erf)  }
0x189: {  	v4 =	vadd.f32 $1.000000000e+00, v1;
	(erf) = vrcp.f32 v5;
	v2 =	vpop (erf)  }
0x18a: {  	v2 =	vadd.f32 $1.000000000e+00, v2;
	(erf) = vrcp.f32 v3;
	v0 =	vpop (erf)  }
0x18b: {  	v0 =	vadd.f32 $1.000000000e+00, v0;
	(erf) = vrcp.f32 v4;
	v1 =	vpop (erf)  }
0x18c: {  	v1 =	vadd.f32 $1.000000000e+00, v1;
	(erf) = vrcp.f32 v2  }
0x18d: {  	(erf) = vrcp.f32 v0  }
0x18e: {  	(erf) = vrcp.f32 v1;
	_ =	sdelay $0x1  }
0x18f: {  	v0 =	vpop (erf)  }
0x190: {  	s28 =	sshra.s32 s26, $0x2;
	[tilespmem:s25+$0x2780] =	vst v0;
	v0 =	vpop (erf)  }
0x191: {  	v3 =	vld [tilespmem:s28+$0x2780];
	[tilespmem:s25+$0x2790] =	vst v0;
	v0 =	vpop (erf)  }
0x192: {  	v5 =	vld [tilespmem:s28+$0x2790];
	[tilespmem:s25+$0x27A0] =	vst v0;
	v0 =	vpop (erf)  }
.Ltmp4:
0x193: {  	v4 =	vld [tilespmem:s28+$0x27A0];
	[tilespmem:s25+$0x27B0] =	vst v0;
	v0 =	vpop (erf);
	(pc) =	sbr.rel @p1 .LBB2_10-.Ltmp4, $4  }
0x194: {  	v1 =	vld [tilespmem:s28+$0x27B0];
	[tilespmem:s25+$0x27C0] =	vst v0;
	v0 =	vpop (erf)  }
0x195: {  	v2 =	vld [tilespmem:s28+$0x27C0];
	[tilespmem:s25+$0x27D0] =	vst v0;
	v7 =	vpop (erf)  }
0x196: {  	v6 =	vsub.f32 $0.0e+00, v3;
	v0 =	vld [tilespmem:s28+$0x27D0];
	[tilespmem:s25+$0x27E0] =	vst v7;
	v7 =	vpop (erf)  }
0x197: {  	s26 =	sadd.s32 $0x200, s26;
	v5 =	vsub.f32 $0.0e+00, v5;
	v3 =	vld [tilespmem:s28+$0x27E0];
	[tilespmem:s25+$0x27F0] =	vst v7;
	s25 =	smov.u32 s28  }
0x198: {  	v6 =	vmul.f32 $1.442695020e+00, v6  }
0x199: {  	v5 =	vmul.f32 $1.442695020e+00, v5  }
0x19a: {  	v4 =	vsub.f32 $0.0e+00, v4;
	(erf) = vpow2.f32 v6  }
0x19b: {  	v1 =	vsub.f32 $0.0e+00, v1;
	(erf) = vpow2.f32 v5  }
0x19c: {  	v7 =	vld [tilespmem:s25+$0x27F0];
	v4 =	vmul.f32 $1.442695020e+00, v4;
	v2 =	vsub.f32 $0.0e+00, v2  }
0x19d: {  	v1 =	vmul.f32 $1.442695020e+00, v1;
	v0 =	vsub.f32 $0.0e+00, v0  }
0x19e: {  	v2 =	vmul.f32 $1.442695020e+00, v2;
	v3 =	vsub.f32 $0.0e+00, v3;
	(erf) = vpow2.f32 v4  }
0x19f: {  	v0 =	vmul.f32 $1.442695020e+00, v0;
	(erf) = vpow2.f32 v1  }
0x1a0: {  	v1 =	vmul.f32 $1.442695020e+00, v3;
	(erf) = vpow2.f32 v2  }
0x1a1: {  	v4 =	vsub.f32 $0.0e+00, v7;
	_ =	sdelay $0x1  }
0x1a2: {  	v2 =	vmul.f32 $1.442695020e+00, v4;
	(erf) = vpow2.f32 v0;
	v0 =	vpop (erf)  }
0x1a3: {  	(erf) = vpow2.f32 v1;
	v0 =	vadd.f32 $1.000000000e+00, v0;
	v1 =	vpop (erf)  }
0x1a4: {  	(erf) = vpow2.f32 v2;
	v1 =	vadd.f32 $1.000000000e+00, v1;
	_ =	sdelay $0x1  }
0x1a5: {  	v2 =	vpop (erf)  }
0x1a6: {  	v2 =	vadd.f32 $1.000000000e+00, v2;
	(erf) = vrcp.f32 v0;
	v0 =	vpop (erf)  }
0x1a7: {  	(erf) = vrcp.f32 v1;
	v0 =	vadd.f32 $1.000000000e+00, v0;
	v1 =	vpop (erf)  }
0x1a8: {  	v1 =	vadd.f32 $1.000000000e+00, v1;
	_ =	sdelay $0x1  }
0x1a9: {  	(erf) = vrcp.f32 v2;
	v2 =	vpop (erf)  }
0x1aa: {  	v2 =	vadd.f32 $1.000000000e+00, v2;
	(erf) = vrcp.f32 v0;
	v0 =	vpop (erf)  }
0x1ab: {  	(erf) = vrcp.f32 v1;
	v0 =	vadd.f32 $1.000000000e+00, v0;
	v1 =	vpop (erf)  }
0x1ac: {  	(erf) = vrcp.f32 v2;
	v1 =	vadd.f32 $1.000000000e+00, v1  }
0x1ad: {  	(erf) = vrcp.f32 v0  }
0x1ae: {  	(erf) = vrcp.f32 v1;
	_ =	sdelay $0x1  }
0x1af: {  	v0 =	vpop (erf)  }
0x1b0: {  	[tilespmem:s25+$0x2780] =	vst v0;
	v0 =	vpop (erf)  }
0x1b1: {  	[tilespmem:s25+$0x2790] =	vst v0;
	v0 =	vpop (erf)  }
0x1b2: {  	[tilespmem:s25+$0x27A0] =	vst v0;
	v0 =	vpop (erf)  }
0x1b3: {  	[tilespmem:s25+$0x27B0] =	vst v0;
	v0 =	vpop (erf)  }
0x1b4: {  	[tilespmem:s25+$0x27C0] =	vst v0;
	v0 =	vpop (erf)  }
0x1b5: {  	[tilespmem:s25+$0x27D0] =	vst v0;
	v0 =	vpop (erf)  }
0x1b6: {  	[tilespmem:s25+$0x27E0] =	vst v0;
	v0 =	vpop (erf)  }
0x1b7: {  	s28 =	rddreg [dreg:$0x1b];
	[tilespmem:s25+$0x27F0] =	vst v0  }
0x1b8: {  	[spmem:s28] =	stream.linear.scatter [tilespmem:s12], [sflag:$0x1], $0x1400, $0x38;
	[tilespmem:$0x1E000] =	vst v63  }
0x1b9: {  	_ =	swait.ge [sflag:s22], $0x1400  }
0x1ba: {  	[sflag:s22] =	ssyncset.done $0x0  }
0x1bb: {  	s29 =	simm.s32 $0x0;
	s26 =	rddreg [dreg:$0xd];
	[sflag:s22] =	ssyncadd.s32 $0xFFFFEC00  }
0x1bc: {  	[tilespmem:s16], [sflag:$0x4] =	stream.linear.gather [hbm4b:s26+s29], $0x1400, $0x38;
	[tilespmem:$0x1E000] =	vst v63  }
0x1bd: {  	_ =	swait.ge [sflag:s17], $0x1400  }
0x1be: {  	[sflag:s17] =	ssyncset.done $0x0  }
0x1bf: {  	s25 =	simm.s32 $0x0;
	[sflag:s17] =	ssyncadd.s32 $0xFFFFEC00  }
0x1c0: {  	v3 =	vld [tilespmem:s25+$0x4780]  }
0x1c1: {  	v5 =	vld [tilespmem:s25+$0x4790]  }
0x1c2: {  	v4 =	vld [tilespmem:s25+$0x47A0]  }
0x1c3: {  	v1 =	vld [tilespmem:s25+$0x47B0]  }
0x1c4: {  	v2 =	vld [tilespmem:s25+$0x47C0]  }
0x1c5: {  	v0 =	vld [tilespmem:s25+$0x47D0];
	v6 =	vsub.f32 $0.0e+00, v3  }
0x1c6: {  	s26 =	simm.s32 $0x200;
	v5 =	vsub.f32 $0.0e+00, v5;
	v3 =	vld [tilespmem:s25+$0x47E0]  }
.LBB2_12:
0x1c7: {  	p1 =	sne.s32 s26, $0x4E00;
	v6 =	vmul.f32 $1.442695020e+00, v6;
	v4 =	vsub.f32 $0.0e+00, v4;
	v7 =	vld [tilespmem:s25+$0x47F0]  }
0x1c8: {  	v5 =	vmul.f32 $1.442695020e+00, v5;
	v1 =	vsub.f32 $0.0e+00, v1  }
0x1c9: {  	v4 =	vmul.f32 $1.442695020e+00, v4;
	v2 =	vsub.f32 $0.0e+00, v2;
	(erf) = vpow2.f32 v6  }
0x1ca: {  	v1 =	vmul.f32 $1.442695020e+00, v1;
	v0 =	vsub.f32 $0.0e+00, v0;
	(erf) = vpow2.f32 v5  }
0x1cb: {  	v2 =	vmul.f32 $1.442695020e+00, v2;
	v3 =	vsub.f32 $0.0e+00, v3;
	(erf) = vpow2.f32 v4  }
0x1cc: {  	v0 =	vmul.f32 $1.442695020e+00, v0;
	v4 =	vsub.f32 $0.0e+00, v7;
	(erf) = vpow2.f32 v1  }
0x1cd: {  	v1 =	vmul.f32 $1.442695020e+00, v3;
	(erf) = vpow2.f32 v2  }
0x1ce: {  	v2 =	vmul.f32 $1.442695020e+00, v4;
	(erf) = vpow2.f32 v0  }
0x1cf: {  	(erf) = vpow2.f32 v1  }
0x1d0: {  	(erf) = vpow2.f32 v2;
	_ =	sdelay $0x1  }
0x1d1: {  	v0 =	vpop (erf)  }
0x1d2: {  	v3 =	vadd.f32 $1.000000000e+00, v0;
	v1 =	vpop (erf)  }
0x1d3: {  	v4 =	vadd.f32 $1.000000000e+00, v1;
	v2 =	vpop (erf)  }
0x1d4: {  	v5 =	vadd.f32 $1.000000000e+00, v2;
	(erf) = vrcp.f32 v3;
	v0 =	vpop (erf)  }
0x1d5: {  	v3 =	vadd.f32 $1.000000000e+00, v0;
	(erf) = vrcp.f32 v4;
	v1 =	vpop (erf)  }
0x1d6: {  	v4 =	vadd.f32 $1.000000000e+00, v1;
	(erf) = vrcp.f32 v5;
	v2 =	vpop (erf)  }
0x1d7: {  	v2 =	vadd.f32 $1.000000000e+00, v2;
	(erf) = vrcp.f32 v3;
	v0 =	vpop (erf)  }
0x1d8: {  	v0 =	vadd.f32 $1.000000000e+00, v0;
	(erf) = vrcp.f32 v4;
	v1 =	vpop (erf)  }
0x1d9: {  	v1 =	vadd.f32 $1.000000000e+00, v1;
	(erf) = vrcp.f32 v2  }
0x1da: {  	(erf) = vrcp.f32 v0  }
0x1db: {  	(erf) = vrcp.f32 v1;
	_ =	sdelay $0x1  }
0x1dc: {  	v0 =	vpop (erf)  }
0x1dd: {  	s28 =	sshra.s32 s26, $0x2;
	[tilespmem:s25+$0x4780] =	vst v0;
	v0 =	vpop (erf)  }
0x1de: {  	v3 =	vld [tilespmem:s28+$0x4780];
	[tilespmem:s25+$0x4790] =	vst v0;
	v0 =	vpop (erf)  }
0x1df: {  	v5 =	vld [tilespmem:s28+$0x4790];
	[tilespmem:s25+$0x47A0] =	vst v0;
	v0 =	vpop (erf)  }
.Ltmp5:
0x1e0: {  	v4 =	vld [tilespmem:s28+$0x47A0];
	[tilespmem:s25+$0x47B0] =	vst v0;
	v0 =	vpop (erf);
	(pc) =	sbr.rel @p1 .LBB2_12-.Ltmp5, $4  }
0x1e1: {  	v1 =	vld [tilespmem:s28+$0x47B0];
	[tilespmem:s25+$0x47C0] =	vst v0;
	v0 =	vpop (erf)  }
0x1e2: {  	v2 =	vld [tilespmem:s28+$0x47C0];
	[tilespmem:s25+$0x47D0] =	vst v0;
	v7 =	vpop (erf)  }
0x1e3: {  	v6 =	vsub.f32 $0.0e+00, v3;
	v0 =	vld [tilespmem:s28+$0x47D0];
	[tilespmem:s25+$0x47E0] =	vst v7;
	v7 =	vpop (erf)  }
0x1e4: {  	s26 =	sadd.s32 $0x200, s26;
	v5 =	vsub.f32 $0.0e+00, v5;
	v3 =	vld [tilespmem:s28+$0x47E0];
	[tilespmem:s25+$0x47F0] =	vst v7;
	s25 =	smov.u32 s28  }
0x1e5: {  	v6 =	vmul.f32 $1.442695020e+00, v6  }
0x1e6: {  	v5 =	vmul.f32 $1.442695020e+00, v5  }
0x1e7: {  	v4 =	vsub.f32 $0.0e+00, v4;
	(erf) = vpow2.f32 v6  }
0x1e8: {  	v1 =	vsub.f32 $0.0e+00, v1;
	(erf) = vpow2.f32 v5  }
0x1e9: {  	v7 =	vld [tilespmem:s25+$0x47F0];
	v4 =	vmul.f32 $1.442695020e+00, v4;
	v2 =	vsub.f32 $0.0e+00, v2  }
0x1ea: {  	v1 =	vmul.f32 $1.442695020e+00, v1;
	v0 =	vsub.f32 $0.0e+00, v0  }
0x1eb: {  	v2 =	vmul.f32 $1.442695020e+00, v2;
	v3 =	vsub.f32 $0.0e+00, v3;
	(erf) = vpow2.f32 v4  }
0x1ec: {  	v0 =	vmul.f32 $1.442695020e+00, v0;
	(erf) = vpow2.f32 v1  }
0x1ed: {  	v1 =	vmul.f32 $1.442695020e+00, v3;
	(erf) = vpow2.f32 v2  }
0x1ee: {  	v4 =	vsub.f32 $0.0e+00, v7;
	_ =	sdelay $0x1  }
0x1ef: {  	v2 =	vmul.f32 $1.442695020e+00, v4;
	(erf) = vpow2.f32 v0;
	v0 =	vpop (erf)  }
0x1f0: {  	(erf) = vpow2.f32 v1;
	v0 =	vadd.f32 $1.000000000e+00, v0;
	v1 =	vpop (erf)  }
0x1f1: {  	(erf) = vpow2.f32 v2;
	v1 =	vadd.f32 $1.000000000e+00, v1;
	_ =	sdelay $0x1  }
0x1f2: {  	v2 =	vpop (erf)  }
0x1f3: {  	v2 =	vadd.f32 $1.000000000e+00, v2;
	(erf) = vrcp.f32 v0;
	v0 =	vpop (erf)  }
0x1f4: {  	(erf) = vrcp.f32 v1;
	v0 =	vadd.f32 $1.000000000e+00, v0;
	v1 =	vpop (erf)  }
0x1f5: {  	v1 =	vadd.f32 $1.000000000e+00, v1;
	_ =	sdelay $0x1  }
0x1f6: {  	(erf) = vrcp.f32 v2;
	v2 =	vpop (erf)  }
0x1f7: {  	v2 =	vadd.f32 $1.000000000e+00, v2;
	(erf) = vrcp.f32 v0;
	v0 =	vpop (erf)  }
0x1f8: {  	(erf) = vrcp.f32 v1;
	v0 =	vadd.f32 $1.000000000e+00, v0;
	v1 =	vpop (erf)  }
0x1f9: {  	(erf) = vrcp.f32 v2;
	v1 =	vadd.f32 $1.000000000e+00, v1  }
0x1fa: {  	(erf) = vrcp.f32 v0  }
0x1fb: {  	(erf) = vrcp.f32 v1;
	_ =	sdelay $0x1  }
0x1fc: {  	v0 =	vpop (erf)  }
0x1fd: {  	[tilespmem:s25+$0x4780] =	vst v0;
	v0 =	vpop (erf)  }
0x1fe: {  	[tilespmem:s25+$0x4790] =	vst v0;
	v0 =	vpop (erf)  }
0x1ff: {  	[tilespmem:s25+$0x47A0] =	vst v0;
	v0 =	vpop (erf)  }
0x200: {  	[tilespmem:s25+$0x47B0] =	vst v0;
	v0 =	vpop (erf)  }
0x201: {  	[tilespmem:s25+$0x47C0] =	vst v0;
	v0 =	vpop (erf)  }
0x202: {  	[tilespmem:s25+$0x47D0] =	vst v0;
	v0 =	vpop (erf)  }
0x203: {  	[tilespmem:s25+$0x47E0] =	vst v0;
	v0 =	vpop (erf)  }
0x204: {  	s28 =	rddreg [dreg:$0x1c];
	[tilespmem:s25+$0x47F0] =	vst v0  }
0x205: {  	[spmem:s28] =	stream.linear.scatter [tilespmem:s13], [sflag:$0x2], $0x1400, $0x38;
	[tilespmem:$0x1E000] =	vst v63  }
0x206: {  	_ =	swait.ge [sflag:s15], $0x1400  }
0x207: {  	[sflag:s15] =	ssyncset.done $0x0  }
0x208: {  	s29 =	simm.s32 $0x0;
	s26 =	rddreg [dreg:$0xe];
	[sflag:s15] =	ssyncadd.s32 $0xFFFFEC00  }
0x209: {  	[tilespmem:s12], [sflag:$0x1] =	stream.linear.gather [hbm4b:s26+s29], $0x1400, $0x38;
	[tilespmem:$0x1E000] =	vst v63  }
0x20a: {  	_ =	swait.ge [sflag:s19], $0x1400  }
0x20b: {  	[sflag:s19] =	ssyncset.done $0x0  }
0x20c: {  	s25 =	simm.s32 $0x0;
	[sflag:s19] =	ssyncadd.s32 $0xFFFFEC00  }
0x20d: {  	v3 =	vld [tilespmem:s25+$0x6780]  }
0x20e: {  	v5 =	vld [tilespmem:s25+$0x6790]  }
0x20f: {  	v4 =	vld [tilespmem:s25+$0x67A0]  }
0x210: {  	v1 =	vld [tilespmem:s25+$0x67B0]  }
0x211: {  	v2 =	vld [tilespmem:s25+$0x67C0]  }
0x212: {  	v0 =	vld [tilespmem:s25+$0x67D0];
	v6 =	vsub.f32 $0.0e+00, v3  }
0x213: {  	s26 =	simm.s32 $0x200;
	v5 =	vsub.f32 $0.0e+00, v5;
	v3 =	vld [tilespmem:s25+$0x67E0]  }
.LBB2_14:
0x214: {  	p1 =	sne.s32 s26, $0x4E00;
	v6 =	vmul.f32 $1.442695020e+00, v6;
	v4 =	vsub.f32 $0.0e+00, v4;
	v7 =	vld [tilespmem:s25+$0x67F0]  }
0x215: {  	v5 =	vmul.f32 $1.442695020e+00, v5;
	v1 =	vsub.f32 $0.0e+00, v1  }
0x216: {  	v4 =	vmul.f32 $1.442695020e+00, v4;
	v2 =	vsub.f32 $0.0e+00, v2;
	(erf) = vpow2.f32 v6  }
0x217: {  	v1 =	vmul.f32 $1.442695020e+00, v1;
	v0 =	vsub.f32 $0.0e+00, v0;
	(erf) = vpow2.f32 v5  }
0x218: {  	v2 =	vmul.f32 $1.442695020e+00, v2;
	v3 =	vsub.f32 $0.0e+00, v3;
	(erf) = vpow2.f32 v4  }
0x219: {  	v0 =	vmul.f32 $1.442695020e+00, v0;
	v4 =	vsub.f32 $0.0e+00, v7;
	(erf) = vpow2.f32 v1  }
0x21a: {  	v1 =	vmul.f32 $1.442695020e+00, v3;
	(erf) = vpow2.f32 v2  }
0x21b: {  	v2 =	vmul.f32 $1.442695020e+00, v4;
	(erf) = vpow2.f32 v0  }
0x21c: {  	(erf) = vpow2.f32 v1  }
0x21d: {  	(erf) = vpow2.f32 v2;
	_ =	sdelay $0x1  }
0x21e: {  	v0 =	vpop (erf)  }
0x21f: {  	v3 =	vadd.f32 $1.000000000e+00, v0;
	v1 =	vpop (erf)  }
0x220: {  	v4 =	vadd.f32 $1.000000000e+00, v1;
	v2 =	vpop (erf)  }
0x221: {  	v5 =	vadd.f32 $1.000000000e+00, v2;
	(erf) = vrcp.f32 v3;
	v0 =	vpop (erf)  }
0x222: {  	v3 =	vadd.f32 $1.000000000e+00, v0;
	(erf) = vrcp.f32 v4;
	v1 =	vpop (erf)  }
0x223: {  	v4 =	vadd.f32 $1.000000000e+00, v1;
	(erf) = vrcp.f32 v5;
	v2 =	vpop (erf)  }
0x224: {  	v2 =	vadd.f32 $1.000000000e+00, v2;
	(erf) = vrcp.f32 v3;
	v0 =	vpop (erf)  }
0x225: {  	v0 =	vadd.f32 $1.000000000e+00, v0;
	(erf) = vrcp.f32 v4;
	v1 =	vpop (erf)  }
0x226: {  	v1 =	vadd.f32 $1.000000000e+00, v1;
	(erf) = vrcp.f32 v2  }
0x227: {  	(erf) = vrcp.f32 v0  }
0x228: {  	(erf) = vrcp.f32 v1;
	_ =	sdelay $0x1  }
0x229: {  	v0 =	vpop (erf)  }
0x22a: {  	s28 =	sshra.s32 s26, $0x2;
	[tilespmem:s25+$0x6780] =	vst v0;
	v0 =	vpop (erf)  }
0x22b: {  	v3 =	vld [tilespmem:s28+$0x6780];
	[tilespmem:s25+$0x6790] =	vst v0;
	v0 =	vpop (erf)  }
0x22c: {  	v5 =	vld [tilespmem:s28+$0x6790];
	[tilespmem:s25+$0x67A0] =	vst v0;
	v0 =	vpop (erf)  }
.Ltmp6:
0x22d: {  	v4 =	vld [tilespmem:s28+$0x67A0];
	[tilespmem:s25+$0x67B0] =	vst v0;
	v0 =	vpop (erf);
	(pc) =	sbr.rel @p1 .LBB2_14-.Ltmp6, $4  }
0x22e: {  	v1 =	vld [tilespmem:s28+$0x67B0];
	[tilespmem:s25+$0x67C0] =	vst v0;
	v0 =	vpop (erf)  }
0x22f: {  	v2 =	vld [tilespmem:s28+$0x67C0];
	[tilespmem:s25+$0x67D0] =	vst v0;
	v7 =	vpop (erf)  }
0x230: {  	v6 =	vsub.f32 $0.0e+00, v3;
	v0 =	vld [tilespmem:s28+$0x67D0];
	[tilespmem:s25+$0x67E0] =	vst v7;
	v7 =	vpop (erf)  }
0x231: {  	s26 =	sadd.s32 $0x200, s26;
	v5 =	vsub.f32 $0.0e+00, v5;
	v3 =	vld [tilespmem:s28+$0x67E0];
	[tilespmem:s25+$0x67F0] =	vst v7;
	s25 =	smov.u32 s28  }
0x232: {  	v6 =	vmul.f32 $1.442695020e+00, v6  }
0x233: {  	v5 =	vmul.f32 $1.442695020e+00, v5  }
0x234: {  	v4 =	vsub.f32 $0.0e+00, v4;
	(erf) = vpow2.f32 v6  }
0x235: {  	v1 =	vsub.f32 $0.0e+00, v1;
	(erf) = vpow2.f32 v5  }
0x236: {  	v7 =	vld [tilespmem:s25+$0x67F0];
	v4 =	vmul.f32 $1.442695020e+00, v4;
	v2 =	vsub.f32 $0.0e+00, v2  }
0x237: {  	v1 =	vmul.f32 $1.442695020e+00, v1;
	v0 =	vsub.f32 $0.0e+00, v0  }
0x238: {  	v2 =	vmul.f32 $1.442695020e+00, v2;
	v3 =	vsub.f32 $0.0e+00, v3;
	(erf) = vpow2.f32 v4  }
0x239: {  	v0 =	vmul.f32 $1.442695020e+00, v0;
	(erf) = vpow2.f32 v1  }
0x23a: {  	v1 =	vmul.f32 $1.442695020e+00, v3;
	(erf) = vpow2.f32 v2  }
0x23b: {  	v4 =	vsub.f32 $0.0e+00, v7;
	_ =	sdelay $0x1  }
0x23c: {  	v2 =	vmul.f32 $1.442695020e+00, v4;
	(erf) = vpow2.f32 v0;
	v0 =	vpop (erf)  }
0x23d: {  	(erf) = vpow2.f32 v1;
	v0 =	vadd.f32 $1.000000000e+00, v0;
	v1 =	vpop (erf)  }
0x23e: {  	(erf) = vpow2.f32 v2;
	v1 =	vadd.f32 $1.000000000e+00, v1;
	_ =	sdelay $0x1  }
0x23f: {  	v2 =	vpop (erf)  }
0x240: {  	v2 =	vadd.f32 $1.000000000e+00, v2;
	(erf) = vrcp.f32 v0;
	v0 =	vpop (erf)  }
0x241: {  	(erf) = vrcp.f32 v1;
	v0 =	vadd.f32 $1.000000000e+00, v0;
	v1 =	vpop (erf)  }
0x242: {  	v1 =	vadd.f32 $1.000000000e+00, v1;
	_ =	sdelay $0x1  }
0x243: {  	(erf) = vrcp.f32 v2;
	v2 =	vpop (erf)  }
0x244: {  	v2 =	vadd.f32 $1.000000000e+00, v2;
	(erf) = vrcp.f32 v0;
	v0 =	vpop (erf)  }
0x245: {  	(erf) = vrcp.f32 v1;
	v0 =	vadd.f32 $1.000000000e+00, v0;
	v1 =	vpop (erf)  }
0x246: {  	(erf) = vrcp.f32 v2;
	v1 =	vadd.f32 $1.000000000e+00, v1  }
0x247: {  	(erf) = vrcp.f32 v0  }
0x248: {  	(erf) = vrcp.f32 v1;
	_ =	sdelay $0x1  }
0x249: {  	v0 =	vpop (erf)  }
0x24a: {  	[tilespmem:s25+$0x6780] =	vst v0;
	v0 =	vpop (erf)  }
0x24b: {  	[tilespmem:s25+$0x6790] =	vst v0;
	v0 =	vpop (erf)  }
0x24c: {  	[tilespmem:s25+$0x67A0] =	vst v0;
	v0 =	vpop (erf)  }
0x24d: {  	[tilespmem:s25+$0x67B0] =	vst v0;
	v0 =	vpop (erf)  }
0x24e: {  	[tilespmem:s25+$0x67C0] =	vst v0;
	v0 =	vpop (erf)  }
0x24f: {  	[tilespmem:s25+$0x67D0] =	vst v0;
	v0 =	vpop (erf)  }
0x250: {  	[tilespmem:s25+$0x67E0] =	vst v0;
	v0 =	vpop (erf)  }
0x251: {  	s28 =	rddreg [dreg:$0x1d];
	[tilespmem:s25+$0x67F0] =	vst v0  }
0x252: {  	[spmem:s28] =	stream.linear.scatter [tilespmem:s14], [sflag:$0x3], $0x1400, $0x38;
	[tilespmem:$0x1E000] =	vst v63  }
0x253: {  	_ =	swait.ge [sflag:s17], $0x1400  }
0x254: {  	[sflag:s17] =	ssyncset.done $0x0  }
0x255: {  	s29 =	simm.s32 $0x0;
	s26 =	rddreg [dreg:$0xf];
	[sflag:s17] =	ssyncadd.s32 $0xFFFFEC00  }
0x256: {  	[tilespmem:s13], [sflag:$0x2] =	stream.linear.gather [hbm4b:s26+s29], $0x1400, $0x38;
	[tilespmem:$0x1E000] =	vst v63  }
0x257: {  	_ =	swait.ge [sflag:s22], $0x1400  }
0x258: {  	[sflag:s22] =	ssyncset.done $0x0  }
0x259: {  	s25 =	simm.s32 $0x0;
	[sflag:s22] =	ssyncadd.s32 $0xFFFFEC00  }
0x25a: {  	v3 =	vld [tilespmem:s25+$0x8780]  }
0x25b: {  	v5 =	vld [tilespmem:s25+$0x8790]  }
0x25c: {  	v4 =	vld [tilespmem:s25+$0x87A0]  }
0x25d: {  	v1 =	vld [tilespmem:s25+$0x87B0]  }
0x25e: {  	v2 =	vld [tilespmem:s25+$0x87C0]  }
0x25f: {  	v0 =	vld [tilespmem:s25+$0x87D0];
	v6 =	vsub.f32 $0.0e+00, v3  }
0x260: {  	s26 =	simm.s32 $0x200;
	v5 =	vsub.f32 $0.0e+00, v5;
	v3 =	vld [tilespmem:s25+$0x87E0]  }
.LBB2_16:
0x261: {  	p1 =	sne.s32 s26, $0x4E00;
	v6 =	vmul.f32 $1.442695020e+00, v6;
	v4 =	vsub.f32 $0.0e+00, v4;
	v7 =	vld [tilespmem:s25+$0x87F0]  }
0x262: {  	v5 =	vmul.f32 $1.442695020e+00, v5;
	v1 =	vsub.f32 $0.0e+00, v1  }
0x263: {  	v4 =	vmul.f32 $1.442695020e+00, v4;
	v2 =	vsub.f32 $0.0e+00, v2;
	(erf) = vpow2.f32 v6  }
0x264: {  	v1 =	vmul.f32 $1.442695020e+00, v1;
	v0 =	vsub.f32 $0.0e+00, v0;
	(erf) = vpow2.f32 v5  }
0x265: {  	v2 =	vmul.f32 $1.442695020e+00, v2;
	v3 =	vsub.f32 $0.0e+00, v3;
	(erf) = vpow2.f32 v4  }
0x266: {  	v0 =	vmul.f32 $1.442695020e+00, v0;
	v4 =	vsub.f32 $0.0e+00, v7;
	(erf) = vpow2.f32 v1  }
0x267: {  	v1 =	vmul.f32 $1.442695020e+00, v3;
	(erf) = vpow2.f32 v2  }
0x268: {  	v2 =	vmul.f32 $1.442695020e+00, v4;
	(erf) = vpow2.f32 v0  }
0x269: {  	(erf) = vpow2.f32 v1  }
0x26a: {  	(erf) = vpow2.f32 v2;
	_ =	sdelay $0x1  }
0x26b: {  	v0 =	vpop (erf)  }
0x26c: {  	v3 =	vadd.f32 $1.000000000e+00, v0;
	v1 =	vpop (erf)  }
0x26d: {  	v4 =	vadd.f32 $1.000000000e+00, v1;
	v2 =	vpop (erf)  }
0x26e: {  	v5 =	vadd.f32 $1.000000000e+00, v2;
	(erf) = vrcp.f32 v3;
	v0 =	vpop (erf)  }
0x26f: {  	v3 =	vadd.f32 $1.000000000e+00, v0;
	(erf) = vrcp.f32 v4;
	v1 =	vpop (erf)  }
0x270: {  	v4 =	vadd.f32 $1.000000000e+00, v1;
	(erf) = vrcp.f32 v5;
	v2 =	vpop (erf)  }
0x271: {  	v2 =	vadd.f32 $1.000000000e+00, v2;
	(erf) = vrcp.f32 v3;
	v0 =	vpop (erf)  }
0x272: {  	v0 =	vadd.f32 $1.000000000e+00, v0;
	(erf) = vrcp.f32 v4;
	v1 =	vpop (erf)  }
0x273: {  	v1 =	vadd.f32 $1.000000000e+00, v1;
	(erf) = vrcp.f32 v2  }
0x274: {  	(erf) = vrcp.f32 v0  }
0x275: {  	(erf) = vrcp.f32 v1;
	_ =	sdelay $0x1  }
0x276: {  	v0 =	vpop (erf)  }
0x277: {  	s28 =	sshra.s32 s26, $0x2;
	[tilespmem:s25+$0x8780] =	vst v0;
	v0 =	vpop (erf)  }
0x278: {  	v3 =	vld [tilespmem:s28+$0x8780];
	[tilespmem:s25+$0x8790] =	vst v0;
	v0 =	vpop (erf)  }
0x279: {  	v5 =	vld [tilespmem:s28+$0x8790];
	[tilespmem:s25+$0x87A0] =	vst v0;
	v0 =	vpop (erf)  }
.Ltmp7:
0x27a: {  	v4 =	vld [tilespmem:s28+$0x87A0];
	[tilespmem:s25+$0x87B0] =	vst v0;
	v0 =	vpop (erf);
	(pc) =	sbr.rel @p1 .LBB2_16-.Ltmp7, $4  }
0x27b: {  	v1 =	vld [tilespmem:s28+$0x87B0];
	[tilespmem:s25+$0x87C0] =	vst v0;
	v0 =	vpop (erf)  }
0x27c: {  	v2 =	vld [tilespmem:s28+$0x87C0];
	[tilespmem:s25+$0x87D0] =	vst v0;
	v7 =	vpop (erf)  }
0x27d: {  	v6 =	vsub.f32 $0.0e+00, v3;
	v0 =	vld [tilespmem:s28+$0x87D0];
	[tilespmem:s25+$0x87E0] =	vst v7;
	v7 =	vpop (erf)  }
0x27e: {  	s26 =	sadd.s32 $0x200, s26;
	v5 =	vsub.f32 $0.0e+00, v5;
	v3 =	vld [tilespmem:s28+$0x87E0];
	[tilespmem:s25+$0x87F0] =	vst v7;
	s25 =	smov.u32 s28  }
0x27f: {  	v6 =	vmul.f32 $1.442695020e+00, v6  }
0x280: {  	v5 =	vmul.f32 $1.442695020e+00, v5  }
0x281: {  	v4 =	vsub.f32 $0.0e+00, v4;
	(erf) = vpow2.f32 v6  }
0x282: {  	v1 =	vsub.f32 $0.0e+00, v1;
	(erf) = vpow2.f32 v5  }
0x283: {  	v7 =	vld [tilespmem:s25+$0x87F0];
	v4 =	vmul.f32 $1.442695020e+00, v4;
	v2 =	vsub.f32 $0.0e+00, v2  }
0x284: {  	v1 =	vmul.f32 $1.442695020e+00, v1;
	v0 =	vsub.f32 $0.0e+00, v0  }
0x285: {  	v2 =	vmul.f32 $1.442695020e+00, v2;
	v3 =	vsub.f32 $0.0e+00, v3;
	(erf) = vpow2.f32 v4  }
0x286: {  	v0 =	vmul.f32 $1.442695020e+00, v0;
	(erf) = vpow2.f32 v1  }
0x287: {  	v1 =	vmul.f32 $1.442695020e+00, v3;
	(erf) = vpow2.f32 v2  }
0x288: {  	v4 =	vsub.f32 $0.0e+00, v7;
	_ =	sdelay $0x1  }
0x289: {  	v2 =	vmul.f32 $1.442695020e+00, v4;
	(erf) = vpow2.f32 v0;
	v0 =	vpop (erf)  }
0x28a: {  	(erf) = vpow2.f32 v1;
	v0 =	vadd.f32 $1.000000000e+00, v0;
	v1 =	vpop (erf)  }
0x28b: {  	(erf) = vpow2.f32 v2;
	v1 =	vadd.f32 $1.000000000e+00, v1;
	_ =	sdelay $0x1  }
0x28c: {  	v2 =	vpop (erf)  }
0x28d: {  	v2 =	vadd.f32 $1.000000000e+00, v2;
	(erf) = vrcp.f32 v0;
	v0 =	vpop (erf)  }
0x28e: {  	(erf) = vrcp.f32 v1;
	v0 =	vadd.f32 $1.000000000e+00, v0;
	v1 =	vpop (erf)  }
0x28f: {  	v1 =	vadd.f32 $1.000000000e+00, v1;
	_ =	sdelay $0x1  }
0x290: {  	(erf) = vrcp.f32 v2;
	v2 =	vpop (erf)  }
0x291: {  	v2 =	vadd.f32 $1.000000000e+00, v2;
	(erf) = vrcp.f32 v0;
	v0 =	vpop (erf)  }
0x292: {  	(erf) = vrcp.f32 v1;
	v0 =	vadd.f32 $1.000000000e+00, v0;
	v1 =	vpop (erf)  }
0x293: {  	(erf) = vrcp.f32 v2;
	v1 =	vadd.f32 $1.000000000e+00, v1  }
0x294: {  	(erf) = vrcp.f32 v0  }
0x295: {  	(erf) = vrcp.f32 v1;
	_ =	sdelay $0x1  }
0x296: {  	v0 =	vpop (erf)  }
0x297: {  	[tilespmem:s25+$0x8780] =	vst v0;
	v0 =	vpop (erf)  }
0x298: {  	[tilespmem:s25+$0x8790] =	vst v0;
	v0 =	vpop (erf)  }
0x299: {  	[tilespmem:s25+$0x87A0] =	vst v0;
	v0 =	vpop (erf)  }
0x29a: {  	[tilespmem:s25+$0x87B0] =	vst v0;
	v0 =	vpop (erf)  }
0x29b: {  	[tilespmem:s25+$0x87C0] =	vst v0;
	v0 =	vpop (erf)  }
0x29c: {  	[tilespmem:s25+$0x87D0] =	vst v0;
	v0 =	vpop (erf)  }
0x29d: {  	[tilespmem:s25+$0x87E0] =	vst v0;
	v0 =	vpop (erf)  }
0x29e: {  	[tilespmem:s25+$0x87F0] =	vst v0  }
0x29f: {  	[spmem:s30] =	stream.linear.scatter [tilespmem:s16], [sflag:$0x4], $0x1400, $0x38;
	[tilespmem:$0x1E000] =	vst v63  }
0x2a0: {  	_ =	swait.ge [sflag:s19], $0x1400  }
0x2a1: {  	[sflag:s19] =	ssyncset.done $0x0  }
0x2a2: {  	s29 =	simm.s32 $0x0;
	s26 =	rddreg [dreg:$0x10];
	[sflag:s19] =	ssyncadd.s32 $0xFFFFEC00  }
0x2a3: {  	[tilespmem:s14], [sflag:$0x3] =	stream.linear.gather [hbm4b:s26+s29], $0x1400, $0x38;
	[tilespmem:$0x1E000] =	vst v63  }
0x2a4: {  	_ =	swait.ge [sflag:s15], $0x1400  }
0x2a5: {  	[sflag:s15] =	ssyncset.done $0x0  }
0x2a6: {  	s25 =	simm.s32 $0x0;
	[sflag:s15] =	ssyncadd.s32 $0xFFFFEC00  }
0x2a7: {  	v3 =	vld [tilespmem:s25+$0x2780]  }
0x2a8: {  	v5 =	vld [tilespmem:s25+$0x2790]  }
0x2a9: {  	v4 =	vld [tilespmem:s25+$0x27A0]  }
0x2aa: {  	v1 =	vld [tilespmem:s25+$0x27B0]  }
0x2ab: {  	v2 =	vld [tilespmem:s25+$0x27C0]  }
0x2ac: {  	v0 =	vld [tilespmem:s25+$0x27D0];
	v6 =	vsub.f32 $0.0e+00, v3  }
0x2ad: {  	s26 =	simm.s32 $0x200;
	v5 =	vsub.f32 $0.0e+00, v5;
	v3 =	vld [tilespmem:s25+$0x27E0]  }
.LBB2_18:
0x2ae: {  	p1 =	sne.s32 s26, $0x4E00;
	v6 =	vmul.f32 $1.442695020e+00, v6;
	v4 =	vsub.f32 $0.0e+00, v4;
	v7 =	vld [tilespmem:s25+$0x27F0]  }
0x2af: {  	v5 =	vmul.f32 $1.442695020e+00, v5;
	v1 =	vsub.f32 $0.0e+00, v1  }
0x2b0: {  	v4 =	vmul.f32 $1.442695020e+00, v4;
	v2 =	vsub.f32 $0.0e+00, v2;
	(erf) = vpow2.f32 v6  }
0x2b1: {  	v1 =	vmul.f32 $1.442695020e+00, v1;
	v0 =	vsub.f32 $0.0e+00, v0;
	(erf) = vpow2.f32 v5  }
0x2b2: {  	v2 =	vmul.f32 $1.442695020e+00, v2;
	v3 =	vsub.f32 $0.0e+00, v3;
	(erf) = vpow2.f32 v4  }
0x2b3: {  	v0 =	vmul.f32 $1.442695020e+00, v0;
	v4 =	vsub.f32 $0.0e+00, v7;
	(erf) = vpow2.f32 v1  }
0x2b4: {  	v1 =	vmul.f32 $1.442695020e+00, v3;
	(erf) = vpow2.f32 v2  }
0x2b5: {  	v2 =	vmul.f32 $1.442695020e+00, v4;
	(erf) = vpow2.f32 v0  }
0x2b6: {  	(erf) = vpow2.f32 v1  }
0x2b7: {  	(erf) = vpow2.f32 v2;
	_ =	sdelay $0x1  }
0x2b8: {  	v0 =	vpop (erf)  }
0x2b9: {  	v3 =	vadd.f32 $1.000000000e+00, v0;
	v1 =	vpop (erf)  }
0x2ba: {  	v4 =	vadd.f32 $1.000000000e+00, v1;
	v2 =	vpop (erf)  }
0x2bb: {  	v5 =	vadd.f32 $1.000000000e+00, v2;
	(erf) = vrcp.f32 v3;
	v0 =	vpop (erf)  }
0x2bc: {  	v3 =	vadd.f32 $1.000000000e+00, v0;
	(erf) = vrcp.f32 v4;
	v1 =	vpop (erf)  }
0x2bd: {  	v4 =	vadd.f32 $1.000000000e+00, v1;
	(erf) = vrcp.f32 v5;
	v2 =	vpop (erf)  }
0x2be: {  	v2 =	vadd.f32 $1.000000000e+00, v2;
	(erf) = vrcp.f32 v3;
	v0 =	vpop (erf)  }
0x2bf: {  	v0 =	vadd.f32 $1.000000000e+00, v0;
	(erf) = vrcp.f32 v4;
	v1 =	vpop (erf)  }
0x2c0: {  	v1 =	vadd.f32 $1.000000000e+00, v1;
	(erf) = vrcp.f32 v2  }
0x2c1: {  	(erf) = vrcp.f32 v0  }
0x2c2: {  	(erf) = vrcp.f32 v1;
	_ =	sdelay $0x1  }
0x2c3: {  	v0 =	vpop (erf)  }
0x2c4: {  	s28 =	sshra.s32 s26, $0x2;
	[tilespmem:s25+$0x2780] =	vst v0;
	v0 =	vpop (erf)  }
0x2c5: {  	v3 =	vld [tilespmem:s28+$0x2780];
	[tilespmem:s25+$0x2790] =	vst v0;
	v0 =	vpop (erf)  }
0x2c6: {  	v5 =	vld [tilespmem:s28+$0x2790];
	[tilespmem:s25+$0x27A0] =	vst v0;
	v0 =	vpop (erf)  }
.Ltmp8:
0x2c7: {  	v4 =	vld [tilespmem:s28+$0x27A0];
	[tilespmem:s25+$0x27B0] =	vst v0;
	v0 =	vpop (erf);
	(pc) =	sbr.rel @p1 .LBB2_18-.Ltmp8, $4  }
0x2c8: {  	v1 =	vld [tilespmem:s28+$0x27B0];
	[tilespmem:s25+$0x27C0] =	vst v0;
	v0 =	vpop (erf)  }
0x2c9: {  	v2 =	vld [tilespmem:s28+$0x27C0];
	[tilespmem:s25+$0x27D0] =	vst v0;
	v7 =	vpop (erf)  }
0x2ca: {  	v6 =	vsub.f32 $0.0e+00, v3;
	v0 =	vld [tilespmem:s28+$0x27D0];
	[tilespmem:s25+$0x27E0] =	vst v7;
	v7 =	vpop (erf)  }
0x2cb: {  	s26 =	sadd.s32 $0x200, s26;
	v5 =	vsub.f32 $0.0e+00, v5;
	v3 =	vld [tilespmem:s28+$0x27E0];
	[tilespmem:s25+$0x27F0] =	vst v7;
	s25 =	smov.u32 s28  }
0x2cc: {  	v6 =	vmul.f32 $1.442695020e+00, v6  }
0x2cd: {  	v5 =	vmul.f32 $1.442695020e+00, v5  }
0x2ce: {  	v4 =	vsub.f32 $0.0e+00, v4;
	(erf) = vpow2.f32 v6  }
0x2cf: {  	v1 =	vsub.f32 $0.0e+00, v1;
	(erf) = vpow2.f32 v5  }
0x2d0: {  	v7 =	vld [tilespmem:s25+$0x27F0];
	v4 =	vmul.f32 $1.442695020e+00, v4;
	v2 =	vsub.f32 $0.0e+00, v2  }
0x2d1: {  	v1 =	vmul.f32 $1.442695020e+00, v1;
	v0 =	vsub.f32 $0.0e+00, v0  }
0x2d2: {  	v2 =	vmul.f32 $1.442695020e+00, v2;
	v3 =	vsub.f32 $0.0e+00, v3;
	(erf) = vpow2.f32 v4  }
0x2d3: {  	v0 =	vmul.f32 $1.442695020e+00, v0;
	(erf) = vpow2.f32 v1  }
0x2d4: {  	v1 =	vmul.f32 $1.442695020e+00, v3;
	(erf) = vpow2.f32 v2  }
0x2d5: {  	v4 =	vsub.f32 $0.0e+00, v7;
	_ =	sdelay $0x1  }
0x2d6: {  	v2 =	vmul.f32 $1.442695020e+00, v4;
	(erf) = vpow2.f32 v0;
	v0 =	vpop (erf)  }
0x2d7: {  	(erf) = vpow2.f32 v1;
	v0 =	vadd.f32 $1.000000000e+00, v0;
	v1 =	vpop (erf)  }
0x2d8: {  	(erf) = vpow2.f32 v2;
	v1 =	vadd.f32 $1.000000000e+00, v1;
	_ =	sdelay $0x1  }
0x2d9: {  	v2 =	vpop (erf)  }
0x2da: {  	v2 =	vadd.f32 $1.000000000e+00, v2;
	(erf) = vrcp.f32 v0;
	v0 =	vpop (erf)  }
0x2db: {  	(erf) = vrcp.f32 v1;
	v0 =	vadd.f32 $1.000000000e+00, v0;
	v1 =	vpop (erf)  }
0x2dc: {  	v1 =	vadd.f32 $1.000000000e+00, v1;
	_ =	sdelay $0x1  }
0x2dd: {  	(erf) = vrcp.f32 v2;
	v2 =	vpop (erf)  }
0x2de: {  	v2 =	vadd.f32 $1.000000000e+00, v2;
	(erf) = vrcp.f32 v0;
	v0 =	vpop (erf)  }
0x2df: {  	(erf) = vrcp.f32 v1;
	v0 =	vadd.f32 $1.000000000e+00, v0;
	v1 =	vpop (erf)  }
0x2e0: {  	(erf) = vrcp.f32 v2;
	v1 =	vadd.f32 $1.000000000e+00, v1  }
0x2e1: {  	(erf) = vrcp.f32 v0  }
0x2e2: {  	(erf) = vrcp.f32 v1;
	_ =	sdelay $0x1  }
0x2e3: {  	v0 =	vpop (erf)  }
0x2e4: {  	[tilespmem:s25+$0x2780] =	vst v0;
	v0 =	vpop (erf)  }
0x2e5: {  	[tilespmem:s25+$0x2790] =	vst v0;
	v0 =	vpop (erf)  }
0x2e6: {  	[tilespmem:s25+$0x27A0] =	vst v0;
	v0 =	vpop (erf)  }
0x2e7: {  	[tilespmem:s25+$0x27B0] =	vst v0;
	v0 =	vpop (erf)  }
0x2e8: {  	[tilespmem:s25+$0x27C0] =	vst v0;
	v0 =	vpop (erf)  }
0x2e9: {  	[tilespmem:s25+$0x27D0] =	vst v0;
	v0 =	vpop (erf)  }
0x2ea: {  	[tilespmem:s25+$0x27E0] =	vst v0;
	v0 =	vpop (erf)  }
0x2eb: {  	[tilespmem:s25+$0x27F0] =	vst v0  }
0x2ec: {  	[spmem:s31] =	stream.linear.scatter [tilespmem:s12], [sflag:$0x1], $0x1400, $0x38;
	[tilespmem:$0x1E000] =	vst v63  }
0x2ed: {  	_ =	swait.ge [sflag:s22], $0x1400  }
0x2ee: {  	[sflag:s22] =	ssyncset.done $0x0  }
0x2ef: {  	s29 =	simm.s32 $0x0;
	s26 =	rddreg [dreg:$0x11];
	[sflag:s22] =	ssyncadd.s32 $0xFFFFEC00  }
0x2f0: {  	[tilespmem:s16], [sflag:$0x4] =	stream.linear.gather [hbm4b:s26+s29], $0x1400, $0x38;
	[tilespmem:$0x1E000] =	vst v63  }
0x2f1: {  	_ =	swait.ge [sflag:s17], $0x1400  }
0x2f2: {  	[sflag:s17] =	ssyncset.done $0x0  }
0x2f3: {  	s25 =	simm.s32 $0x0;
	[sflag:s17] =	ssyncadd.s32 $0xFFFFEC00  }
0x2f4: {  	v3 =	vld [tilespmem:s25+$0x4780]  }
0x2f5: {  	v5 =	vld [tilespmem:s25+$0x4790]  }
0x2f6: {  	v4 =	vld [tilespmem:s25+$0x47A0]  }
0x2f7: {  	v1 =	vld [tilespmem:s25+$0x47B0]  }
0x2f8: {  	v2 =	vld [tilespmem:s25+$0x47C0]  }
0x2f9: {  	v0 =	vld [tilespmem:s25+$0x47D0];
	v6 =	vsub.f32 $0.0e+00, v3  }
0x2fa: {  	s26 =	simm.s32 $0x200;
	v5 =	vsub.f32 $0.0e+00, v5;
	v3 =	vld [tilespmem:s25+$0x47E0]  }
.LBB2_20:
0x2fb: {  	p1 =	sne.s32 s26, $0x4E00;
	v6 =	vmul.f32 $1.442695020e+00, v6;
	v4 =	vsub.f32 $0.0e+00, v4;
	v7 =	vld [tilespmem:s25+$0x47F0]  }
0x2fc: {  	v5 =	vmul.f32 $1.442695020e+00, v5;
	v1 =	vsub.f32 $0.0e+00, v1  }
0x2fd: {  	v4 =	vmul.f32 $1.442695020e+00, v4;
	v2 =	vsub.f32 $0.0e+00, v2;
	(erf) = vpow2.f32 v6  }
0x2fe: {  	v1 =	vmul.f32 $1.442695020e+00, v1;
	v0 =	vsub.f32 $0.0e+00, v0;
	(erf) = vpow2.f32 v5  }
0x2ff: {  	v2 =	vmul.f32 $1.442695020e+00, v2;
	v3 =	vsub.f32 $0.0e+00, v3;
	(erf) = vpow2.f32 v4  }
0x300: {  	v0 =	vmul.f32 $1.442695020e+00, v0;
	v4 =	vsub.f32 $0.0e+00, v7;
	(erf) = vpow2.f32 v1  }
0x301: {  	v1 =	vmul.f32 $1.442695020e+00, v3;
	(erf) = vpow2.f32 v2  }
0x302: {  	v2 =	vmul.f32 $1.442695020e+00, v4;
	(erf) = vpow2.f32 v0  }
0x303: {  	(erf) = vpow2.f32 v1  }
0x304: {  	(erf) = vpow2.f32 v2;
	_ =	sdelay $0x1  }
0x305: {  	v0 =	vpop (erf)  }
0x306: {  	v3 =	vadd.f32 $1.000000000e+00, v0;
	v1 =	vpop (erf)  }
0x307: {  	v4 =	vadd.f32 $1.000000000e+00, v1;
	v2 =	vpop (erf)  }
0x308: {  	v5 =	vadd.f32 $1.000000000e+00, v2;
	(erf) = vrcp.f32 v3;
	v0 =	vpop (erf)  }
0x309: {  	v3 =	vadd.f32 $1.000000000e+00, v0;
	(erf) = vrcp.f32 v4;
	v1 =	vpop (erf)  }
0x30a: {  	v4 =	vadd.f32 $1.000000000e+00, v1;
	(erf) = vrcp.f32 v5;
	v2 =	vpop (erf)  }
0x30b: {  	v2 =	vadd.f32 $1.000000000e+00, v2;
	(erf) = vrcp.f32 v3;
	v0 =	vpop (erf)  }
0x30c: {  	v0 =	vadd.f32 $1.000000000e+00, v0;
	(erf) = vrcp.f32 v4;
	v1 =	vpop (erf)  }
0x30d: {  	v1 =	vadd.f32 $1.000000000e+00, v1;
	(erf) = vrcp.f32 v2  }
0x30e: {  	(erf) = vrcp.f32 v0  }
0x30f: {  	(erf) = vrcp.f32 v1;
	_ =	sdelay $0x1  }
0x310: {  	v0 =	vpop (erf)  }
0x311: {  	s28 =	sshra.s32 s26, $0x2;
	[tilespmem:s25+$0x4780] =	vst v0;
	v0 =	vpop (erf)  }
0x312: {  	v3 =	vld [tilespmem:s28+$0x4780];
	[tilespmem:s25+$0x4790] =	vst v0;
	v0 =	vpop (erf)  }
0x313: {  	v5 =	vld [tilespmem:s28+$0x4790];
	[tilespmem:s25+$0x47A0] =	vst v0;
	v0 =	vpop (erf)  }
.Ltmp9:
0x314: {  	v4 =	vld [tilespmem:s28+$0x47A0];
	[tilespmem:s25+$0x47B0] =	vst v0;
	v0 =	vpop (erf);
	(pc) =	sbr.rel @p1 .LBB2_20-.Ltmp9, $4  }
0x315: {  	v1 =	vld [tilespmem:s28+$0x47B0];
	[tilespmem:s25+$0x47C0] =	vst v0;
	v0 =	vpop (erf)  }
0x316: {  	v2 =	vld [tilespmem:s28+$0x47C0];
	[tilespmem:s25+$0x47D0] =	vst v0;
	v7 =	vpop (erf)  }
0x317: {  	v6 =	vsub.f32 $0.0e+00, v3;
	v0 =	vld [tilespmem:s28+$0x47D0];
	[tilespmem:s25+$0x47E0] =	vst v7;
	v7 =	vpop (erf)  }
0x318: {  	s26 =	sadd.s32 $0x200, s26;
	v5 =	vsub.f32 $0.0e+00, v5;
	v3 =	vld [tilespmem:s28+$0x47E0];
	[tilespmem:s25+$0x47F0] =	vst v7;
	s25 =	smov.u32 s28  }
0x319: {  	v6 =	vmul.f32 $1.442695020e+00, v6  }
0x31a: {  	v5 =	vmul.f32 $1.442695020e+00, v5  }
0x31b: {  	v4 =	vsub.f32 $0.0e+00, v4;
	(erf) = vpow2.f32 v6  }
0x31c: {  	v1 =	vsub.f32 $0.0e+00, v1;
	(erf) = vpow2.f32 v5  }
0x31d: {  	v7 =	vld [tilespmem:s25+$0x47F0];
	v4 =	vmul.f32 $1.442695020e+00, v4;
	v2 =	vsub.f32 $0.0e+00, v2  }
0x31e: {  	v1 =	vmul.f32 $1.442695020e+00, v1;
	v0 =	vsub.f32 $0.0e+00, v0  }
0x31f: {  	v2 =	vmul.f32 $1.442695020e+00, v2;
	v3 =	vsub.f32 $0.0e+00, v3;
	(erf) = vpow2.f32 v4  }
0x320: {  	v0 =	vmul.f32 $1.442695020e+00, v0;
	(erf) = vpow2.f32 v1  }
0x321: {  	v1 =	vmul.f32 $1.442695020e+00, v3;
	(erf) = vpow2.f32 v2  }
0x322: {  	v4 =	vsub.f32 $0.0e+00, v7;
	_ =	sdelay $0x1  }
0x323: {  	v2 =	vmul.f32 $1.442695020e+00, v4;
	(erf) = vpow2.f32 v0;
	v0 =	vpop (erf)  }
0x324: {  	(erf) = vpow2.f32 v1;
	v0 =	vadd.f32 $1.000000000e+00, v0;
	v1 =	vpop (erf)  }
0x325: {  	(erf) = vpow2.f32 v2;
	v1 =	vadd.f32 $1.000000000e+00, v1;
	_ =	sdelay $0x1  }
0x326: {  	v2 =	vpop (erf)  }
0x327: {  	v2 =	vadd.f32 $1.000000000e+00, v2;
	(erf) = vrcp.f32 v0;
	v0 =	vpop (erf)  }
0x328: {  	(erf) = vrcp.f32 v1;
	v0 =	vadd.f32 $1.000000000e+00, v0;
	v1 =	vpop (erf)  }
0x329: {  	v1 =	vadd.f32 $1.000000000e+00, v1;
	_ =	sdelay $0x1  }
0x32a: {  	(erf) = vrcp.f32 v2;
	v2 =	vpop (erf)  }
0x32b: {  	v2 =	vadd.f32 $1.000000000e+00, v2;
	(erf) = vrcp.f32 v0;
	v0 =	vpop (erf)  }
0x32c: {  	(erf) = vrcp.f32 v1;
	v0 =	vadd.f32 $1.000000000e+00, v0;
	v1 =	vpop (erf)  }
0x32d: {  	(erf) = vrcp.f32 v2;
	v1 =	vadd.f32 $1.000000000e+00, v1  }
0x32e: {  	(erf) = vrcp.f32 v0  }
0x32f: {  	(erf) = vrcp.f32 v1;
	_ =	sdelay $0x1  }
0x330: {  	v0 =	vpop (erf)  }
0x331: {  	[tilespmem:s25+$0x4780] =	vst v0;
	v0 =	vpop (erf)  }
0x332: {  	[tilespmem:s25+$0x4790] =	vst v0;
	v0 =	vpop (erf)  }
0x333: {  	[tilespmem:s25+$0x47A0] =	vst v0;
	v0 =	vpop (erf)  }
0x334: {  	[tilespmem:s25+$0x47B0] =	vst v0;
	v0 =	vpop (erf)  }
0x335: {  	[tilespmem:s25+$0x47C0] =	vst v0;
	v0 =	vpop (erf)  }
0x336: {  	[tilespmem:s25+$0x47D0] =	vst v0;
	v0 =	vpop (erf)  }
0x337: {  	[tilespmem:s25+$0x47E0] =	vst v0;
	v0 =	vpop (erf)  }
0x338: {  	[tilespmem:s25+$0x47F0] =	vst v0  }
0x339: {  	[spmem:s20] =	stream.linear.scatter [tilespmem:s13], [sflag:$0x2], $0x1400, $0x38;
	[tilespmem:$0x1E000] =	vst v63  }
0x33a: {  	_ =	swait.ge [sflag:s15], $0x1400  }
0x33b: {  	[sflag:s15] =	ssyncset.done $0x0  }
0x33c: {  	s29 =	simm.s32 $0x0;
	s26 =	rddreg [dreg:$0x12];
	[sflag:s15] =	ssyncadd.s32 $0xFFFFEC00  }
0x33d: {  	[tilespmem:s12], [sflag:$0x1] =	stream.linear.gather [hbm4b:s26+s29], $0x1400, $0x38;
	[tilespmem:$0x1E000] =	vst v63  }
0x33e: {  	_ =	swait.ge [sflag:s19], $0x1400  }
0x33f: {  	[sflag:s19] =	ssyncset.done $0x0  }
0x340: {  	s25 =	simm.s32 $0x0;
	[sflag:s19] =	ssyncadd.s32 $0xFFFFEC00  }
0x341: {  	v3 =	vld [tilespmem:s25+$0x6780]  }
0x342: {  	v5 =	vld [tilespmem:s25+$0x6790]  }
0x343: {  	v4 =	vld [tilespmem:s25+$0x67A0]  }
0x344: {  	v1 =	vld [tilespmem:s25+$0x67B0]  }
0x345: {  	v2 =	vld [tilespmem:s25+$0x67C0]  }
0x346: {  	v0 =	vld [tilespmem:s25+$0x67D0];
	v6 =	vsub.f32 $0.0e+00, v3  }
0x347: {  	s26 =	simm.s32 $0x200;
	v5 =	vsub.f32 $0.0e+00, v5;
	v3 =	vld [tilespmem:s25+$0x67E0]  }
.LBB2_22:
0x348: {  	p1 =	sne.s32 s26, $0x4E00;
	v6 =	vmul.f32 $1.442695020e+00, v6;
	v4 =	vsub.f32 $0.0e+00, v4;
	v7 =	vld [tilespmem:s25+$0x67F0]  }
0x349: {  	v5 =	vmul.f32 $1.442695020e+00, v5;
	v1 =	vsub.f32 $0.0e+00, v1  }
0x34a: {  	v4 =	vmul.f32 $1.442695020e+00, v4;
	v2 =	vsub.f32 $0.0e+00, v2;
	(erf) = vpow2.f32 v6  }
0x34b: {  	v1 =	vmul.f32 $1.442695020e+00, v1;
	v0 =	vsub.f32 $0.0e+00, v0;
	(erf) = vpow2.f32 v5  }
0x34c: {  	v2 =	vmul.f32 $1.442695020e+00, v2;
	v3 =	vsub.f32 $0.0e+00, v3;
	(erf) = vpow2.f32 v4  }
0x34d: {  	v0 =	vmul.f32 $1.442695020e+00, v0;
	v4 =	vsub.f32 $0.0e+00, v7;
	(erf) = vpow2.f32 v1  }
0x34e: {  	v1 =	vmul.f32 $1.442695020e+00, v3;
	(erf) = vpow2.f32 v2  }
0x34f: {  	v2 =	vmul.f32 $1.442695020e+00, v4;
	(erf) = vpow2.f32 v0  }
0x350: {  	(erf) = vpow2.f32 v1  }
0x351: {  	(erf) = vpow2.f32 v2;
	_ =	sdelay $0x1  }
0x352: {  	v0 =	vpop (erf)  }
0x353: {  	v3 =	vadd.f32 $1.000000000e+00, v0;
	v1 =	vpop (erf)  }
0x354: {  	v4 =	vadd.f32 $1.000000000e+00, v1;
	v2 =	vpop (erf)  }
0x355: {  	v5 =	vadd.f32 $1.000000000e+00, v2;
	(erf) = vrcp.f32 v3;
	v0 =	vpop (erf)  }
0x356: {  	v3 =	vadd.f32 $1.000000000e+00, v0;
	(erf) = vrcp.f32 v4;
	v1 =	vpop (erf)  }
0x357: {  	v4 =	vadd.f32 $1.000000000e+00, v1;
	(erf) = vrcp.f32 v5;
	v2 =	vpop (erf)  }
0x358: {  	v2 =	vadd.f32 $1.000000000e+00, v2;
	(erf) = vrcp.f32 v3;
	v0 =	vpop (erf)  }
0x359: {  	v0 =	vadd.f32 $1.000000000e+00, v0;
	(erf) = vrcp.f32 v4;
	v1 =	vpop (erf)  }
0x35a: {  	v1 =	vadd.f32 $1.000000000e+00, v1;
	(erf) = vrcp.f32 v2  }
0x35b: {  	(erf) = vrcp.f32 v0  }
0x35c: {  	(erf) = vrcp.f32 v1;
	_ =	sdelay $0x1  }
0x35d: {  	v0 =	vpop (erf)  }
0x35e: {  	s28 =	sshra.s32 s26, $0x2;
	[tilespmem:s25+$0x6780] =	vst v0;
	v0 =	vpop (erf)  }
0x35f: {  	v3 =	vld [tilespmem:s28+$0x6780];
	[tilespmem:s25+$0x6790] =	vst v0;
	v0 =	vpop (erf)  }
0x360: {  	v5 =	vld [tilespmem:s28+$0x6790];
	[tilespmem:s25+$0x67A0] =	vst v0;
	v0 =	vpop (erf)  }
.Ltmp10:
0x361: {  	v4 =	vld [tilespmem:s28+$0x67A0];
	[tilespmem:s25+$0x67B0] =	vst v0;
	v0 =	vpop (erf);
	(pc) =	sbr.rel @p1 .LBB2_22-.Ltmp10, $4  }
0x362: {  	v1 =	vld [tilespmem:s28+$0x67B0];
	[tilespmem:s25+$0x67C0] =	vst v0;
	v0 =	vpop (erf)  }
0x363: {  	v2 =	vld [tilespmem:s28+$0x67C0];
	[tilespmem:s25+$0x67D0] =	vst v0;
	v7 =	vpop (erf)  }
0x364: {  	v6 =	vsub.f32 $0.0e+00, v3;
	v0 =	vld [tilespmem:s28+$0x67D0];
	[tilespmem:s25+$0x67E0] =	vst v7;
	v7 =	vpop (erf)  }
0x365: {  	s26 =	sadd.s32 $0x200, s26;
	v5 =	vsub.f32 $0.0e+00, v5;
	v3 =	vld [tilespmem:s28+$0x67E0];
	[tilespmem:s25+$0x67F0] =	vst v7;
	s25 =	smov.u32 s28  }
0x366: {  	v6 =	vmul.f32 $1.442695020e+00, v6  }
0x367: {  	v5 =	vmul.f32 $1.442695020e+00, v5  }
0x368: {  	v4 =	vsub.f32 $0.0e+00, v4;
	(erf) = vpow2.f32 v6  }
0x369: {  	v1 =	vsub.f32 $0.0e+00, v1;
	(erf) = vpow2.f32 v5  }
0x36a: {  	v7 =	vld [tilespmem:s25+$0x67F0];
	v4 =	vmul.f32 $1.442695020e+00, v4;
	v2 =	vsub.f32 $0.0e+00, v2  }
0x36b: {  	v1 =	vmul.f32 $1.442695020e+00, v1;
	v0 =	vsub.f32 $0.0e+00, v0  }
0x36c: {  	v2 =	vmul.f32 $1.442695020e+00, v2;
	v3 =	vsub.f32 $0.0e+00, v3;
	(erf) = vpow2.f32 v4  }
0x36d: {  	v0 =	vmul.f32 $1.442695020e+00, v0;
	(erf) = vpow2.f32 v1  }
0x36e: {  	v1 =	vmul.f32 $1.442695020e+00, v3;
	(erf) = vpow2.f32 v2  }
0x36f: {  	v4 =	vsub.f32 $0.0e+00, v7;
	_ =	sdelay $0x1  }
0x370: {  	v2 =	vmul.f32 $1.442695020e+00, v4;
	(erf) = vpow2.f32 v0;
	v0 =	vpop (erf)  }
0x371: {  	(erf) = vpow2.f32 v1;
	v0 =	vadd.f32 $1.000000000e+00, v0;
	v1 =	vpop (erf)  }
0x372: {  	(erf) = vpow2.f32 v2;
	v1 =	vadd.f32 $1.000000000e+00, v1;
	_ =	sdelay $0x1  }
0x373: {  	v2 =	vpop (erf)  }
0x374: {  	v2 =	vadd.f32 $1.000000000e+00, v2;
	(erf) = vrcp.f32 v0;
	v0 =	vpop (erf)  }
0x375: {  	(erf) = vrcp.f32 v1;
	v0 =	vadd.f32 $1.000000000e+00, v0;
	v1 =	vpop (erf)  }
0x376: {  	v1 =	vadd.f32 $1.000000000e+00, v1;
	_ =	sdelay $0x1  }
0x377: {  	(erf) = vrcp.f32 v2;
	v2 =	vpop (erf)  }
0x378: {  	v2 =	vadd.f32 $1.000000000e+00, v2;
	(erf) = vrcp.f32 v0;
	v0 =	vpop (erf)  }
0x379: {  	(erf) = vrcp.f32 v1;
	v0 =	vadd.f32 $1.000000000e+00, v0;
	v1 =	vpop (erf)  }
0x37a: {  	(erf) = vrcp.f32 v2;
	v1 =	vadd.f32 $1.000000000e+00, v1  }
0x37b: {  	(erf) = vrcp.f32 v0  }
0x37c: {  	(erf) = vrcp.f32 v1;
	_ =	sdelay $0x1  }
0x37d: {  	v0 =	vpop (erf)  }
0x37e: {  	[tilespmem:s25+$0x6780] =	vst v0;
	v0 =	vpop (erf)  }
0x37f: {  	[tilespmem:s25+$0x6790] =	vst v0;
	v0 =	vpop (erf)  }
0x380: {  	[tilespmem:s25+$0x67A0] =	vst v0;
	v0 =	vpop (erf)  }
0x381: {  	[tilespmem:s25+$0x67B0] =	vst v0;
	v0 =	vpop (erf)  }
0x382: {  	[tilespmem:s25+$0x67C0] =	vst v0;
	v0 =	vpop (erf)  }
0x383: {  	[tilespmem:s25+$0x67D0] =	vst v0;
	v0 =	vpop (erf)  }
0x384: {  	[tilespmem:s25+$0x67E0] =	vst v0;
	v0 =	vpop (erf)  }
0x385: {  	[tilespmem:s25+$0x67F0] =	vst v0  }
0x386: {  	[spmem:s0] =	stream.linear.scatter [tilespmem:s14], [sflag:$0x3], $0x1400, $0x38;
	[tilespmem:$0x1E000] =	vst v63  }
0x387: {  	_ =	swait.ge [sflag:s17], $0x1400  }
0x388: {  	[sflag:s17] =	ssyncset.done $0x0  }
0x389: {  	s29 =	simm.s32 $0x0;
	s26 =	rddreg [dreg:$0x13];
	[sflag:s17] =	ssyncadd.s32 $0xFFFFEC00  }
0x38a: {  	[tilespmem:s13], [sflag:$0x2] =	stream.linear.gather [hbm4b:s26+s29], $0x1400, $0x38;
	[tilespmem:$0x1E000] =	vst v63  }
0x38b: {  	_ =	swait.ge [sflag:s22], $0x1400  }
0x38c: {  	[sflag:s22] =	ssyncset.done $0x0  }
0x38d: {  	s25 =	simm.s32 $0x0;
	[sflag:s22] =	ssyncadd.s32 $0xFFFFEC00  }
0x38e: {  	v3 =	vld [tilespmem:s25+$0x8780]  }
0x38f: {  	v5 =	vld [tilespmem:s25+$0x8790]  }
0x390: {  	v4 =	vld [tilespmem:s25+$0x87A0]  }
0x391: {  	v1 =	vld [tilespmem:s25+$0x87B0]  }
0x392: {  	v2 =	vld [tilespmem:s25+$0x87C0]  }
0x393: {  	v0 =	vld [tilespmem:s25+$0x87D0];
	v6 =	vsub.f32 $0.0e+00, v3  }
0x394: {  	s26 =	simm.s32 $0x200;
	v5 =	vsub.f32 $0.0e+00, v5;
	v3 =	vld [tilespmem:s25+$0x87E0]  }
.LBB2_24:
0x395: {  	p1 =	sne.s32 s26, $0x4E00;
	v6 =	vmul.f32 $1.442695020e+00, v6;
	v4 =	vsub.f32 $0.0e+00, v4;
	v7 =	vld [tilespmem:s25+$0x87F0]  }
0x396: {  	v5 =	vmul.f32 $1.442695020e+00, v5;
	v1 =	vsub.f32 $0.0e+00, v1  }
0x397: {  	v4 =	vmul.f32 $1.442695020e+00, v4;
	v2 =	vsub.f32 $0.0e+00, v2;
	(erf) = vpow2.f32 v6  }
0x398: {  	v1 =	vmul.f32 $1.442695020e+00, v1;
	v0 =	vsub.f32 $0.0e+00, v0;
	(erf) = vpow2.f32 v5  }
0x399: {  	v2 =	vmul.f32 $1.442695020e+00, v2;
	v3 =	vsub.f32 $0.0e+00, v3;
	(erf) = vpow2.f32 v4  }
0x39a: {  	v0 =	vmul.f32 $1.442695020e+00, v0;
	v4 =	vsub.f32 $0.0e+00, v7;
	(erf) = vpow2.f32 v1  }
0x39b: {  	v1 =	vmul.f32 $1.442695020e+00, v3;
	(erf) = vpow2.f32 v2  }
0x39c: {  	v2 =	vmul.f32 $1.442695020e+00, v4;
	(erf) = vpow2.f32 v0  }
0x39d: {  	(erf) = vpow2.f32 v1  }
0x39e: {  	(erf) = vpow2.f32 v2;
	_ =	sdelay $0x1  }
0x39f: {  	v0 =	vpop (erf)  }
0x3a0: {  	v3 =	vadd.f32 $1.000000000e+00, v0;
	v1 =	vpop (erf)  }
0x3a1: {  	v4 =	vadd.f32 $1.000000000e+00, v1;
	v2 =	vpop (erf)  }
0x3a2: {  	v5 =	vadd.f32 $1.000000000e+00, v2;
	(erf) = vrcp.f32 v3;
	v0 =	vpop (erf)  }
0x3a3: {  	v3 =	vadd.f32 $1.000000000e+00, v0;
	(erf) = vrcp.f32 v4;
	v1 =	vpop (erf)  }
0x3a4: {  	v4 =	vadd.f32 $1.000000000e+00, v1;
	(erf) = vrcp.f32 v5;
	v2 =	vpop (erf)  }
0x3a5: {  	v2 =	vadd.f32 $1.000000000e+00, v2;
	(erf) = vrcp.f32 v3;
	v0 =	vpop (erf)  }
0x3a6: {  	v0 =	vadd.f32 $1.000000000e+00, v0;
	(erf) = vrcp.f32 v4;
	v1 =	vpop (erf)  }
0x3a7: {  	v1 =	vadd.f32 $1.000000000e+00, v1;
	(erf) = vrcp.f32 v2  }
0x3a8: {  	(erf) = vrcp.f32 v0  }
0x3a9: {  	(erf) = vrcp.f32 v1;
	_ =	sdelay $0x1  }
0x3aa: {  	v0 =	vpop (erf)  }
0x3ab: {  	s28 =	sshra.s32 s26, $0x2;
	[tilespmem:s25+$0x8780] =	vst v0;
	v0 =	vpop (erf)  }
0x3ac: {  	v3 =	vld [tilespmem:s28+$0x8780];
	[tilespmem:s25+$0x8790] =	vst v0;
	v0 =	vpop (erf)  }
0x3ad: {  	v5 =	vld [tilespmem:s28+$0x8790];
	[tilespmem:s25+$0x87A0] =	vst v0;
	v0 =	vpop (erf)  }
.Ltmp11:
0x3ae: {  	v4 =	vld [tilespmem:s28+$0x87A0];
	[tilespmem:s25+$0x87B0] =	vst v0;
	v0 =	vpop (erf);
	(pc) =	sbr.rel @p1 .LBB2_24-.Ltmp11, $4  }
0x3af: {  	v1 =	vld [tilespmem:s28+$0x87B0];
	[tilespmem:s25+$0x87C0] =	vst v0;
	v0 =	vpop (erf)  }
0x3b0: {  	v2 =	vld [tilespmem:s28+$0x87C0];
	[tilespmem:s25+$0x87D0] =	vst v0;
	v7 =	vpop (erf)  }
0x3b1: {  	v6 =	vsub.f32 $0.0e+00, v3;
	v0 =	vld [tilespmem:s28+$0x87D0];
	[tilespmem:s25+$0x87E0] =	vst v7;
	v7 =	vpop (erf)  }
0x3b2: {  	s26 =	sadd.s32 $0x200, s26;
	v5 =	vsub.f32 $0.0e+00, v5;
	v3 =	vld [tilespmem:s28+$0x87E0];
	[tilespmem:s25+$0x87F0] =	vst v7;
	s25 =	smov.u32 s28  }
0x3b3: {  	v6 =	vmul.f32 $1.442695020e+00, v6  }
0x3b4: {  	v5 =	vmul.f32 $1.442695020e+00, v5  }
0x3b5: {  	v4 =	vsub.f32 $0.0e+00, v4;
	(erf) = vpow2.f32 v6  }
0x3b6: {  	v1 =	vsub.f32 $0.0e+00, v1;
	(erf) = vpow2.f32 v5  }
0x3b7: {  	v7 =	vld [tilespmem:s25+$0x87F0];
	v4 =	vmul.f32 $1.442695020e+00, v4;
	v2 =	vsub.f32 $0.0e+00, v2  }
0x3b8: {  	v1 =	vmul.f32 $1.442695020e+00, v1;
	v0 =	vsub.f32 $0.0e+00, v0  }
0x3b9: {  	v2 =	vmul.f32 $1.442695020e+00, v2;
	v3 =	vsub.f32 $0.0e+00, v3;
	(erf) = vpow2.f32 v4  }
0x3ba: {  	v0 =	vmul.f32 $1.442695020e+00, v0;
	(erf) = vpow2.f32 v1  }
0x3bb: {  	v1 =	vmul.f32 $1.442695020e+00, v3;
	(erf) = vpow2.f32 v2  }
0x3bc: {  	v4 =	vsub.f32 $0.0e+00, v7;
	_ =	sdelay $0x1  }
0x3bd: {  	v2 =	vmul.f32 $1.442695020e+00, v4;
	(erf) = vpow2.f32 v0;
	v0 =	vpop (erf)  }
0x3be: {  	(erf) = vpow2.f32 v1;
	v0 =	vadd.f32 $1.000000000e+00, v0;
	v1 =	vpop (erf)  }
0x3bf: {  	(erf) = vpow2.f32 v2;
	v1 =	vadd.f32 $1.000000000e+00, v1;
	_ =	sdelay $0x1  }
0x3c0: {  	v2 =	vpop (erf)  }
0x3c1: {  	v2 =	vadd.f32 $1.000000000e+00, v2;
	(erf) = vrcp.f32 v0;
	v0 =	vpop (erf)  }
0x3c2: {  	(erf) = vrcp.f32 v1;
	v0 =	vadd.f32 $1.000000000e+00, v0;
	v1 =	vpop (erf)  }
0x3c3: {  	v1 =	vadd.f32 $1.000000000e+00, v1;
	_ =	sdelay $0x1  }
0x3c4: {  	(erf) = vrcp.f32 v2;
	v2 =	vpop (erf)  }
0x3c5: {  	v2 =	vadd.f32 $1.000000000e+00, v2;
	(erf) = vrcp.f32 v0;
	v0 =	vpop (erf)  }
0x3c6: {  	(erf) = vrcp.f32 v1;
	v0 =	vadd.f32 $1.000000000e+00, v0;
	v1 =	vpop (erf)  }
0x3c7: {  	(erf) = vrcp.f32 v2;
	v1 =	vadd.f32 $1.000000000e+00, v1  }
0x3c8: {  	(erf) = vrcp.f32 v0  }
0x3c9: {  	(erf) = vrcp.f32 v1;
	_ =	sdelay $0x1  }
0x3ca: {  	v0 =	vpop (erf)  }
0x3cb: {  	[tilespmem:s25+$0x8780] =	vst v0;
	v0 =	vpop (erf)  }
0x3cc: {  	[tilespmem:s25+$0x8790] =	vst v0;
	v0 =	vpop (erf)  }
0x3cd: {  	[tilespmem:s25+$0x87A0] =	vst v0;
	v0 =	vpop (erf)  }
0x3ce: {  	[tilespmem:s25+$0x87B0] =	vst v0;
	v0 =	vpop (erf)  }
0x3cf: {  	[tilespmem:s25+$0x87C0] =	vst v0;
	v0 =	vpop (erf)  }
0x3d0: {  	[tilespmem:s25+$0x87D0] =	vst v0;
	v0 =	vpop (erf)  }
0x3d1: {  	[tilespmem:s25+$0x87E0] =	vst v0;
	v0 =	vpop (erf)  }
0x3d2: {  	[tilespmem:s25+$0x87F0] =	vst v0  }
0x3d3: {  	[spmem:s18] =	stream.linear.scatter [tilespmem:s16], [sflag:$0x4], $0x1400, $0x38;
	[tilespmem:$0x1E000] =	vst v63  }
0x3d4: {  	_ =	swait.ge [sflag:s19], $0x1400  }
0x3d5: {  	[sflag:s19] =	ssyncset.done $0x0  }
0x3d6: {  	s29 =	simm.s32 $0x0;
	s26 =	rddreg [dreg:$0x14];
	[sflag:s19] =	ssyncadd.s32 $0xFFFFEC00  }
0x3d7: {  	[tilespmem:s14], [sflag:$0x3] =	stream.linear.gather [hbm4b:s26+s29], $0x1400, $0x38;
	[tilespmem:$0x1E000] =	vst v63  }
0x3d8: {  	_ =	swait.ge [sflag:s15], $0x1400  }
0x3d9: {  	[sflag:s15] =	ssyncset.done $0x0  }
0x3da: {  	s25 =	simm.s32 $0x0;
	[sflag:s15] =	ssyncadd.s32 $0xFFFFEC00  }
0x3db: {  	v3 =	vld [tilespmem:s25+$0x2780]  }
0x3dc: {  	v5 =	vld [tilespmem:s25+$0x2790]  }
0x3dd: {  	v4 =	vld [tilespmem:s25+$0x27A0]  }
0x3de: {  	v1 =	vld [tilespmem:s25+$0x27B0]  }
0x3df: {  	v2 =	vld [tilespmem:s25+$0x27C0]  }
0x3e0: {  	v0 =	vld [tilespmem:s25+$0x27D0];
	v6 =	vsub.f32 $0.0e+00, v3  }
0x3e1: {  	s26 =	simm.s32 $0x200;
	v5 =	vsub.f32 $0.0e+00, v5;
	v3 =	vld [tilespmem:s25+$0x27E0]  }
.LBB2_26:
0x3e2: {  	p1 =	sne.s32 s26, $0x4E00;
	v6 =	vmul.f32 $1.442695020e+00, v6;
	v4 =	vsub.f32 $0.0e+00, v4;
	v7 =	vld [tilespmem:s25+$0x27F0]  }
0x3e3: {  	v5 =	vmul.f32 $1.442695020e+00, v5;
	v1 =	vsub.f32 $0.0e+00, v1  }
0x3e4: {  	v4 =	vmul.f32 $1.442695020e+00, v4;
	v2 =	vsub.f32 $0.0e+00, v2;
	(erf) = vpow2.f32 v6  }
0x3e5: {  	v1 =	vmul.f32 $1.442695020e+00, v1;
	v0 =	vsub.f32 $0.0e+00, v0;
	(erf) = vpow2.f32 v5  }
0x3e6: {  	v2 =	vmul.f32 $1.442695020e+00, v2;
	v3 =	vsub.f32 $0.0e+00, v3;
	(erf) = vpow2.f32 v4  }
0x3e7: {  	v0 =	vmul.f32 $1.442695020e+00, v0;
	v4 =	vsub.f32 $0.0e+00, v7;
	(erf) = vpow2.f32 v1  }
0x3e8: {  	v1 =	vmul.f32 $1.442695020e+00, v3;
	(erf) = vpow2.f32 v2  }
0x3e9: {  	v2 =	vmul.f32 $1.442695020e+00, v4;
	(erf) = vpow2.f32 v0  }
0x3ea: {  	(erf) = vpow2.f32 v1  }
0x3eb: {  	(erf) = vpow2.f32 v2;
	_ =	sdelay $0x1  }
0x3ec: {  	v0 =	vpop (erf)  }
0x3ed: {  	v3 =	vadd.f32 $1.000000000e+00, v0;
	v1 =	vpop (erf)  }
0x3ee: {  	v4 =	vadd.f32 $1.000000000e+00, v1;
	v2 =	vpop (erf)  }
0x3ef: {  	v5 =	vadd.f32 $1.000000000e+00, v2;
	(erf) = vrcp.f32 v3;
	v0 =	vpop (erf)  }
0x3f0: {  	v3 =	vadd.f32 $1.000000000e+00, v0;
	(erf) = vrcp.f32 v4;
	v1 =	vpop (erf)  }
0x3f1: {  	v4 =	vadd.f32 $1.000000000e+00, v1;
	(erf) = vrcp.f32 v5;
	v2 =	vpop (erf)  }
0x3f2: {  	v2 =	vadd.f32 $1.000000000e+00, v2;
	(erf) = vrcp.f32 v3;
	v0 =	vpop (erf)  }
0x3f3: {  	v0 =	vadd.f32 $1.000000000e+00, v0;
	(erf) = vrcp.f32 v4;
	v1 =	vpop (erf)  }
0x3f4: {  	v1 =	vadd.f32 $1.000000000e+00, v1;
	(erf) = vrcp.f32 v2  }
0x3f5: {  	(erf) = vrcp.f32 v0  }
0x3f6: {  	(erf) = vrcp.f32 v1;
	_ =	sdelay $0x1  }
0x3f7: {  	v0 =	vpop (erf)  }
0x3f8: {  	s28 =	sshra.s32 s26, $0x2;
	[tilespmem:s25+$0x2780] =	vst v0;
	v0 =	vpop (erf)  }
0x3f9: {  	v3 =	vld [tilespmem:s28+$0x2780];
	[tilespmem:s25+$0x2790] =	vst v0;
	v0 =	vpop (erf)  }
0x3fa: {  	v5 =	vld [tilespmem:s28+$0x2790];
	[tilespmem:s25+$0x27A0] =	vst v0;
	v0 =	vpop (erf)  }
.Ltmp12:
0x3fb: {  	v4 =	vld [tilespmem:s28+$0x27A0];
	[tilespmem:s25+$0x27B0] =	vst v0;
	v0 =	vpop (erf);
	(pc) =	sbr.rel @p1 .LBB2_26-.Ltmp12, $4  }
0x3fc: {  	v1 =	vld [tilespmem:s28+$0x27B0];
	[tilespmem:s25+$0x27C0] =	vst v0;
	v0 =	vpop (erf)  }
0x3fd: {  	v2 =	vld [tilespmem:s28+$0x27C0];
	[tilespmem:s25+$0x27D0] =	vst v0;
	v7 =	vpop (erf)  }
0x3fe: {  	v6 =	vsub.f32 $0.0e+00, v3;
	v0 =	vld [tilespmem:s28+$0x27D0];
	[tilespmem:s25+$0x27E0] =	vst v7;
	v7 =	vpop (erf)  }
0x3ff: {  	s26 =	sadd.s32 $0x200, s26;
	v5 =	vsub.f32 $0.0e+00, v5;
	v3 =	vld [tilespmem:s28+$0x27E0];
	[tilespmem:s25+$0x27F0] =	vst v7;
	s25 =	smov.u32 s28  }
0x400: {  	v6 =	vmul.f32 $1.442695020e+00, v6  }
0x401: {  	v5 =	vmul.f32 $1.442695020e+00, v5  }
0x402: {  	v4 =	vsub.f32 $0.0e+00, v4;
	(erf) = vpow2.f32 v6  }
0x403: {  	v1 =	vsub.f32 $0.0e+00, v1;
	(erf) = vpow2.f32 v5  }
0x404: {  	v7 =	vld [tilespmem:s25+$0x27F0];
	v4 =	vmul.f32 $1.442695020e+00, v4;
	v2 =	vsub.f32 $0.0e+00, v2  }
0x405: {  	v1 =	vmul.f32 $1.442695020e+00, v1;
	v0 =	vsub.f32 $0.0e+00, v0  }
0x406: {  	v2 =	vmul.f32 $1.442695020e+00, v2;
	v3 =	vsub.f32 $0.0e+00, v3;
	(erf) = vpow2.f32 v4  }
0x407: {  	v0 =	vmul.f32 $1.442695020e+00, v0;
	(erf) = vpow2.f32 v1  }
0x408: {  	v1 =	vmul.f32 $1.442695020e+00, v3;
	(erf) = vpow2.f32 v2  }
0x409: {  	v4 =	vsub.f32 $0.0e+00, v7;
	_ =	sdelay $0x1  }
0x40a: {  	v2 =	vmul.f32 $1.442695020e+00, v4;
	(erf) = vpow2.f32 v0;
	v0 =	vpop (erf)  }
0x40b: {  	(erf) = vpow2.f32 v1;
	v0 =	vadd.f32 $1.000000000e+00, v0;
	v1 =	vpop (erf)  }
0x40c: {  	(erf) = vpow2.f32 v2;
	v1 =	vadd.f32 $1.000000000e+00, v1;
	_ =	sdelay $0x1  }
0x40d: {  	v2 =	vpop (erf)  }
0x40e: {  	v2 =	vadd.f32 $1.000000000e+00, v2;
	(erf) = vrcp.f32 v0;
	v0 =	vpop (erf)  }
0x40f: {  	(erf) = vrcp.f32 v1;
	v0 =	vadd.f32 $1.000000000e+00, v0;
	v1 =	vpop (erf)  }
0x410: {  	v1 =	vadd.f32 $1.000000000e+00, v1;
	_ =	sdelay $0x1  }
0x411: {  	(erf) = vrcp.f32 v2;
	v2 =	vpop (erf)  }
0x412: {  	v2 =	vadd.f32 $1.000000000e+00, v2;
	(erf) = vrcp.f32 v0;
	v0 =	vpop (erf)  }
0x413: {  	(erf) = vrcp.f32 v1;
	v0 =	vadd.f32 $1.000000000e+00, v0;
	v1 =	vpop (erf)  }
0x414: {  	(erf) = vrcp.f32 v2;
	v1 =	vadd.f32 $1.000000000e+00, v1  }
0x415: {  	(erf) = vrcp.f32 v0  }
0x416: {  	(erf) = vrcp.f32 v1;
	_ =	sdelay $0x1  }
0x417: {  	v0 =	vpop (erf)  }
0x418: {  	[tilespmem:s25+$0x2780] =	vst v0;
	v0 =	vpop (erf)  }
0x419: {  	[tilespmem:s25+$0x2790] =	vst v0;
	v0 =	vpop (erf)  }
0x41a: {  	[tilespmem:s25+$0x27A0] =	vst v0;
	v0 =	vpop (erf)  }
0x41b: {  	[tilespmem:s25+$0x27B0] =	vst v0;
	v0 =	vpop (erf)  }
0x41c: {  	[tilespmem:s25+$0x27C0] =	vst v0;
	v0 =	vpop (erf)  }
0x41d: {  	[tilespmem:s25+$0x27D0] =	vst v0;
	v0 =	vpop (erf)  }
0x41e: {  	[tilespmem:s25+$0x27E0] =	vst v0;
	v0 =	vpop (erf)  }
0x41f: {  	[tilespmem:s25+$0x27F0] =	vst v0  }
0x420: {  	[spmem:s2] =	stream.linear.scatter [tilespmem:s12], [sflag:$0x1], $0x1400, $0x38;
	[tilespmem:$0x1E000] =	vst v63  }
0x421: {  	_ =	swait.ge [sflag:s17], $0x1400  }
0x422: {  	[sflag:s17] =	ssyncset.done $0x0  }
0x423: {  	s25 =	simm.s32 $0x0;
	[sflag:s17] =	ssyncadd.s32 $0xFFFFEC00  }
0x424: {  	v3 =	vld [tilespmem:s25+$0x4780]  }
0x425: {  	v5 =	vld [tilespmem:s25+$0x4790]  }
0x426: {  	v4 =	vld [tilespmem:s25+$0x47A0]  }
0x427: {  	v1 =	vld [tilespmem:s25+$0x47B0]  }
0x428: {  	v2 =	vld [tilespmem:s25+$0x47C0]  }
0x429: {  	v0 =	vld [tilespmem:s25+$0x47D0];
	v6 =	vsub.f32 $0.0e+00, v3  }
0x42a: {  	s26 =	simm.s32 $0x200;
	v5 =	vsub.f32 $0.0e+00, v5;
	v3 =	vld [tilespmem:s25+$0x47E0]  }
.LBB2_28:
0x42b: {  	p1 =	sne.s32 s26, $0x4E00;
	v6 =	vmul.f32 $1.442695020e+00, v6;
	v4 =	vsub.f32 $0.0e+00, v4;
	v7 =	vld [tilespmem:s25+$0x47F0]  }
0x42c: {  	v5 =	vmul.f32 $1.442695020e+00, v5;
	v1 =	vsub.f32 $0.0e+00, v1  }
0x42d: {  	v4 =	vmul.f32 $1.442695020e+00, v4;
	v2 =	vsub.f32 $0.0e+00, v2;
	(erf) = vpow2.f32 v6  }
0x42e: {  	v1 =	vmul.f32 $1.442695020e+00, v1;
	v0 =	vsub.f32 $0.0e+00, v0;
	(erf) = vpow2.f32 v5  }
0x42f: {  	v2 =	vmul.f32 $1.442695020e+00, v2;
	v3 =	vsub.f32 $0.0e+00, v3;
	(erf) = vpow2.f32 v4  }
0x430: {  	v0 =	vmul.f32 $1.442695020e+00, v0;
	v4 =	vsub.f32 $0.0e+00, v7;
	(erf) = vpow2.f32 v1  }
0x431: {  	v1 =	vmul.f32 $1.442695020e+00, v3;
	(erf) = vpow2.f32 v2  }
0x432: {  	v2 =	vmul.f32 $1.442695020e+00, v4;
	(erf) = vpow2.f32 v0  }
0x433: {  	(erf) = vpow2.f32 v1  }
0x434: {  	(erf) = vpow2.f32 v2;
	_ =	sdelay $0x1  }
0x435: {  	v0 =	vpop (erf)  }
0x436: {  	v3 =	vadd.f32 $1.000000000e+00, v0;
	v1 =	vpop (erf)  }
0x437: {  	v4 =	vadd.f32 $1.000000000e+00, v1;
	v2 =	vpop (erf)  }
0x438: {  	v5 =	vadd.f32 $1.000000000e+00, v2;
	(erf) = vrcp.f32 v3;
	v0 =	vpop (erf)  }
0x439: {  	v3 =	vadd.f32 $1.000000000e+00, v0;
	(erf) = vrcp.f32 v4;
	v1 =	vpop (erf)  }
0x43a: {  	v4 =	vadd.f32 $1.000000000e+00, v1;
	(erf) = vrcp.f32 v5;
	v2 =	vpop (erf)  }
0x43b: {  	v2 =	vadd.f32 $1.000000000e+00, v2;
	(erf) = vrcp.f32 v3;
	v0 =	vpop (erf)  }
0x43c: {  	v0 =	vadd.f32 $1.000000000e+00, v0;
	(erf) = vrcp.f32 v4;
	v1 =	vpop (erf)  }
0x43d: {  	v1 =	vadd.f32 $1.000000000e+00, v1;
	(erf) = vrcp.f32 v2  }
0x43e: {  	(erf) = vrcp.f32 v0  }
0x43f: {  	(erf) = vrcp.f32 v1;
	_ =	sdelay $0x1  }
0x440: {  	v0 =	vpop (erf)  }
0x441: {  	s28 =	sshra.s32 s26, $0x2;
	[tilespmem:s25+$0x4780] =	vst v0;
	v0 =	vpop (erf)  }
0x442: {  	v3 =	vld [tilespmem:s28+$0x4780];
	[tilespmem:s25+$0x4790] =	vst v0;
	v0 =	vpop (erf)  }
0x443: {  	v5 =	vld [tilespmem:s28+$0x4790];
	[tilespmem:s25+$0x47A0] =	vst v0;
	v0 =	vpop (erf)  }
.Ltmp13:
0x444: {  	v4 =	vld [tilespmem:s28+$0x47A0];
	[tilespmem:s25+$0x47B0] =	vst v0;
	v0 =	vpop (erf);
	(pc) =	sbr.rel @p1 .LBB2_28-.Ltmp13, $4  }
0x445: {  	v1 =	vld [tilespmem:s28+$0x47B0];
	[tilespmem:s25+$0x47C0] =	vst v0;
	v0 =	vpop (erf)  }
0x446: {  	v2 =	vld [tilespmem:s28+$0x47C0];
	[tilespmem:s25+$0x47D0] =	vst v0;
	v7 =	vpop (erf)  }
0x447: {  	v6 =	vsub.f32 $0.0e+00, v3;
	v0 =	vld [tilespmem:s28+$0x47D0];
	[tilespmem:s25+$0x47E0] =	vst v7;
	v7 =	vpop (erf)  }
0x448: {  	s26 =	sadd.s32 $0x200, s26;
	v5 =	vsub.f32 $0.0e+00, v5;
	v3 =	vld [tilespmem:s28+$0x47E0];
	[tilespmem:s25+$0x47F0] =	vst v7;
	s25 =	smov.u32 s28  }
0x449: {  	v6 =	vmul.f32 $1.442695020e+00, v6  }
0x44a: {  	v5 =	vmul.f32 $1.442695020e+00, v5  }
0x44b: {  	v4 =	vsub.f32 $0.0e+00, v4;
	(erf) = vpow2.f32 v6  }
0x44c: {  	v1 =	vsub.f32 $0.0e+00, v1;
	(erf) = vpow2.f32 v5  }
0x44d: {  	v7 =	vld [tilespmem:s25+$0x47F0];
	v4 =	vmul.f32 $1.442695020e+00, v4;
	v2 =	vsub.f32 $0.0e+00, v2  }
0x44e: {  	v1 =	vmul.f32 $1.442695020e+00, v1;
	v0 =	vsub.f32 $0.0e+00, v0  }
0x44f: {  	v2 =	vmul.f32 $1.442695020e+00, v2;
	v3 =	vsub.f32 $0.0e+00, v3;
	(erf) = vpow2.f32 v4  }
0x450: {  	v0 =	vmul.f32 $1.442695020e+00, v0;
	(erf) = vpow2.f32 v1  }
0x451: {  	v1 =	vmul.f32 $1.442695020e+00, v3;
	(erf) = vpow2.f32 v2  }
0x452: {  	v4 =	vsub.f32 $0.0e+00, v7;
	_ =	sdelay $0x1  }
0x453: {  	v2 =	vmul.f32 $1.442695020e+00, v4;
	(erf) = vpow2.f32 v0;
	v0 =	vpop (erf)  }
0x454: {  	(erf) = vpow2.f32 v1;
	v0 =	vadd.f32 $1.000000000e+00, v0;
	v1 =	vpop (erf)  }
0x455: {  	(erf) = vpow2.f32 v2;
	v1 =	vadd.f32 $1.000000000e+00, v1;
	_ =	sdelay $0x1  }
0x456: {  	v2 =	vpop (erf)  }
0x457: {  	v2 =	vadd.f32 $1.000000000e+00, v2;
	(erf) = vrcp.f32 v0;
	v0 =	vpop (erf)  }
0x458: {  	(erf) = vrcp.f32 v1;
	v0 =	vadd.f32 $1.000000000e+00, v0;
	v1 =	vpop (erf)  }
0x459: {  	v1 =	vadd.f32 $1.000000000e+00, v1;
	_ =	sdelay $0x1  }
0x45a: {  	(erf) = vrcp.f32 v2;
	v2 =	vpop (erf)  }
0x45b: {  	v2 =	vadd.f32 $1.000000000e+00, v2;
	(erf) = vrcp.f32 v0;
	v0 =	vpop (erf)  }
0x45c: {  	(erf) = vrcp.f32 v1;
	v0 =	vadd.f32 $1.000000000e+00, v0;
	v1 =	vpop (erf)  }
0x45d: {  	(erf) = vrcp.f32 v2;
	v1 =	vadd.f32 $1.000000000e+00, v1  }
0x45e: {  	(erf) = vrcp.f32 v0  }
0x45f: {  	(erf) = vrcp.f32 v1;
	_ =	sdelay $0x1  }
0x460: {  	v0 =	vpop (erf)  }
0x461: {  	[tilespmem:s25+$0x4780] =	vst v0;
	v0 =	vpop (erf)  }
0x462: {  	[tilespmem:s25+$0x4790] =	vst v0;
	v0 =	vpop (erf)  }
0x463: {  	[tilespmem:s25+$0x47A0] =	vst v0;
	v0 =	vpop (erf)  }
0x464: {  	[tilespmem:s25+$0x47B0] =	vst v0;
	v0 =	vpop (erf)  }
0x465: {  	[tilespmem:s25+$0x47C0] =	vst v0;
	v0 =	vpop (erf)  }
0x466: {  	[tilespmem:s25+$0x47D0] =	vst v0;
	v0 =	vpop (erf)  }
0x467: {  	[tilespmem:s25+$0x47E0] =	vst v0;
	v0 =	vpop (erf)  }
0x468: {  	[tilespmem:s25+$0x47F0] =	vst v0  }
0x469: {  	[spmem:s3] =	stream.linear.scatter [tilespmem:s13], [sflag:$0x2], $0x1400, $0x38;
	[tilespmem:$0x1E000] =	vst v63  }
0x46a: {  	_ =	swait.ge [sflag:s19], $0x1400  }
0x46b: {  	[sflag:s19] =	ssyncset.done $0x0  }
0x46c: {  	s25 =	simm.s32 $0x0;
	[sflag:s19] =	ssyncadd.s32 $0xFFFFEC00  }
0x46d: {  	v3 =	vld [tilespmem:s25+$0x6780]  }
0x46e: {  	v5 =	vld [tilespmem:s25+$0x6790]  }
0x46f: {  	v4 =	vld [tilespmem:s25+$0x67A0]  }
0x470: {  	v1 =	vld [tilespmem:s25+$0x67B0]  }
0x471: {  	v2 =	vld [tilespmem:s25+$0x67C0]  }
0x472: {  	v0 =	vld [tilespmem:s25+$0x67D0];
	v6 =	vsub.f32 $0.0e+00, v3  }
0x473: {  	s26 =	simm.s32 $0x200;
	v5 =	vsub.f32 $0.0e+00, v5;
	v3 =	vld [tilespmem:s25+$0x67E0]  }
.LBB2_30:
0x474: {  	p1 =	sne.s32 s26, $0x4E00;
	v6 =	vmul.f32 $1.442695020e+00, v6;
	v4 =	vsub.f32 $0.0e+00, v4;
	v7 =	vld [tilespmem:s25+$0x67F0]  }
0x475: {  	v5 =	vmul.f32 $1.442695020e+00, v5;
	v1 =	vsub.f32 $0.0e+00, v1  }
0x476: {  	v4 =	vmul.f32 $1.442695020e+00, v4;
	v2 =	vsub.f32 $0.0e+00, v2;
	(erf) = vpow2.f32 v6  }
0x477: {  	v1 =	vmul.f32 $1.442695020e+00, v1;
	v0 =	vsub.f32 $0.0e+00, v0;
	(erf) = vpow2.f32 v5  }
0x478: {  	v2 =	vmul.f32 $1.442695020e+00, v2;
	v3 =	vsub.f32 $0.0e+00, v3;
	(erf) = vpow2.f32 v4  }
0x479: {  	v0 =	vmul.f32 $1.442695020e+00, v0;
	v4 =	vsub.f32 $0.0e+00, v7;
	(erf) = vpow2.f32 v1  }
0x47a: {  	v1 =	vmul.f32 $1.442695020e+00, v3;
	(erf) = vpow2.f32 v2  }
0x47b: {  	v2 =	vmul.f32 $1.442695020e+00, v4;
	(erf) = vpow2.f32 v0  }
0x47c: {  	(erf) = vpow2.f32 v1  }
0x47d: {  	(erf) = vpow2.f32 v2;
	_ =	sdelay $0x1  }
0x47e: {  	v0 =	vpop (erf)  }
0x47f: {  	v3 =	vadd.f32 $1.000000000e+00, v0;
	v1 =	vpop (erf)  }
0x480: {  	v4 =	vadd.f32 $1.000000000e+00, v1;
	v2 =	vpop (erf)  }
0x481: {  	v5 =	vadd.f32 $1.000000000e+00, v2;
	(erf) = vrcp.f32 v3;
	v0 =	vpop (erf)  }
0x482: {  	v3 =	vadd.f32 $1.000000000e+00, v0;
	(erf) = vrcp.f32 v4;
	v1 =	vpop (erf)  }
0x483: {  	v4 =	vadd.f32 $1.000000000e+00, v1;
	(erf) = vrcp.f32 v5;
	v2 =	vpop (erf)  }
0x484: {  	v2 =	vadd.f32 $1.000000000e+00, v2;
	(erf) = vrcp.f32 v3;
	v0 =	vpop (erf)  }
0x485: {  	v0 =	vadd.f32 $1.000000000e+00, v0;
	(erf) = vrcp.f32 v4;
	v1 =	vpop (erf)  }
0x486: {  	v1 =	vadd.f32 $1.000000000e+00, v1;
	(erf) = vrcp.f32 v2  }
0x487: {  	(erf) = vrcp.f32 v0  }
0x488: {  	(erf) = vrcp.f32 v1;
	_ =	sdelay $0x1  }
0x489: {  	v0 =	vpop (erf)  }
0x48a: {  	s28 =	sshra.s32 s26, $0x2;
	[tilespmem:s25+$0x6780] =	vst v0;
	v0 =	vpop (erf)  }
0x48b: {  	v3 =	vld [tilespmem:s28+$0x6780];
	[tilespmem:s25+$0x6790] =	vst v0;
	v0 =	vpop (erf)  }
0x48c: {  	v5 =	vld [tilespmem:s28+$0x6790];
	[tilespmem:s25+$0x67A0] =	vst v0;
	v0 =	vpop (erf)  }
.Ltmp14:
0x48d: {  	v4 =	vld [tilespmem:s28+$0x67A0];
	[tilespmem:s25+$0x67B0] =	vst v0;
	v0 =	vpop (erf);
	(pc) =	sbr.rel @p1 .LBB2_30-.Ltmp14, $4  }
0x48e: {  	v1 =	vld [tilespmem:s28+$0x67B0];
	[tilespmem:s25+$0x67C0] =	vst v0;
	v0 =	vpop (erf)  }
0x48f: {  	v2 =	vld [tilespmem:s28+$0x67C0];
	[tilespmem:s25+$0x67D0] =	vst v0;
	v7 =	vpop (erf)  }
0x490: {  	v6 =	vsub.f32 $0.0e+00, v3;
	v0 =	vld [tilespmem:s28+$0x67D0];
	[tilespmem:s25+$0x67E0] =	vst v7;
	v7 =	vpop (erf)  }
0x491: {  	s26 =	sadd.s32 $0x200, s26;
	v5 =	vsub.f32 $0.0e+00, v5;
	v3 =	vld [tilespmem:s28+$0x67E0];
	[tilespmem:s25+$0x67F0] =	vst v7;
	s25 =	smov.u32 s28  }
0x492: {  	v6 =	vmul.f32 $1.442695020e+00, v6;
	v4 =	vsub.f32 $0.0e+00, v4;
	v7 =	vld [tilespmem:s25+$0x67F0]  }
0x493: {  	v5 =	vmul.f32 $1.442695020e+00, v5;
	v1 =	vsub.f32 $0.0e+00, v1  }
0x494: {  	v4 =	vmul.f32 $1.442695020e+00, v4;
	v2 =	vsub.f32 $0.0e+00, v2;
	(erf) = vpow2.f32 v6  }
0x495: {  	v1 =	vmul.f32 $1.442695020e+00, v1;
	v0 =	vsub.f32 $0.0e+00, v0;
	(erf) = vpow2.f32 v5  }
0x496: {  	v2 =	vmul.f32 $1.442695020e+00, v2;
	v3 =	vsub.f32 $0.0e+00, v3;
	(erf) = vpow2.f32 v4  }
0x497: {  	v0 =	vmul.f32 $1.442695020e+00, v0;
	v45 =	vsub.f32 $0.0e+00, v7;
	(erf) = vpow2.f32 v1  }
0x498: {  	v46 =	vmul.f32 $1.442695020e+00, v3;
	(erf) = vpow2.f32 v2  }
0x499: {  	v47 =	vmul.f32 $1.442695020e+00, v45;
	(erf) = vpow2.f32 v0  }
0x49a: {  	(erf) = vpow2.f32 v46  }
0x49b: {  	(erf) = vpow2.f32 v47;
	_ =	sdelay $0x1  }
0x49c: {  	v48 =	vpop (erf)  }
0x49d: {  	v0 =	vadd.f32 $1.000000000e+00, v48;
	v49 =	vpop (erf)  }
0x49e: {  	v1 =	vadd.f32 $1.000000000e+00, v49;
	v50 =	vpop (erf)  }
0x49f: {  	v2 =	vadd.f32 $1.000000000e+00, v50;
	(erf) = vrcp.f32 v0;
	v51 =	vpop (erf)  }
0x4a0: {  	v0 =	vadd.f32 $1.000000000e+00, v51;
	(erf) = vrcp.f32 v1;
	v52 =	vpop (erf)  }
0x4a1: {  	v1 =	vadd.f32 $1.000000000e+00, v52;
	(erf) = vrcp.f32 v2;
	v53 =	vpop (erf)  }
0x4a2: {  	v2 =	vadd.f32 $1.000000000e+00, v53;
	(erf) = vrcp.f32 v0;
	v54 =	vpop (erf)  }
0x4a3: {  	v0 =	vadd.f32 $1.000000000e+00, v54;
	(erf) = vrcp.f32 v1;
	v55 =	vpop (erf)  }
0x4a4: {  	v1 =	vadd.f32 $1.000000000e+00, v55;
	(erf) = vrcp.f32 v2  }
0x4a5: {  	(erf) = vrcp.f32 v0  }
0x4a6: {  	(erf) = vrcp.f32 v1;
	_ =	sdelay $0x1  }
0x4a7: {  	v56 =	vpop (erf)  }
0x4a8: {  	[tilespmem:s25+$0x6780] =	vst v56;
	v57 =	vpop (erf)  }
0x4a9: {  	[tilespmem:s25+$0x6790] =	vst v57;
	v58 =	vpop (erf)  }
0x4aa: {  	[tilespmem:s25+$0x67A0] =	vst v58;
	v59 =	vpop (erf)  }
0x4ab: {  	[tilespmem:s25+$0x67B0] =	vst v59;
	v60 =	vpop (erf)  }
0x4ac: {  	[tilespmem:s25+$0x67C0] =	vst v60;
	v61 =	vpop (erf)  }
0x4ad: {  	[tilespmem:s25+$0x67D0] =	vst v61;
	v62 =	vpop (erf)  }
0x4ae: {  	[tilespmem:s25+$0x67E0] =	vst v62;
	v63 =	vpop (erf)  }
0x4af: {  	[tilespmem:s25+$0x67F0] =	vst v63  }
0x4b0: {  	[spmem:s4] =	stream.linear.scatter [tilespmem:s14], [sflag:$0x3], $0x1400, $0x38;
	[tilespmem:$0x1E000] =	vst v63  }
0x4b1: {  	_ =	swait.ge [sflag:s22], $0x1400  }
0x4b2: {  	[sflag:s22] =	ssyncset.done $0x0  }
0x4b3: {  	[sflag:s22] =	ssyncadd.s32 $0xFFFFEC00  }
0x4b4: {  	_ =	swait.ge [sflag:s15], $0x1400  }
0x4b5: {  	[sflag:s15] =	ssyncset.done $0x0  }
0x4b6: {  	[sflag:s15] =	ssyncadd.s32 $0xFFFFEC00  }
0x4b7: {  	_ =	swait.ge [sflag:s17], $0x1400  }
.Ltmp15:
0x4b8: {  	[sflag:s17] =	ssyncset.done $0x0;
	(pc) =	sbr.rel @p0 .LBB2_35-.Ltmp15, $4  }
0x4b9: {  	[sflag:s17] =	ssyncadd.s32 $0xFFFFEC00  }
0x4ba: {  	_ =	swait.ge [sflag:s19], $0x1400  }
0x4bb: {  	[sflag:s19] =	ssyncset.done $0x0  }
0x4bc: {  	[sflag:s19] =	ssyncadd.s32 $0xFFFFEC00  }
0x4bd: {  	s25 =	simm.s32 $0x0;
	s26 =	rddreg [dreg:$0x15]  }
0x4be: {  	[tilespmem:s12], [sflag:$0x5] =	stream.linear.gather [hbm4b:s26+s25], $0x1400, $0x38;
	[tilespmem:$0x1E000] =	vst v63  }
0x4bf: {  	_ =	swait.ge [sflag:s11], $0x1400  }
0x4c0: {  	[sflag:s11] =	ssyncset.done $0x0  }
0x4c1: {  	s25 =	simm.s32 $0x0;
	[sflag:s11] =	ssyncadd.s32 $0xFFFFEC00  }
0x4c2: {  	v3 =	vld [tilespmem:s25+$0x2780]  }
0x4c3: {  	v5 =	vld [tilespmem:s25+$0x2790]  }
0x4c4: {  	v4 =	vld [tilespmem:s25+$0x27A0]  }
0x4c5: {  	v1 =	vld [tilespmem:s25+$0x27B0]  }
0x4c6: {  	v2 =	vld [tilespmem:s25+$0x27C0]  }
0x4c7: {  	v0 =	vld [tilespmem:s25+$0x27D0];
	v6 =	vsub.f32 $0.0e+00, v3  }
0x4c8: {  	s26 =	simm.s32 $0x200;
	v5 =	vsub.f32 $0.0e+00, v5;
	v3 =	vld [tilespmem:s25+$0x27E0]  }
.LBB2_33:
0x4c9: {  	p1 =	sne.s32 s26, $0x4E00;
	v6 =	vmul.f32 $1.442695020e+00, v6;
	v4 =	vsub.f32 $0.0e+00, v4;
	v7 =	vld [tilespmem:s25+$0x27F0]  }
0x4ca: {  	v5 =	vmul.f32 $1.442695020e+00, v5;
	v1 =	vsub.f32 $0.0e+00, v1  }
0x4cb: {  	v4 =	vmul.f32 $1.442695020e+00, v4;
	v2 =	vsub.f32 $0.0e+00, v2;
	(erf) = vpow2.f32 v6  }
0x4cc: {  	v1 =	vmul.f32 $1.442695020e+00, v1;
	v0 =	vsub.f32 $0.0e+00, v0;
	(erf) = vpow2.f32 v5  }
0x4cd: {  	v2 =	vmul.f32 $1.442695020e+00, v2;
	v3 =	vsub.f32 $0.0e+00, v3;
	(erf) = vpow2.f32 v4  }
0x4ce: {  	v0 =	vmul.f32 $1.442695020e+00, v0;
	v4 =	vsub.f32 $0.0e+00, v7;
	(erf) = vpow2.f32 v1  }
0x4cf: {  	v1 =	vmul.f32 $1.442695020e+00, v3;
	(erf) = vpow2.f32 v2  }
0x4d0: {  	v2 =	vmul.f32 $1.442695020e+00, v4;
	(erf) = vpow2.f32 v0  }
0x4d1: {  	(erf) = vpow2.f32 v1  }
0x4d2: {  	(erf) = vpow2.f32 v2;
	_ =	sdelay $0x1  }
0x4d3: {  	v0 =	vpop (erf)  }
0x4d4: {  	v3 =	vadd.f32 $1.000000000e+00, v0;
	v1 =	vpop (erf)  }
0x4d5: {  	v4 =	vadd.f32 $1.000000000e+00, v1;
	v2 =	vpop (erf)  }
0x4d6: {  	v5 =	vadd.f32 $1.000000000e+00, v2;
	(erf) = vrcp.f32 v3;
	v0 =	vpop (erf)  }
0x4d7: {  	v3 =	vadd.f32 $1.000000000e+00, v0;
	(erf) = vrcp.f32 v4;
	v1 =	vpop (erf)  }
0x4d8: {  	v4 =	vadd.f32 $1.000000000e+00, v1;
	(erf) = vrcp.f32 v5;
	v2 =	vpop (erf)  }
0x4d9: {  	v2 =	vadd.f32 $1.000000000e+00, v2;
	(erf) = vrcp.f32 v3;
	v0 =	vpop (erf)  }
0x4da: {  	v0 =	vadd.f32 $1.000000000e+00, v0;
	(erf) = vrcp.f32 v4;
	v1 =	vpop (erf)  }
0x4db: {  	v1 =	vadd.f32 $1.000000000e+00, v1;
	(erf) = vrcp.f32 v2  }
0x4dc: {  	(erf) = vrcp.f32 v0  }
0x4dd: {  	(erf) = vrcp.f32 v1;
	_ =	sdelay $0x1  }
0x4de: {  	v0 =	vpop (erf)  }
0x4df: {  	s28 =	sshra.s32 s26, $0x2;
	[tilespmem:s25+$0x2780] =	vst v0;
	v0 =	vpop (erf)  }
0x4e0: {  	v3 =	vld [tilespmem:s28+$0x2780];
	[tilespmem:s25+$0x2790] =	vst v0;
	v0 =	vpop (erf)  }
0x4e1: {  	v5 =	vld [tilespmem:s28+$0x2790];
	[tilespmem:s25+$0x27A0] =	vst v0;
	v0 =	vpop (erf)  }
.Ltmp16:
0x4e2: {  	v4 =	vld [tilespmem:s28+$0x27A0];
	[tilespmem:s25+$0x27B0] =	vst v0;
	v0 =	vpop (erf);
	(pc) =	sbr.rel @p1 .LBB2_33-.Ltmp16, $4  }
0x4e3: {  	v1 =	vld [tilespmem:s28+$0x27B0];
	[tilespmem:s25+$0x27C0] =	vst v0;
	v0 =	vpop (erf)  }
0x4e4: {  	v2 =	vld [tilespmem:s28+$0x27C0];
	[tilespmem:s25+$0x27D0] =	vst v0;
	v7 =	vpop (erf)  }
0x4e5: {  	v6 =	vsub.f32 $0.0e+00, v3;
	v0 =	vld [tilespmem:s28+$0x27D0];
	[tilespmem:s25+$0x27E0] =	vst v7;
	v7 =	vpop (erf)  }
0x4e6: {  	s26 =	sadd.s32 $0x200, s26;
	v5 =	vsub.f32 $0.0e+00, v5;
	v3 =	vld [tilespmem:s28+$0x27E0];
	[tilespmem:s25+$0x27F0] =	vst v7;
	s25 =	smov.u32 s28  }
0x4e7: {  	v6 =	vmul.f32 $1.442695020e+00, v6;
	v4 =	vsub.f32 $0.0e+00, v4;
	v7 =	vld [tilespmem:s25+$0x27F0]  }
0x4e8: {  	v5 =	vmul.f32 $1.442695020e+00, v5;
	v1 =	vsub.f32 $0.0e+00, v1  }
0x4e9: {  	v4 =	vmul.f32 $1.442695020e+00, v4;
	v2 =	vsub.f32 $0.0e+00, v2;
	(erf) = vpow2.f32 v6  }
0x4ea: {  	v1 =	vmul.f32 $1.442695020e+00, v1;
	v0 =	vsub.f32 $0.0e+00, v0;
	(erf) = vpow2.f32 v5  }
0x4eb: {  	v2 =	vmul.f32 $1.442695020e+00, v2;
	v3 =	vsub.f32 $0.0e+00, v3;
	(erf) = vpow2.f32 v4  }
0x4ec: {  	v0 =	vmul.f32 $1.442695020e+00, v0;
	v45 =	vsub.f32 $0.0e+00, v7;
	(erf) = vpow2.f32 v1  }
0x4ed: {  	v46 =	vmul.f32 $1.442695020e+00, v3;
	(erf) = vpow2.f32 v2  }
0x4ee: {  	v47 =	vmul.f32 $1.442695020e+00, v45;
	(erf) = vpow2.f32 v0  }
0x4ef: {  	(erf) = vpow2.f32 v46  }
0x4f0: {  	(erf) = vpow2.f32 v47;
	_ =	sdelay $0x1  }
0x4f1: {  	v48 =	vpop (erf)  }
0x4f2: {  	v0 =	vadd.f32 $1.000000000e+00, v48;
	v49 =	vpop (erf)  }
0x4f3: {  	v1 =	vadd.f32 $1.000000000e+00, v49;
	v50 =	vpop (erf)  }
0x4f4: {  	v2 =	vadd.f32 $1.000000000e+00, v50;
	(erf) = vrcp.f32 v0;
	v51 =	vpop (erf)  }
0x4f5: {  	v0 =	vadd.f32 $1.000000000e+00, v51;
	(erf) = vrcp.f32 v1;
	v52 =	vpop (erf)  }
0x4f6: {  	v1 =	vadd.f32 $1.000000000e+00, v52;
	(erf) = vrcp.f32 v2;
	v53 =	vpop (erf)  }
0x4f7: {  	v2 =	vadd.f32 $1.000000000e+00, v53;
	(erf) = vrcp.f32 v0;
	v54 =	vpop (erf)  }
0x4f8: {  	v0 =	vadd.f32 $1.000000000e+00, v54;
	(erf) = vrcp.f32 v1;
	v55 =	vpop (erf)  }
0x4f9: {  	v1 =	vadd.f32 $1.000000000e+00, v55;
	(erf) = vrcp.f32 v2  }
0x4fa: {  	(erf) = vrcp.f32 v0  }
0x4fb: {  	(erf) = vrcp.f32 v1;
	_ =	sdelay $0x1  }
0x4fc: {  	v56 =	vpop (erf)  }
0x4fd: {  	[tilespmem:s25+$0x2780] =	vst v56;
	v57 =	vpop (erf)  }
0x4fe: {  	[tilespmem:s25+$0x2790] =	vst v57;
	v58 =	vpop (erf)  }
0x4ff: {  	[tilespmem:s25+$0x27A0] =	vst v58;
	v59 =	vpop (erf)  }
0x500: {  	[tilespmem:s25+$0x27B0] =	vst v59;
	v60 =	vpop (erf)  }
0x501: {  	[tilespmem:s25+$0x27C0] =	vst v60;
	v61 =	vpop (erf)  }
0x502: {  	[tilespmem:s25+$0x27D0] =	vst v61;
	v62 =	vpop (erf)  }
0x503: {  	[tilespmem:s25+$0x27E0] =	vst v62;
	v63 =	vpop (erf)  }
0x504: {  	s29 =	rddreg [dreg:$0x1e];
	[tilespmem:s25+$0x27F0] =	vst v63  }
0x505: {  	[spmem:s29] =	stream.linear.scatter [tilespmem:s12], [sflag:$0x5], $0x1400, $0x38;
	[tilespmem:$0x1E000] =	vst v63  }
0x506: {  	_ =	swait.ge [sflag:s11], $0x1400  }
0x507: {  	[sflag:s11] =	ssyncset.done $0x0  }
0x508: {  	[sflag:s11] =	ssyncadd.s32 $0xFFFFEC00  }
.LBB2_35:
0x509: {  	[bflag:$0x0] =	sbarrier.arrive $0xFFFF;
	s25 =	simm.s32 $0x0  }
0x50a: {  	[tilespmem:s12], [sflag:$0x1] =	stream.indirect.gather [spmem:s21], $0x80, s25, s23, $0xb8;
	[tilespmem:$0x1E000] =	vst v63  }
0x50b: {  	_ = 	snop  }
0x50c: {  	[tilespmem:s13], [sflag:$0x2] =	stream.indirect.gather [spmem:s21], $0x80, s23, s23, $0xb8;
	[tilespmem:$0x1E000] =	vst v63  }
0x50d: {  	s26 =	simm.s32 $0x80  }
0x50e: {  	[tilespmem:s14], [sflag:$0x3] =	stream.indirect.gather [spmem:s21], $0x80, s26, s23, $0xb8;
	[tilespmem:$0x1E000] =	vst v63  }
0x50f: {  	_ =	swait.ge [sflag:s15], $0x2000  }
0x510: {  	[sflag:s15] =	ssyncset.done $0x0  }
0x511: {  	s29 =	rddreg [dreg:$0x16];
	[sflag:s15] =	ssyncadd.s32 $0xFFFFE000  }
0x512: {  	[hbm4b:s29+s25] =	stream.linear.scatter [tilespmem:s12], [sflag:$0x1], $0x2000, $0x38;
	[tilespmem:$0x1E000] =	vst v63  }
0x513: {  	s29 =	simm.s32 $0xC0  }
0x514: {  	[tilespmem:s16], [sflag:$0x4] =	stream.indirect.gather [spmem:s21], $0x80, s29, s23, $0xb8;
	[tilespmem:$0x1E000] =	vst v63  }
0x515: {  	_ =	swait.ge [sflag:s17], $0x2000  }
0x516: {  	[sflag:s17] =	ssyncset.done $0x0  }
0x517: {  	s26 =	sadd.s32 $0xFFFFFC00, s10;
	[sflag:s17] =	ssyncadd.s32 $0xFFFFE000  }
0x518: {  	[hbm4b:s26+s1] =	stream.linear.scatter [tilespmem:s13], [sflag:$0x2], $0x2000, $0x38;
	[tilespmem:$0x1E000] =	vst v63  }
0x519: {  	_ =	swait.ge [sflag:s15], $0x2000  }
0x51a: {  	[sflag:s15] =	ssyncset.done $0x0  }
0x51b: {  	s29 =	simm.s32 $0x100;
	[sflag:s15] =	ssyncadd.s32 $0xFFFFE000  }
0x51c: {  	[tilespmem:s12], [sflag:$0x1] =	stream.indirect.gather [spmem:s21], $0x80, s29, s23, $0xb8;
	[tilespmem:$0x1E000] =	vst v63  }
0x51d: {  	_ =	swait.ge [sflag:s19], $0x2000  }
0x51e: {  	[sflag:s19] =	ssyncset.done $0x0  }
0x51f: {  	[sflag:s19] =	ssyncadd.s32 $0xFFFFE000  }
0x520: {  	[hbm4b:s10+s1] =	stream.linear.scatter [tilespmem:s14], [sflag:$0x3], $0x2000, $0x38;
	[tilespmem:$0x1E000] =	vst v63  }
0x521: {  	_ =	swait.ge [sflag:s17], $0x2000  }
0x522: {  	[sflag:s17] =	ssyncset.done $0x0  }
0x523: {  	s26 =	simm.s32 $0x140;
	[sflag:s17] =	ssyncadd.s32 $0xFFFFE000  }
0x524: {  	[tilespmem:s13], [sflag:$0x2] =	stream.indirect.gather [spmem:s21], $0x80, s26, s23, $0xb8;
	[tilespmem:$0x1E000] =	vst v63  }
0x525: {  	_ =	swait.ge [sflag:s22], $0x2000  }
0x526: {  	[sflag:s22] =	ssyncset.done $0x0  }
0x527: {  	s29 =	sadd.s32 $0x400, s10;
	[sflag:s22] =	ssyncadd.s32 $0xFFFFE000  }
0x528: {  	[hbm4b:s29+s1] =	stream.linear.scatter [tilespmem:s16], [sflag:$0x4], $0x2000, $0x38;
	[tilespmem:$0x1E000] =	vst v63  }
0x529: {  	_ =	swait.ge [sflag:s19], $0x2000  }
0x52a: {  	[sflag:s19] =	ssyncset.done $0x0  }
0x52b: {  	s26 =	simm.s32 $0x180;
	[sflag:s19] =	ssyncadd.s32 $0xFFFFE000  }
0x52c: {  	[tilespmem:s14], [sflag:$0x3] =	stream.indirect.gather [spmem:s21], $0x80, s26, s23, $0xb8;
	[tilespmem:$0x1E000] =	vst v63  }
0x52d: {  	_ =	swait.ge [sflag:s15], $0x2000  }
0x52e: {  	[sflag:s15] =	ssyncset.done $0x0  }
0x52f: {  	s29 =	sadd.s32 $0x800, s10;
	[sflag:s15] =	ssyncadd.s32 $0xFFFFE000  }
0x530: {  	[hbm4b:s29+s1] =	stream.linear.scatter [tilespmem:s12], [sflag:$0x1], $0x2000, $0x38;
	[tilespmem:$0x1E000] =	vst v63  }
0x531: {  	_ =	swait.ge [sflag:s22], $0x2000  }
0x532: {  	s28 =	simm.s32 $0x1C0;
	[sflag:s22] =	ssyncset.done $0x0  }
0x533: {  	s25 =	simm.s32 $0x400;
	s26 =	sadd.s32 $0x1000, s10;
	[sflag:s22] =	ssyncadd.s32 $0xFFFFE000  }
.LBB2_36:
0x534: {  	[tilespmem:s16], [sflag:$0x4] =	stream.indirect.gather [spmem:s21], $0x80, s28, s23, $0xb8;
	[tilespmem:$0x1E000] =	vst v63  }
0x535: {  	s28 =	smov.u32 s25  }
0x536: {  	p1 =	sne.s32 s25, $0x9400;
	s25 =	sadd.s32 $0x400, s25;
	_ =	swait.ge [sflag:s17], $0x2000  }
0x537: {  	[sflag:s17] =	ssyncset.done $0x0  }
0x538: {  	s29 =	sadd.s32 $0xFFFFFC00, s26;
	[sflag:s17] =	ssyncadd.s32 $0xFFFFE000  }
0x539: {  	[hbm4b:s29+s1] =	stream.linear.scatter [tilespmem:s13], [sflag:$0x2], $0x2000, $0x38;
	[tilespmem:$0x1E000] =	vst v63  }
0x53a: {  	_ =	swait.ge [sflag:s15], $0x2000  }
0x53b: {  	s28 =	sshra.s32 s28, $0x2;
	[sflag:s15] =	ssyncset.done $0x0  }
0x53c: {  	s29 =	sadd.s32 $0x100, s28;
	[sflag:s15] =	ssyncadd.s32 $0xFFFFE000  }
0x53d: {  	[tilespmem:s12], [sflag:$0x1] =	stream.indirect.gather [spmem:s21], $0x80, s29, s23, $0xb8;
	[tilespmem:$0x1E000] =	vst v63  }
0x53e: {  	_ =	swait.ge [sflag:s19], $0x2000  }
0x53f: {  	[sflag:s19] =	ssyncset.done $0x0  }
0x540: {  	[sflag:s19] =	ssyncadd.s32 $0xFFFFE000  }
0x541: {  	[hbm4b:s26+s1] =	stream.linear.scatter [tilespmem:s14], [sflag:$0x3], $0x2000, $0x38;
	[tilespmem:$0x1E000] =	vst v63  }
0x542: {  	_ =	swait.ge [sflag:s17], $0x2000  }
0x543: {  	[sflag:s17] =	ssyncset.done $0x0  }
0x544: {  	s29 =	sadd.s32 $0x140, s28;
	[sflag:s17] =	ssyncadd.s32 $0xFFFFE000  }
0x545: {  	[tilespmem:s13], [sflag:$0x2] =	stream.indirect.gather [spmem:s21], $0x80, s29, s23, $0xb8;
	[tilespmem:$0x1E000] =	vst v63  }
0x546: {  	_ =	swait.ge [sflag:s22], $0x2000  }
0x547: {  	[sflag:s22] =	ssyncset.done $0x0  }
0x548: {  	s29 =	sadd.s32 $0x400, s26;
	[sflag:s22] =	ssyncadd.s32 $0xFFFFE000  }
0x549: {  	[hbm4b:s29+s1] =	stream.linear.scatter [tilespmem:s16], [sflag:$0x4], $0x2000, $0x38;
	[tilespmem:$0x1E000] =	vst v63  }
0x54a: {  	_ =	swait.ge [sflag:s19], $0x2000  }
0x54b: {  	[sflag:s19] =	ssyncset.done $0x0  }
0x54c: {  	s29 =	sadd.s32 $0x180, s28;
	[sflag:s19] =	ssyncadd.s32 $0xFFFFE000  }
0x54d: {  	[tilespmem:s14], [sflag:$0x3] =	stream.indirect.gather [spmem:s21], $0x80, s29, s23, $0xb8;
	[tilespmem:$0x1E000] =	vst v63  }
0x54e: {  	_ =	swait.ge [sflag:s15], $0x2000  }
0x54f: {  	[sflag:s15] =	ssyncset.done $0x0  }
.Ltmp17:
0x550: {  	s29 =	sadd.s32 $0x800, s26;
	[sflag:s15] =	ssyncadd.s32 $0xFFFFE000;
	(pc) =	sbr.rel @p1 .LBB2_36-.Ltmp17, $4  }
0x551: {  	[hbm4b:s29+s1] =	stream.linear.scatter [tilespmem:s12], [sflag:$0x1], $0x2000, $0x38;
	[tilespmem:$0x1E000] =	vst v63  }
0x552: {  	_ =	swait.ge [sflag:s22], $0x2000  }
0x553: {  	[sflag:s22] =	ssyncset.done $0x0  }
0x554: {  	s28 =	sadd.s32 $0x1C0, s28;
	s26 =	sadd.s32 $0x1000, s26;
	[sflag:s22] =	ssyncadd.s32 $0xFFFFE000  }
0x555: {  	[tilespmem:s16], [sflag:$0x4] =	stream.indirect.gather [spmem:s21], $0x80, s28, s23, $0xb8;
	[tilespmem:$0x1E000] =	vst v63  }
0x556: {  	_ =	swait.ge [sflag:s17], $0x2000  }
0x557: {  	[sflag:s17] =	ssyncset.done $0x0  }
0x558: {  	[sflag:s17] =	ssyncadd.s32 $0xFFFFE000  }
0x559: {  	[hbm4b:s5+s1] =	stream.linear.scatter [tilespmem:s13], [sflag:$0x2], $0x2000, $0x38;
	[tilespmem:$0x1E000] =	vst v63  }
0x55a: {  	_ =	swait.ge [sflag:s15], $0x2000  }
0x55b: {  	[sflag:s15] =	ssyncset.done $0x0  }
0x55c: {  	s25 =	simm.s32 $0x10;
	s26 =	simm.s32 $0x2700;
	[sflag:s15] =	ssyncadd.s32 $0xFFFFE000  }
0x55d: {  	[tilespmem:s12], [sflag:$0x1] =	stream.indirect.gather [spmem:s21], $0x80, s26, s25, $0xb8;
	[tilespmem:$0x1E000] =	vst v63  }
0x55e: {  	_ =	swait.ge [sflag:s19], $0x2000  }
0x55f: {  	[sflag:s19] =	ssyncset.done $0x0  }
0x560: {  	[sflag:s19] =	ssyncadd.s32 $0xFFFFE000  }
0x561: {  	[hbm4b:s6+s1] =	stream.linear.scatter [tilespmem:s14], [sflag:$0x3], $0x2000, $0x38;
	[tilespmem:$0x1E000] =	vst v63  }
0x562: {  	_ =	swait.ge [sflag:s22], $0x2000  }
0x563: {  	[sflag:s22] =	ssyncset.done $0x0  }
0x564: {  	[sflag:s22] =	ssyncadd.s32 $0xFFFFE000  }
0x565: {  	[hbm4b:s7+s1] =	stream.linear.scatter [tilespmem:s16], [sflag:$0x4], $0x2000, $0x38;
	[tilespmem:$0x1E000] =	vst v63  }
0x566: {  	_ =	swait.ge [sflag:s15], $0x800  }
0x567: {  	[sflag:s15] =	ssyncset.done $0x0  }
0x568: {  	[sflag:s15] =	ssyncadd.s32 $0xFFFFF800  }
0x569: {  	[hbm4b:s8+s1] =	stream.linear.scatter [tilespmem:s12], [sflag:$0x1], $0x800, $0x38;
	[tilespmem:$0x1E000] =	vst v63  }
0x56a: {  	_ =	swait.ge [sflag:s17], $0x2000  }
0x56b: {  	[sflag:s17] =	ssyncset.done $0x0  }
0x56c: {  	[sflag:s17] =	ssyncadd.s32 $0xFFFFE000  }
0x56d: {  	_ =	swait.ge [sflag:s19], $0x2000  }
0x56e: {  	[sflag:s19] =	ssyncset.done $0x0  }
0x56f: {  	s24 =	sadd.s32 $0x1, s24;
	[sflag:s19] =	ssyncadd.s32 $0xFFFFE000  }
0x570: {  	p1 =	sne.s32 s24, s9;
	_ =	swait.ge [sflag:s22], $0x2000  }
.Ltmp18:
0x571: {  	[sflag:s22] =	ssyncset.done $0x0;
	(pc) =	sbr.rel @p1 .LBB2_1-.Ltmp18, $4  }
0x572: {  	[sflag:s22] =	ssyncadd.s32 $0xFFFFE000  }
0x573: {  	_ =	swait.ge [sflag:s15], $0x800  }
0x574: {  	[sflag:s15] =	ssyncset.done $0x0  }
0x575: {  	[sflag:s15] =	ssyncadd.s32 $0xFFFFF800  }
0x576: {  	_ =	sfence.sel $0x180000  }
0x577: {  	[bflag:$0x0] =	sbarrier.arrive $0xFFFF  }
0x578: {  	_ =	strace $0x90000047  }
0x579: {  	s0 =	stileid.u32;
	[bflag:$0x2] =	sbarrier.arrive $0xFFFF  }
0x57a: {  	p0 =	sne.s32 s0, $0x0;
	s0 =	rddreg [dreg:$0x4]  }
0x57b: {  	s0 =	sadd.s32 @!p0 $0x100000, s0  }
0x57c: {  	[sflag:s0] =	ssyncadd.tile.s32 @!p0 $0x1;
	_ =	shalt  }
.Lfunc_end2:
_tile_overlayer_lowered:
.L_overlay_start_2:
0x57d: {  	(tag) =	ssettag $0x2  }
0x57e: {  	s0 =	rddreg [dreg:$0x0];
	s2 =	stileid.u32  }
0x57f: {  	s1 =	rddreg [dreg:$0x1];
	p0 =	sne.s32 s2, $0x0  }
0x580: {  	s3 =	rddreg [dreg:$0x2];
	[bflag:$0x3] =	sbarrier.arrive $0xFFFF;
	s2 =	simm.s32 @!p0 $0x1C05  }
0x581: {  	[timem:s3], [sflag:s2] =	dma.local @!p0 [hbm:s0], s1  }
0x582: {  	s0 =	simm.s32 @!p0 $0x5  }
0x583: {  	_ =	swait.ge @!p0 [sflag:s0], s1  }
0x584: {  	s1 =	ssub.s32 @!p0 $0x0, s1;
	[sflag:s0] =	ssyncset.done @!p0 $0x0  }
0x585: {  	[sflag:s0] =	ssyncadd.s32 @!p0 s1  }
0x586: {  	[bflag:$0x3] =	sbarrier.arrive $0xFFFF  }
0x587: {  	_ =	shalt  }

</sc_bundles>
